<compile_context>
chip_gen: v7x
topology: tpu7x:2x2x1
jax: 0.10.2.dev20260603
libtpu: 0.0.44.dev20260713+nightly
codegen_flags: <defaults>
</compile_context>

<pallas_src>
import jax
import jax.numpy as jnp
from jax import lax
from jax.experimental import pallas as pl
from jax.experimental.pallas import tpu as pltpu
from jax.experimental.pallas import tpu_sc as plsc

NUM_EMBEDDINGS = 1000000
EMBEDDING_DIM = 32
BATCH = 4096
SEQ_LEN = 200

_NW = 32

_VW = 512
_BLK_W = 61
_V_PER_W = _VW * _BLK_W
_TAIL_V0 = _NW * _V_PER_W
_TW = 128


def _transpose_body(tt_hbm, flat_hbm, t0, t1, o0, o1, si0, si1, so0, so1):
    cid = lax.axis_index("c")
    sid = lax.axis_index("s")
    wid = sid * 2 + cid
    v_base = wid * _V_PER_W

    tbuf = (t0, t1)
    obuf = (o0, o1)
    sin = (si0, si1)
    sout = (so0, so1)
    lanes = jax.lax.iota(jnp.int32, 16)
    hi = lanes + 16
    zeros = lanes * 0

    def transpose_block(tb, ob, width):
        @plsc.parallel_loop(0, width, 1, unroll=8)
        def _(vp):
            col = zeros + vp
            ob[pl.ds(vp * 32, 16)] = plsc.load_gather(tb, [lanes, col])
            ob[pl.ds(vp * 32 + 16, 16)] = plsc.load_gather(tb, [hi, col])

    def start_in(blk, par):
        pltpu.async_copy(
            tt_hbm.at[:, pl.ds(v_base + blk * _VW, _VW)],
            tbuf[par].at[:, pl.ds(0, _VW)],
            sin[par],
        )

    start_in(0, 0)
    start_in(1, 1)

    def step(j, carry):
        for par in range(2):
            blk = 2 * j + par
            pltpu.make_async_copy(
                tt_hbm.at[:, pl.ds(v_base, _VW)],
                tbuf[par].at[:, pl.ds(0, _VW)],
                sin[par],
            ).wait()

            @pl.when(j > 0)
            def _():
                pltpu.make_async_copy(
                    obuf[par], flat_hbm.at[pl.ds(v_base * 32, _VW * 32)],
                    sout[par],
                ).wait()

            transpose_block(tbuf[par], obuf[par], _VW)
            pltpu.async_copy(
                obuf[par],
                flat_hbm.at[pl.ds((v_base + blk * _VW) * 32, _VW * 32)],
                sout[par],
            )

            @pl.when(blk + 2 < _BLK_W - 1)
            def _():
                pltpu.async_copy(
                    tt_hbm.at[:, pl.ds(v_base + (blk + 2) * _VW, _VW)],
                    tbuf[par].at[:, pl.ds(0, _VW)],
                    sin[par],
                )

        return carry

    lax.fori_loop(0, (_BLK_W - 1) // 2, step, 0)
    for par in range(2):
        pltpu.make_async_copy(
            obuf[par], flat_hbm.at[pl.ds(v_base * 32, _VW * 32)], sout[par]
        ).wait()

    v0p = v_base + (_BLK_W - 1) * _VW
    pltpu.sync_copy(
        tt_hbm.at[:, pl.ds(v0p, _VW)], tbuf[0].at[:, pl.ds(0, _VW)]
    )
    transpose_block(tbuf[0], obuf[0], _VW)
    pltpu.sync_copy(obuf[0], flat_hbm.at[pl.ds(v0p * 32, _VW * 32)])

    for k in range(4):

        @pl.when(wid == k)
        def _():
            v0 = _TAIL_V0 + _TW * k
            pltpu.sync_copy(
                tt_hbm.at[:, pl.ds(v0, _TW)], tbuf[0].at[:, pl.ds(0, _TW)]
            )
            transpose_block(tbuf[0], obuf[0], _TW)
            pltpu.sync_copy(
                obuf[0].at[pl.ds(0, _TW * 32)],
                flat_hbm.at[pl.ds(v0 * 32, _TW * 32)],
            )


_NB = 256
_NQ = SEQ_LEN * (BATCH // _NB)
_NQW = _NQ // _NW


def _bc_body(t128_hbm, ids_hbm, out_hbm,
             r0, r1, ob0, ob1, ix, rx0, rx1, pb0, pb1, g0, g1, w0, w1):
    cid = lax.axis_index("c")
    sid = lax.axis_index("s")
    wid = sid * 2 + cid

    rows = (r0, r1)
    ob = (ob0, ob1)
    rx = (rx0, rx1)
    pb = (pb0, pb1)
    gsem = (g0, g1)
    wsem = (w0, w1)
    lanes = jax.lax.iota(jnp.int32, 16)

    def locate(i):
        q = wid + _NW * i
        s = q // (BATCH // _NB)
        b0 = (q % (BATCH // _NB)) * _NB
        return s, b0

    def prep(i, nb):
        s, b0 = locate(i)
        srow = s % 8
        pltpu.sync_copy(
            ids_hbm.at[pl.ds((s // 8) * 8, 8), pl.ds(b0, _NB)], ix
        )

        @plsc.parallel_loop(0, _NB // 16, 1, unroll=2)
        def _(g):
            v = ix[srow, pl.ds(g * 16, 16)]
            rx[nb][pl.ds(g * 16, 16)] = v >> 2
            pb[nb][pl.ds(g * 16, 16)] = (v & 3) * 32

        pltpu.async_copy(t128_hbm.at[rx[nb]], rows[nb], gsem[nb])

    def extract(b):
        @plsc.parallel_loop(0, _NB // 16, 1, unroll=2)
        def _(g):
            rowi = lanes + g * 16
            pc = pb[b][pl.ds(g * 16, 16)]
            for c in range(EMBEDDING_DIM):
                ob[b][c, pl.ds(g * 16, 16)] = plsc.load_gather(
                    rows[b], [rowi, pc + c]
                )

    def start_write(i, b):
        s, b0 = locate(i)
        pltpu.async_copy(ob[b], out_hbm.at[s, :, pl.ds(b0, _NB)], wsem[b])

    def drain(sem, dummy_b):
        pltpu.make_async_copy(
            ob[dummy_b], out_hbm.at[0, :, pl.ds(0, _NB)], sem
        ).wait()

    prep(0, 0)

    def step(j, carry):
        for par in range(2):
            i = 2 * j + par
            nb = (par + 1) % 2

            @pl.when(i + 1 < _NQW)
            def _():
                prep(i + 1, nb)

            pltpu.make_async_copy(
                t128_hbm.at[rx[par]], rows[par], gsem[par]
            ).wait()

            @pl.when(i >= 2)
            def _():
                drain(wsem[par], par)

            extract(par)
            start_write(i, par)
        return carry

    lax.fori_loop(0, _NQW // 2, step, 0)
    drain(wsem[0], 0)
    drain(wsem[1], 1)


@jax.jit
def kernel(token_ids, embedding):
    mesh = plsc.VectorSubcoreMesh(core_axis_name="c", subcore_axis_name="s")

    flat_table = pl.kernel(
        _transpose_body,
        out_type=jax.ShapeDtypeStruct((NUM_EMBEDDINGS * EMBEDDING_DIM,),
                                      jnp.float32),
        mesh=mesh,
        scratch_types=[
            pltpu.VMEM((EMBEDDING_DIM, _VW + 1), jnp.float32),
            pltpu.VMEM((EMBEDDING_DIM, _VW + 1), jnp.float32),
            pltpu.VMEM((_VW * EMBEDDING_DIM,), jnp.float32),
            pltpu.VMEM((_VW * EMBEDDING_DIM,), jnp.float32),
            pltpu.SemaphoreType.DMA,
            pltpu.SemaphoreType.DMA,
            pltpu.SemaphoreType.DMA,
            pltpu.SemaphoreType.DMA,
        ],
        compiler_params=pltpu.CompilerParams(
            use_tc_tiling_on_sc=True, needs_layout_passes=False,
            disable_bounds_checks=True
        ),
    )(embedding.T)

    tail_v0 = _TAIL_V0 + 4 * _TW
    tail_rows = jax.lax.slice(
        embedding, (tail_v0, 0), (NUM_EMBEDDINGS, EMBEDDING_DIM)
    ).reshape(-1)
    flat_table = jax.lax.dynamic_update_slice(
        flat_table, tail_rows, (tail_v0 * EMBEDDING_DIM,)
    )

    t128 = flat_table.reshape(
        NUM_EMBEDDINGS * EMBEDDING_DIM // 128, 128
    )
    ids_t = token_ids.T

    outp = pl.kernel(
        _bc_body,
        out_type=jax.ShapeDtypeStruct((SEQ_LEN, EMBEDDING_DIM, BATCH),
                                      jnp.float32),
        mesh=mesh,
        scratch_types=[
            pltpu.VMEM((_NB, 128), jnp.float32),
            pltpu.VMEM((_NB, 128), jnp.float32),
            pltpu.VMEM((EMBEDDING_DIM, _NB), jnp.float32),
            pltpu.VMEM((EMBEDDING_DIM, _NB), jnp.float32),
            pltpu.VMEM((8, _NB), jnp.int32),
            pltpu.VMEM((_NB,), jnp.int32),
            pltpu.VMEM((_NB,), jnp.int32),
            pltpu.VMEM((_NB,), jnp.int32),
            pltpu.VMEM((_NB,), jnp.int32),
            pltpu.SemaphoreType.DMA,
            pltpu.SemaphoreType.DMA,
            pltpu.SemaphoreType.DMA,
            pltpu.SemaphoreType.DMA,
        ],
        compiler_params=pltpu.CompilerParams(
            use_tc_tiling_on_sc=True, needs_layout_passes=False,
            disable_bounds_checks=True
        ),
    )(t128, ids_t)
    return outp.transpose(2, 0, 1)

# --- scband reference (transcript-rebuilt; emitter-appended) ---
"""Pipeline reference for scband-embedding-20272245637208 (READ-ONLY COPY).

The authoritative reference and input builder live on the scoring server;
editing this copy changes nothing except your own understanding.
"""

import jax, jax.numpy as jnp
import numpy as np

NUM_EMBEDDINGS = 1000000
EMBEDDING_DIM = 32
BATCH = 4096
SEQ_LEN = 200

def setup_inputs(seed: int = 0) -> dict:
    key = jax.random.key(seed)
    k_idx, k_w = jax.random.split(key)
    token_ids = jax.random.randint(k_idx, (BATCH, SEQ_LEN), 0, NUM_EMBEDDINGS, dtype=jnp.int64 if jax.config.jax_enable_x64 else jnp.int32)
    embedding = jax.random.normal(k_w, (NUM_EMBEDDINGS, EMBEDDING_DIM), dtype=jnp.float32)
    return {"token_ids": token_ids, "embedding": embedding}

def reference(token_ids, embedding):
    # result = self.embedding[token_ids]
    result = jnp.take(embedding, token_ids, axis=0)
    return result

if __name__ == "__main__":
    import jax
    _d = setup_inputs()
    print(jax.jit(kernel)(*tuple(_d.values())))

</pallas_src>

<mosaic_0001>
#map = affine_map<(d0, d1) -> (0, 0)>
#map1 = affine_map<(d0, d1) -> (0)>
module attributes {stable_mosaic.version = 14 : i64} {
  func.func @_transpose_body(%arg0: i32, %arg1: i32, %arg2: memref<32x1000000xf32, #tpu.memory_space<hbm>>, %arg3: memref<32000000xf32, #tpu.memory_space<hbm>>, %arg4: memref<32x513xf32, #tpu.memory_space<vmem>>, %arg5: memref<32x513xf32, #tpu.memory_space<vmem>>, %arg6: memref<16384xf32, #tpu.memory_space<vmem>>, %arg7: memref<16384xf32, #tpu.memory_space<vmem>>, %arg8: memref<!tpu.dma_semaphore, #tpu.memory_space<semaphore_mem>>, %arg9: memref<!tpu.dma_semaphore, #tpu.memory_space<semaphore_mem>>, %arg10: memref<!tpu.dma_semaphore, #tpu.memory_space<semaphore_mem>>, %arg11: memref<!tpu.dma_semaphore, #tpu.memory_space<semaphore_mem>>) attributes {dimension_semantics = [#tpu.dimension_semantics<core_parallel>, #tpu.dimension_semantics<subcore_parallel>], iteration_bounds = array<i64: 2, 16>, scalar_prefetch = 0 : i64, scratch_operands = 8 : i64, tpu.core_type = #tpu.core_type<sc_vector_subcore>, window_params = [{transform_indices = #map}, {transform_indices = #map1}]} {
    %mul3A = arith.constant 2 : i32
    %mul3A_0 = arith.muli %arg1, %mul3A : i32
    %add3A = arith.addi %mul3A_0, %arg0 : i32
    %mul3A_1 = arith.constant 31232 : i32
    %mul3A_2 = arith.muli %add3A, %mul3A_1 : i32
    %iota3A = tpu.iota {dimensions = array<i32: 0>} : vector<16xi32>
    %add3A_3 = arith.constant 16 : i32
    %add3A_4 = vector.broadcast %add3A_3 : i32 to vector<16xi32>
    %add3A_5 = arith.addi %iota3A, %add3A_4 : vector<16xi32>
    %mul3A_6 = arith.constant 0 : i32
    %mul3A_7 = vector.broadcast %mul3A_6 : i32 to vector<16xi32>
    %mul3A_8 = arith.muli %iota3A, %mul3A_7 : vector<16xi32>
    %add3A_9 = arith.constant 0 : i32
    %add3A_10 = arith.addi %mul3A_2, %add3A_9 : i32
    %dma_start3A = arith.constant 0 : i32
    %dma_start3A_11 = arith.constant 0 : i32
    %dma_start3A_12 = tpu.memref_slice %arg4[%dma_start3A, %dma_start3A_11] : memref<32x513xf32, #tpu.memory_space<vmem>> -> memref<32x512xf32, #tpu.memory_space<vmem>>
    %dma_start3A_13 = arith.constant 0 : i32
    %dma_start3A_14 = tpu.memref_slice %arg2[%dma_start3A_13, %add3A_10] : memref<32x1000000xf32, #tpu.memory_space<hbm>> -> memref<32x512xf32, #tpu.memory_space<hbm>>
    %dma_start3A_15 = arith.constant 0 : i32
    %dma_start3A_16 = arith.constant 0 : i32
    %dma_start3A_17 = tpu.memref_slice %arg4[%dma_start3A_15, %dma_start3A_16] : memref<32x513xf32, #tpu.memory_space<vmem>> -> memref<32x512xf32, #tpu.memory_space<vmem>>
    %dma_start3A_18 = arith.constant 0 : i32
    %dma_start3A_19 = tpu.memref_slice %arg2[%dma_start3A_18, %add3A_10] : memref<32x1000000xf32, #tpu.memory_space<hbm>> -> memref<32x512xf32, #tpu.memory_space<hbm>>
    tpu.enqueue_dma source(%dma_start3A_19 : memref<32x512xf32, #tpu.memory_space<hbm>>) target(%dma_start3A_17 : memref<32x512xf32, #tpu.memory_space<vmem>>) target_semaphore(%arg8 : memref<!tpu.dma_semaphore, #tpu.memory_space<semaphore_mem>>)
    %add3A_20 = arith.constant 512 : i32
    %add3A_21 = arith.addi %mul3A_2, %add3A_20 : i32
    %dma_start3A_22 = arith.constant 0 : i32
    %dma_start3A_23 = arith.constant 0 : i32
    %dma_start3A_24 = tpu.memref_slice %arg5[%dma_start3A_22, %dma_start3A_23] : memref<32x513xf32, #tpu.memory_space<vmem>> -> memref<32x512xf32, #tpu.memory_space<vmem>>
    %dma_start3A_25 = arith.constant 0 : i32
    %dma_start3A_26 = tpu.memref_slice %arg2[%dma_start3A_25, %add3A_21] : memref<32x1000000xf32, #tpu.memory_space<hbm>> -> memref<32x512xf32, #tpu.memory_space<hbm>>
    %dma_start3A_27 = arith.constant 0 : i32
    %dma_start3A_28 = arith.constant 0 : i32
    %dma_start3A_29 = tpu.memref_slice %arg5[%dma_start3A_27, %dma_start3A_28] : memref<32x513xf32, #tpu.memory_space<vmem>> -> memref<32x512xf32, #tpu.memory_space<vmem>>
    %dma_start3A_30 = arith.constant 0 : i32
    %dma_start3A_31 = tpu.memref_slice %arg2[%dma_start3A_30, %add3A_21] : memref<32x1000000xf32, #tpu.memory_space<hbm>> -> memref<32x512xf32, #tpu.memory_space<hbm>>
    tpu.enqueue_dma source(%dma_start3A_31 : memref<32x512xf32, #tpu.memory_space<hbm>>) target(%dma_start3A_29 : memref<32x512xf32, #tpu.memory_space<vmem>>) target_semaphore(%arg9 : memref<!tpu.dma_semaphore, #tpu.memory_space<semaphore_mem>>)
    %scan3A = arith.constant 0 : i32
    %scan3A_32 = arith.constant 0 : i32
    %scan3A_33 = arith.constant 30 : i32
    %scan3A_34 = arith.addi %scan3A_32, %scan3A_33 : i32
    %scan3A_35 = arith.constant 1 : i32
    scf.for %scan3A_67 = %scan3A_32 to %scan3A_34 step %scan3A_35  : i32 {
      %mul3A_68 = arith.constant 2 : i32
      %mul3A_69 = arith.muli %mul3A_68, %scan3A_67 : i32
      %add3A_70 = arith.constant 0 : i32
      %add3A_71 = arith.addi %mul3A_69, %add3A_70 : i32
      %dma_wait3A_72 = arith.constant 0 : i32
      %dma_wait3A_73 = arith.constant 0 : i32
      %dma_wait3A_74 = tpu.memref_slice %arg4[%dma_wait3A_72, %dma_wait3A_73] : memref<32x513xf32, #tpu.memory_space<vmem>> -> memref<32x512xf32, #tpu.memory_space<vmem>>
      %dma_wait3A_75 = arith.constant 0 : i32
      %dma_wait3A_76 = tpu.memref_slice %arg2[%dma_wait3A_75, %mul3A_2] : memref<32x1000000xf32, #tpu.memory_space<hbm>> -> memref<32x512xf32, #tpu.memory_space<hbm>>
      %dma_wait3A_77 = arith.constant 0 : i32
      %dma_wait3A_78 = arith.constant 0 : i32
      %dma_wait3A_79 = tpu.memref_slice %arg4[%dma_wait3A_77, %dma_wait3A_78] : memref<32x513xf32, #tpu.memory_space<vmem>> -> memref<32x512xf32, #tpu.memory_space<vmem>>
      %dma_wait3A_80 = arith.constant 0 : i32
      %dma_wait3A_81 = tpu.memref_slice %arg2[%dma_wait3A_80, %mul3A_2] : memref<32x1000000xf32, #tpu.memory_space<hbm>> -> memref<32x512xf32, #tpu.memory_space<hbm>>
      tpu.wait_dma2 semaphore(%arg8 : memref<!tpu.dma_semaphore, #tpu.memory_space<semaphore_mem>>) src(%dma_wait3A_81 : memref<32x512xf32, #tpu.memory_space<hbm>>) dst(%dma_wait3A_79 : memref<32x512xf32, #tpu.memory_space<vmem>>)
      %gt3A = arith.constant 0 : i32
      %gt3A_82 = arith.cmpi sgt, %scan3A_67, %gt3A : i32
      %convert_element_type3A_83 = arith.extui %gt3A_82 : i1 to i32
      %cond3A_84 = arith.constant 0 : i32
      %cond3A_85 = arith.cmpi ne, %convert_element_type3A_83, %cond3A_84 : i32
      scf.if %cond3A_85 {
        %mul3A_138 = arith.constant 32 : i32
        %mul3A_139 = arith.muli %mul3A_2, %mul3A_138 : i32
        %dma_wait3A_140 = tpu.memref_slice %arg3[%mul3A_139] : memref<32000000xf32, #tpu.memory_space<hbm>> -> memref<16384xf32, #tpu.memory_space<hbm>>
        %dma_wait3A_141 = tpu.memref_slice %arg3[%mul3A_139] : memref<32000000xf32, #tpu.memory_space<hbm>> -> memref<16384xf32, #tpu.memory_space<hbm>>
        tpu.wait_dma2 semaphore(%arg10 : memref<!tpu.dma_semaphore, #tpu.memory_space<semaphore_mem>>) src(%arg6 : memref<16384xf32, #tpu.memory_space<vmem>>) dst(%dma_wait3A_141 : memref<16384xf32, #tpu.memory_space<hbm>>)
      } else {
      }
      %parallel_loop3A_86 = arith.constant 0 : i32
      %parallel_loop3A_87 = arith.constant 512 : i32
      %parallel_loop3A_88 = arith.constant 1 : i32
      scf.for %parallel_loop3A_138 = %parallel_loop3A_86 to %parallel_loop3A_87 step %parallel_loop3A_88  : i32 {
        %parallel_loop3A_139 = vector.broadcast %parallel_loop3A_138 : i32 to vector<16xi32>
        %parallel_loop3A_140 = arith.addi %mul3A_8, %parallel_loop3A_139 : vector<16xi32>
        %parallel_loop3A_141 = tpu.vector_load_idx %arg4[%iota3A, %parallel_loop3A_140] : memref<32x513xf32, #tpu.memory_space<vmem>>[vector<16xi32>, vector<16xi32>], vector<16xf32>,
        %parallel_loop3A_142 = arith.constant 32 : i32
        %parallel_loop3A_143 = arith.muli %parallel_loop3A_138, %parallel_loop3A_142 : i32
        %parallel_loop3A_144 = arith.index_cast %parallel_loop3A_143 : i32 to index
        %parallel_loop3A_145 = tpu.vector_load %arg6[%parallel_loop3A_144] {strides = array<i32>} : memref<16384xf32, #tpu.memory_space<vmem>>, vector<16xf32>,
        tpu.vector_store %arg6[%parallel_loop3A_144], %parallel_loop3A_141 {strides = array<i32>} : memref<16384xf32, #tpu.memory_space<vmem>>, vector<16xf32>,
        %parallel_loop3A_146 = tpu.vector_load_idx %arg4[%add3A_5, %parallel_loop3A_140] : memref<32x513xf32, #tpu.memory_space<vmem>>[vector<16xi32>, vector<16xi32>], vector<16xf32>,
        %parallel_loop3A_147 = arith.constant 32 : i32
        %parallel_loop3A_148 = arith.muli %parallel_loop3A_138, %parallel_loop3A_147 : i32
        %parallel_loop3A_149 = arith.constant 16 : i32
        %parallel_loop3A_150 = arith.addi %parallel_loop3A_148, %parallel_loop3A_149 : i32
        %parallel_loop3A_151 = arith.index_cast %parallel_loop3A_150 : i32 to index
        %parallel_loop3A_152 = tpu.vector_load %arg6[%parallel_loop3A_151] {strides = array<i32>} : memref<16384xf32, #tpu.memory_space<vmem>>, vector<16xf32>,
        tpu.vector_store %arg6[%parallel_loop3A_151], %parallel_loop3A_146 {strides = array<i32>} : memref<16384xf32, #tpu.memory_space<vmem>>, vector<16xf32>,
      } {sc.loop_unroll_factor = 8 : i64, sc.parallel_access}
      %mul3A_89 = arith.constant 512 : i32
      %mul3A_90 = arith.muli %add3A_71, %mul3A_89 : i32
      %add3A_91 = arith.addi %mul3A_2, %mul3A_90 : i32
      %mul3A_92 = arith.constant 32 : i32
      %mul3A_93 = arith.muli %add3A_91, %mul3A_92 : i32
      %dma_start3A_94 = tpu.memref_slice %arg3[%mul3A_93] : memref<32000000xf32, #tpu.memory_space<hbm>> -> memref<16384xf32, #tpu.memory_space<hbm>>
      %dma_start3A_95 = tpu.memref_slice %arg3[%mul3A_93] : memref<32000000xf32, #tpu.memory_space<hbm>> -> memref<16384xf32, #tpu.memory_space<hbm>>
      tpu.enqueue_dma source(%arg6 : memref<16384xf32, #tpu.memory_space<vmem>>) target(%dma_start3A_95 : memref<16384xf32, #tpu.memory_space<hbm>>) target_semaphore(%arg10 : memref<!tpu.dma_semaphore, #tpu.memory_space<semaphore_mem>>)
      %add3A_96 = arith.constant 2 : i32
      %add3A_97 = arith.addi %add3A_71, %add3A_96 : i32
      %lt3A = arith.constant 60 : i32
      %lt3A_98 = arith.cmpi slt, %add3A_97, %lt3A : i32
      %convert_element_type3A_99 = arith.extui %lt3A_98 : i1 to i32
      %cond3A_100 = arith.constant 0 : i32
      %cond3A_101 = arith.cmpi ne, %convert_element_type3A_99, %cond3A_100 : i32
      scf.if %cond3A_101 {
        %add3A_138 = arith.constant 2 : i32
        %add3A_139 = arith.addi %add3A_71, %add3A_138 : i32
        %mul3A_140 = arith.constant 512 : i32
        %mul3A_141 = arith.muli %add3A_139, %mul3A_140 : i32
        %add3A_142 = arith.addi %mul3A_2, %mul3A_141 : i32
        %dma_start3A_143 = arith.constant 0 : i32
        %dma_start3A_144 = arith.constant 0 : i32
        %dma_start3A_145 = tpu.memref_slice %arg4[%dma_start3A_143, %dma_start3A_144] : memref<32x513xf32, #tpu.memory_space<vmem>> -> memref<32x512xf32, #tpu.memory_space<vmem>>
        %dma_start3A_146 = arith.constant 0 : i32
        %dma_start3A_147 = tpu.memref_slice %arg2[%dma_start3A_146, %add3A_142] : memref<32x1000000xf32, #tpu.memory_space<hbm>> -> memref<32x512xf32, #tpu.memory_space<hbm>>
        %dma_start3A_148 = arith.constant 0 : i32
        %dma_start3A_149 = arith.constant 0 : i32
        %dma_start3A_150 = tpu.memref_slice %arg4[%dma_start3A_148, %dma_start3A_149] : memref<32x513xf32, #tpu.memory_space<vmem>> -> memref<32x512xf32, #tpu.memory_space<vmem>>
        %dma_start3A_151 = arith.constant 0 : i32
        %dma_start3A_152 = tpu.memref_slice %arg2[%dma_start3A_151, %add3A_142] : memref<32x1000000xf32, #tpu.memory_space<hbm>> -> memref<32x512xf32, #tpu.memory_space<hbm>>
        tpu.enqueue_dma source(%dma_start3A_152 : memref<32x512xf32, #tpu.memory_space<hbm>>) target(%dma_start3A_150 : memref<32x512xf32, #tpu.memory_space<vmem>>) target_semaphore(%arg8 : memref<!tpu.dma_semaphore, #tpu.memory_space<semaphore_mem>>)
      } else {
      }
      %mul3A_102 = arith.constant 2 : i32
      %mul3A_103 = arith.muli %mul3A_102, %scan3A_67 : i32
      %add3A_104 = arith.constant 1 : i32
      %add3A_105 = arith.addi %mul3A_103, %add3A_104 : i32
      %dma_wait3A_106 = arith.constant 0 : i32
      %dma_wait3A_107 = arith.constant 0 : i32
      %dma_wait3A_108 = tpu.memref_slice %arg5[%dma_wait3A_106, %dma_wait3A_107] : memref<32x513xf32, #tpu.memory_space<vmem>> -> memref<32x512xf32, #tpu.memory_space<vmem>>
      %dma_wait3A_109 = arith.constant 0 : i32
      %dma_wait3A_110 = tpu.memref_slice %arg2[%dma_wait3A_109, %mul3A_2] : memref<32x1000000xf32, #tpu.memory_space<hbm>> -> memref<32x512xf32, #tpu.memory_space<hbm>>
      %dma_wait3A_111 = arith.constant 0 : i32
      %dma_wait3A_112 = arith.constant 0 : i32
      %dma_wait3A_113 = tpu.memref_slice %arg5[%dma_wait3A_111, %dma_wait3A_112] : memref<32x513xf32, #tpu.memory_space<vmem>> -> memref<32x512xf32, #tpu.memory_space<vmem>>
      %dma_wait3A_114 = arith.constant 0 : i32
      %dma_wait3A_115 = tpu.memref_slice %arg2[%dma_wait3A_114, %mul3A_2] : memref<32x1000000xf32, #tpu.memory_space<hbm>> -> memref<32x512xf32, #tpu.memory_space<hbm>>
      tpu.wait_dma2 semaphore(%arg9 : memref<!tpu.dma_semaphore, #tpu.memory_space<semaphore_mem>>) src(%dma_wait3A_115 : memref<32x512xf32, #tpu.memory_space<hbm>>) dst(%dma_wait3A_113 : memref<32x512xf32, #tpu.memory_space<vmem>>)
      %gt3A_116 = arith.constant 0 : i32
      %gt3A_117 = arith.cmpi sgt, %scan3A_67, %gt3A_116 : i32
      %convert_element_type3A_118 = arith.extui %gt3A_117 : i1 to i32
      %cond3A_119 = arith.constant 0 : i32
      %cond3A_120 = arith.cmpi ne, %convert_element_type3A_118, %cond3A_119 : i32
      scf.if %cond3A_120 {
        %mul3A_138 = arith.constant 32 : i32
        %mul3A_139 = arith.muli %mul3A_2, %mul3A_138 : i32
        %dma_wait3A_140 = tpu.memref_slice %arg3[%mul3A_139] : memref<32000000xf32, #tpu.memory_space<hbm>> -> memref<16384xf32, #tpu.memory_space<hbm>>
        %dma_wait3A_141 = tpu.memref_slice %arg3[%mul3A_139] : memref<32000000xf32, #tpu.memory_space<hbm>> -> memref<16384xf32, #tpu.memory_space<hbm>>
        tpu.wait_dma2 semaphore(%arg11 : memref<!tpu.dma_semaphore, #tpu.memory_space<semaphore_mem>>) src(%arg7 : memref<16384xf32, #tpu.memory_space<vmem>>) dst(%dma_wait3A_141 : memref<16384xf32, #tpu.memory_space<hbm>>)
      } else {
      }
      %parallel_loop3A_121 = arith.constant 0 : i32
      %parallel_loop3A_122 = arith.constant 512 : i32
      %parallel_loop3A_123 = arith.constant 1 : i32
      scf.for %parallel_loop3A_138 = %parallel_loop3A_121 to %parallel_loop3A_122 step %parallel_loop3A_123  : i32 {
        %parallel_loop3A_139 = vector.broadcast %parallel_loop3A_138 : i32 to vector<16xi32>
        %parallel_loop3A_140 = arith.addi %mul3A_8, %parallel_loop3A_139 : vector<16xi32>
        %parallel_loop3A_141 = tpu.vector_load_idx %arg5[%iota3A, %parallel_loop3A_140] : memref<32x513xf32, #tpu.memory_space<vmem>>[vector<16xi32>, vector<16xi32>], vector<16xf32>,
        %parallel_loop3A_142 = arith.constant 32 : i32
        %parallel_loop3A_143 = arith.muli %parallel_loop3A_138, %parallel_loop3A_142 : i32
        %parallel_loop3A_144 = arith.index_cast %parallel_loop3A_143 : i32 to index
        %parallel_loop3A_145 = tpu.vector_load %arg7[%parallel_loop3A_144] {strides = array<i32>} : memref<16384xf32, #tpu.memory_space<vmem>>, vector<16xf32>,
        tpu.vector_store %arg7[%parallel_loop3A_144], %parallel_loop3A_141 {strides = array<i32>} : memref<16384xf32, #tpu.memory_space<vmem>>, vector<16xf32>,
        %parallel_loop3A_146 = tpu.vector_load_idx %arg5[%add3A_5, %parallel_loop3A_140] : memref<32x513xf32, #tpu.memory_space<vmem>>[vector<16xi32>, vector<16xi32>], vector<16xf32>,
        %parallel_loop3A_147 = arith.constant 32 : i32
        %parallel_loop3A_148 = arith.muli %parallel_loop3A_138, %parallel_loop3A_147 : i32
        %parallel_loop3A_149 = arith.constant 16 : i32
        %parallel_loop3A_150 = arith.addi %parallel_loop3A_148, %parallel_loop3A_149 : i32
        %parallel_loop3A_151 = arith.index_cast %parallel_loop3A_150 : i32 to index
        %parallel_loop3A_152 = tpu.vector_load %arg7[%parallel_loop3A_151] {strides = array<i32>} : memref<16384xf32, #tpu.memory_space<vmem>>, vector<16xf32>,
        tpu.vector_store %arg7[%parallel_loop3A_151], %parallel_loop3A_146 {strides = array<i32>} : memref<16384xf32, #tpu.memory_space<vmem>>, vector<16xf32>,
      } {sc.loop_unroll_factor = 8 : i64, sc.parallel_access}
      %mul3A_124 = arith.constant 512 : i32
      %mul3A_125 = arith.muli %add3A_105, %mul3A_124 : i32
      %add3A_126 = arith.addi %mul3A_2, %mul3A_125 : i32
      %mul3A_127 = arith.constant 32 : i32
      %mul3A_128 = arith.muli %add3A_126, %mul3A_127 : i32
      %dma_start3A_129 = tpu.memref_slice %arg3[%mul3A_128] : memref<32000000xf32, #tpu.memory_space<hbm>> -> memref<16384xf32, #tpu.memory_space<hbm>>
      %dma_start3A_130 = tpu.memref_slice %arg3[%mul3A_128] : memref<32000000xf32, #tpu.memory_space<hbm>> -> memref<16384xf32, #tpu.memory_space<hbm>>
      tpu.enqueue_dma source(%arg7 : memref<16384xf32, #tpu.memory_space<vmem>>) target(%dma_start3A_130 : memref<16384xf32, #tpu.memory_space<hbm>>) target_semaphore(%arg11 : memref<!tpu.dma_semaphore, #tpu.memory_space<semaphore_mem>>)
      %add3A_131 = arith.constant 2 : i32
      %add3A_132 = arith.addi %add3A_105, %add3A_131 : i32
      %lt3A_133 = arith.constant 60 : i32
      %lt3A_134 = arith.cmpi slt, %add3A_132, %lt3A_133 : i32
      %convert_element_type3A_135 = arith.extui %lt3A_134 : i1 to i32
      %cond3A_136 = arith.constant 0 : i32
      %cond3A_137 = arith.cmpi ne, %convert_element_type3A_135, %cond3A_136 : i32
      scf.if %cond3A_137 {
        %add3A_138 = arith.constant 2 : i32
        %add3A_139 = arith.addi %add3A_105, %add3A_138 : i32
        %mul3A_140 = arith.constant 512 : i32
        %mul3A_141 = arith.muli %add3A_139, %mul3A_140 : i32
        %add3A_142 = arith.addi %mul3A_2, %mul3A_141 : i32
        %dma_start3A_143 = arith.constant 0 : i32
        %dma_start3A_144 = arith.constant 0 : i32
        %dma_start3A_145 = tpu.memref_slice %arg5[%dma_start3A_143, %dma_start3A_144] : memref<32x513xf32, #tpu.memory_space<vmem>> -> memref<32x512xf32, #tpu.memory_space<vmem>>
        %dma_start3A_146 = arith.constant 0 : i32
        %dma_start3A_147 = tpu.memref_slice %arg2[%dma_start3A_146, %add3A_142] : memref<32x1000000xf32, #tpu.memory_space<hbm>> -> memref<32x512xf32, #tpu.memory_space<hbm>>
        %dma_start3A_148 = arith.constant 0 : i32
        %dma_start3A_149 = arith.constant 0 : i32
        %dma_start3A_150 = tpu.memref_slice %arg5[%dma_start3A_148, %dma_start3A_149] : memref<32x513xf32, #tpu.memory_space<vmem>> -> memref<32x512xf32, #tpu.memory_space<vmem>>
        %dma_start3A_151 = arith.constant 0 : i32
        %dma_start3A_152 = tpu.memref_slice %arg2[%dma_start3A_151, %add3A_142] : memref<32x1000000xf32, #tpu.memory_space<hbm>> -> memref<32x512xf32, #tpu.memory_space<hbm>>
        tpu.enqueue_dma source(%dma_start3A_152 : memref<32x512xf32, #tpu.memory_space<hbm>>) target(%dma_start3A_150 : memref<32x512xf32, #tpu.memory_space<vmem>>) target_semaphore(%arg9 : memref<!tpu.dma_semaphore, #tpu.memory_space<semaphore_mem>>)
      } else {
      }
    }
    %scan3A_36 = arith.constant 30 : i32
    %mul3A_37 = arith.constant 32 : i32
    %mul3A_38 = arith.muli %mul3A_2, %mul3A_37 : i32
    %dma_wait3A = tpu.memref_slice %arg3[%mul3A_38] : memref<32000000xf32, #tpu.memory_space<hbm>> -> memref<16384xf32, #tpu.memory_space<hbm>>
    %dma_wait3A_39 = tpu.memref_slice %arg3[%mul3A_38] : memref<32000000xf32, #tpu.memory_space<hbm>> -> memref<16384xf32, #tpu.memory_space<hbm>>
    tpu.wait_dma2 semaphore(%arg10 : memref<!tpu.dma_semaphore, #tpu.memory_space<semaphore_mem>>) src(%arg6 : memref<16384xf32, #tpu.memory_space<vmem>>) dst(%dma_wait3A_39 : memref<16384xf32, #tpu.memory_space<hbm>>)
    %mul3A_40 = arith.constant 32 : i32
    %mul3A_41 = arith.muli %mul3A_2, %mul3A_40 : i32
    %dma_wait3A_42 = tpu.memref_slice %arg3[%mul3A_41] : memref<32000000xf32, #tpu.memory_space<hbm>> -> memref<16384xf32, #tpu.memory_space<hbm>>
    %dma_wait3A_43 = tpu.memref_slice %arg3[%mul3A_41] : memref<32000000xf32, #tpu.memory_space<hbm>> -> memref<16384xf32, #tpu.memory_space<hbm>>
    tpu.wait_dma2 semaphore(%arg11 : memref<!tpu.dma_semaphore, #tpu.memory_space<semaphore_mem>>) src(%arg7 : memref<16384xf32, #tpu.memory_space<vmem>>) dst(%dma_wait3A_43 : memref<16384xf32, #tpu.memory_space<hbm>>)
    %add3A_44 = arith.constant 30720 : i32
    %add3A_45 = arith.addi %mul3A_2, %add3A_44 : i32
    "tpu.region"() ({
      %run_scoped3A = tpu.sem_alloc : memref<!tpu.dma_semaphore, #tpu.memory_space<semaphore_mem>>
      %dma_start3A_67 = arith.constant 0 : i32
      %dma_start3A_68 = arith.constant 0 : i32
      %dma_start3A_69 = tpu.memref_slice %arg4[%dma_start3A_67, %dma_start3A_68] : memref<32x513xf32, #tpu.memory_space<vmem>> -> memref<32x512xf32, #tpu.memory_space<vmem>>
      %dma_start3A_70 = arith.constant 0 : i32
      %dma_start3A_71 = tpu.memref_slice %arg2[%dma_start3A_70, %add3A_45] : memref<32x1000000xf32, #tpu.memory_space<hbm>> -> memref<32x512xf32, #tpu.memory_space<hbm>>
      %dma_start3A_72 = arith.constant 0 : i32
      %dma_start3A_73 = arith.constant 0 : i32
      %dma_start3A_74 = tpu.memref_slice %arg4[%dma_start3A_72, %dma_start3A_73] : memref<32x513xf32, #tpu.memory_space<vmem>> -> memref<32x512xf32, #tpu.memory_space<vmem>>
      %dma_start3A_75 = arith.constant 0 : i32
      %dma_start3A_76 = tpu.memref_slice %arg2[%dma_start3A_75, %add3A_45] : memref<32x1000000xf32, #tpu.memory_space<hbm>> -> memref<32x512xf32, #tpu.memory_space<hbm>>
      tpu.enqueue_dma source(%dma_start3A_76 : memref<32x512xf32, #tpu.memory_space<hbm>>) target(%dma_start3A_74 : memref<32x512xf32, #tpu.memory_space<vmem>>) target_semaphore(%run_scoped3A : memref<!tpu.dma_semaphore, #tpu.memory_space<semaphore_mem>>)
      %dma_wait3A_77 = arith.constant 0 : i32
      %dma_wait3A_78 = arith.constant 0 : i32
      %dma_wait3A_79 = tpu.memref_slice %arg4[%dma_wait3A_77, %dma_wait3A_78] : memref<32x513xf32, #tpu.memory_space<vmem>> -> memref<32x512xf32, #tpu.memory_space<vmem>>
      %dma_wait3A_80 = arith.constant 0 : i32
      %dma_wait3A_81 = tpu.memref_slice %arg2[%dma_wait3A_80, %add3A_45] : memref<32x1000000xf32, #tpu.memory_space<hbm>> -> memref<32x512xf32, #tpu.memory_space<hbm>>
      %dma_wait3A_82 = arith.constant 0 : i32
      %dma_wait3A_83 = arith.constant 0 : i32
      %dma_wait3A_84 = tpu.memref_slice %arg4[%dma_wait3A_82, %dma_wait3A_83] : memref<32x513xf32, #tpu.memory_space<vmem>> -> memref<32x512xf32, #tpu.memory_space<vmem>>
      %dma_wait3A_85 = arith.constant 0 : i32
      %dma_wait3A_86 = tpu.memref_slice %arg2[%dma_wait3A_85, %add3A_45] : memref<32x1000000xf32, #tpu.memory_space<hbm>> -> memref<32x512xf32, #tpu.memory_space<hbm>>
      tpu.wait_dma2 semaphore(%run_scoped3A : memref<!tpu.dma_semaphore, #tpu.memory_space<semaphore_mem>>) src(%dma_wait3A_86 : memref<32x512xf32, #tpu.memory_space<hbm>>) dst(%dma_wait3A_84 : memref<32x512xf32, #tpu.memory_space<vmem>>)
      tpu.yield
    }) : () -> ()
    %parallel_loop3A = arith.constant 0 : i32
    %parallel_loop3A_46 = arith.constant 512 : i32
    %parallel_loop3A_47 = arith.constant 1 : i32
    scf.for %parallel_loop3A_67 = %parallel_loop3A to %parallel_loop3A_46 step %parallel_loop3A_47  : i32 {
      %parallel_loop3A_68 = vector.broadcast %parallel_loop3A_67 : i32 to vector<16xi32>
      %parallel_loop3A_69 = arith.addi %mul3A_8, %parallel_loop3A_68 : vector<16xi32>
      %parallel_loop3A_70 = tpu.vector_load_idx %arg4[%iota3A, %parallel_loop3A_69] : memref<32x513xf32, #tpu.memory_space<vmem>>[vector<16xi32>, vector<16xi32>], vector<16xf32>,
      %parallel_loop3A_71 = arith.constant 32 : i32
      %parallel_loop3A_72 = arith.muli %parallel_loop3A_67, %parallel_loop3A_71 : i32
      %parallel_loop3A_73 = arith.index_cast %parallel_loop3A_72 : i32 to index
      %parallel_loop3A_74 = tpu.vector_load %arg6[%parallel_loop3A_73] {strides = array<i32>} : memref<16384xf32, #tpu.memory_space<vmem>>, vector<16xf32>,
      tpu.vector_store %arg6[%parallel_loop3A_73], %parallel_loop3A_70 {strides = array<i32>} : memref<16384xf32, #tpu.memory_space<vmem>>, vector<16xf32>,
      %parallel_loop3A_75 = tpu.vector_load_idx %arg4[%add3A_5, %parallel_loop3A_69] : memref<32x513xf32, #tpu.memory_space<vmem>>[vector<16xi32>, vector<16xi32>], vector<16xf32>,
      %parallel_loop3A_76 = arith.constant 32 : i32
      %parallel_loop3A_77 = arith.muli %parallel_loop3A_67, %parallel_loop3A_76 : i32
      %parallel_loop3A_78 = arith.constant 16 : i32
      %parallel_loop3A_79 = arith.addi %parallel_loop3A_77, %parallel_loop3A_78 : i32
      %parallel_loop3A_80 = arith.index_cast %parallel_loop3A_79 : i32 to index
      %parallel_loop3A_81 = tpu.vector_load %arg6[%parallel_loop3A_80] {strides = array<i32>} : memref<16384xf32, #tpu.memory_space<vmem>>, vector<16xf32>,
      tpu.vector_store %arg6[%parallel_loop3A_80], %parallel_loop3A_75 {strides = array<i32>} : memref<16384xf32, #tpu.memory_space<vmem>>, vector<16xf32>,
    } {sc.loop_unroll_factor = 8 : i64, sc.parallel_access}
    %mul3A_48 = arith.constant 32 : i32
    %mul3A_49 = arith.muli %add3A_45, %mul3A_48 : i32
    "tpu.region"() ({
      %run_scoped3A = tpu.sem_alloc : memref<!tpu.dma_semaphore, #tpu.memory_space<semaphore_mem>>
      %dma_start3A_67 = tpu.memref_slice %arg3[%mul3A_49] : memref<32000000xf32, #tpu.memory_space<hbm>> -> memref<16384xf32, #tpu.memory_space<hbm>>
      %dma_start3A_68 = tpu.memref_slice %arg3[%mul3A_49] : memref<32000000xf32, #tpu.memory_space<hbm>> -> memref<16384xf32, #tpu.memory_space<hbm>>
      tpu.enqueue_dma source(%arg6 : memref<16384xf32, #tpu.memory_space<vmem>>) target(%dma_start3A_68 : memref<16384xf32, #tpu.memory_space<hbm>>) target_semaphore(%run_scoped3A : memref<!tpu.dma_semaphore, #tpu.memory_space<semaphore_mem>>)
      %dma_wait3A_69 = tpu.memref_slice %arg3[%mul3A_49] : memref<32000000xf32, #tpu.memory_space<hbm>> -> memref<16384xf32, #tpu.memory_space<hbm>>
      %dma_wait3A_70 = tpu.memref_slice %arg3[%mul3A_49] : memref<32000000xf32, #tpu.memory_space<hbm>> -> memref<16384xf32, #tpu.memory_space<hbm>>
      tpu.wait_dma2 semaphore(%run_scoped3A : memref<!tpu.dma_semaphore, #tpu.memory_space<semaphore_mem>>) src(%arg6 : memref<16384xf32, #tpu.memory_space<vmem>>) dst(%dma_wait3A_70 : memref<16384xf32, #tpu.memory_space<hbm>>)
      tpu.yield
    }) : () -> ()
    %eq3A = arith.constant 0 : i32
    %eq3A_50 = arith.cmpi eq, %add3A, %eq3A : i32
    %convert_element_type3A = arith.extui %eq3A_50 : i1 to i32
    %cond3A = arith.constant 0 : i32
    %cond3A_51 = arith.cmpi ne, %convert_element_type3A, %cond3A : i32
    scf.if %cond3A_51 {
      "tpu.region"() ({
        %run_scoped3A = tpu.sem_alloc : memref<!tpu.dma_semaphore, #tpu.memory_space<semaphore_mem>>
        %dma_start3A_70 = arith.constant 0 : i32
        %dma_start3A_71 = arith.constant 0 : i32
        %dma_start3A_72 = tpu.memref_slice %arg4[%dma_start3A_70, %dma_start3A_71] : memref<32x513xf32, #tpu.memory_space<vmem>> -> memref<32x128xf32, #tpu.memory_space<vmem>>
        %dma_start3A_73 = arith.constant 0 : i32
        %dma_start3A_74 = arith.constant 999424 : i32
        %dma_start3A_75 = tpu.memref_slice %arg2[%dma_start3A_73, %dma_start3A_74] : memref<32x1000000xf32, #tpu.memory_space<hbm>> -> memref<32x128xf32, #tpu.memory_space<hbm>>
        %dma_start3A_76 = arith.constant 0 : i32
        %dma_start3A_77 = arith.constant 0 : i32
        %dma_start3A_78 = tpu.memref_slice %arg4[%dma_start3A_76, %dma_start3A_77] : memref<32x513xf32, #tpu.memory_space<vmem>> -> memref<32x128xf32, #tpu.memory_space<vmem>>
        %dma_start3A_79 = arith.constant 0 : i32
        %dma_start3A_80 = arith.constant 999424 : i32
        %dma_start3A_81 = tpu.memref_slice %arg2[%dma_start3A_79, %dma_start3A_80] : memref<32x1000000xf32, #tpu.memory_space<hbm>> -> memref<32x128xf32, #tpu.memory_space<hbm>>
        tpu.enqueue_dma source(%dma_start3A_81 : memref<32x128xf32, #tpu.memory_space<hbm>>) target(%dma_start3A_78 : memref<32x128xf32, #tpu.memory_space<vmem>>) target_semaphore(%run_scoped3A : memref<!tpu.dma_semaphore, #tpu.memory_space<semaphore_mem>>)
        %dma_wait3A_82 = arith.constant 0 : i32
        %dma_wait3A_83 = arith.constant 0 : i32
        %dma_wait3A_84 = tpu.memref_slice %arg4[%dma_wait3A_82, %dma_wait3A_83] : memref<32x513xf32, #tpu.memory_space<vmem>> -> memref<32x128xf32, #tpu.memory_space<vmem>>
        %dma_wait3A_85 = arith.constant 0 : i32
        %dma_wait3A_86 = arith.constant 999424 : i32
        %dma_wait3A_87 = tpu.memref_slice %arg2[%dma_wait3A_85, %dma_wait3A_86] : memref<32x1000000xf32, #tpu.memory_space<hbm>> -> memref<32x128xf32, #tpu.memory_space<hbm>>
        %dma_wait3A_88 = arith.constant 0 : i32
        %dma_wait3A_89 = arith.constant 0 : i32
        %dma_wait3A_90 = tpu.memref_slice %arg4[%dma_wait3A_88, %dma_wait3A_89] : memref<32x513xf32, #tpu.memory_space<vmem>> -> memref<32x128xf32, #tpu.memory_space<vmem>>
        %dma_wait3A_91 = arith.constant 0 : i32
        %dma_wait3A_92 = arith.constant 999424 : i32
        %dma_wait3A_93 = tpu.memref_slice %arg2[%dma_wait3A_91, %dma_wait3A_92] : memref<32x1000000xf32, #tpu.memory_space<hbm>> -> memref<32x128xf32, #tpu.memory_space<hbm>>
        tpu.wait_dma2 semaphore(%run_scoped3A : memref<!tpu.dma_semaphore, #tpu.memory_space<semaphore_mem>>) src(%dma_wait3A_93 : memref<32x128xf32, #tpu.memory_space<hbm>>) dst(%dma_wait3A_90 : memref<32x128xf32, #tpu.memory_space<vmem>>)
        tpu.yield
      }) : () -> ()
      %parallel_loop3A_67 = arith.constant 0 : i32
      %parallel_loop3A_68 = arith.constant 128 : i32
      %parallel_loop3A_69 = arith.constant 1 : i32
      scf.for %parallel_loop3A_70 = %parallel_loop3A_67 to %parallel_loop3A_68 step %parallel_loop3A_69  : i32 {
        %parallel_loop3A_71 = vector.broadcast %parallel_loop3A_70 : i32 to vector<16xi32>
        %parallel_loop3A_72 = arith.addi %mul3A_8, %parallel_loop3A_71 : vector<16xi32>
        %parallel_loop3A_73 = tpu.vector_load_idx %arg4[%iota3A, %parallel_loop3A_72] : memref<32x513xf32, #tpu.memory_space<vmem>>[vector<16xi32>, vector<16xi32>], vector<16xf32>,
        %parallel_loop3A_74 = arith.constant 32 : i32
        %parallel_loop3A_75 = arith.muli %parallel_loop3A_70, %parallel_loop3A_74 : i32
        %parallel_loop3A_76 = arith.index_cast %parallel_loop3A_75 : i32 to index
        %parallel_loop3A_77 = tpu.vector_load %arg6[%parallel_loop3A_76] {strides = array<i32>} : memref<16384xf32, #tpu.memory_space<vmem>>, vector<16xf32>,
        tpu.vector_store %arg6[%parallel_loop3A_76], %parallel_loop3A_73 {strides = array<i32>} : memref<16384xf32, #tpu.memory_space<vmem>>, vector<16xf32>,
        %parallel_loop3A_78 = tpu.vector_load_idx %arg4[%add3A_5, %parallel_loop3A_72] : memref<32x513xf32, #tpu.memory_space<vmem>>[vector<16xi32>, vector<16xi32>], vector<16xf32>,
        %parallel_loop3A_79 = arith.constant 32 : i32
        %parallel_loop3A_80 = arith.muli %parallel_loop3A_70, %parallel_loop3A_79 : i32
        %parallel_loop3A_81 = arith.constant 16 : i32
        %parallel_loop3A_82 = arith.addi %parallel_loop3A_80, %parallel_loop3A_81 : i32
        %parallel_loop3A_83 = arith.index_cast %parallel_loop3A_82 : i32 to index
        %parallel_loop3A_84 = tpu.vector_load %arg6[%parallel_loop3A_83] {strides = array<i32>} : memref<16384xf32, #tpu.memory_space<vmem>>, vector<16xf32>,
        tpu.vector_store %arg6[%parallel_loop3A_83], %parallel_loop3A_78 {strides = array<i32>} : memref<16384xf32, #tpu.memory_space<vmem>>, vector<16xf32>,
      } {sc.loop_unroll_factor = 8 : i64, sc.parallel_access}
      "tpu.region"() ({
        %run_scoped3A = tpu.sem_alloc : memref<!tpu.dma_semaphore, #tpu.memory_space<semaphore_mem>>
        %dma_start3A_70 = arith.constant 0 : i32
        %dma_start3A_71 = tpu.memref_slice %arg6[%dma_start3A_70] : memref<16384xf32, #tpu.memory_space<vmem>> -> memref<4096xf32, #tpu.memory_space<vmem>>
        %dma_start3A_72 = arith.constant 31981568 : i32
        %dma_start3A_73 = tpu.memref_slice %arg3[%dma_start3A_72] : memref<32000000xf32, #tpu.memory_space<hbm>> -> memref<4096xf32, #tpu.memory_space<hbm>>
        %dma_start3A_74 = arith.constant 31981568 : i32
        %dma_start3A_75 = tpu.memref_slice %arg3[%dma_start3A_74] : memref<32000000xf32, #tpu.memory_space<hbm>> -> memref<4096xf32, #tpu.memory_space<hbm>>
        %dma_start3A_76 = arith.constant 0 : i32
        %dma_start3A_77 = tpu.memref_slice %arg6[%dma_start3A_76] : memref<16384xf32, #tpu.memory_space<vmem>> -> memref<4096xf32, #tpu.memory_space<vmem>>
        tpu.enqueue_dma source(%dma_start3A_77 : memref<4096xf32, #tpu.memory_space<vmem>>) target(%dma_start3A_75 : memref<4096xf32, #tpu.memory_space<hbm>>) target_semaphore(%run_scoped3A : memref<!tpu.dma_semaphore, #tpu.memory_space<semaphore_mem>>)
        %dma_wait3A_78 = arith.constant 0 : i32
        %dma_wait3A_79 = tpu.memref_slice %arg6[%dma_wait3A_78] : memref<16384xf32, #tpu.memory_space<vmem>> -> memref<4096xf32, #tpu.memory_space<vmem>>
        %dma_wait3A_80 = arith.constant 31981568 : i32
        %dma_wait3A_81 = tpu.memref_slice %arg3[%dma_wait3A_80] : memref<32000000xf32, #tpu.memory_space<hbm>> -> memref<4096xf32, #tpu.memory_space<hbm>>
        %dma_wait3A_82 = arith.constant 31981568 : i32
        %dma_wait3A_83 = tpu.memref_slice %arg3[%dma_wait3A_82] : memref<32000000xf32, #tpu.memory_space<hbm>> -> memref<4096xf32, #tpu.memory_space<hbm>>
        %dma_wait3A_84 = arith.constant 0 : i32
        %dma_wait3A_85 = tpu.memref_slice %arg6[%dma_wait3A_84] : memref<16384xf32, #tpu.memory_space<vmem>> -> memref<4096xf32, #tpu.memory_space<vmem>>
        tpu.wait_dma2 semaphore(%run_scoped3A : memref<!tpu.dma_semaphore, #tpu.memory_space<semaphore_mem>>) src(%dma_wait3A_85 : memref<4096xf32, #tpu.memory_space<vmem>>) dst(%dma_wait3A_83 : memref<4096xf32, #tpu.memory_space<hbm>>)
        tpu.yield
      }) : () -> ()
    } else {
    }
    %eq3A_52 = arith.constant 1 : i32
    %eq3A_53 = arith.cmpi eq, %add3A, %eq3A_52 : i32
    %convert_element_type3A_54 = arith.extui %eq3A_53 : i1 to i32
    %cond3A_55 = arith.constant 0 : i32
    %cond3A_56 = arith.cmpi ne, %convert_element_type3A_54, %cond3A_55 : i32
    scf.if %cond3A_56 {
      "tpu.region"() ({
        %run_scoped3A = tpu.sem_alloc : memref<!tpu.dma_semaphore, #tpu.memory_space<semaphore_mem>>
        %dma_start3A_70 = arith.constant 0 : i32
        %dma_start3A_71 = arith.constant 0 : i32
        %dma_start3A_72 = tpu.memref_slice %arg4[%dma_start3A_70, %dma_start3A_71] : memref<32x513xf32, #tpu.memory_space<vmem>> -> memref<32x128xf32, #tpu.memory_space<vmem>>
        %dma_start3A_73 = arith.constant 0 : i32
        %dma_start3A_74 = arith.constant 999552 : i32
        %dma_start3A_75 = tpu.memref_slice %arg2[%dma_start3A_73, %dma_start3A_74] : memref<32x1000000xf32, #tpu.memory_space<hbm>> -> memref<32x128xf32, #tpu.memory_space<hbm>>
        %dma_start3A_76 = arith.constant 0 : i32
        %dma_start3A_77 = arith.constant 0 : i32
        %dma_start3A_78 = tpu.memref_slice %arg4[%dma_start3A_76, %dma_start3A_77] : memref<32x513xf32, #tpu.memory_space<vmem>> -> memref<32x128xf32, #tpu.memory_space<vmem>>
        %dma_start3A_79 = arith.constant 0 : i32
        %dma_start3A_80 = arith.constant 999552 : i32
        %dma_start3A_81 = tpu.memref_slice %arg2[%dma_start3A_79, %dma_start3A_80] : memref<32x1000000xf32, #tpu.memory_space<hbm>> -> memref<32x128xf32, #tpu.memory_space<hbm>>
        tpu.enqueue_dma source(%dma_start3A_81 : memref<32x128xf32, #tpu.memory_space<hbm>>) target(%dma_start3A_78 : memref<32x128xf32, #tpu.memory_space<vmem>>) target_semaphore(%run_scoped3A : memref<!tpu.dma_semaphore, #tpu.memory_space<semaphore_mem>>)
        %dma_wait3A_82 = arith.constant 0 : i32
        %dma_wait3A_83 = arith.constant 0 : i32
        %dma_wait3A_84 = tpu.memref_slice %arg4[%dma_wait3A_82, %dma_wait3A_83] : memref<32x513xf32, #tpu.memory_space<vmem>> -> memref<32x128xf32, #tpu.memory_space<vmem>>
        %dma_wait3A_85 = arith.constant 0 : i32
        %dma_wait3A_86 = arith.constant 999552 : i32
        %dma_wait3A_87 = tpu.memref_slice %arg2[%dma_wait3A_85, %dma_wait3A_86] : memref<32x1000000xf32, #tpu.memory_space<hbm>> -> memref<32x128xf32, #tpu.memory_space<hbm>>
        %dma_wait3A_88 = arith.constant 0 : i32
        %dma_wait3A_89 = arith.constant 0 : i32
        %dma_wait3A_90 = tpu.memref_slice %arg4[%dma_wait3A_88, %dma_wait3A_89] : memref<32x513xf32, #tpu.memory_space<vmem>> -> memref<32x128xf32, #tpu.memory_space<vmem>>
        %dma_wait3A_91 = arith.constant 0 : i32
        %dma_wait3A_92 = arith.constant 999552 : i32
        %dma_wait3A_93 = tpu.memref_slice %arg2[%dma_wait3A_91, %dma_wait3A_92] : memref<32x1000000xf32, #tpu.memory_space<hbm>> -> memref<32x128xf32, #tpu.memory_space<hbm>>
        tpu.wait_dma2 semaphore(%run_scoped3A : memref<!tpu.dma_semaphore, #tpu.memory_space<semaphore_mem>>) src(%dma_wait3A_93 : memref<32x128xf32, #tpu.memory_space<hbm>>) dst(%dma_wait3A_90 : memref<32x128xf32, #tpu.memory_space<vmem>>)
        tpu.yield
      }) : () -> ()
      %parallel_loop3A_67 = arith.constant 0 : i32
      %parallel_loop3A_68 = arith.constant 128 : i32
      %parallel_loop3A_69 = arith.constant 1 : i32
      scf.for %parallel_loop3A_70 = %parallel_loop3A_67 to %parallel_loop3A_68 step %parallel_loop3A_69  : i32 {
        %parallel_loop3A_71 = vector.broadcast %parallel_loop3A_70 : i32 to vector<16xi32>
        %parallel_loop3A_72 = arith.addi %mul3A_8, %parallel_loop3A_71 : vector<16xi32>
        %parallel_loop3A_73 = tpu.vector_load_idx %arg4[%iota3A, %parallel_loop3A_72] : memref<32x513xf32, #tpu.memory_space<vmem>>[vector<16xi32>, vector<16xi32>], vector<16xf32>,
        %parallel_loop3A_74 = arith.constant 32 : i32
        %parallel_loop3A_75 = arith.muli %parallel_loop3A_70, %parallel_loop3A_74 : i32
        %parallel_loop3A_76 = arith.index_cast %parallel_loop3A_75 : i32 to index
        %parallel_loop3A_77 = tpu.vector_load %arg6[%parallel_loop3A_76] {strides = array<i32>} : memref<16384xf32, #tpu.memory_space<vmem>>, vector<16xf32>,
        tpu.vector_store %arg6[%parallel_loop3A_76], %parallel_loop3A_73 {strides = array<i32>} : memref<16384xf32, #tpu.memory_space<vmem>>, vector<16xf32>,
        %parallel_loop3A_78 = tpu.vector_load_idx %arg4[%add3A_5, %parallel_loop3A_72] : memref<32x513xf32, #tpu.memory_space<vmem>>[vector<16xi32>, vector<16xi32>], vector<16xf32>,
        %parallel_loop3A_79 = arith.constant 32 : i32
        %parallel_loop3A_80 = arith.muli %parallel_loop3A_70, %parallel_loop3A_79 : i32
        %parallel_loop3A_81 = arith.constant 16 : i32
        %parallel_loop3A_82 = arith.addi %parallel_loop3A_80, %parallel_loop3A_81 : i32
        %parallel_loop3A_83 = arith.index_cast %parallel_loop3A_82 : i32 to index
        %parallel_loop3A_84 = tpu.vector_load %arg6[%parallel_loop3A_83] {strides = array<i32>} : memref<16384xf32, #tpu.memory_space<vmem>>, vector<16xf32>,
        tpu.vector_store %arg6[%parallel_loop3A_83], %parallel_loop3A_78 {strides = array<i32>} : memref<16384xf32, #tpu.memory_space<vmem>>, vector<16xf32>,
      } {sc.loop_unroll_factor = 8 : i64, sc.parallel_access}
      "tpu.region"() ({
        %run_scoped3A = tpu.sem_alloc : memref<!tpu.dma_semaphore, #tpu.memory_space<semaphore_mem>>
        %dma_start3A_70 = arith.constant 0 : i32
        %dma_start3A_71 = tpu.memref_slice %arg6[%dma_start3A_70] : memref<16384xf32, #tpu.memory_space<vmem>> -> memref<4096xf32, #tpu.memory_space<vmem>>
        %dma_start3A_72 = arith.constant 31985664 : i32
        %dma_start3A_73 = tpu.memref_slice %arg3[%dma_start3A_72] : memref<32000000xf32, #tpu.memory_space<hbm>> -> memref<4096xf32, #tpu.memory_space<hbm>>
        %dma_start3A_74 = arith.constant 31985664 : i32
        %dma_start3A_75 = tpu.memref_slice %arg3[%dma_start3A_74] : memref<32000000xf32, #tpu.memory_space<hbm>> -> memref<4096xf32, #tpu.memory_space<hbm>>
        %dma_start3A_76 = arith.constant 0 : i32
        %dma_start3A_77 = tpu.memref_slice %arg6[%dma_start3A_76] : memref<16384xf32, #tpu.memory_space<vmem>> -> memref<4096xf32, #tpu.memory_space<vmem>>
        tpu.enqueue_dma source(%dma_start3A_77 : memref<4096xf32, #tpu.memory_space<vmem>>) target(%dma_start3A_75 : memref<4096xf32, #tpu.memory_space<hbm>>) target_semaphore(%run_scoped3A : memref<!tpu.dma_semaphore, #tpu.memory_space<semaphore_mem>>)
        %dma_wait3A_78 = arith.constant 0 : i32
        %dma_wait3A_79 = tpu.memref_slice %arg6[%dma_wait3A_78] : memref<16384xf32, #tpu.memory_space<vmem>> -> memref<4096xf32, #tpu.memory_space<vmem>>
        %dma_wait3A_80 = arith.constant 31985664 : i32
        %dma_wait3A_81 = tpu.memref_slice %arg3[%dma_wait3A_80] : memref<32000000xf32, #tpu.memory_space<hbm>> -> memref<4096xf32, #tpu.memory_space<hbm>>
        %dma_wait3A_82 = arith.constant 31985664 : i32
        %dma_wait3A_83 = tpu.memref_slice %arg3[%dma_wait3A_82] : memref<32000000xf32, #tpu.memory_space<hbm>> -> memref<4096xf32, #tpu.memory_space<hbm>>
        %dma_wait3A_84 = arith.constant 0 : i32
        %dma_wait3A_85 = tpu.memref_slice %arg6[%dma_wait3A_84] : memref<16384xf32, #tpu.memory_space<vmem>> -> memref<4096xf32, #tpu.memory_space<vmem>>
        tpu.wait_dma2 semaphore(%run_scoped3A : memref<!tpu.dma_semaphore, #tpu.memory_space<semaphore_mem>>) src(%dma_wait3A_85 : memref<4096xf32, #tpu.memory_space<vmem>>) dst(%dma_wait3A_83 : memref<4096xf32, #tpu.memory_space<hbm>>)
        tpu.yield
      }) : () -> ()
    } else {
    }
    %eq3A_57 = arith.constant 2 : i32
    %eq3A_58 = arith.cmpi eq, %add3A, %eq3A_57 : i32
    %convert_element_type3A_59 = arith.extui %eq3A_58 : i1 to i32
    %cond3A_60 = arith.constant 0 : i32
    %cond3A_61 = arith.cmpi ne, %convert_element_type3A_59, %cond3A_60 : i32
    scf.if %cond3A_61 {
      "tpu.region"() ({
        %run_scoped3A = tpu.sem_alloc : memref<!tpu.dma_semaphore, #tpu.memory_space<semaphore_mem>>
        %dma_start3A_70 = arith.constant 0 : i32
        %dma_start3A_71 = arith.constant 0 : i32
        %dma_start3A_72 = tpu.memref_slice %arg4[%dma_start3A_70, %dma_start3A_71] : memref<32x513xf32, #tpu.memory_space<vmem>> -> memref<32x128xf32, #tpu.memory_space<vmem>>
        %dma_start3A_73 = arith.constant 0 : i32
        %dma_start3A_74 = arith.constant 999680 : i32
        %dma_start3A_75 = tpu.memref_slice %arg2[%dma_start3A_73, %dma_start3A_74] : memref<32x1000000xf32, #tpu.memory_space<hbm>> -> memref<32x128xf32, #tpu.memory_space<hbm>>
        %dma_start3A_76 = arith.constant 0 : i32
        %dma_start3A_77 = arith.constant 0 : i32
        %dma_start3A_78 = tpu.memref_slice %arg4[%dma_start3A_76, %dma_start3A_77] : memref<32x513xf32, #tpu.memory_space<vmem>> -> memref<32x128xf32, #tpu.memory_space<vmem>>
        %dma_start3A_79 = arith.constant 0 : i32
        %dma_start3A_80 = arith.constant 999680 : i32
        %dma_start3A_81 = tpu.memref_slice %arg2[%dma_start3A_79, %dma_start3A_80] : memref<32x1000000xf32, #tpu.memory_space<hbm>> -> memref<32x128xf32, #tpu.memory_space<hbm>>
        tpu.enqueue_dma source(%dma_start3A_81 : memref<32x128xf32, #tpu.memory_space<hbm>>) target(%dma_start3A_78 : memref<32x128xf32, #tpu.memory_space<vmem>>) target_semaphore(%run_scoped3A : memref<!tpu.dma_semaphore, #tpu.memory_space<semaphore_mem>>)
        %dma_wait3A_82 = arith.constant 0 : i32
        %dma_wait3A_83 = arith.constant 0 : i32
        %dma_wait3A_84 = tpu.memref_slice %arg4[%dma_wait3A_82, %dma_wait3A_83] : memref<32x513xf32, #tpu.memory_space<vmem>> -> memref<32x128xf32, #tpu.memory_space<vmem>>
        %dma_wait3A_85 = arith.constant 0 : i32
        %dma_wait3A_86 = arith.constant 999680 : i32
        %dma_wait3A_87 = tpu.memref_slice %arg2[%dma_wait3A_85, %dma_wait3A_86] : memref<32x1000000xf32, #tpu.memory_space<hbm>> -> memref<32x128xf32, #tpu.memory_space<hbm>>
        %dma_wait3A_88 = arith.constant 0 : i32
        %dma_wait3A_89 = arith.constant 0 : i32
        %dma_wait3A_90 = tpu.memref_slice %arg4[%dma_wait3A_88, %dma_wait3A_89] : memref<32x513xf32, #tpu.memory_space<vmem>> -> memref<32x128xf32, #tpu.memory_space<vmem>>
        %dma_wait3A_91 = arith.constant 0 : i32
        %dma_wait3A_92 = arith.constant 999680 : i32
        %dma_wait3A_93 = tpu.memref_slice %arg2[%dma_wait3A_91, %dma_wait3A_92] : memref<32x1000000xf32, #tpu.memory_space<hbm>> -> memref<32x128xf32, #tpu.memory_space<hbm>>
        tpu.wait_dma2 semaphore(%run_scoped3A : memref<!tpu.dma_semaphore, #tpu.memory_space<semaphore_mem>>) src(%dma_wait3A_93 : memref<32x128xf32, #tpu.memory_space<hbm>>) dst(%dma_wait3A_90 : memref<32x128xf32, #tpu.memory_space<vmem>>)
        tpu.yield
      }) : () -> ()
      %parallel_loop3A_67 = arith.constant 0 : i32
      %parallel_loop3A_68 = arith.constant 128 : i32
      %parallel_loop3A_69 = arith.constant 1 : i32
      scf.for %parallel_loop3A_70 = %parallel_loop3A_67 to %parallel_loop3A_68 step %parallel_loop3A_69  : i32 {
        %parallel_loop3A_71 = vector.broadcast %parallel_loop3A_70 : i32 to vector<16xi32>
        %parallel_loop3A_72 = arith.addi %mul3A_8, %parallel_loop3A_71 : vector<16xi32>
        %parallel_loop3A_73 = tpu.vector_load_idx %arg4[%iota3A, %parallel_loop3A_72] : memref<32x513xf32, #tpu.memory_space<vmem>>[vector<16xi32>, vector<16xi32>], vector<16xf32>,
        %parallel_loop3A_74 = arith.constant 32 : i32
        %parallel_loop3A_75 = arith.muli %parallel_loop3A_70, %parallel_loop3A_74 : i32
        %parallel_loop3A_76 = arith.index_cast %parallel_loop3A_75 : i32 to index
        %parallel_loop3A_77 = tpu.vector_load %arg6[%parallel_loop3A_76] {strides = array<i32>} : memref<16384xf32, #tpu.memory_space<vmem>>, vector<16xf32>,
        tpu.vector_store %arg6[%parallel_loop3A_76], %parallel_loop3A_73 {strides = array<i32>} : memref<16384xf32, #tpu.memory_space<vmem>>, vector<16xf32>,
        %parallel_loop3A_78 = tpu.vector_load_idx %arg4[%add3A_5, %parallel_loop3A_72] : memref<32x513xf32, #tpu.memory_space<vmem>>[vector<16xi32>, vector<16xi32>], vector<16xf32>,
        %parallel_loop3A_79 = arith.constant 32 : i32
        %parallel_loop3A_80 = arith.muli %parallel_loop3A_70, %parallel_loop3A_79 : i32
        %parallel_loop3A_81 = arith.constant 16 : i32
        %parallel_loop3A_82 = arith.addi %parallel_loop3A_80, %parallel_loop3A_81 : i32
        %parallel_loop3A_83 = arith.index_cast %parallel_loop3A_82 : i32 to index
        %parallel_loop3A_84 = tpu.vector_load %arg6[%parallel_loop3A_83] {strides = array<i32>} : memref<16384xf32, #tpu.memory_space<vmem>>, vector<16xf32>,
        tpu.vector_store %arg6[%parallel_loop3A_83], %parallel_loop3A_78 {strides = array<i32>} : memref<16384xf32, #tpu.memory_space<vmem>>, vector<16xf32>,
      } {sc.loop_unroll_factor = 8 : i64, sc.parallel_access}
      "tpu.region"() ({
        %run_scoped3A = tpu.sem_alloc : memref<!tpu.dma_semaphore, #tpu.memory_space<semaphore_mem>>
        %dma_start3A_70 = arith.constant 0 : i32
        %dma_start3A_71 = tpu.memref_slice %arg6[%dma_start3A_70] : memref<16384xf32, #tpu.memory_space<vmem>> -> memref<4096xf32, #tpu.memory_space<vmem>>
        %dma_start3A_72 = arith.constant 31989760 : i32
        %dma_start3A_73 = tpu.memref_slice %arg3[%dma_start3A_72] : memref<32000000xf32, #tpu.memory_space<hbm>> -> memref<4096xf32, #tpu.memory_space<hbm>>
        %dma_start3A_74 = arith.constant 31989760 : i32
        %dma_start3A_75 = tpu.memref_slice %arg3[%dma_start3A_74] : memref<32000000xf32, #tpu.memory_space<hbm>> -> memref<4096xf32, #tpu.memory_space<hbm>>
        %dma_start3A_76 = arith.constant 0 : i32
        %dma_start3A_77 = tpu.memref_slice %arg6[%dma_start3A_76] : memref<16384xf32, #tpu.memory_space<vmem>> -> memref<4096xf32, #tpu.memory_space<vmem>>
        tpu.enqueue_dma source(%dma_start3A_77 : memref<4096xf32, #tpu.memory_space<vmem>>) target(%dma_start3A_75 : memref<4096xf32, #tpu.memory_space<hbm>>) target_semaphore(%run_scoped3A : memref<!tpu.dma_semaphore, #tpu.memory_space<semaphore_mem>>)
        %dma_wait3A_78 = arith.constant 0 : i32
        %dma_wait3A_79 = tpu.memref_slice %arg6[%dma_wait3A_78] : memref<16384xf32, #tpu.memory_space<vmem>> -> memref<4096xf32, #tpu.memory_space<vmem>>
        %dma_wait3A_80 = arith.constant 31989760 : i32
        %dma_wait3A_81 = tpu.memref_slice %arg3[%dma_wait3A_80] : memref<32000000xf32, #tpu.memory_space<hbm>> -> memref<4096xf32, #tpu.memory_space<hbm>>
        %dma_wait3A_82 = arith.constant 31989760 : i32
        %dma_wait3A_83 = tpu.memref_slice %arg3[%dma_wait3A_82] : memref<32000000xf32, #tpu.memory_space<hbm>> -> memref<4096xf32, #tpu.memory_space<hbm>>
        %dma_wait3A_84 = arith.constant 0 : i32
        %dma_wait3A_85 = tpu.memref_slice %arg6[%dma_wait3A_84] : memref<16384xf32, #tpu.memory_space<vmem>> -> memref<4096xf32, #tpu.memory_space<vmem>>
        tpu.wait_dma2 semaphore(%run_scoped3A : memref<!tpu.dma_semaphore, #tpu.memory_space<semaphore_mem>>) src(%dma_wait3A_85 : memref<4096xf32, #tpu.memory_space<vmem>>) dst(%dma_wait3A_83 : memref<4096xf32, #tpu.memory_space<hbm>>)
        tpu.yield
      }) : () -> ()
    } else {
    }
    %eq3A_62 = arith.constant 3 : i32
    %eq3A_63 = arith.cmpi eq, %add3A, %eq3A_62 : i32
    %convert_element_type3A_64 = arith.extui %eq3A_63 : i1 to i32
    %cond3A_65 = arith.constant 0 : i32
    %cond3A_66 = arith.cmpi ne, %convert_element_type3A_64, %cond3A_65 : i32
    scf.if %cond3A_66 {
      "tpu.region"() ({
        %run_scoped3A = tpu.sem_alloc : memref<!tpu.dma_semaphore, #tpu.memory_space<semaphore_mem>>
        %dma_start3A_70 = arith.constant 0 : i32
        %dma_start3A_71 = arith.constant 0 : i32
        %dma_start3A_72 = tpu.memref_slice %arg4[%dma_start3A_70, %dma_start3A_71] : memref<32x513xf32, #tpu.memory_space<vmem>> -> memref<32x128xf32, #tpu.memory_space<vmem>>
        %dma_start3A_73 = arith.constant 0 : i32
        %dma_start3A_74 = arith.constant 999808 : i32
        %dma_start3A_75 = tpu.memref_slice %arg2[%dma_start3A_73, %dma_start3A_74] : memref<32x1000000xf32, #tpu.memory_space<hbm>> -> memref<32x128xf32, #tpu.memory_space<hbm>>
        %dma_start3A_76 = arith.constant 0 : i32
        %dma_start3A_77 = arith.constant 0 : i32
        %dma_start3A_78 = tpu.memref_slice %arg4[%dma_start3A_76, %dma_start3A_77] : memref<32x513xf32, #tpu.memory_space<vmem>> -> memref<32x128xf32, #tpu.memory_space<vmem>>
        %dma_start3A_79 = arith.constant 0 : i32
        %dma_start3A_80 = arith.constant 999808 : i32
        %dma_start3A_81 = tpu.memref_slice %arg2[%dma_start3A_79, %dma_start3A_80] : memref<32x1000000xf32, #tpu.memory_space<hbm>> -> memref<32x128xf32, #tpu.memory_space<hbm>>
        tpu.enqueue_dma source(%dma_start3A_81 : memref<32x128xf32, #tpu.memory_space<hbm>>) target(%dma_start3A_78 : memref<32x128xf32, #tpu.memory_space<vmem>>) target_semaphore(%run_scoped3A : memref<!tpu.dma_semaphore, #tpu.memory_space<semaphore_mem>>)
        %dma_wait3A_82 = arith.constant 0 : i32
        %dma_wait3A_83 = arith.constant 0 : i32
        %dma_wait3A_84 = tpu.memref_slice %arg4[%dma_wait3A_82, %dma_wait3A_83] : memref<32x513xf32, #tpu.memory_space<vmem>> -> memref<32x128xf32, #tpu.memory_space<vmem>>
        %dma_wait3A_85 = arith.constant 0 : i32
        %dma_wait3A_86 = arith.constant 999808 : i32
        %dma_wait3A_87 = tpu.memref_slice %arg2[%dma_wait3A_85, %dma_wait3A_86] : memref<32x1000000xf32, #tpu.memory_space<hbm>> -> memref<32x128xf32, #tpu.memory_space<hbm>>
        %dma_wait3A_88 = arith.constant 0 : i32
        %dma_wait3A_89 = arith.constant 0 : i32
        %dma_wait3A_90 = tpu.memref_slice %arg4[%dma_wait3A_88, %dma_wait3A_89] : memref<32x513xf32, #tpu.memory_space<vmem>> -> memref<32x128xf32, #tpu.memory_space<vmem>>
        %dma_wait3A_91 = arith.constant 0 : i32
        %dma_wait3A_92 = arith.constant 999808 : i32
        %dma_wait3A_93 = tpu.memref_slice %arg2[%dma_wait3A_91, %dma_wait3A_92] : memref<32x1000000xf32, #tpu.memory_space<hbm>> -> memref<32x128xf32, #tpu.memory_space<hbm>>
        tpu.wait_dma2 semaphore(%run_scoped3A : memref<!tpu.dma_semaphore, #tpu.memory_space<semaphore_mem>>) src(%dma_wait3A_93 : memref<32x128xf32, #tpu.memory_space<hbm>>) dst(%dma_wait3A_90 : memref<32x128xf32, #tpu.memory_space<vmem>>)
        tpu.yield
      }) : () -> ()
      %parallel_loop3A_67 = arith.constant 0 : i32
      %parallel_loop3A_68 = arith.constant 128 : i32
      %parallel_loop3A_69 = arith.constant 1 : i32
      scf.for %parallel_loop3A_70 = %parallel_loop3A_67 to %parallel_loop3A_68 step %parallel_loop3A_69  : i32 {
        %parallel_loop3A_71 = vector.broadcast %parallel_loop3A_70 : i32 to vector<16xi32>
        %parallel_loop3A_72 = arith.addi %mul3A_8, %parallel_loop3A_71 : vector<16xi32>
        %parallel_loop3A_73 = tpu.vector_load_idx %arg4[%iota3A, %parallel_loop3A_72] : memref<32x513xf32, #tpu.memory_space<vmem>>[vector<16xi32>, vector<16xi32>], vector<16xf32>,
        %parallel_loop3A_74 = arith.constant 32 : i32
        %parallel_loop3A_75 = arith.muli %parallel_loop3A_70, %parallel_loop3A_74 : i32
        %parallel_loop3A_76 = arith.index_cast %parallel_loop3A_75 : i32 to index
        %parallel_loop3A_77 = tpu.vector_load %arg6[%parallel_loop3A_76] {strides = array<i32>} : memref<16384xf32, #tpu.memory_space<vmem>>, vector<16xf32>,
        tpu.vector_store %arg6[%parallel_loop3A_76], %parallel_loop3A_73 {strides = array<i32>} : memref<16384xf32, #tpu.memory_space<vmem>>, vector<16xf32>,
        %parallel_loop3A_78 = tpu.vector_load_idx %arg4[%add3A_5, %parallel_loop3A_72] : memref<32x513xf32, #tpu.memory_space<vmem>>[vector<16xi32>, vector<16xi32>], vector<16xf32>,
        %parallel_loop3A_79 = arith.constant 32 : i32
        %parallel_loop3A_80 = arith.muli %parallel_loop3A_70, %parallel_loop3A_79 : i32
        %parallel_loop3A_81 = arith.constant 16 : i32
        %parallel_loop3A_82 = arith.addi %parallel_loop3A_80, %parallel_loop3A_81 : i32
        %parallel_loop3A_83 = arith.index_cast %parallel_loop3A_82 : i32 to index
        %parallel_loop3A_84 = tpu.vector_load %arg6[%parallel_loop3A_83] {strides = array<i32>} : memref<16384xf32, #tpu.memory_space<vmem>>, vector<16xf32>,
        tpu.vector_store %arg6[%parallel_loop3A_83], %parallel_loop3A_78 {strides = array<i32>} : memref<16384xf32, #tpu.memory_space<vmem>>, vector<16xf32>,
      } {sc.loop_unroll_factor = 8 : i64, sc.parallel_access}
      "tpu.region"() ({
        %run_scoped3A = tpu.sem_alloc : memref<!tpu.dma_semaphore, #tpu.memory_space<semaphore_mem>>
        %dma_start3A_70 = arith.constant 0 : i32
        %dma_start3A_71 = tpu.memref_slice %arg6[%dma_start3A_70] : memref<16384xf32, #tpu.memory_space<vmem>> -> memref<4096xf32, #tpu.memory_space<vmem>>
        %dma_start3A_72 = arith.constant 31993856 : i32
        %dma_start3A_73 = tpu.memref_slice %arg3[%dma_start3A_72] : memref<32000000xf32, #tpu.memory_space<hbm>> -> memref<4096xf32, #tpu.memory_space<hbm>>
        %dma_start3A_74 = arith.constant 31993856 : i32
        %dma_start3A_75 = tpu.memref_slice %arg3[%dma_start3A_74] : memref<32000000xf32, #tpu.memory_space<hbm>> -> memref<4096xf32, #tpu.memory_space<hbm>>
        %dma_start3A_76 = arith.constant 0 : i32
        %dma_start3A_77 = tpu.memref_slice %arg6[%dma_start3A_76] : memref<16384xf32, #tpu.memory_space<vmem>> -> memref<4096xf32, #tpu.memory_space<vmem>>
        tpu.enqueue_dma source(%dma_start3A_77 : memref<4096xf32, #tpu.memory_space<vmem>>) target(%dma_start3A_75 : memref<4096xf32, #tpu.memory_space<hbm>>) target_semaphore(%run_scoped3A : memref<!tpu.dma_semaphore, #tpu.memory_space<semaphore_mem>>)
        %dma_wait3A_78 = arith.constant 0 : i32
        %dma_wait3A_79 = tpu.memref_slice %arg6[%dma_wait3A_78] : memref<16384xf32, #tpu.memory_space<vmem>> -> memref<4096xf32, #tpu.memory_space<vmem>>
        %dma_wait3A_80 = arith.constant 31993856 : i32
        %dma_wait3A_81 = tpu.memref_slice %arg3[%dma_wait3A_80] : memref<32000000xf32, #tpu.memory_space<hbm>> -> memref<4096xf32, #tpu.memory_space<hbm>>
        %dma_wait3A_82 = arith.constant 31993856 : i32
        %dma_wait3A_83 = tpu.memref_slice %arg3[%dma_wait3A_82] : memref<32000000xf32, #tpu.memory_space<hbm>> -> memref<4096xf32, #tpu.memory_space<hbm>>
        %dma_wait3A_84 = arith.constant 0 : i32
        %dma_wait3A_85 = tpu.memref_slice %arg6[%dma_wait3A_84] : memref<16384xf32, #tpu.memory_space<vmem>> -> memref<4096xf32, #tpu.memory_space<vmem>>
        tpu.wait_dma2 semaphore(%run_scoped3A : memref<!tpu.dma_semaphore, #tpu.memory_space<semaphore_mem>>) src(%dma_wait3A_85 : memref<4096xf32, #tpu.memory_space<vmem>>) dst(%dma_wait3A_83 : memref<4096xf32, #tpu.memory_space<hbm>>)
        tpu.yield
      }) : () -> ()
    } else {
    }
    return
  }
}

#map = affine_map<(d0, d1) -> (0, 0)>
#map1 = affine_map<(d0, d1) -> (0, 0, 0)>
module attributes {stable_mosaic.version = 14 : i64} {
  func.func @_bc_body(%arg0: i32, %arg1: i32, %arg2: memref<250000x128xf32, #tpu.memory_space<hbm>>, %arg3: memref<200x4096xi32, #tpu.memory_space<hbm>>, %arg4: memref<200x32x4096xf32, #tpu.memory_space<hbm>>, %arg5: memref<256x128xf32, #tpu.memory_space<vmem>>, %arg6: memref<256x128xf32, #tpu.memory_space<vmem>>, %arg7: memref<32x256xf32, #tpu.memory_space<vmem>>, %arg8: memref<32x256xf32, #tpu.memory_space<vmem>>, %arg9: memref<8x256xi32, #tpu.memory_space<vmem>>, %arg10: memref<256xi32, #tpu.memory_space<vmem>>, %arg11: memref<256xi32, #tpu.memory_space<vmem>>, %arg12: memref<256xi32, #tpu.memory_space<vmem>>, %arg13: memref<256xi32, #tpu.memory_space<vmem>>, %arg14: memref<!tpu.dma_semaphore, #tpu.memory_space<semaphore_mem>>, %arg15: memref<!tpu.dma_semaphore, #tpu.memory_space<semaphore_mem>>, %arg16: memref<!tpu.dma_semaphore, #tpu.memory_space<semaphore_mem>>, %arg17: memref<!tpu.dma_semaphore, #tpu.memory_space<semaphore_mem>>) attributes {dimension_semantics = [#tpu.dimension_semantics<core_parallel>, #tpu.dimension_semantics<subcore_parallel>], iteration_bounds = array<i64: 2, 16>, scalar_prefetch = 0 : i64, scratch_operands = 13 : i64, tpu.core_type = #tpu.core_type<sc_vector_subcore>, window_params = [{transform_indices = #map}, {transform_indices = #map}, {transform_indices = #map1}]} {
    %mul3A = arith.constant 2 : i32
    %mul3A_0 = arith.muli %arg1, %mul3A : i32
    %add3A = arith.addi %mul3A_0, %arg0 : i32
    %iota3A = tpu.iota {dimensions = array<i32: 0>} : vector<16xi32>
    %add3A_1 = arith.constant 0 : i32
    %add3A_2 = arith.addi %add3A, %add3A_1 : i32
    %jit3A = arith.constant 16 : i32
    %div3A = arith.divsi %add3A_2, %jit3A : i32
    %sign3A = arith.constant 0 : i32
    %sign3A_3 = arith.cmpi sgt, %add3A_2, %sign3A : i32
    %sign3A_4 = arith.extui %sign3A_3 : i1 to i32
    %sign3A_5 = arith.constant 0 : i32
    %sign3A_6 = arith.cmpi slt, %add3A_2, %sign3A_5 : i32
    %sign3A_7 = arith.extui %sign3A_6 : i1 to i32
    %sign3A_8 = arith.subi %sign3A_4, %sign3A_7 : i32
    %sign3A_9 = arith.constant 0 : i32
    %sign3A_10 = arith.cmpi sgt, %jit3A, %sign3A_9 : i32
    %sign3A_11 = arith.extui %sign3A_10 : i1 to i32
    %sign3A_12 = arith.constant 0 : i32
    %sign3A_13 = arith.cmpi slt, %jit3A, %sign3A_12 : i32
    %sign3A_14 = arith.extui %sign3A_13 : i1 to i32
    %sign3A_15 = arith.subi %sign3A_11, %sign3A_14 : i32
    %ne3A = arith.cmpi ne, %sign3A_8, %sign3A_15 : i32
    %rem3A = arith.remsi %add3A_2, %jit3A : i32
    %ne3A_16 = arith.constant 0 : i32
    %ne3A_17 = arith.cmpi ne, %rem3A, %ne3A_16 : i32
    %and3A = arith.andi %ne3A, %ne3A_17 : i1
    %sub3A = arith.constant 1 : i32
    %sub3A_18 = arith.subi %div3A, %sub3A : i32
    %select_n3A = arith.select %and3A, %sub3A_18, %div3A : i32
    %jit3A_19 = arith.constant 16 : i32
    %eq3A = arith.constant 0 : i32
    %eq3A_20 = arith.cmpi eq, %jit3A_19, %eq3A : i32
    %jit3A_21 = arith.constant 1 : i32
    %select_n3A_22 = arith.select %eq3A_20, %jit3A_21, %jit3A_19 : i32
    %rem3A_23 = arith.remsi %add3A_2, %select_n3A_22 : i32
    %ne3A_24 = arith.constant 0 : i32
    %ne3A_25 = arith.cmpi ne, %rem3A_23, %ne3A_24 : i32
    %lt3A = arith.constant 0 : i32
    %lt3A_26 = arith.cmpi slt, %rem3A_23, %lt3A : i32
    %lt3A_27 = arith.constant 0 : i32
    %lt3A_28 = arith.cmpi slt, %select_n3A_22, %lt3A_27 : i32
    %ne3A_29 = arith.xori %lt3A_26, %lt3A_28 : i1
    %and3A_30 = arith.andi %ne3A_29, %ne3A_25 : i1
    %add3A_31 = arith.addi %rem3A_23, %select_n3A_22 : i32
    %select_n3A_32 = arith.select %and3A_30, %add3A_31, %rem3A_23 : i32
    %mul3A_33 = arith.constant 256 : i32
    %mul3A_34 = arith.muli %select_n3A_32, %mul3A_33 : i32
    %jit3A_35 = arith.constant 8 : i32
    %eq3A_36 = arith.constant 0 : i32
    %eq3A_37 = arith.cmpi eq, %jit3A_35, %eq3A_36 : i32
    %jit3A_38 = arith.constant 1 : i32
    %select_n3A_39 = arith.select %eq3A_37, %jit3A_38, %jit3A_35 : i32
    %rem3A_40 = arith.remsi %select_n3A, %select_n3A_39 : i32
    %ne3A_41 = arith.constant 0 : i32
    %ne3A_42 = arith.cmpi ne, %rem3A_40, %ne3A_41 : i32
    %lt3A_43 = arith.constant 0 : i32
    %lt3A_44 = arith.cmpi slt, %rem3A_40, %lt3A_43 : i32
    %lt3A_45 = arith.constant 0 : i32
    %lt3A_46 = arith.cmpi slt, %select_n3A_39, %lt3A_45 : i32
    %ne3A_47 = arith.xori %lt3A_44, %lt3A_46 : i1
    %and3A_48 = arith.andi %ne3A_47, %ne3A_42 : i1
    %add3A_49 = arith.addi %rem3A_40, %select_n3A_39 : i32
    %select_n3A_50 = arith.select %and3A_48, %add3A_49, %rem3A_40 : i32
    %jit3A_51 = arith.constant 8 : i32
    %div3A_52 = arith.divsi %select_n3A, %jit3A_51 : i32
    %sign3A_53 = arith.constant 0 : i32
    %sign3A_54 = arith.cmpi sgt, %select_n3A, %sign3A_53 : i32
    %sign3A_55 = arith.extui %sign3A_54 : i1 to i32
    %sign3A_56 = arith.constant 0 : i32
    %sign3A_57 = arith.cmpi slt, %select_n3A, %sign3A_56 : i32
    %sign3A_58 = arith.extui %sign3A_57 : i1 to i32
    %sign3A_59 = arith.subi %sign3A_55, %sign3A_58 : i32
    %sign3A_60 = arith.constant 0 : i32
    %sign3A_61 = arith.cmpi sgt, %jit3A_51, %sign3A_60 : i32
    %sign3A_62 = arith.extui %sign3A_61 : i1 to i32
    %sign3A_63 = arith.constant 0 : i32
    %sign3A_64 = arith.cmpi slt, %jit3A_51, %sign3A_63 : i32
    %sign3A_65 = arith.extui %sign3A_64 : i1 to i32
    %sign3A_66 = arith.subi %sign3A_62, %sign3A_65 : i32
    %ne3A_67 = arith.cmpi ne, %sign3A_59, %sign3A_66 : i32
    %rem3A_68 = arith.remsi %select_n3A, %jit3A_51 : i32
    %ne3A_69 = arith.constant 0 : i32
    %ne3A_70 = arith.cmpi ne, %rem3A_68, %ne3A_69 : i32
    %and3A_71 = arith.andi %ne3A_67, %ne3A_70 : i1
    %sub3A_72 = arith.constant 1 : i32
    %sub3A_73 = arith.subi %div3A_52, %sub3A_72 : i32
    %select_n3A_74 = arith.select %and3A_71, %sub3A_73, %div3A_52 : i32
    %mul3A_75 = arith.constant 8 : i32
    %mul3A_76 = arith.muli %select_n3A_74, %mul3A_75 : i32
    "tpu.region"() ({
      %run_scoped3A = tpu.sem_alloc : memref<!tpu.dma_semaphore, #tpu.memory_space<semaphore_mem>>
      %dma_start3A_103 = tpu.memref_slice %arg3[%mul3A_76, %mul3A_34] : memref<200x4096xi32, #tpu.memory_space<hbm>> -> memref<8x256xi32, #tpu.memory_space<hbm>>
      %dma_start3A_104 = tpu.memref_slice %arg3[%mul3A_76, %mul3A_34] : memref<200x4096xi32, #tpu.memory_space<hbm>> -> memref<8x256xi32, #tpu.memory_space<hbm>>
      tpu.enqueue_dma source(%dma_start3A_104 : memref<8x256xi32, #tpu.memory_space<hbm>>) target(%arg9 : memref<8x256xi32, #tpu.memory_space<vmem>>) target_semaphore(%run_scoped3A : memref<!tpu.dma_semaphore, #tpu.memory_space<semaphore_mem>>)
      %dma_wait3A_105 = tpu.memref_slice %arg3[%mul3A_76, %mul3A_34] : memref<200x4096xi32, #tpu.memory_space<hbm>> -> memref<8x256xi32, #tpu.memory_space<hbm>>
      %dma_wait3A_106 = tpu.memref_slice %arg3[%mul3A_76, %mul3A_34] : memref<200x4096xi32, #tpu.memory_space<hbm>> -> memref<8x256xi32, #tpu.memory_space<hbm>>
      tpu.wait_dma2 semaphore(%run_scoped3A : memref<!tpu.dma_semaphore, #tpu.memory_space<semaphore_mem>>) src(%dma_wait3A_106 : memref<8x256xi32, #tpu.memory_space<hbm>>) dst(%arg9 : memref<8x256xi32, #tpu.memory_space<vmem>>)
      tpu.yield
    }) : () -> ()
    %parallel_loop3A = arith.constant 0 : i32
    %parallel_loop3A_77 = arith.constant 16 : i32
    %parallel_loop3A_78 = arith.constant 1 : i32
    scf.for %parallel_loop3A_103 = %parallel_loop3A to %parallel_loop3A_77 step %parallel_loop3A_78  : i32 {
      %parallel_loop3A_104 = arith.constant 16 : i32
      %parallel_loop3A_105 = arith.muli %parallel_loop3A_103, %parallel_loop3A_104 : i32
      %parallel_loop3A_106 = arith.index_cast %select_n3A_50 : i32 to index
      %parallel_loop3A_107 = arith.index_cast %parallel_loop3A_105 : i32 to index
      %parallel_loop3A_108 = tpu.vector_load %arg9[%parallel_loop3A_106, %parallel_loop3A_107] {strides = array<i32>} : memref<8x256xi32, #tpu.memory_space<vmem>>, vector<16xi32>,
      %parallel_loop3A_109 = arith.constant 2 : i32
      %parallel_loop3A_110 = vector.broadcast %parallel_loop3A_109 : i32 to vector<16xi32>
      %parallel_loop3A_111 = arith.shrsi %parallel_loop3A_108, %parallel_loop3A_110 : vector<16xi32>
      %parallel_loop3A_112 = arith.constant 16 : i32
      %parallel_loop3A_113 = arith.muli %parallel_loop3A_103, %parallel_loop3A_112 : i32
      %parallel_loop3A_114 = arith.index_cast %parallel_loop3A_113 : i32 to index
      %parallel_loop3A_115 = tpu.vector_load %arg10[%parallel_loop3A_114] {strides = array<i32>} : memref<256xi32, #tpu.memory_space<vmem>>, vector<16xi32>,
      tpu.vector_store %arg10[%parallel_loop3A_114], %parallel_loop3A_111 {strides = array<i32>} : memref<256xi32, #tpu.memory_space<vmem>>, vector<16xi32>,
      %parallel_loop3A_116 = arith.constant 3 : i32
      %parallel_loop3A_117 = vector.broadcast %parallel_loop3A_116 : i32 to vector<16xi32>
      %parallel_loop3A_118 = arith.andi %parallel_loop3A_108, %parallel_loop3A_117 : vector<16xi32>
      %parallel_loop3A_119 = arith.constant 32 : i32
      %parallel_loop3A_120 = vector.broadcast %parallel_loop3A_119 : i32 to vector<16xi32>
      %parallel_loop3A_121 = arith.muli %parallel_loop3A_118, %parallel_loop3A_120 : vector<16xi32>
      %parallel_loop3A_122 = arith.constant 16 : i32
      %parallel_loop3A_123 = arith.muli %parallel_loop3A_103, %parallel_loop3A_122 : i32
      %parallel_loop3A_124 = arith.index_cast %parallel_loop3A_123 : i32 to index
      %parallel_loop3A_125 = tpu.vector_load %arg12[%parallel_loop3A_124] {strides = array<i32>} : memref<256xi32, #tpu.memory_space<vmem>>, vector<16xi32>,
      tpu.vector_store %arg12[%parallel_loop3A_124], %parallel_loop3A_121 {strides = array<i32>} : memref<256xi32, #tpu.memory_space<vmem>>, vector<16xi32>,
    } {sc.loop_unroll_factor = 2 : i64, sc.parallel_access}
    %dma_start3A = arith.constant 0 : i32
    %dma_start3A_79 = arith.constant 0 : i32
    %dma_start3A_80 = tpu.memref_slice %arg2[%dma_start3A, %dma_start3A_79] : memref<250000x128xf32, #tpu.memory_space<hbm>> -> memref<250000x128xf32, #tpu.memory_space<hbm>>
    tpu.enqueue_indirect_dma source(%dma_start3A_80 : memref<250000x128xf32, #tpu.memory_space<hbm>>) target(%arg5 : memref<256x128xf32, #tpu.memory_space<vmem>>) offsets(%arg10 : memref<256xi32, #tpu.memory_space<vmem>>) semaphore(%arg14 : memref<!tpu.dma_semaphore, #tpu.memory_space<semaphore_mem>>)
    %scan3A = arith.constant 0 : i32
    %scan3A_81 = arith.constant 0 : i32
    %scan3A_82 = arith.constant 50 : i32
    %scan3A_83 = arith.addi %scan3A_81, %scan3A_82 : i32
    %scan3A_84 = arith.constant 1 : i32
    scf.for %scan3A_103 = %scan3A_81 to %scan3A_83 step %scan3A_84  : i32 {
      %mul3A_104 = arith.constant 2 : i32
      %mul3A_105 = arith.muli %mul3A_104, %scan3A_103 : i32
      %add3A_106 = arith.constant 0 : i32
      %add3A_107 = arith.addi %mul3A_105, %add3A_106 : i32
      %add3A_108 = arith.constant 1 : i32
      %add3A_109 = arith.addi %add3A_107, %add3A_108 : i32
      %lt3A_110 = arith.constant 100 : i32
      %lt3A_111 = arith.cmpi slt, %add3A_109, %lt3A_110 : i32
      %convert_element_type3A = arith.extui %lt3A_111 : i1 to i32
      %cond3A = arith.constant 0 : i32
      %cond3A_112 = arith.cmpi ne, %convert_element_type3A, %cond3A : i32
      scf.if %cond3A_112 {
        %add3A_247 = arith.constant 1 : i32
        %add3A_248 = arith.addi %add3A_107, %add3A_247 : i32
        %mul3A_249 = arith.constant 32 : i32
        %mul3A_250 = arith.muli %mul3A_249, %add3A_248 : i32
        %add3A_251 = arith.addi %add3A, %mul3A_250 : i32
        %jit3A_252 = arith.constant 16 : i32
        %div3A_253 = arith.divsi %add3A_251, %jit3A_252 : i32
        %sign3A_254 = arith.constant 0 : i32
        %sign3A_255 = arith.cmpi sgt, %add3A_251, %sign3A_254 : i32
        %sign3A_256 = arith.extui %sign3A_255 : i1 to i32
        %sign3A_257 = arith.constant 0 : i32
        %sign3A_258 = arith.cmpi slt, %add3A_251, %sign3A_257 : i32
        %sign3A_259 = arith.extui %sign3A_258 : i1 to i32
        %sign3A_260 = arith.subi %sign3A_256, %sign3A_259 : i32
        %sign3A_261 = arith.constant 0 : i32
        %sign3A_262 = arith.cmpi sgt, %jit3A_252, %sign3A_261 : i32
        %sign3A_263 = arith.extui %sign3A_262 : i1 to i32
        %sign3A_264 = arith.constant 0 : i32
        %sign3A_265 = arith.cmpi slt, %jit3A_252, %sign3A_264 : i32
        %sign3A_266 = arith.extui %sign3A_265 : i1 to i32
        %sign3A_267 = arith.subi %sign3A_263, %sign3A_266 : i32
        %ne3A_268 = arith.cmpi ne, %sign3A_260, %sign3A_267 : i32
        %rem3A_269 = arith.remsi %add3A_251, %jit3A_252 : i32
        %ne3A_270 = arith.constant 0 : i32
        %ne3A_271 = arith.cmpi ne, %rem3A_269, %ne3A_270 : i32
        %and3A_272 = arith.andi %ne3A_268, %ne3A_271 : i1
        %sub3A_273 = arith.constant 1 : i32
        %sub3A_274 = arith.subi %div3A_253, %sub3A_273 : i32
        %select_n3A_275 = arith.select %and3A_272, %sub3A_274, %div3A_253 : i32
        %jit3A_276 = arith.constant 16 : i32
        %eq3A_277 = arith.constant 0 : i32
        %eq3A_278 = arith.cmpi eq, %jit3A_276, %eq3A_277 : i32
        %jit3A_279 = arith.constant 1 : i32
        %select_n3A_280 = arith.select %eq3A_278, %jit3A_279, %jit3A_276 : i32
        %rem3A_281 = arith.remsi %add3A_251, %select_n3A_280 : i32
        %ne3A_282 = arith.constant 0 : i32
        %ne3A_283 = arith.cmpi ne, %rem3A_281, %ne3A_282 : i32
        %lt3A_284 = arith.constant 0 : i32
        %lt3A_285 = arith.cmpi slt, %rem3A_281, %lt3A_284 : i32
        %lt3A_286 = arith.constant 0 : i32
        %lt3A_287 = arith.cmpi slt, %select_n3A_280, %lt3A_286 : i32
        %ne3A_288 = arith.xori %lt3A_285, %lt3A_287 : i1
        %and3A_289 = arith.andi %ne3A_288, %ne3A_283 : i1
        %add3A_290 = arith.addi %rem3A_281, %select_n3A_280 : i32
        %select_n3A_291 = arith.select %and3A_289, %add3A_290, %rem3A_281 : i32
        %mul3A_292 = arith.constant 256 : i32
        %mul3A_293 = arith.muli %select_n3A_291, %mul3A_292 : i32
        %jit3A_294 = arith.constant 8 : i32
        %eq3A_295 = arith.constant 0 : i32
        %eq3A_296 = arith.cmpi eq, %jit3A_294, %eq3A_295 : i32
        %jit3A_297 = arith.constant 1 : i32
        %select_n3A_298 = arith.select %eq3A_296, %jit3A_297, %jit3A_294 : i32
        %rem3A_299 = arith.remsi %select_n3A_275, %select_n3A_298 : i32
        %ne3A_300 = arith.constant 0 : i32
        %ne3A_301 = arith.cmpi ne, %rem3A_299, %ne3A_300 : i32
        %lt3A_302 = arith.constant 0 : i32
        %lt3A_303 = arith.cmpi slt, %rem3A_299, %lt3A_302 : i32
        %lt3A_304 = arith.constant 0 : i32
        %lt3A_305 = arith.cmpi slt, %select_n3A_298, %lt3A_304 : i32
        %ne3A_306 = arith.xori %lt3A_303, %lt3A_305 : i1
        %and3A_307 = arith.andi %ne3A_306, %ne3A_301 : i1
        %add3A_308 = arith.addi %rem3A_299, %select_n3A_298 : i32
        %select_n3A_309 = arith.select %and3A_307, %add3A_308, %rem3A_299 : i32
        %jit3A_310 = arith.constant 8 : i32
        %div3A_311 = arith.divsi %select_n3A_275, %jit3A_310 : i32
        %sign3A_312 = arith.constant 0 : i32
        %sign3A_313 = arith.cmpi sgt, %select_n3A_275, %sign3A_312 : i32
        %sign3A_314 = arith.extui %sign3A_313 : i1 to i32
        %sign3A_315 = arith.constant 0 : i32
        %sign3A_316 = arith.cmpi slt, %select_n3A_275, %sign3A_315 : i32
        %sign3A_317 = arith.extui %sign3A_316 : i1 to i32
        %sign3A_318 = arith.subi %sign3A_314, %sign3A_317 : i32
        %sign3A_319 = arith.constant 0 : i32
        %sign3A_320 = arith.cmpi sgt, %jit3A_310, %sign3A_319 : i32
        %sign3A_321 = arith.extui %sign3A_320 : i1 to i32
        %sign3A_322 = arith.constant 0 : i32
        %sign3A_323 = arith.cmpi slt, %jit3A_310, %sign3A_322 : i32
        %sign3A_324 = arith.extui %sign3A_323 : i1 to i32
        %sign3A_325 = arith.subi %sign3A_321, %sign3A_324 : i32
        %ne3A_326 = arith.cmpi ne, %sign3A_318, %sign3A_325 : i32
        %rem3A_327 = arith.remsi %select_n3A_275, %jit3A_310 : i32
        %ne3A_328 = arith.constant 0 : i32
        %ne3A_329 = arith.cmpi ne, %rem3A_327, %ne3A_328 : i32
        %and3A_330 = arith.andi %ne3A_326, %ne3A_329 : i1
        %sub3A_331 = arith.constant 1 : i32
        %sub3A_332 = arith.subi %div3A_311, %sub3A_331 : i32
        %select_n3A_333 = arith.select %and3A_330, %sub3A_332, %div3A_311 : i32
        %mul3A_334 = arith.constant 8 : i32
        %mul3A_335 = arith.muli %select_n3A_333, %mul3A_334 : i32
        "tpu.region"() ({
          %run_scoped3A = tpu.sem_alloc : memref<!tpu.dma_semaphore, #tpu.memory_space<semaphore_mem>>
          %dma_start3A_342 = tpu.memref_slice %arg3[%mul3A_335, %mul3A_293] : memref<200x4096xi32, #tpu.memory_space<hbm>> -> memref<8x256xi32, #tpu.memory_space<hbm>>
          %dma_start3A_343 = tpu.memref_slice %arg3[%mul3A_335, %mul3A_293] : memref<200x4096xi32, #tpu.memory_space<hbm>> -> memref<8x256xi32, #tpu.memory_space<hbm>>
          tpu.enqueue_dma source(%dma_start3A_343 : memref<8x256xi32, #tpu.memory_space<hbm>>) target(%arg9 : memref<8x256xi32, #tpu.memory_space<vmem>>) target_semaphore(%run_scoped3A : memref<!tpu.dma_semaphore, #tpu.memory_space<semaphore_mem>>)
          %dma_wait3A_344 = tpu.memref_slice %arg3[%mul3A_335, %mul3A_293] : memref<200x4096xi32, #tpu.memory_space<hbm>> -> memref<8x256xi32, #tpu.memory_space<hbm>>
          %dma_wait3A_345 = tpu.memref_slice %arg3[%mul3A_335, %mul3A_293] : memref<200x4096xi32, #tpu.memory_space<hbm>> -> memref<8x256xi32, #tpu.memory_space<hbm>>
          tpu.wait_dma2 semaphore(%run_scoped3A : memref<!tpu.dma_semaphore, #tpu.memory_space<semaphore_mem>>) src(%dma_wait3A_345 : memref<8x256xi32, #tpu.memory_space<hbm>>) dst(%arg9 : memref<8x256xi32, #tpu.memory_space<vmem>>)
          tpu.yield
        }) : () -> ()
        %parallel_loop3A_336 = arith.constant 0 : i32
        %parallel_loop3A_337 = arith.constant 16 : i32
        %parallel_loop3A_338 = arith.constant 1 : i32
        scf.for %parallel_loop3A_342 = %parallel_loop3A_336 to %parallel_loop3A_337 step %parallel_loop3A_338  : i32 {
          %parallel_loop3A_343 = arith.constant 16 : i32
          %parallel_loop3A_344 = arith.muli %parallel_loop3A_342, %parallel_loop3A_343 : i32
          %parallel_loop3A_345 = arith.index_cast %select_n3A_309 : i32 to index
          %parallel_loop3A_346 = arith.index_cast %parallel_loop3A_344 : i32 to index
          %parallel_loop3A_347 = tpu.vector_load %arg9[%parallel_loop3A_345, %parallel_loop3A_346] {strides = array<i32>} : memref<8x256xi32, #tpu.memory_space<vmem>>, vector<16xi32>,
          %parallel_loop3A_348 = arith.constant 2 : i32
          %parallel_loop3A_349 = vector.broadcast %parallel_loop3A_348 : i32 to vector<16xi32>
          %parallel_loop3A_350 = arith.shrsi %parallel_loop3A_347, %parallel_loop3A_349 : vector<16xi32>
          %parallel_loop3A_351 = arith.constant 16 : i32
          %parallel_loop3A_352 = arith.muli %parallel_loop3A_342, %parallel_loop3A_351 : i32
          %parallel_loop3A_353 = arith.index_cast %parallel_loop3A_352 : i32 to index
          %parallel_loop3A_354 = tpu.vector_load %arg11[%parallel_loop3A_353] {strides = array<i32>} : memref<256xi32, #tpu.memory_space<vmem>>, vector<16xi32>,
          tpu.vector_store %arg11[%parallel_loop3A_353], %parallel_loop3A_350 {strides = array<i32>} : memref<256xi32, #tpu.memory_space<vmem>>, vector<16xi32>,
          %parallel_loop3A_355 = arith.constant 3 : i32
          %parallel_loop3A_356 = vector.broadcast %parallel_loop3A_355 : i32 to vector<16xi32>
          %parallel_loop3A_357 = arith.andi %parallel_loop3A_347, %parallel_loop3A_356 : vector<16xi32>
          %parallel_loop3A_358 = arith.constant 32 : i32
          %parallel_loop3A_359 = vector.broadcast %parallel_loop3A_358 : i32 to vector<16xi32>
          %parallel_loop3A_360 = arith.muli %parallel_loop3A_357, %parallel_loop3A_359 : vector<16xi32>
          %parallel_loop3A_361 = arith.constant 16 : i32
          %parallel_loop3A_362 = arith.muli %parallel_loop3A_342, %parallel_loop3A_361 : i32
          %parallel_loop3A_363 = arith.index_cast %parallel_loop3A_362 : i32 to index
          %parallel_loop3A_364 = tpu.vector_load %arg13[%parallel_loop3A_363] {strides = array<i32>} : memref<256xi32, #tpu.memory_space<vmem>>, vector<16xi32>,
          tpu.vector_store %arg13[%parallel_loop3A_363], %parallel_loop3A_360 {strides = array<i32>} : memref<256xi32, #tpu.memory_space<vmem>>, vector<16xi32>,
        } {sc.loop_unroll_factor = 2 : i64, sc.parallel_access}
        %dma_start3A_339 = arith.constant 0 : i32
        %dma_start3A_340 = arith.constant 0 : i32
        %dma_start3A_341 = tpu.memref_slice %arg2[%dma_start3A_339, %dma_start3A_340] : memref<250000x128xf32, #tpu.memory_space<hbm>> -> memref<250000x128xf32, #tpu.memory_space<hbm>>
        tpu.enqueue_indirect_dma source(%dma_start3A_341 : memref<250000x128xf32, #tpu.memory_space<hbm>>) target(%arg6 : memref<256x128xf32, #tpu.memory_space<vmem>>) offsets(%arg11 : memref<256xi32, #tpu.memory_space<vmem>>) semaphore(%arg15 : memref<!tpu.dma_semaphore, #tpu.memory_space<semaphore_mem>>)
      } else {
      }
      %dma_wait3A_113 = arith.constant 0 : i32
      %dma_wait3A_114 = arith.constant 0 : i32
      %dma_wait3A_115 = tpu.memref_slice %arg2[%dma_wait3A_113, %dma_wait3A_114] : memref<250000x128xf32, #tpu.memory_space<hbm>> -> memref<250000x128xf32, #tpu.memory_space<hbm>>
      tpu.wait_indirect_dma semaphore(%arg14 : memref<!tpu.dma_semaphore, #tpu.memory_space<semaphore_mem>>) src(%dma_wait3A_115 : memref<250000x128xf32, #tpu.memory_space<hbm>>) dst(%arg5 : memref<256x128xf32, #tpu.memory_space<vmem>>)
      %ge3A = arith.constant 2 : i32
      %ge3A_116 = arith.cmpi sge, %add3A_107, %ge3A : i32
      %convert_element_type3A_117 = arith.extui %ge3A_116 : i1 to i32
      %cond3A_118 = arith.constant 0 : i32
      %cond3A_119 = arith.cmpi ne, %convert_element_type3A_117, %cond3A_118 : i32
      scf.if %cond3A_119 {
        %dma_wait3A_247 = arith.constant 0 : i32
        %dma_wait3A_248 = arith.constant 0 : i32
        %dma_wait3A_249 = arith.constant 0 : i32
        %dma_wait3A_250 = tpu.memref_slice %arg4[%dma_wait3A_247, %dma_wait3A_248, %dma_wait3A_249] : memref<200x32x4096xf32, #tpu.memory_space<hbm>> -> memref<1x32x256xf32, #tpu.memory_space<hbm>>
        %dma_wait3A_251 = tpu.memref_squeeze %dma_wait3A_250 : memref<1x32x256xf32, #tpu.memory_space<hbm>> -> memref<32x256xf32, #tpu.memory_space<hbm>>
        %dma_wait3A_252 = arith.constant 0 : i32
        %dma_wait3A_253 = arith.constant 0 : i32
        %dma_wait3A_254 = tpu.memref_slice %arg4[%dma_wait3A_247, %dma_wait3A_252, %dma_wait3A_253] : memref<200x32x4096xf32, #tpu.memory_space<hbm>> -> memref<1x32x256xf32, #tpu.memory_space<hbm>>
        %dma_wait3A_255 = tpu.memref_squeeze %dma_wait3A_254 : memref<1x32x256xf32, #tpu.memory_space<hbm>> -> memref<32x256xf32, #tpu.memory_space<hbm>>
        tpu.wait_dma2 semaphore(%arg16 : memref<!tpu.dma_semaphore, #tpu.memory_space<semaphore_mem>>) src(%arg7 : memref<32x256xf32, #tpu.memory_space<vmem>>) dst(%dma_wait3A_255 : memref<32x256xf32, #tpu.memory_space<hbm>>)
      } else {
      }
      %parallel_loop3A_120 = arith.constant 0 : i32
      %parallel_loop3A_121 = arith.constant 16 : i32
      %parallel_loop3A_122 = arith.constant 1 : i32
      scf.for %parallel_loop3A_247 = %parallel_loop3A_120 to %parallel_loop3A_121 step %parallel_loop3A_122  : i32 {
        %parallel_loop3A_248 = arith.constant 16 : i32
        %parallel_loop3A_249 = arith.muli %parallel_loop3A_247, %parallel_loop3A_248 : i32
        %parallel_loop3A_250 = vector.broadcast %parallel_loop3A_249 : i32 to vector<16xi32>
        %parallel_loop3A_251 = arith.addi %iota3A, %parallel_loop3A_250 : vector<16xi32>
        %parallel_loop3A_252 = arith.constant 16 : i32
        %parallel_loop3A_253 = arith.muli %parallel_loop3A_247, %parallel_loop3A_252 : i32
        %parallel_loop3A_254 = arith.index_cast %parallel_loop3A_253 : i32 to index
        %parallel_loop3A_255 = tpu.vector_load %arg12[%parallel_loop3A_254] {strides = array<i32>} : memref<256xi32, #tpu.memory_space<vmem>>, vector<16xi32>,
        %parallel_loop3A_256 = arith.constant 0 : i32
        %parallel_loop3A_257 = vector.broadcast %parallel_loop3A_256 : i32 to vector<16xi32>
        %parallel_loop3A_258 = arith.addi %parallel_loop3A_255, %parallel_loop3A_257 : vector<16xi32>
        %parallel_loop3A_259 = tpu.vector_load_idx %arg5[%parallel_loop3A_251, %parallel_loop3A_258] : memref<256x128xf32, #tpu.memory_space<vmem>>[vector<16xi32>, vector<16xi32>], vector<16xf32>,
        %parallel_loop3A_260 = arith.constant 16 : i32
        %parallel_loop3A_261 = arith.muli %parallel_loop3A_247, %parallel_loop3A_260 : i32
        %parallel_loop3A_262 = arith.constant 0 : i32
        %parallel_loop3A_263 = arith.index_cast %parallel_loop3A_262 : i32 to index
        %parallel_loop3A_264 = arith.index_cast %parallel_loop3A_261 : i32 to index
        %parallel_loop3A_265 = tpu.vector_load %arg7[%parallel_loop3A_263, %parallel_loop3A_264] {strides = array<i32>} : memref<32x256xf32, #tpu.memory_space<vmem>>, vector<16xf32>,
        tpu.vector_store %arg7[%parallel_loop3A_263, %parallel_loop3A_264], %parallel_loop3A_259 {strides = array<i32>} : memref<32x256xf32, #tpu.memory_space<vmem>>, vector<16xf32>,
        %parallel_loop3A_266 = arith.constant 1 : i32
        %parallel_loop3A_267 = vector.broadcast %parallel_loop3A_266 : i32 to vector<16xi32>
        %parallel_loop3A_268 = arith.addi %parallel_loop3A_255, %parallel_loop3A_267 : vector<16xi32>
        %parallel_loop3A_269 = tpu.vector_load_idx %arg5[%parallel_loop3A_251, %parallel_loop3A_268] : memref<256x128xf32, #tpu.memory_space<vmem>>[vector<16xi32>, vector<16xi32>], vector<16xf32>,
        %parallel_loop3A_270 = arith.constant 16 : i32
        %parallel_loop3A_271 = arith.muli %parallel_loop3A_247, %parallel_loop3A_270 : i32
        %parallel_loop3A_272 = arith.constant 1 : i32
        %parallel_loop3A_273 = arith.index_cast %parallel_loop3A_272 : i32 to index
        %parallel_loop3A_274 = arith.index_cast %parallel_loop3A_271 : i32 to index
        %parallel_loop3A_275 = tpu.vector_load %arg7[%parallel_loop3A_273, %parallel_loop3A_274] {strides = array<i32>} : memref<32x256xf32, #tpu.memory_space<vmem>>, vector<16xf32>,
        tpu.vector_store %arg7[%parallel_loop3A_273, %parallel_loop3A_274], %parallel_loop3A_269 {strides = array<i32>} : memref<32x256xf32, #tpu.memory_space<vmem>>, vector<16xf32>,
        %parallel_loop3A_276 = arith.constant 2 : i32
        %parallel_loop3A_277 = vector.broadcast %parallel_loop3A_276 : i32 to vector<16xi32>
        %parallel_loop3A_278 = arith.addi %parallel_loop3A_255, %parallel_loop3A_277 : vector<16xi32>
        %parallel_loop3A_279 = tpu.vector_load_idx %arg5[%parallel_loop3A_251, %parallel_loop3A_278] : memref<256x128xf32, #tpu.memory_space<vmem>>[vector<16xi32>, vector<16xi32>], vector<16xf32>,
        %parallel_loop3A_280 = arith.constant 16 : i32
        %parallel_loop3A_281 = arith.muli %parallel_loop3A_247, %parallel_loop3A_280 : i32
        %parallel_loop3A_282 = arith.constant 2 : i32
        %parallel_loop3A_283 = arith.index_cast %parallel_loop3A_282 : i32 to index
        %parallel_loop3A_284 = arith.index_cast %parallel_loop3A_281 : i32 to index
        %parallel_loop3A_285 = tpu.vector_load %arg7[%parallel_loop3A_283, %parallel_loop3A_284] {strides = array<i32>} : memref<32x256xf32, #tpu.memory_space<vmem>>, vector<16xf32>,
        tpu.vector_store %arg7[%parallel_loop3A_283, %parallel_loop3A_284], %parallel_loop3A_279 {strides = array<i32>} : memref<32x256xf32, #tpu.memory_space<vmem>>, vector<16xf32>,
        %parallel_loop3A_286 = arith.constant 3 : i32
        %parallel_loop3A_287 = vector.broadcast %parallel_loop3A_286 : i32 to vector<16xi32>
        %parallel_loop3A_288 = arith.addi %parallel_loop3A_255, %parallel_loop3A_287 : vector<16xi32>
        %parallel_loop3A_289 = tpu.vector_load_idx %arg5[%parallel_loop3A_251, %parallel_loop3A_288] : memref<256x128xf32, #tpu.memory_space<vmem>>[vector<16xi32>, vector<16xi32>], vector<16xf32>,
        %parallel_loop3A_290 = arith.constant 16 : i32
        %parallel_loop3A_291 = arith.muli %parallel_loop3A_247, %parallel_loop3A_290 : i32
        %parallel_loop3A_292 = arith.constant 3 : i32
        %parallel_loop3A_293 = arith.index_cast %parallel_loop3A_292 : i32 to index
        %parallel_loop3A_294 = arith.index_cast %parallel_loop3A_291 : i32 to index
        %parallel_loop3A_295 = tpu.vector_load %arg7[%parallel_loop3A_293, %parallel_loop3A_294] {strides = array<i32>} : memref<32x256xf32, #tpu.memory_space<vmem>>, vector<16xf32>,
        tpu.vector_store %arg7[%parallel_loop3A_293, %parallel_loop3A_294], %parallel_loop3A_289 {strides = array<i32>} : memref<32x256xf32, #tpu.memory_space<vmem>>, vector<16xf32>,
        %parallel_loop3A_296 = arith.constant 4 : i32
        %parallel_loop3A_297 = vector.broadcast %parallel_loop3A_296 : i32 to vector<16xi32>
        %parallel_loop3A_298 = arith.addi %parallel_loop3A_255, %parallel_loop3A_297 : vector<16xi32>
        %parallel_loop3A_299 = tpu.vector_load_idx %arg5[%parallel_loop3A_251, %parallel_loop3A_298] : memref<256x128xf32, #tpu.memory_space<vmem>>[vector<16xi32>, vector<16xi32>], vector<16xf32>,
        %parallel_loop3A_300 = arith.constant 16 : i32
        %parallel_loop3A_301 = arith.muli %parallel_loop3A_247, %parallel_loop3A_300 : i32
        %parallel_loop3A_302 = arith.constant 4 : i32
        %parallel_loop3A_303 = arith.index_cast %parallel_loop3A_302 : i32 to index
        %parallel_loop3A_304 = arith.index_cast %parallel_loop3A_301 : i32 to index
        %parallel_loop3A_305 = tpu.vector_load %arg7[%parallel_loop3A_303, %parallel_loop3A_304] {strides = array<i32>} : memref<32x256xf32, #tpu.memory_space<vmem>>, vector<16xf32>,
        tpu.vector_store %arg7[%parallel_loop3A_303, %parallel_loop3A_304], %parallel_loop3A_299 {strides = array<i32>} : memref<32x256xf32, #tpu.memory_space<vmem>>, vector<16xf32>,
        %parallel_loop3A_306 = arith.constant 5 : i32
        %parallel_loop3A_307 = vector.broadcast %parallel_loop3A_306 : i32 to vector<16xi32>
        %parallel_loop3A_308 = arith.addi %parallel_loop3A_255, %parallel_loop3A_307 : vector<16xi32>
        %parallel_loop3A_309 = tpu.vector_load_idx %arg5[%parallel_loop3A_251, %parallel_loop3A_308] : memref<256x128xf32, #tpu.memory_space<vmem>>[vector<16xi32>, vector<16xi32>], vector<16xf32>,
        %parallel_loop3A_310 = arith.constant 16 : i32
        %parallel_loop3A_311 = arith.muli %parallel_loop3A_247, %parallel_loop3A_310 : i32
        %parallel_loop3A_312 = arith.constant 5 : i32
        %parallel_loop3A_313 = arith.index_cast %parallel_loop3A_312 : i32 to index
        %parallel_loop3A_314 = arith.index_cast %parallel_loop3A_311 : i32 to index
        %parallel_loop3A_315 = tpu.vector_load %arg7[%parallel_loop3A_313, %parallel_loop3A_314] {strides = array<i32>} : memref<32x256xf32, #tpu.memory_space<vmem>>, vector<16xf32>,
        tpu.vector_store %arg7[%parallel_loop3A_313, %parallel_loop3A_314], %parallel_loop3A_309 {strides = array<i32>} : memref<32x256xf32, #tpu.memory_space<vmem>>, vector<16xf32>,
        %parallel_loop3A_316 = arith.constant 6 : i32
        %parallel_loop3A_317 = vector.broadcast %parallel_loop3A_316 : i32 to vector<16xi32>
        %parallel_loop3A_318 = arith.addi %parallel_loop3A_255, %parallel_loop3A_317 : vector<16xi32>
        %parallel_loop3A_319 = tpu.vector_load_idx %arg5[%parallel_loop3A_251, %parallel_loop3A_318] : memref<256x128xf32, #tpu.memory_space<vmem>>[vector<16xi32>, vector<16xi32>], vector<16xf32>,
        %parallel_loop3A_320 = arith.constant 16 : i32
        %parallel_loop3A_321 = arith.muli %parallel_loop3A_247, %parallel_loop3A_320 : i32
        %parallel_loop3A_322 = arith.constant 6 : i32
        %parallel_loop3A_323 = arith.index_cast %parallel_loop3A_322 : i32 to index
        %parallel_loop3A_324 = arith.index_cast %parallel_loop3A_321 : i32 to index
        %parallel_loop3A_325 = tpu.vector_load %arg7[%parallel_loop3A_323, %parallel_loop3A_324] {strides = array<i32>} : memref<32x256xf32, #tpu.memory_space<vmem>>, vector<16xf32>,
        tpu.vector_store %arg7[%parallel_loop3A_323, %parallel_loop3A_324], %parallel_loop3A_319 {strides = array<i32>} : memref<32x256xf32, #tpu.memory_space<vmem>>, vector<16xf32>,
        %parallel_loop3A_326 = arith.constant 7 : i32
        %parallel_loop3A_327 = vector.broadcast %parallel_loop3A_326 : i32 to vector<16xi32>
        %parallel_loop3A_328 = arith.addi %parallel_loop3A_255, %parallel_loop3A_327 : vector<16xi32>
        %parallel_loop3A_329 = tpu.vector_load_idx %arg5[%parallel_loop3A_251, %parallel_loop3A_328] : memref<256x128xf32, #tpu.memory_space<vmem>>[vector<16xi32>, vector<16xi32>], vector<16xf32>,
        %parallel_loop3A_330 = arith.constant 16 : i32
        %parallel_loop3A_331 = arith.muli %parallel_loop3A_247, %parallel_loop3A_330 : i32
        %parallel_loop3A_332 = arith.constant 7 : i32
        %parallel_loop3A_333 = arith.index_cast %parallel_loop3A_332 : i32 to index
        %parallel_loop3A_334 = arith.index_cast %parallel_loop3A_331 : i32 to index
        %parallel_loop3A_335 = tpu.vector_load %arg7[%parallel_loop3A_333, %parallel_loop3A_334] {strides = array<i32>} : memref<32x256xf32, #tpu.memory_space<vmem>>, vector<16xf32>,
        tpu.vector_store %arg7[%parallel_loop3A_333, %parallel_loop3A_334], %parallel_loop3A_329 {strides = array<i32>} : memref<32x256xf32, #tpu.memory_space<vmem>>, vector<16xf32>,
        %parallel_loop3A_336 = arith.constant 8 : i32
        %parallel_loop3A_337 = vector.broadcast %parallel_loop3A_336 : i32 to vector<16xi32>
        %parallel_loop3A_338 = arith.addi %parallel_loop3A_255, %parallel_loop3A_337 : vector<16xi32>
        %parallel_loop3A_339 = tpu.vector_load_idx %arg5[%parallel_loop3A_251, %parallel_loop3A_338] : memref<256x128xf32, #tpu.memory_space<vmem>>[vector<16xi32>, vector<16xi32>], vector<16xf32>,
        %parallel_loop3A_340 = arith.constant 16 : i32
        %parallel_loop3A_341 = arith.muli %parallel_loop3A_247, %parallel_loop3A_340 : i32
        %parallel_loop3A_342 = arith.constant 8 : i32
        %parallel_loop3A_343 = arith.index_cast %parallel_loop3A_342 : i32 to index
        %parallel_loop3A_344 = arith.index_cast %parallel_loop3A_341 : i32 to index
        %parallel_loop3A_345 = tpu.vector_load %arg7[%parallel_loop3A_343, %parallel_loop3A_344] {strides = array<i32>} : memref<32x256xf32, #tpu.memory_space<vmem>>, vector<16xf32>,
        tpu.vector_store %arg7[%parallel_loop3A_343, %parallel_loop3A_344], %parallel_loop3A_339 {strides = array<i32>} : memref<32x256xf32, #tpu.memory_space<vmem>>, vector<16xf32>,
        %parallel_loop3A_346 = arith.constant 9 : i32
        %parallel_loop3A_347 = vector.broadcast %parallel_loop3A_346 : i32 to vector<16xi32>
        %parallel_loop3A_348 = arith.addi %parallel_loop3A_255, %parallel_loop3A_347 : vector<16xi32>
        %parallel_loop3A_349 = tpu.vector_load_idx %arg5[%parallel_loop3A_251, %parallel_loop3A_348] : memref<256x128xf32, #tpu.memory_space<vmem>>[vector<16xi32>, vector<16xi32>], vector<16xf32>,
        %parallel_loop3A_350 = arith.constant 16 : i32
        %parallel_loop3A_351 = arith.muli %parallel_loop3A_247, %parallel_loop3A_350 : i32
        %parallel_loop3A_352 = arith.constant 9 : i32
        %parallel_loop3A_353 = arith.index_cast %parallel_loop3A_352 : i32 to index
        %parallel_loop3A_354 = arith.index_cast %parallel_loop3A_351 : i32 to index
        %parallel_loop3A_355 = tpu.vector_load %arg7[%parallel_loop3A_353, %parallel_loop3A_354] {strides = array<i32>} : memref<32x256xf32, #tpu.memory_space<vmem>>, vector<16xf32>,
        tpu.vector_store %arg7[%parallel_loop3A_353, %parallel_loop3A_354], %parallel_loop3A_349 {strides = array<i32>} : memref<32x256xf32, #tpu.memory_space<vmem>>, vector<16xf32>,
        %parallel_loop3A_356 = arith.constant 10 : i32
        %parallel_loop3A_357 = vector.broadcast %parallel_loop3A_356 : i32 to vector<16xi32>
        %parallel_loop3A_358 = arith.addi %parallel_loop3A_255, %parallel_loop3A_357 : vector<16xi32>
        %parallel_loop3A_359 = tpu.vector_load_idx %arg5[%parallel_loop3A_251, %parallel_loop3A_358] : memref<256x128xf32, #tpu.memory_space<vmem>>[vector<16xi32>, vector<16xi32>], vector<16xf32>,
        %parallel_loop3A_360 = arith.constant 16 : i32
        %parallel_loop3A_361 = arith.muli %parallel_loop3A_247, %parallel_loop3A_360 : i32
        %parallel_loop3A_362 = arith.constant 10 : i32
        %parallel_loop3A_363 = arith.index_cast %parallel_loop3A_362 : i32 to index
        %parallel_loop3A_364 = arith.index_cast %parallel_loop3A_361 : i32 to index
        %parallel_loop3A_365 = tpu.vector_load %arg7[%parallel_loop3A_363, %parallel_loop3A_364] {strides = array<i32>} : memref<32x256xf32, #tpu.memory_space<vmem>>, vector<16xf32>,
        tpu.vector_store %arg7[%parallel_loop3A_363, %parallel_loop3A_364], %parallel_loop3A_359 {strides = array<i32>} : memref<32x256xf32, #tpu.memory_space<vmem>>, vector<16xf32>,
        %parallel_loop3A_366 = arith.constant 11 : i32
        %parallel_loop3A_367 = vector.broadcast %parallel_loop3A_366 : i32 to vector<16xi32>
        %parallel_loop3A_368 = arith.addi %parallel_loop3A_255, %parallel_loop3A_367 : vector<16xi32>
        %parallel_loop3A_369 = tpu.vector_load_idx %arg5[%parallel_loop3A_251, %parallel_loop3A_368] : memref<256x128xf32, #tpu.memory_space<vmem>>[vector<16xi32>, vector<16xi32>], vector<16xf32>,
        %parallel_loop3A_370 = arith.constant 16 : i32
        %parallel_loop3A_371 = arith.muli %parallel_loop3A_247, %parallel_loop3A_370 : i32
        %parallel_loop3A_372 = arith.constant 11 : i32
        %parallel_loop3A_373 = arith.index_cast %parallel_loop3A_372 : i32 to index
        %parallel_loop3A_374 = arith.index_cast %parallel_loop3A_371 : i32 to index
        %parallel_loop3A_375 = tpu.vector_load %arg7[%parallel_loop3A_373, %parallel_loop3A_374] {strides = array<i32>} : memref<32x256xf32, #tpu.memory_space<vmem>>, vector<16xf32>,
        tpu.vector_store %arg7[%parallel_loop3A_373, %parallel_loop3A_374], %parallel_loop3A_369 {strides = array<i32>} : memref<32x256xf32, #tpu.memory_space<vmem>>, vector<16xf32>,
        %parallel_loop3A_376 = arith.constant 12 : i32
        %parallel_loop3A_377 = vector.broadcast %parallel_loop3A_376 : i32 to vector<16xi32>
        %parallel_loop3A_378 = arith.addi %parallel_loop3A_255, %parallel_loop3A_377 : vector<16xi32>
        %parallel_loop3A_379 = tpu.vector_load_idx %arg5[%parallel_loop3A_251, %parallel_loop3A_378] : memref<256x128xf32, #tpu.memory_space<vmem>>[vector<16xi32>, vector<16xi32>], vector<16xf32>,
        %parallel_loop3A_380 = arith.constant 16 : i32
        %parallel_loop3A_381 = arith.muli %parallel_loop3A_247, %parallel_loop3A_380 : i32
        %parallel_loop3A_382 = arith.constant 12 : i32
        %parallel_loop3A_383 = arith.index_cast %parallel_loop3A_382 : i32 to index
        %parallel_loop3A_384 = arith.index_cast %parallel_loop3A_381 : i32 to index
        %parallel_loop3A_385 = tpu.vector_load %arg7[%parallel_loop3A_383, %parallel_loop3A_384] {strides = array<i32>} : memref<32x256xf32, #tpu.memory_space<vmem>>, vector<16xf32>,
        tpu.vector_store %arg7[%parallel_loop3A_383, %parallel_loop3A_384], %parallel_loop3A_379 {strides = array<i32>} : memref<32x256xf32, #tpu.memory_space<vmem>>, vector<16xf32>,
        %parallel_loop3A_386 = arith.constant 13 : i32
        %parallel_loop3A_387 = vector.broadcast %parallel_loop3A_386 : i32 to vector<16xi32>
        %parallel_loop3A_388 = arith.addi %parallel_loop3A_255, %parallel_loop3A_387 : vector<16xi32>
        %parallel_loop3A_389 = tpu.vector_load_idx %arg5[%parallel_loop3A_251, %parallel_loop3A_388] : memref<256x128xf32, #tpu.memory_space<vmem>>[vector<16xi32>, vector<16xi32>], vector<16xf32>,
        %parallel_loop3A_390 = arith.constant 16 : i32
        %parallel_loop3A_391 = arith.muli %parallel_loop3A_247, %parallel_loop3A_390 : i32
        %parallel_loop3A_392 = arith.constant 13 : i32
        %parallel_loop3A_393 = arith.index_cast %parallel_loop3A_392 : i32 to index
        %parallel_loop3A_394 = arith.index_cast %parallel_loop3A_391 : i32 to index
        %parallel_loop3A_395 = tpu.vector_load %arg7[%parallel_loop3A_393, %parallel_loop3A_394] {strides = array<i32>} : memref<32x256xf32, #tpu.memory_space<vmem>>, vector<16xf32>,
        tpu.vector_store %arg7[%parallel_loop3A_393, %parallel_loop3A_394], %parallel_loop3A_389 {strides = array<i32>} : memref<32x256xf32, #tpu.memory_space<vmem>>, vector<16xf32>,
        %parallel_loop3A_396 = arith.constant 14 : i32
        %parallel_loop3A_397 = vector.broadcast %parallel_loop3A_396 : i32 to vector<16xi32>
        %parallel_loop3A_398 = arith.addi %parallel_loop3A_255, %parallel_loop3A_397 : vector<16xi32>
        %parallel_loop3A_399 = tpu.vector_load_idx %arg5[%parallel_loop3A_251, %parallel_loop3A_398] : memref<256x128xf32, #tpu.memory_space<vmem>>[vector<16xi32>, vector<16xi32>], vector<16xf32>,
        %parallel_loop3A_400 = arith.constant 16 : i32
        %parallel_loop3A_401 = arith.muli %parallel_loop3A_247, %parallel_loop3A_400 : i32
        %parallel_loop3A_402 = arith.constant 14 : i32
        %parallel_loop3A_403 = arith.index_cast %parallel_loop3A_402 : i32 to index
        %parallel_loop3A_404 = arith.index_cast %parallel_loop3A_401 : i32 to index
        %parallel_loop3A_405 = tpu.vector_load %arg7[%parallel_loop3A_403, %parallel_loop3A_404] {strides = array<i32>} : memref<32x256xf32, #tpu.memory_space<vmem>>, vector<16xf32>,
        tpu.vector_store %arg7[%parallel_loop3A_403, %parallel_loop3A_404], %parallel_loop3A_399 {strides = array<i32>} : memref<32x256xf32, #tpu.memory_space<vmem>>, vector<16xf32>,
        %parallel_loop3A_406 = arith.constant 15 : i32
        %parallel_loop3A_407 = vector.broadcast %parallel_loop3A_406 : i32 to vector<16xi32>
        %parallel_loop3A_408 = arith.addi %parallel_loop3A_255, %parallel_loop3A_407 : vector<16xi32>
        %parallel_loop3A_409 = tpu.vector_load_idx %arg5[%parallel_loop3A_251, %parallel_loop3A_408] : memref<256x128xf32, #tpu.memory_space<vmem>>[vector<16xi32>, vector<16xi32>], vector<16xf32>,
        %parallel_loop3A_410 = arith.constant 16 : i32
        %parallel_loop3A_411 = arith.muli %parallel_loop3A_247, %parallel_loop3A_410 : i32
        %parallel_loop3A_412 = arith.constant 15 : i32
        %parallel_loop3A_413 = arith.index_cast %parallel_loop3A_412 : i32 to index
        %parallel_loop3A_414 = arith.index_cast %parallel_loop3A_411 : i32 to index
        %parallel_loop3A_415 = tpu.vector_load %arg7[%parallel_loop3A_413, %parallel_loop3A_414] {strides = array<i32>} : memref<32x256xf32, #tpu.memory_space<vmem>>, vector<16xf32>,
        tpu.vector_store %arg7[%parallel_loop3A_413, %parallel_loop3A_414], %parallel_loop3A_409 {strides = array<i32>} : memref<32x256xf32, #tpu.memory_space<vmem>>, vector<16xf32>,
        %parallel_loop3A_416 = arith.constant 16 : i32
        %parallel_loop3A_417 = vector.broadcast %parallel_loop3A_416 : i32 to vector<16xi32>
        %parallel_loop3A_418 = arith.addi %parallel_loop3A_255, %parallel_loop3A_417 : vector<16xi32>
        %parallel_loop3A_419 = tpu.vector_load_idx %arg5[%parallel_loop3A_251, %parallel_loop3A_418] : memref<256x128xf32, #tpu.memory_space<vmem>>[vector<16xi32>, vector<16xi32>], vector<16xf32>,
        %parallel_loop3A_420 = arith.constant 16 : i32
        %parallel_loop3A_421 = arith.muli %parallel_loop3A_247, %parallel_loop3A_420 : i32
        %parallel_loop3A_422 = arith.constant 16 : i32
        %parallel_loop3A_423 = arith.index_cast %parallel_loop3A_422 : i32 to index
        %parallel_loop3A_424 = arith.index_cast %parallel_loop3A_421 : i32 to index
        %parallel_loop3A_425 = tpu.vector_load %arg7[%parallel_loop3A_423, %parallel_loop3A_424] {strides = array<i32>} : memref<32x256xf32, #tpu.memory_space<vmem>>, vector<16xf32>,
        tpu.vector_store %arg7[%parallel_loop3A_423, %parallel_loop3A_424], %parallel_loop3A_419 {strides = array<i32>} : memref<32x256xf32, #tpu.memory_space<vmem>>, vector<16xf32>,
        %parallel_loop3A_426 = arith.constant 17 : i32
        %parallel_loop3A_427 = vector.broadcast %parallel_loop3A_426 : i32 to vector<16xi32>
        %parallel_loop3A_428 = arith.addi %parallel_loop3A_255, %parallel_loop3A_427 : vector<16xi32>
        %parallel_loop3A_429 = tpu.vector_load_idx %arg5[%parallel_loop3A_251, %parallel_loop3A_428] : memref<256x128xf32, #tpu.memory_space<vmem>>[vector<16xi32>, vector<16xi32>], vector<16xf32>,
        %parallel_loop3A_430 = arith.constant 16 : i32
        %parallel_loop3A_431 = arith.muli %parallel_loop3A_247, %parallel_loop3A_430 : i32
        %parallel_loop3A_432 = arith.constant 17 : i32
        %parallel_loop3A_433 = arith.index_cast %parallel_loop3A_432 : i32 to index
        %parallel_loop3A_434 = arith.index_cast %parallel_loop3A_431 : i32 to index
        %parallel_loop3A_435 = tpu.vector_load %arg7[%parallel_loop3A_433, %parallel_loop3A_434] {strides = array<i32>} : memref<32x256xf32, #tpu.memory_space<vmem>>, vector<16xf32>,
        tpu.vector_store %arg7[%parallel_loop3A_433, %parallel_loop3A_434], %parallel_loop3A_429 {strides = array<i32>} : memref<32x256xf32, #tpu.memory_space<vmem>>, vector<16xf32>,
        %parallel_loop3A_436 = arith.constant 18 : i32
        %parallel_loop3A_437 = vector.broadcast %parallel_loop3A_436 : i32 to vector<16xi32>
        %parallel_loop3A_438 = arith.addi %parallel_loop3A_255, %parallel_loop3A_437 : vector<16xi32>
        %parallel_loop3A_439 = tpu.vector_load_idx %arg5[%parallel_loop3A_251, %parallel_loop3A_438] : memref<256x128xf32, #tpu.memory_space<vmem>>[vector<16xi32>, vector<16xi32>], vector<16xf32>,
        %parallel_loop3A_440 = arith.constant 16 : i32
        %parallel_loop3A_441 = arith.muli %parallel_loop3A_247, %parallel_loop3A_440 : i32
        %parallel_loop3A_442 = arith.constant 18 : i32
        %parallel_loop3A_443 = arith.index_cast %parallel_loop3A_442 : i32 to index
        %parallel_loop3A_444 = arith.index_cast %parallel_loop3A_441 : i32 to index
        %parallel_loop3A_445 = tpu.vector_load %arg7[%parallel_loop3A_443, %parallel_loop3A_444] {strides = array<i32>} : memref<32x256xf32, #tpu.memory_space<vmem>>, vector<16xf32>,
        tpu.vector_store %arg7[%parallel_loop3A_443, %parallel_loop3A_444], %parallel_loop3A_439 {strides = array<i32>} : memref<32x256xf32, #tpu.memory_space<vmem>>, vector<16xf32>,
        %parallel_loop3A_446 = arith.constant 19 : i32
        %parallel_loop3A_447 = vector.broadcast %parallel_loop3A_446 : i32 to vector<16xi32>
        %parallel_loop3A_448 = arith.addi %parallel_loop3A_255, %parallel_loop3A_447 : vector<16xi32>
        %parallel_loop3A_449 = tpu.vector_load_idx %arg5[%parallel_loop3A_251, %parallel_loop3A_448] : memref<256x128xf32, #tpu.memory_space<vmem>>[vector<16xi32>, vector<16xi32>], vector<16xf32>,
        %parallel_loop3A_450 = arith.constant 16 : i32
        %parallel_loop3A_451 = arith.muli %parallel_loop3A_247, %parallel_loop3A_450 : i32
        %parallel_loop3A_452 = arith.constant 19 : i32
        %parallel_loop3A_453 = arith.index_cast %parallel_loop3A_452 : i32 to index
        %parallel_loop3A_454 = arith.index_cast %parallel_loop3A_451 : i32 to index
        %parallel_loop3A_455 = tpu.vector_load %arg7[%parallel_loop3A_453, %parallel_loop3A_454] {strides = array<i32>} : memref<32x256xf32, #tpu.memory_space<vmem>>, vector<16xf32>,
        tpu.vector_store %arg7[%parallel_loop3A_453, %parallel_loop3A_454], %parallel_loop3A_449 {strides = array<i32>} : memref<32x256xf32, #tpu.memory_space<vmem>>, vector<16xf32>,
        %parallel_loop3A_456 = arith.constant 20 : i32
        %parallel_loop3A_457 = vector.broadcast %parallel_loop3A_456 : i32 to vector<16xi32>
        %parallel_loop3A_458 = arith.addi %parallel_loop3A_255, %parallel_loop3A_457 : vector<16xi32>
        %parallel_loop3A_459 = tpu.vector_load_idx %arg5[%parallel_loop3A_251, %parallel_loop3A_458] : memref<256x128xf32, #tpu.memory_space<vmem>>[vector<16xi32>, vector<16xi32>], vector<16xf32>,
        %parallel_loop3A_460 = arith.constant 16 : i32
        %parallel_loop3A_461 = arith.muli %parallel_loop3A_247, %parallel_loop3A_460 : i32
        %parallel_loop3A_462 = arith.constant 20 : i32
        %parallel_loop3A_463 = arith.index_cast %parallel_loop3A_462 : i32 to index
        %parallel_loop3A_464 = arith.index_cast %parallel_loop3A_461 : i32 to index
        %parallel_loop3A_465 = tpu.vector_load %arg7[%parallel_loop3A_463, %parallel_loop3A_464] {strides = array<i32>} : memref<32x256xf32, #tpu.memory_space<vmem>>, vector<16xf32>,
        tpu.vector_store %arg7[%parallel_loop3A_463, %parallel_loop3A_464], %parallel_loop3A_459 {strides = array<i32>} : memref<32x256xf32, #tpu.memory_space<vmem>>, vector<16xf32>,
        %parallel_loop3A_466 = arith.constant 21 : i32
        %parallel_loop3A_467 = vector.broadcast %parallel_loop3A_466 : i32 to vector<16xi32>
        %parallel_loop3A_468 = arith.addi %parallel_loop3A_255, %parallel_loop3A_467 : vector<16xi32>
        %parallel_loop3A_469 = tpu.vector_load_idx %arg5[%parallel_loop3A_251, %parallel_loop3A_468] : memref<256x128xf32, #tpu.memory_space<vmem>>[vector<16xi32>, vector<16xi32>], vector<16xf32>,
        %parallel_loop3A_470 = arith.constant 16 : i32
        %parallel_loop3A_471 = arith.muli %parallel_loop3A_247, %parallel_loop3A_470 : i32
        %parallel_loop3A_472 = arith.constant 21 : i32
        %parallel_loop3A_473 = arith.index_cast %parallel_loop3A_472 : i32 to index
        %parallel_loop3A_474 = arith.index_cast %parallel_loop3A_471 : i32 to index
        %parallel_loop3A_475 = tpu.vector_load %arg7[%parallel_loop3A_473, %parallel_loop3A_474] {strides = array<i32>} : memref<32x256xf32, #tpu.memory_space<vmem>>, vector<16xf32>,
        tpu.vector_store %arg7[%parallel_loop3A_473, %parallel_loop3A_474], %parallel_loop3A_469 {strides = array<i32>} : memref<32x256xf32, #tpu.memory_space<vmem>>, vector<16xf32>,
        %parallel_loop3A_476 = arith.constant 22 : i32
        %parallel_loop3A_477 = vector.broadcast %parallel_loop3A_476 : i32 to vector<16xi32>
        %parallel_loop3A_478 = arith.addi %parallel_loop3A_255, %parallel_loop3A_477 : vector<16xi32>
        %parallel_loop3A_479 = tpu.vector_load_idx %arg5[%parallel_loop3A_251, %parallel_loop3A_478] : memref<256x128xf32, #tpu.memory_space<vmem>>[vector<16xi32>, vector<16xi32>], vector<16xf32>,
        %parallel_loop3A_480 = arith.constant 16 : i32
        %parallel_loop3A_481 = arith.muli %parallel_loop3A_247, %parallel_loop3A_480 : i32
        %parallel_loop3A_482 = arith.constant 22 : i32
        %parallel_loop3A_483 = arith.index_cast %parallel_loop3A_482 : i32 to index
        %parallel_loop3A_484 = arith.index_cast %parallel_loop3A_481 : i32 to index
        %parallel_loop3A_485 = tpu.vector_load %arg7[%parallel_loop3A_483, %parallel_loop3A_484] {strides = array<i32>} : memref<32x256xf32, #tpu.memory_space<vmem>>, vector<16xf32>,
        tpu.vector_store %arg7[%parallel_loop3A_483, %parallel_loop3A_484], %parallel_loop3A_479 {strides = array<i32>} : memref<32x256xf32, #tpu.memory_space<vmem>>, vector<16xf32>,
        %parallel_loop3A_486 = arith.constant 23 : i32
        %parallel_loop3A_487 = vector.broadcast %parallel_loop3A_486 : i32 to vector<16xi32>
        %parallel_loop3A_488 = arith.addi %parallel_loop3A_255, %parallel_loop3A_487 : vector<16xi32>
        %parallel_loop3A_489 = tpu.vector_load_idx %arg5[%parallel_loop3A_251, %parallel_loop3A_488] : memref<256x128xf32, #tpu.memory_space<vmem>>[vector<16xi32>, vector<16xi32>], vector<16xf32>,
        %parallel_loop3A_490 = arith.constant 16 : i32
        %parallel_loop3A_491 = arith.muli %parallel_loop3A_247, %parallel_loop3A_490 : i32
        %parallel_loop3A_492 = arith.constant 23 : i32
        %parallel_loop3A_493 = arith.index_cast %parallel_loop3A_492 : i32 to index
        %parallel_loop3A_494 = arith.index_cast %parallel_loop3A_491 : i32 to index
        %parallel_loop3A_495 = tpu.vector_load %arg7[%parallel_loop3A_493, %parallel_loop3A_494] {strides = array<i32>} : memref<32x256xf32, #tpu.memory_space<vmem>>, vector<16xf32>,
        tpu.vector_store %arg7[%parallel_loop3A_493, %parallel_loop3A_494], %parallel_loop3A_489 {strides = array<i32>} : memref<32x256xf32, #tpu.memory_space<vmem>>, vector<16xf32>,
        %parallel_loop3A_496 = arith.constant 24 : i32
        %parallel_loop3A_497 = vector.broadcast %parallel_loop3A_496 : i32 to vector<16xi32>
        %parallel_loop3A_498 = arith.addi %parallel_loop3A_255, %parallel_loop3A_497 : vector<16xi32>
        %parallel_loop3A_499 = tpu.vector_load_idx %arg5[%parallel_loop3A_251, %parallel_loop3A_498] : memref<256x128xf32, #tpu.memory_space<vmem>>[vector<16xi32>, vector<16xi32>], vector<16xf32>,
        %parallel_loop3A_500 = arith.constant 16 : i32
        %parallel_loop3A_501 = arith.muli %parallel_loop3A_247, %parallel_loop3A_500 : i32
        %parallel_loop3A_502 = arith.constant 24 : i32
        %parallel_loop3A_503 = arith.index_cast %parallel_loop3A_502 : i32 to index
        %parallel_loop3A_504 = arith.index_cast %parallel_loop3A_501 : i32 to index
        %parallel_loop3A_505 = tpu.vector_load %arg7[%parallel_loop3A_503, %parallel_loop3A_504] {strides = array<i32>} : memref<32x256xf32, #tpu.memory_space<vmem>>, vector<16xf32>,
        tpu.vector_store %arg7[%parallel_loop3A_503, %parallel_loop3A_504], %parallel_loop3A_499 {strides = array<i32>} : memref<32x256xf32, #tpu.memory_space<vmem>>, vector<16xf32>,
        %parallel_loop3A_506 = arith.constant 25 : i32
        %parallel_loop3A_507 = vector.broadcast %parallel_loop3A_506 : i32 to vector<16xi32>
        %parallel_loop3A_508 = arith.addi %parallel_loop3A_255, %parallel_loop3A_507 : vector<16xi32>
        %parallel_loop3A_509 = tpu.vector_load_idx %arg5[%parallel_loop3A_251, %parallel_loop3A_508] : memref<256x128xf32, #tpu.memory_space<vmem>>[vector<16xi32>, vector<16xi32>], vector<16xf32>,
        %parallel_loop3A_510 = arith.constant 16 : i32
        %parallel_loop3A_511 = arith.muli %parallel_loop3A_247, %parallel_loop3A_510 : i32
        %parallel_loop3A_512 = arith.constant 25 : i32
        %parallel_loop3A_513 = arith.index_cast %parallel_loop3A_512 : i32 to index
        %parallel_loop3A_514 = arith.index_cast %parallel_loop3A_511 : i32 to index
        %parallel_loop3A_515 = tpu.vector_load %arg7[%parallel_loop3A_513, %parallel_loop3A_514] {strides = array<i32>} : memref<32x256xf32, #tpu.memory_space<vmem>>, vector<16xf32>,
        tpu.vector_store %arg7[%parallel_loop3A_513, %parallel_loop3A_514], %parallel_loop3A_509 {strides = array<i32>} : memref<32x256xf32, #tpu.memory_space<vmem>>, vector<16xf32>,
        %parallel_loop3A_516 = arith.constant 26 : i32
        %parallel_loop3A_517 = vector.broadcast %parallel_loop3A_516 : i32 to vector<16xi32>
        %parallel_loop3A_518 = arith.addi %parallel_loop3A_255, %parallel_loop3A_517 : vector<16xi32>
        %parallel_loop3A_519 = tpu.vector_load_idx %arg5[%parallel_loop3A_251, %parallel_loop3A_518] : memref<256x128xf32, #tpu.memory_space<vmem>>[vector<16xi32>, vector<16xi32>], vector<16xf32>,
        %parallel_loop3A_520 = arith.constant 16 : i32
        %parallel_loop3A_521 = arith.muli %parallel_loop3A_247, %parallel_loop3A_520 : i32
        %parallel_loop3A_522 = arith.constant 26 : i32
        %parallel_loop3A_523 = arith.index_cast %parallel_loop3A_522 : i32 to index
        %parallel_loop3A_524 = arith.index_cast %parallel_loop3A_521 : i32 to index
        %parallel_loop3A_525 = tpu.vector_load %arg7[%parallel_loop3A_523, %parallel_loop3A_524] {strides = array<i32>} : memref<32x256xf32, #tpu.memory_space<vmem>>, vector<16xf32>,
        tpu.vector_store %arg7[%parallel_loop3A_523, %parallel_loop3A_524], %parallel_loop3A_519 {strides = array<i32>} : memref<32x256xf32, #tpu.memory_space<vmem>>, vector<16xf32>,
        %parallel_loop3A_526 = arith.constant 27 : i32
        %parallel_loop3A_527 = vector.broadcast %parallel_loop3A_526 : i32 to vector<16xi32>
        %parallel_loop3A_528 = arith.addi %parallel_loop3A_255, %parallel_loop3A_527 : vector<16xi32>
        %parallel_loop3A_529 = tpu.vector_load_idx %arg5[%parallel_loop3A_251, %parallel_loop3A_528] : memref<256x128xf32, #tpu.memory_space<vmem>>[vector<16xi32>, vector<16xi32>], vector<16xf32>,
        %parallel_loop3A_530 = arith.constant 16 : i32
        %parallel_loop3A_531 = arith.muli %parallel_loop3A_247, %parallel_loop3A_530 : i32
        %parallel_loop3A_532 = arith.constant 27 : i32
        %parallel_loop3A_533 = arith.index_cast %parallel_loop3A_532 : i32 to index
        %parallel_loop3A_534 = arith.index_cast %parallel_loop3A_531 : i32 to index
        %parallel_loop3A_535 = tpu.vector_load %arg7[%parallel_loop3A_533, %parallel_loop3A_534] {strides = array<i32>} : memref<32x256xf32, #tpu.memory_space<vmem>>, vector<16xf32>,
        tpu.vector_store %arg7[%parallel_loop3A_533, %parallel_loop3A_534], %parallel_loop3A_529 {strides = array<i32>} : memref<32x256xf32, #tpu.memory_space<vmem>>, vector<16xf32>,
        %parallel_loop3A_536 = arith.constant 28 : i32
        %parallel_loop3A_537 = vector.broadcast %parallel_loop3A_536 : i32 to vector<16xi32>
        %parallel_loop3A_538 = arith.addi %parallel_loop3A_255, %parallel_loop3A_537 : vector<16xi32>
        %parallel_loop3A_539 = tpu.vector_load_idx %arg5[%parallel_loop3A_251, %parallel_loop3A_538] : memref<256x128xf32, #tpu.memory_space<vmem>>[vector<16xi32>, vector<16xi32>], vector<16xf32>,
        %parallel_loop3A_540 = arith.constant 16 : i32
        %parallel_loop3A_541 = arith.muli %parallel_loop3A_247, %parallel_loop3A_540 : i32
        %parallel_loop3A_542 = arith.constant 28 : i32
        %parallel_loop3A_543 = arith.index_cast %parallel_loop3A_542 : i32 to index
        %parallel_loop3A_544 = arith.index_cast %parallel_loop3A_541 : i32 to index
        %parallel_loop3A_545 = tpu.vector_load %arg7[%parallel_loop3A_543, %parallel_loop3A_544] {strides = array<i32>} : memref<32x256xf32, #tpu.memory_space<vmem>>, vector<16xf32>,
        tpu.vector_store %arg7[%parallel_loop3A_543, %parallel_loop3A_544], %parallel_loop3A_539 {strides = array<i32>} : memref<32x256xf32, #tpu.memory_space<vmem>>, vector<16xf32>,
        %parallel_loop3A_546 = arith.constant 29 : i32
        %parallel_loop3A_547 = vector.broadcast %parallel_loop3A_546 : i32 to vector<16xi32>
        %parallel_loop3A_548 = arith.addi %parallel_loop3A_255, %parallel_loop3A_547 : vector<16xi32>
        %parallel_loop3A_549 = tpu.vector_load_idx %arg5[%parallel_loop3A_251, %parallel_loop3A_548] : memref<256x128xf32, #tpu.memory_space<vmem>>[vector<16xi32>, vector<16xi32>], vector<16xf32>,
        %parallel_loop3A_550 = arith.constant 16 : i32
        %parallel_loop3A_551 = arith.muli %parallel_loop3A_247, %parallel_loop3A_550 : i32
        %parallel_loop3A_552 = arith.constant 29 : i32
        %parallel_loop3A_553 = arith.index_cast %parallel_loop3A_552 : i32 to index
        %parallel_loop3A_554 = arith.index_cast %parallel_loop3A_551 : i32 to index
        %parallel_loop3A_555 = tpu.vector_load %arg7[%parallel_loop3A_553, %parallel_loop3A_554] {strides = array<i32>} : memref<32x256xf32, #tpu.memory_space<vmem>>, vector<16xf32>,
        tpu.vector_store %arg7[%parallel_loop3A_553, %parallel_loop3A_554], %parallel_loop3A_549 {strides = array<i32>} : memref<32x256xf32, #tpu.memory_space<vmem>>, vector<16xf32>,
        %parallel_loop3A_556 = arith.constant 30 : i32
        %parallel_loop3A_557 = vector.broadcast %parallel_loop3A_556 : i32 to vector<16xi32>
        %parallel_loop3A_558 = arith.addi %parallel_loop3A_255, %parallel_loop3A_557 : vector<16xi32>
        %parallel_loop3A_559 = tpu.vector_load_idx %arg5[%parallel_loop3A_251, %parallel_loop3A_558] : memref<256x128xf32, #tpu.memory_space<vmem>>[vector<16xi32>, vector<16xi32>], vector<16xf32>,
        %parallel_loop3A_560 = arith.constant 16 : i32
        %parallel_loop3A_561 = arith.muli %parallel_loop3A_247, %parallel_loop3A_560 : i32
        %parallel_loop3A_562 = arith.constant 30 : i32
        %parallel_loop3A_563 = arith.index_cast %parallel_loop3A_562 : i32 to index
        %parallel_loop3A_564 = arith.index_cast %parallel_loop3A_561 : i32 to index
        %parallel_loop3A_565 = tpu.vector_load %arg7[%parallel_loop3A_563, %parallel_loop3A_564] {strides = array<i32>} : memref<32x256xf32, #tpu.memory_space<vmem>>, vector<16xf32>,
        tpu.vector_store %arg7[%parallel_loop3A_563, %parallel_loop3A_564], %parallel_loop3A_559 {strides = array<i32>} : memref<32x256xf32, #tpu.memory_space<vmem>>, vector<16xf32>,
        %parallel_loop3A_566 = arith.constant 31 : i32
        %parallel_loop3A_567 = vector.broadcast %parallel_loop3A_566 : i32 to vector<16xi32>
        %parallel_loop3A_568 = arith.addi %parallel_loop3A_255, %parallel_loop3A_567 : vector<16xi32>
        %parallel_loop3A_569 = tpu.vector_load_idx %arg5[%parallel_loop3A_251, %parallel_loop3A_568] : memref<256x128xf32, #tpu.memory_space<vmem>>[vector<16xi32>, vector<16xi32>], vector<16xf32>,
        %parallel_loop3A_570 = arith.constant 16 : i32
        %parallel_loop3A_571 = arith.muli %parallel_loop3A_247, %parallel_loop3A_570 : i32
        %parallel_loop3A_572 = arith.constant 31 : i32
        %parallel_loop3A_573 = arith.index_cast %parallel_loop3A_572 : i32 to index
        %parallel_loop3A_574 = arith.index_cast %parallel_loop3A_571 : i32 to index
        %parallel_loop3A_575 = tpu.vector_load %arg7[%parallel_loop3A_573, %parallel_loop3A_574] {strides = array<i32>} : memref<32x256xf32, #tpu.memory_space<vmem>>, vector<16xf32>,
        tpu.vector_store %arg7[%parallel_loop3A_573, %parallel_loop3A_574], %parallel_loop3A_569 {strides = array<i32>} : memref<32x256xf32, #tpu.memory_space<vmem>>, vector<16xf32>,
      } {sc.loop_unroll_factor = 2 : i64, sc.parallel_access}
      %mul3A_123 = arith.constant 32 : i32
      %mul3A_124 = arith.muli %mul3A_123, %add3A_107 : i32
      %add3A_125 = arith.addi %add3A, %mul3A_124 : i32
      %jit3A_126 = arith.constant 16 : i32
      %div3A_127 = arith.divsi %add3A_125, %jit3A_126 : i32
      %sign3A_128 = arith.constant 0 : i32
      %sign3A_129 = arith.cmpi sgt, %add3A_125, %sign3A_128 : i32
      %sign3A_130 = arith.extui %sign3A_129 : i1 to i32
      %sign3A_131 = arith.constant 0 : i32
      %sign3A_132 = arith.cmpi slt, %add3A_125, %sign3A_131 : i32
      %sign3A_133 = arith.extui %sign3A_132 : i1 to i32
      %sign3A_134 = arith.subi %sign3A_130, %sign3A_133 : i32
      %sign3A_135 = arith.constant 0 : i32
      %sign3A_136 = arith.cmpi sgt, %jit3A_126, %sign3A_135 : i32
      %sign3A_137 = arith.extui %sign3A_136 : i1 to i32
      %sign3A_138 = arith.constant 0 : i32
      %sign3A_139 = arith.cmpi slt, %jit3A_126, %sign3A_138 : i32
      %sign3A_140 = arith.extui %sign3A_139 : i1 to i32
      %sign3A_141 = arith.subi %sign3A_137, %sign3A_140 : i32
      %ne3A_142 = arith.cmpi ne, %sign3A_134, %sign3A_141 : i32
      %rem3A_143 = arith.remsi %add3A_125, %jit3A_126 : i32
      %ne3A_144 = arith.constant 0 : i32
      %ne3A_145 = arith.cmpi ne, %rem3A_143, %ne3A_144 : i32
      %and3A_146 = arith.andi %ne3A_142, %ne3A_145 : i1
      %sub3A_147 = arith.constant 1 : i32
      %sub3A_148 = arith.subi %div3A_127, %sub3A_147 : i32
      %select_n3A_149 = arith.select %and3A_146, %sub3A_148, %div3A_127 : i32
      %jit3A_150 = arith.constant 16 : i32
      %eq3A_151 = arith.constant 0 : i32
      %eq3A_152 = arith.cmpi eq, %jit3A_150, %eq3A_151 : i32
      %jit3A_153 = arith.constant 1 : i32
      %select_n3A_154 = arith.select %eq3A_152, %jit3A_153, %jit3A_150 : i32
      %rem3A_155 = arith.remsi %add3A_125, %select_n3A_154 : i32
      %ne3A_156 = arith.constant 0 : i32
      %ne3A_157 = arith.cmpi ne, %rem3A_155, %ne3A_156 : i32
      %lt3A_158 = arith.constant 0 : i32
      %lt3A_159 = arith.cmpi slt, %rem3A_155, %lt3A_158 : i32
      %lt3A_160 = arith.constant 0 : i32
      %lt3A_161 = arith.cmpi slt, %select_n3A_154, %lt3A_160 : i32
      %ne3A_162 = arith.xori %lt3A_159, %lt3A_161 : i1
      %and3A_163 = arith.andi %ne3A_162, %ne3A_157 : i1
      %add3A_164 = arith.addi %rem3A_155, %select_n3A_154 : i32
      %select_n3A_165 = arith.select %and3A_163, %add3A_164, %rem3A_155 : i32
      %mul3A_166 = arith.constant 256 : i32
      %mul3A_167 = arith.muli %select_n3A_165, %mul3A_166 : i32
      %dma_start3A_168 = arith.constant 0 : i32
      %dma_start3A_169 = tpu.memref_slice %arg4[%select_n3A_149, %dma_start3A_168, %mul3A_167] : memref<200x32x4096xf32, #tpu.memory_space<hbm>> -> memref<1x32x256xf32, #tpu.memory_space<hbm>>
      %dma_start3A_170 = tpu.memref_squeeze %dma_start3A_169 : memref<1x32x256xf32, #tpu.memory_space<hbm>> -> memref<32x256xf32, #tpu.memory_space<hbm>>
      %dma_start3A_171 = arith.constant 0 : i32
      %dma_start3A_172 = tpu.memref_slice %arg4[%select_n3A_149, %dma_start3A_171, %mul3A_167] : memref<200x32x4096xf32, #tpu.memory_space<hbm>> -> memref<1x32x256xf32, #tpu.memory_space<hbm>>
      %dma_start3A_173 = tpu.memref_squeeze %dma_start3A_172 : memref<1x32x256xf32, #tpu.memory_space<hbm>> -> memref<32x256xf32, #tpu.memory_space<hbm>>
      tpu.enqueue_dma source(%arg7 : memref<32x256xf32, #tpu.memory_space<vmem>>) target(%dma_start3A_173 : memref<32x256xf32, #tpu.memory_space<hbm>>) target_semaphore(%arg16 : memref<!tpu.dma_semaphore, #tpu.memory_space<semaphore_mem>>)
      %mul3A_174 = arith.constant 2 : i32
      %mul3A_175 = arith.muli %mul3A_174, %scan3A_103 : i32
      %add3A_176 = arith.constant 1 : i32
      %add3A_177 = arith.addi %mul3A_175, %add3A_176 : i32
      %add3A_178 = arith.constant 1 : i32
      %add3A_179 = arith.addi %add3A_177, %add3A_178 : i32
      %lt3A_180 = arith.constant 100 : i32
      %lt3A_181 = arith.cmpi slt, %add3A_179, %lt3A_180 : i32
      %convert_element_type3A_182 = arith.extui %lt3A_181 : i1 to i32
      %cond3A_183 = arith.constant 0 : i32
      %cond3A_184 = arith.cmpi ne, %convert_element_type3A_182, %cond3A_183 : i32
      scf.if %cond3A_184 {
        %add3A_247 = arith.constant 1 : i32
        %add3A_248 = arith.addi %add3A_177, %add3A_247 : i32
        %mul3A_249 = arith.constant 32 : i32
        %mul3A_250 = arith.muli %mul3A_249, %add3A_248 : i32
        %add3A_251 = arith.addi %add3A, %mul3A_250 : i32
        %jit3A_252 = arith.constant 16 : i32
        %div3A_253 = arith.divsi %add3A_251, %jit3A_252 : i32
        %sign3A_254 = arith.constant 0 : i32
        %sign3A_255 = arith.cmpi sgt, %add3A_251, %sign3A_254 : i32
        %sign3A_256 = arith.extui %sign3A_255 : i1 to i32
        %sign3A_257 = arith.constant 0 : i32
        %sign3A_258 = arith.cmpi slt, %add3A_251, %sign3A_257 : i32
        %sign3A_259 = arith.extui %sign3A_258 : i1 to i32
        %sign3A_260 = arith.subi %sign3A_256, %sign3A_259 : i32
        %sign3A_261 = arith.constant 0 : i32
        %sign3A_262 = arith.cmpi sgt, %jit3A_252, %sign3A_261 : i32
        %sign3A_263 = arith.extui %sign3A_262 : i1 to i32
        %sign3A_264 = arith.constant 0 : i32
        %sign3A_265 = arith.cmpi slt, %jit3A_252, %sign3A_264 : i32
        %sign3A_266 = arith.extui %sign3A_265 : i1 to i32
        %sign3A_267 = arith.subi %sign3A_263, %sign3A_266 : i32
        %ne3A_268 = arith.cmpi ne, %sign3A_260, %sign3A_267 : i32
        %rem3A_269 = arith.remsi %add3A_251, %jit3A_252 : i32
        %ne3A_270 = arith.constant 0 : i32
        %ne3A_271 = arith.cmpi ne, %rem3A_269, %ne3A_270 : i32
        %and3A_272 = arith.andi %ne3A_268, %ne3A_271 : i1
        %sub3A_273 = arith.constant 1 : i32
        %sub3A_274 = arith.subi %div3A_253, %sub3A_273 : i32
        %select_n3A_275 = arith.select %and3A_272, %sub3A_274, %div3A_253 : i32
        %jit3A_276 = arith.constant 16 : i32
        %eq3A_277 = arith.constant 0 : i32
        %eq3A_278 = arith.cmpi eq, %jit3A_276, %eq3A_277 : i32
        %jit3A_279 = arith.constant 1 : i32
        %select_n3A_280 = arith.select %eq3A_278, %jit3A_279, %jit3A_276 : i32
        %rem3A_281 = arith.remsi %add3A_251, %select_n3A_280 : i32
        %ne3A_282 = arith.constant 0 : i32
        %ne3A_283 = arith.cmpi ne, %rem3A_281, %ne3A_282 : i32
        %lt3A_284 = arith.constant 0 : i32
        %lt3A_285 = arith.cmpi slt, %rem3A_281, %lt3A_284 : i32
        %lt3A_286 = arith.constant 0 : i32
        %lt3A_287 = arith.cmpi slt, %select_n3A_280, %lt3A_286 : i32
        %ne3A_288 = arith.xori %lt3A_285, %lt3A_287 : i1
        %and3A_289 = arith.andi %ne3A_288, %ne3A_283 : i1
        %add3A_290 = arith.addi %rem3A_281, %select_n3A_280 : i32
        %select_n3A_291 = arith.select %and3A_289, %add3A_290, %rem3A_281 : i32
        %mul3A_292 = arith.constant 256 : i32
        %mul3A_293 = arith.muli %select_n3A_291, %mul3A_292 : i32
        %jit3A_294 = arith.constant 8 : i32
        %eq3A_295 = arith.constant 0 : i32
        %eq3A_296 = arith.cmpi eq, %jit3A_294, %eq3A_295 : i32
        %jit3A_297 = arith.constant 1 : i32
        %select_n3A_298 = arith.select %eq3A_296, %jit3A_297, %jit3A_294 : i32
        %rem3A_299 = arith.remsi %select_n3A_275, %select_n3A_298 : i32
        %ne3A_300 = arith.constant 0 : i32
        %ne3A_301 = arith.cmpi ne, %rem3A_299, %ne3A_300 : i32
        %lt3A_302 = arith.constant 0 : i32
        %lt3A_303 = arith.cmpi slt, %rem3A_299, %lt3A_302 : i32
        %lt3A_304 = arith.constant 0 : i32
        %lt3A_305 = arith.cmpi slt, %select_n3A_298, %lt3A_304 : i32
        %ne3A_306 = arith.xori %lt3A_303, %lt3A_305 : i1
        %and3A_307 = arith.andi %ne3A_306, %ne3A_301 : i1
        %add3A_308 = arith.addi %rem3A_299, %select_n3A_298 : i32
        %select_n3A_309 = arith.select %and3A_307, %add3A_308, %rem3A_299 : i32
        %jit3A_310 = arith.constant 8 : i32
        %div3A_311 = arith.divsi %select_n3A_275, %jit3A_310 : i32
        %sign3A_312 = arith.constant 0 : i32
        %sign3A_313 = arith.cmpi sgt, %select_n3A_275, %sign3A_312 : i32
        %sign3A_314 = arith.extui %sign3A_313 : i1 to i32
        %sign3A_315 = arith.constant 0 : i32
        %sign3A_316 = arith.cmpi slt, %select_n3A_275, %sign3A_315 : i32
        %sign3A_317 = arith.extui %sign3A_316 : i1 to i32
        %sign3A_318 = arith.subi %sign3A_314, %sign3A_317 : i32
        %sign3A_319 = arith.constant 0 : i32
        %sign3A_320 = arith.cmpi sgt, %jit3A_310, %sign3A_319 : i32
        %sign3A_321 = arith.extui %sign3A_320 : i1 to i32
        %sign3A_322 = arith.constant 0 : i32
        %sign3A_323 = arith.cmpi slt, %jit3A_310, %sign3A_322 : i32
        %sign3A_324 = arith.extui %sign3A_323 : i1 to i32
        %sign3A_325 = arith.subi %sign3A_321, %sign3A_324 : i32
        %ne3A_326 = arith.cmpi ne, %sign3A_318, %sign3A_325 : i32
        %rem3A_327 = arith.remsi %select_n3A_275, %jit3A_310 : i32
        %ne3A_328 = arith.constant 0 : i32
        %ne3A_329 = arith.cmpi ne, %rem3A_327, %ne3A_328 : i32
        %and3A_330 = arith.andi %ne3A_326, %ne3A_329 : i1
        %sub3A_331 = arith.constant 1 : i32
        %sub3A_332 = arith.subi %div3A_311, %sub3A_331 : i32
        %select_n3A_333 = arith.select %and3A_330, %sub3A_332, %div3A_311 : i32
        %mul3A_334 = arith.constant 8 : i32
        %mul3A_335 = arith.muli %select_n3A_333, %mul3A_334 : i32
        "tpu.region"() ({
          %run_scoped3A = tpu.sem_alloc : memref<!tpu.dma_semaphore, #tpu.memory_space<semaphore_mem>>
          %dma_start3A_342 = tpu.memref_slice %arg3[%mul3A_335, %mul3A_293] : memref<200x4096xi32, #tpu.memory_space<hbm>> -> memref<8x256xi32, #tpu.memory_space<hbm>>
          %dma_start3A_343 = tpu.memref_slice %arg3[%mul3A_335, %mul3A_293] : memref<200x4096xi32, #tpu.memory_space<hbm>> -> memref<8x256xi32, #tpu.memory_space<hbm>>
          tpu.enqueue_dma source(%dma_start3A_343 : memref<8x256xi32, #tpu.memory_space<hbm>>) target(%arg9 : memref<8x256xi32, #tpu.memory_space<vmem>>) target_semaphore(%run_scoped3A : memref<!tpu.dma_semaphore, #tpu.memory_space<semaphore_mem>>)
          %dma_wait3A_344 = tpu.memref_slice %arg3[%mul3A_335, %mul3A_293] : memref<200x4096xi32, #tpu.memory_space<hbm>> -> memref<8x256xi32, #tpu.memory_space<hbm>>
          %dma_wait3A_345 = tpu.memref_slice %arg3[%mul3A_335, %mul3A_293] : memref<200x4096xi32, #tpu.memory_space<hbm>> -> memref<8x256xi32, #tpu.memory_space<hbm>>
          tpu.wait_dma2 semaphore(%run_scoped3A : memref<!tpu.dma_semaphore, #tpu.memory_space<semaphore_mem>>) src(%dma_wait3A_345 : memref<8x256xi32, #tpu.memory_space<hbm>>) dst(%arg9 : memref<8x256xi32, #tpu.memory_space<vmem>>)
          tpu.yield
        }) : () -> ()
        %parallel_loop3A_336 = arith.constant 0 : i32
        %parallel_loop3A_337 = arith.constant 16 : i32
        %parallel_loop3A_338 = arith.constant 1 : i32
        scf.for %parallel_loop3A_342 = %parallel_loop3A_336 to %parallel_loop3A_337 step %parallel_loop3A_338  : i32 {
          %parallel_loop3A_343 = arith.constant 16 : i32
          %parallel_loop3A_344 = arith.muli %parallel_loop3A_342, %parallel_loop3A_343 : i32
          %parallel_loop3A_345 = arith.index_cast %select_n3A_309 : i32 to index
          %parallel_loop3A_346 = arith.index_cast %parallel_loop3A_344 : i32 to index
          %parallel_loop3A_347 = tpu.vector_load %arg9[%parallel_loop3A_345, %parallel_loop3A_346] {strides = array<i32>} : memref<8x256xi32, #tpu.memory_space<vmem>>, vector<16xi32>,
          %parallel_loop3A_348 = arith.constant 2 : i32
          %parallel_loop3A_349 = vector.broadcast %parallel_loop3A_348 : i32 to vector<16xi32>
          %parallel_loop3A_350 = arith.shrsi %parallel_loop3A_347, %parallel_loop3A_349 : vector<16xi32>
          %parallel_loop3A_351 = arith.constant 16 : i32
          %parallel_loop3A_352 = arith.muli %parallel_loop3A_342, %parallel_loop3A_351 : i32
          %parallel_loop3A_353 = arith.index_cast %parallel_loop3A_352 : i32 to index
          %parallel_loop3A_354 = tpu.vector_load %arg10[%parallel_loop3A_353] {strides = array<i32>} : memref<256xi32, #tpu.memory_space<vmem>>, vector<16xi32>,
          tpu.vector_store %arg10[%parallel_loop3A_353], %parallel_loop3A_350 {strides = array<i32>} : memref<256xi32, #tpu.memory_space<vmem>>, vector<16xi32>,
          %parallel_loop3A_355 = arith.constant 3 : i32
          %parallel_loop3A_356 = vector.broadcast %parallel_loop3A_355 : i32 to vector<16xi32>
          %parallel_loop3A_357 = arith.andi %parallel_loop3A_347, %parallel_loop3A_356 : vector<16xi32>
          %parallel_loop3A_358 = arith.constant 32 : i32
          %parallel_loop3A_359 = vector.broadcast %parallel_loop3A_358 : i32 to vector<16xi32>
          %parallel_loop3A_360 = arith.muli %parallel_loop3A_357, %parallel_loop3A_359 : vector<16xi32>
          %parallel_loop3A_361 = arith.constant 16 : i32
          %parallel_loop3A_362 = arith.muli %parallel_loop3A_342, %parallel_loop3A_361 : i32
          %parallel_loop3A_363 = arith.index_cast %parallel_loop3A_362 : i32 to index
          %parallel_loop3A_364 = tpu.vector_load %arg12[%parallel_loop3A_363] {strides = array<i32>} : memref<256xi32, #tpu.memory_space<vmem>>, vector<16xi32>,
          tpu.vector_store %arg12[%parallel_loop3A_363], %parallel_loop3A_360 {strides = array<i32>} : memref<256xi32, #tpu.memory_space<vmem>>, vector<16xi32>,
        } {sc.loop_unroll_factor = 2 : i64, sc.parallel_access}
        %dma_start3A_339 = arith.constant 0 : i32
        %dma_start3A_340 = arith.constant 0 : i32
        %dma_start3A_341 = tpu.memref_slice %arg2[%dma_start3A_339, %dma_start3A_340] : memref<250000x128xf32, #tpu.memory_space<hbm>> -> memref<250000x128xf32, #tpu.memory_space<hbm>>
        tpu.enqueue_indirect_dma source(%dma_start3A_341 : memref<250000x128xf32, #tpu.memory_space<hbm>>) target(%arg5 : memref<256x128xf32, #tpu.memory_space<vmem>>) offsets(%arg10 : memref<256xi32, #tpu.memory_space<vmem>>) semaphore(%arg14 : memref<!tpu.dma_semaphore, #tpu.memory_space<semaphore_mem>>)
      } else {
      }
      %dma_wait3A_185 = arith.constant 0 : i32
      %dma_wait3A_186 = arith.constant 0 : i32
      %dma_wait3A_187 = tpu.memref_slice %arg2[%dma_wait3A_185, %dma_wait3A_186] : memref<250000x128xf32, #tpu.memory_space<hbm>> -> memref<250000x128xf32, #tpu.memory_space<hbm>>
      tpu.wait_indirect_dma semaphore(%arg15 : memref<!tpu.dma_semaphore, #tpu.memory_space<semaphore_mem>>) src(%dma_wait3A_187 : memref<250000x128xf32, #tpu.memory_space<hbm>>) dst(%arg6 : memref<256x128xf32, #tpu.memory_space<vmem>>)
      %ge3A_188 = arith.constant 2 : i32
      %ge3A_189 = arith.cmpi sge, %add3A_177, %ge3A_188 : i32
      %convert_element_type3A_190 = arith.extui %ge3A_189 : i1 to i32
      %cond3A_191 = arith.constant 0 : i32
      %cond3A_192 = arith.cmpi ne, %convert_element_type3A_190, %cond3A_191 : i32
      scf.if %cond3A_192 {
        %dma_wait3A_247 = arith.constant 0 : i32
        %dma_wait3A_248 = arith.constant 0 : i32
        %dma_wait3A_249 = arith.constant 0 : i32
        %dma_wait3A_250 = tpu.memref_slice %arg4[%dma_wait3A_247, %dma_wait3A_248, %dma_wait3A_249] : memref<200x32x4096xf32, #tpu.memory_space<hbm>> -> memref<1x32x256xf32, #tpu.memory_space<hbm>>
        %dma_wait3A_251 = tpu.memref_squeeze %dma_wait3A_250 : memref<1x32x256xf32, #tpu.memory_space<hbm>> -> memref<32x256xf32, #tpu.memory_space<hbm>>
        %dma_wait3A_252 = arith.constant 0 : i32
        %dma_wait3A_253 = arith.constant 0 : i32
        %dma_wait3A_254 = tpu.memref_slice %arg4[%dma_wait3A_247, %dma_wait3A_252, %dma_wait3A_253] : memref<200x32x4096xf32, #tpu.memory_space<hbm>> -> memref<1x32x256xf32, #tpu.memory_space<hbm>>
        %dma_wait3A_255 = tpu.memref_squeeze %dma_wait3A_254 : memref<1x32x256xf32, #tpu.memory_space<hbm>> -> memref<32x256xf32, #tpu.memory_space<hbm>>
        tpu.wait_dma2 semaphore(%arg17 : memref<!tpu.dma_semaphore, #tpu.memory_space<semaphore_mem>>) src(%arg8 : memref<32x256xf32, #tpu.memory_space<vmem>>) dst(%dma_wait3A_255 : memref<32x256xf32, #tpu.memory_space<hbm>>)
      } else {
      }
      %parallel_loop3A_193 = arith.constant 0 : i32
      %parallel_loop3A_194 = arith.constant 16 : i32
      %parallel_loop3A_195 = arith.constant 1 : i32
      scf.for %parallel_loop3A_247 = %parallel_loop3A_193 to %parallel_loop3A_194 step %parallel_loop3A_195  : i32 {
        %parallel_loop3A_248 = arith.constant 16 : i32
        %parallel_loop3A_249 = arith.muli %parallel_loop3A_247, %parallel_loop3A_248 : i32
        %parallel_loop3A_250 = vector.broadcast %parallel_loop3A_249 : i32 to vector<16xi32>
        %parallel_loop3A_251 = arith.addi %iota3A, %parallel_loop3A_250 : vector<16xi32>
        %parallel_loop3A_252 = arith.constant 16 : i32
        %parallel_loop3A_253 = arith.muli %parallel_loop3A_247, %parallel_loop3A_252 : i32
        %parallel_loop3A_254 = arith.index_cast %parallel_loop3A_253 : i32 to index
        %parallel_loop3A_255 = tpu.vector_load %arg13[%parallel_loop3A_254] {strides = array<i32>} : memref<256xi32, #tpu.memory_space<vmem>>, vector<16xi32>,
        %parallel_loop3A_256 = arith.constant 0 : i32
        %parallel_loop3A_257 = vector.broadcast %parallel_loop3A_256 : i32 to vector<16xi32>
        %parallel_loop3A_258 = arith.addi %parallel_loop3A_255, %parallel_loop3A_257 : vector<16xi32>
        %parallel_loop3A_259 = tpu.vector_load_idx %arg6[%parallel_loop3A_251, %parallel_loop3A_258] : memref<256x128xf32, #tpu.memory_space<vmem>>[vector<16xi32>, vector<16xi32>], vector<16xf32>,
        %parallel_loop3A_260 = arith.constant 16 : i32
        %parallel_loop3A_261 = arith.muli %parallel_loop3A_247, %parallel_loop3A_260 : i32
        %parallel_loop3A_262 = arith.constant 0 : i32
        %parallel_loop3A_263 = arith.index_cast %parallel_loop3A_262 : i32 to index
        %parallel_loop3A_264 = arith.index_cast %parallel_loop3A_261 : i32 to index
        %parallel_loop3A_265 = tpu.vector_load %arg8[%parallel_loop3A_263, %parallel_loop3A_264] {strides = array<i32>} : memref<32x256xf32, #tpu.memory_space<vmem>>, vector<16xf32>,
        tpu.vector_store %arg8[%parallel_loop3A_263, %parallel_loop3A_264], %parallel_loop3A_259 {strides = array<i32>} : memref<32x256xf32, #tpu.memory_space<vmem>>, vector<16xf32>,
        %parallel_loop3A_266 = arith.constant 1 : i32
        %parallel_loop3A_267 = vector.broadcast %parallel_loop3A_266 : i32 to vector<16xi32>
        %parallel_loop3A_268 = arith.addi %parallel_loop3A_255, %parallel_loop3A_267 : vector<16xi32>
        %parallel_loop3A_269 = tpu.vector_load_idx %arg6[%parallel_loop3A_251, %parallel_loop3A_268] : memref<256x128xf32, #tpu.memory_space<vmem>>[vector<16xi32>, vector<16xi32>], vector<16xf32>,
        %parallel_loop3A_270 = arith.constant 16 : i32
        %parallel_loop3A_271 = arith.muli %parallel_loop3A_247, %parallel_loop3A_270 : i32
        %parallel_loop3A_272 = arith.constant 1 : i32
        %parallel_loop3A_273 = arith.index_cast %parallel_loop3A_272 : i32 to index
        %parallel_loop3A_274 = arith.index_cast %parallel_loop3A_271 : i32 to index
        %parallel_loop3A_275 = tpu.vector_load %arg8[%parallel_loop3A_273, %parallel_loop3A_274] {strides = array<i32>} : memref<32x256xf32, #tpu.memory_space<vmem>>, vector<16xf32>,
        tpu.vector_store %arg8[%parallel_loop3A_273, %parallel_loop3A_274], %parallel_loop3A_269 {strides = array<i32>} : memref<32x256xf32, #tpu.memory_space<vmem>>, vector<16xf32>,
        %parallel_loop3A_276 = arith.constant 2 : i32
        %parallel_loop3A_277 = vector.broadcast %parallel_loop3A_276 : i32 to vector<16xi32>
        %parallel_loop3A_278 = arith.addi %parallel_loop3A_255, %parallel_loop3A_277 : vector<16xi32>
        %parallel_loop3A_279 = tpu.vector_load_idx %arg6[%parallel_loop3A_251, %parallel_loop3A_278] : memref<256x128xf32, #tpu.memory_space<vmem>>[vector<16xi32>, vector<16xi32>], vector<16xf32>,
        %parallel_loop3A_280 = arith.constant 16 : i32
        %parallel_loop3A_281 = arith.muli %parallel_loop3A_247, %parallel_loop3A_280 : i32
        %parallel_loop3A_282 = arith.constant 2 : i32
        %parallel_loop3A_283 = arith.index_cast %parallel_loop3A_282 : i32 to index
        %parallel_loop3A_284 = arith.index_cast %parallel_loop3A_281 : i32 to index
        %parallel_loop3A_285 = tpu.vector_load %arg8[%parallel_loop3A_283, %parallel_loop3A_284] {strides = array<i32>} : memref<32x256xf32, #tpu.memory_space<vmem>>, vector<16xf32>,
        tpu.vector_store %arg8[%parallel_loop3A_283, %parallel_loop3A_284], %parallel_loop3A_279 {strides = array<i32>} : memref<32x256xf32, #tpu.memory_space<vmem>>, vector<16xf32>,
        %parallel_loop3A_286 = arith.constant 3 : i32
        %parallel_loop3A_287 = vector.broadcast %parallel_loop3A_286 : i32 to vector<16xi32>
        %parallel_loop3A_288 = arith.addi %parallel_loop3A_255, %parallel_loop3A_287 : vector<16xi32>
        %parallel_loop3A_289 = tpu.vector_load_idx %arg6[%parallel_loop3A_251, %parallel_loop3A_288] : memref<256x128xf32, #tpu.memory_space<vmem>>[vector<16xi32>, vector<16xi32>], vector<16xf32>,
        %parallel_loop3A_290 = arith.constant 16 : i32
        %parallel_loop3A_291 = arith.muli %parallel_loop3A_247, %parallel_loop3A_290 : i32
        %parallel_loop3A_292 = arith.constant 3 : i32
        %parallel_loop3A_293 = arith.index_cast %parallel_loop3A_292 : i32 to index
        %parallel_loop3A_294 = arith.index_cast %parallel_loop3A_291 : i32 to index
        %parallel_loop3A_295 = tpu.vector_load %arg8[%parallel_loop3A_293, %parallel_loop3A_294] {strides = array<i32>} : memref<32x256xf32, #tpu.memory_space<vmem>>, vector<16xf32>,
        tpu.vector_store %arg8[%parallel_loop3A_293, %parallel_loop3A_294], %parallel_loop3A_289 {strides = array<i32>} : memref<32x256xf32, #tpu.memory_space<vmem>>, vector<16xf32>,
        %parallel_loop3A_296 = arith.constant 4 : i32
        %parallel_loop3A_297 = vector.broadcast %parallel_loop3A_296 : i32 to vector<16xi32>
        %parallel_loop3A_298 = arith.addi %parallel_loop3A_255, %parallel_loop3A_297 : vector<16xi32>
        %parallel_loop3A_299 = tpu.vector_load_idx %arg6[%parallel_loop3A_251, %parallel_loop3A_298] : memref<256x128xf32, #tpu.memory_space<vmem>>[vector<16xi32>, vector<16xi32>], vector<16xf32>,
        %parallel_loop3A_300 = arith.constant 16 : i32
        %parallel_loop3A_301 = arith.muli %parallel_loop3A_247, %parallel_loop3A_300 : i32
        %parallel_loop3A_302 = arith.constant 4 : i32
        %parallel_loop3A_303 = arith.index_cast %parallel_loop3A_302 : i32 to index
        %parallel_loop3A_304 = arith.index_cast %parallel_loop3A_301 : i32 to index
        %parallel_loop3A_305 = tpu.vector_load %arg8[%parallel_loop3A_303, %parallel_loop3A_304] {strides = array<i32>} : memref<32x256xf32, #tpu.memory_space<vmem>>, vector<16xf32>,
        tpu.vector_store %arg8[%parallel_loop3A_303, %parallel_loop3A_304], %parallel_loop3A_299 {strides = array<i32>} : memref<32x256xf32, #tpu.memory_space<vmem>>, vector<16xf32>,
        %parallel_loop3A_306 = arith.constant 5 : i32
        %parallel_loop3A_307 = vector.broadcast %parallel_loop3A_306 : i32 to vector<16xi32>
        %parallel_loop3A_308 = arith.addi %parallel_loop3A_255, %parallel_loop3A_307 : vector<16xi32>
        %parallel_loop3A_309 = tpu.vector_load_idx %arg6[%parallel_loop3A_251, %parallel_loop3A_308] : memref<256x128xf32, #tpu.memory_space<vmem>>[vector<16xi32>, vector<16xi32>], vector<16xf32>,
        %parallel_loop3A_310 = arith.constant 16 : i32
        %parallel_loop3A_311 = arith.muli %parallel_loop3A_247, %parallel_loop3A_310 : i32
        %parallel_loop3A_312 = arith.constant 5 : i32
        %parallel_loop3A_313 = arith.index_cast %parallel_loop3A_312 : i32 to index
        %parallel_loop3A_314 = arith.index_cast %parallel_loop3A_311 : i32 to index
        %parallel_loop3A_315 = tpu.vector_load %arg8[%parallel_loop3A_313, %parallel_loop3A_314] {strides = array<i32>} : memref<32x256xf32, #tpu.memory_space<vmem>>, vector<16xf32>,
        tpu.vector_store %arg8[%parallel_loop3A_313, %parallel_loop3A_314], %parallel_loop3A_309 {strides = array<i32>} : memref<32x256xf32, #tpu.memory_space<vmem>>, vector<16xf32>,
        %parallel_loop3A_316 = arith.constant 6 : i32
        %parallel_loop3A_317 = vector.broadcast %parallel_loop3A_316 : i32 to vector<16xi32>
        %parallel_loop3A_318 = arith.addi %parallel_loop3A_255, %parallel_loop3A_317 : vector<16xi32>
        %parallel_loop3A_319 = tpu.vector_load_idx %arg6[%parallel_loop3A_251, %parallel_loop3A_318] : memref<256x128xf32, #tpu.memory_space<vmem>>[vector<16xi32>, vector<16xi32>], vector<16xf32>,
        %parallel_loop3A_320 = arith.constant 16 : i32
        %parallel_loop3A_321 = arith.muli %parallel_loop3A_247, %parallel_loop3A_320 : i32
        %parallel_loop3A_322 = arith.constant 6 : i32
        %parallel_loop3A_323 = arith.index_cast %parallel_loop3A_322 : i32 to index
        %parallel_loop3A_324 = arith.index_cast %parallel_loop3A_321 : i32 to index
        %parallel_loop3A_325 = tpu.vector_load %arg8[%parallel_loop3A_323, %parallel_loop3A_324] {strides = array<i32>} : memref<32x256xf32, #tpu.memory_space<vmem>>, vector<16xf32>,
        tpu.vector_store %arg8[%parallel_loop3A_323, %parallel_loop3A_324], %parallel_loop3A_319 {strides = array<i32>} : memref<32x256xf32, #tpu.memory_space<vmem>>, vector<16xf32>,
        %parallel_loop3A_326 = arith.constant 7 : i32
        %parallel_loop3A_327 = vector.broadcast %parallel_loop3A_326 : i32 to vector<16xi32>
        %parallel_loop3A_328 = arith.addi %parallel_loop3A_255, %parallel_loop3A_327 : vector<16xi32>
        %parallel_loop3A_329 = tpu.vector_load_idx %arg6[%parallel_loop3A_251, %parallel_loop3A_328] : memref<256x128xf32, #tpu.memory_space<vmem>>[vector<16xi32>, vector<16xi32>], vector<16xf32>,
        %parallel_loop3A_330 = arith.constant 16 : i32
        %parallel_loop3A_331 = arith.muli %parallel_loop3A_247, %parallel_loop3A_330 : i32
        %parallel_loop3A_332 = arith.constant 7 : i32
        %parallel_loop3A_333 = arith.index_cast %parallel_loop3A_332 : i32 to index
        %parallel_loop3A_334 = arith.index_cast %parallel_loop3A_331 : i32 to index
        %parallel_loop3A_335 = tpu.vector_load %arg8[%parallel_loop3A_333, %parallel_loop3A_334] {strides = array<i32>} : memref<32x256xf32, #tpu.memory_space<vmem>>, vector<16xf32>,
        tpu.vector_store %arg8[%parallel_loop3A_333, %parallel_loop3A_334], %parallel_loop3A_329 {strides = array<i32>} : memref<32x256xf32, #tpu.memory_space<vmem>>, vector<16xf32>,
        %parallel_loop3A_336 = arith.constant 8 : i32
        %parallel_loop3A_337 = vector.broadcast %parallel_loop3A_336 : i32 to vector<16xi32>
        %parallel_loop3A_338 = arith.addi %parallel_loop3A_255, %parallel_loop3A_337 : vector<16xi32>
        %parallel_loop3A_339 = tpu.vector_load_idx %arg6[%parallel_loop3A_251, %parallel_loop3A_338] : memref<256x128xf32, #tpu.memory_space<vmem>>[vector<16xi32>, vector<16xi32>], vector<16xf32>,
        %parallel_loop3A_340 = arith.constant 16 : i32
        %parallel_loop3A_341 = arith.muli %parallel_loop3A_247, %parallel_loop3A_340 : i32
        %parallel_loop3A_342 = arith.constant 8 : i32
        %parallel_loop3A_343 = arith.index_cast %parallel_loop3A_342 : i32 to index
        %parallel_loop3A_344 = arith.index_cast %parallel_loop3A_341 : i32 to index
        %parallel_loop3A_345 = tpu.vector_load %arg8[%parallel_loop3A_343, %parallel_loop3A_344] {strides = array<i32>} : memref<32x256xf32, #tpu.memory_space<vmem>>, vector<16xf32>,
        tpu.vector_store %arg8[%parallel_loop3A_343, %parallel_loop3A_344], %parallel_loop3A_339 {strides = array<i32>} : memref<32x256xf32, #tpu.memory_space<vmem>>, vector<16xf32>,
        %parallel_loop3A_346 = arith.constant 9 : i32
        %parallel_loop3A_347 = vector.broadcast %parallel_loop3A_346 : i32 to vector<16xi32>
        %parallel_loop3A_348 = arith.addi %parallel_loop3A_255, %parallel_loop3A_347 : vector<16xi32>
        %parallel_loop3A_349 = tpu.vector_load_idx %arg6[%parallel_loop3A_251, %parallel_loop3A_348] : memref<256x128xf32, #tpu.memory_space<vmem>>[vector<16xi32>, vector<16xi32>], vector<16xf32>,
        %parallel_loop3A_350 = arith.constant 16 : i32
        %parallel_loop3A_351 = arith.muli %parallel_loop3A_247, %parallel_loop3A_350 : i32
        %parallel_loop3A_352 = arith.constant 9 : i32
        %parallel_loop3A_353 = arith.index_cast %parallel_loop3A_352 : i32 to index
        %parallel_loop3A_354 = arith.index_cast %parallel_loop3A_351 : i32 to index
        %parallel_loop3A_355 = tpu.vector_load %arg8[%parallel_loop3A_353, %parallel_loop3A_354] {strides = array<i32>} : memref<32x256xf32, #tpu.memory_space<vmem>>, vector<16xf32>,
        tpu.vector_store %arg8[%parallel_loop3A_353, %parallel_loop3A_354], %parallel_loop3A_349 {strides = array<i32>} : memref<32x256xf32, #tpu.memory_space<vmem>>, vector<16xf32>,
        %parallel_loop3A_356 = arith.constant 10 : i32
        %parallel_loop3A_357 = vector.broadcast %parallel_loop3A_356 : i32 to vector<16xi32>
        %parallel_loop3A_358 = arith.addi %parallel_loop3A_255, %parallel_loop3A_357 : vector<16xi32>
        %parallel_loop3A_359 = tpu.vector_load_idx %arg6[%parallel_loop3A_251, %parallel_loop3A_358] : memref<256x128xf32, #tpu.memory_space<vmem>>[vector<16xi32>, vector<16xi32>], vector<16xf32>,
        %parallel_loop3A_360 = arith.constant 16 : i32
        %parallel_loop3A_361 = arith.muli %parallel_loop3A_247, %parallel_loop3A_360 : i32
        %parallel_loop3A_362 = arith.constant 10 : i32
        %parallel_loop3A_363 = arith.index_cast %parallel_loop3A_362 : i32 to index
        %parallel_loop3A_364 = arith.index_cast %parallel_loop3A_361 : i32 to index
        %parallel_loop3A_365 = tpu.vector_load %arg8[%parallel_loop3A_363, %parallel_loop3A_364] {strides = array<i32>} : memref<32x256xf32, #tpu.memory_space<vmem>>, vector<16xf32>,
        tpu.vector_store %arg8[%parallel_loop3A_363, %parallel_loop3A_364], %parallel_loop3A_359 {strides = array<i32>} : memref<32x256xf32, #tpu.memory_space<vmem>>, vector<16xf32>,
        %parallel_loop3A_366 = arith.constant 11 : i32
        %parallel_loop3A_367 = vector.broadcast %parallel_loop3A_366 : i32 to vector<16xi32>
        %parallel_loop3A_368 = arith.addi %parallel_loop3A_255, %parallel_loop3A_367 : vector<16xi32>
        %parallel_loop3A_369 = tpu.vector_load_idx %arg6[%parallel_loop3A_251, %parallel_loop3A_368] : memref<256x128xf32, #tpu.memory_space<vmem>>[vector<16xi32>, vector<16xi32>], vector<16xf32>,
        %parallel_loop3A_370 = arith.constant 16 : i32
        %parallel_loop3A_371 = arith.muli %parallel_loop3A_247, %parallel_loop3A_370 : i32
        %parallel_loop3A_372 = arith.constant 11 : i32
        %parallel_loop3A_373 = arith.index_cast %parallel_loop3A_372 : i32 to index
        %parallel_loop3A_374 = arith.index_cast %parallel_loop3A_371 : i32 to index
        %parallel_loop3A_375 = tpu.vector_load %arg8[%parallel_loop3A_373, %parallel_loop3A_374] {strides = array<i32>} : memref<32x256xf32, #tpu.memory_space<vmem>>, vector<16xf32>,
        tpu.vector_store %arg8[%parallel_loop3A_373, %parallel_loop3A_374], %parallel_loop3A_369 {strides = array<i32>} : memref<32x256xf32, #tpu.memory_space<vmem>>, vector<16xf32>,
        %parallel_loop3A_376 = arith.constant 12 : i32
        %parallel_loop3A_377 = vector.broadcast %parallel_loop3A_376 : i32 to vector<16xi32>
        %parallel_loop3A_378 = arith.addi %parallel_loop3A_255, %parallel_loop3A_377 : vector<16xi32>
        %parallel_loop3A_379 = tpu.vector_load_idx %arg6[%parallel_loop3A_251, %parallel_loop3A_378] : memref<256x128xf32, #tpu.memory_space<vmem>>[vector<16xi32>, vector<16xi32>], vector<16xf32>,
        %parallel_loop3A_380 = arith.constant 16 : i32
        %parallel_loop3A_381 = arith.muli %parallel_loop3A_247, %parallel_loop3A_380 : i32
        %parallel_loop3A_382 = arith.constant 12 : i32
        %parallel_loop3A_383 = arith.index_cast %parallel_loop3A_382 : i32 to index
        %parallel_loop3A_384 = arith.index_cast %parallel_loop3A_381 : i32 to index
        %parallel_loop3A_385 = tpu.vector_load %arg8[%parallel_loop3A_383, %parallel_loop3A_384] {strides = array<i32>} : memref<32x256xf32, #tpu.memory_space<vmem>>, vector<16xf32>,
        tpu.vector_store %arg8[%parallel_loop3A_383, %parallel_loop3A_384], %parallel_loop3A_379 {strides = array<i32>} : memref<32x256xf32, #tpu.memory_space<vmem>>, vector<16xf32>,
        %parallel_loop3A_386 = arith.constant 13 : i32
        %parallel_loop3A_387 = vector.broadcast %parallel_loop3A_386 : i32 to vector<16xi32>
        %parallel_loop3A_388 = arith.addi %parallel_loop3A_255, %parallel_loop3A_387 : vector<16xi32>
        %parallel_loop3A_389 = tpu.vector_load_idx %arg6[%parallel_loop3A_251, %parallel_loop3A_388] : memref<256x128xf32, #tpu.memory_space<vmem>>[vector<16xi32>, vector<16xi32>], vector<16xf32>,
        %parallel_loop3A_390 = arith.constant 16 : i32
        %parallel_loop3A_391 = arith.muli %parallel_loop3A_247, %parallel_loop3A_390 : i32
        %parallel_loop3A_392 = arith.constant 13 : i32
        %parallel_loop3A_393 = arith.index_cast %parallel_loop3A_392 : i32 to index
        %parallel_loop3A_394 = arith.index_cast %parallel_loop3A_391 : i32 to index
        %parallel_loop3A_395 = tpu.vector_load %arg8[%parallel_loop3A_393, %parallel_loop3A_394] {strides = array<i32>} : memref<32x256xf32, #tpu.memory_space<vmem>>, vector<16xf32>,
        tpu.vector_store %arg8[%parallel_loop3A_393, %parallel_loop3A_394], %parallel_loop3A_389 {strides = array<i32>} : memref<32x256xf32, #tpu.memory_space<vmem>>, vector<16xf32>,
        %parallel_loop3A_396 = arith.constant 14 : i32
        %parallel_loop3A_397 = vector.broadcast %parallel_loop3A_396 : i32 to vector<16xi32>
        %parallel_loop3A_398 = arith.addi %parallel_loop3A_255, %parallel_loop3A_397 : vector<16xi32>
        %parallel_loop3A_399 = tpu.vector_load_idx %arg6[%parallel_loop3A_251, %parallel_loop3A_398] : memref<256x128xf32, #tpu.memory_space<vmem>>[vector<16xi32>, vector<16xi32>], vector<16xf32>,
        %parallel_loop3A_400 = arith.constant 16 : i32
        %parallel_loop3A_401 = arith.muli %parallel_loop3A_247, %parallel_loop3A_400 : i32
        %parallel_loop3A_402 = arith.constant 14 : i32
        %parallel_loop3A_403 = arith.index_cast %parallel_loop3A_402 : i32 to index
        %parallel_loop3A_404 = arith.index_cast %parallel_loop3A_401 : i32 to index
        %parallel_loop3A_405 = tpu.vector_load %arg8[%parallel_loop3A_403, %parallel_loop3A_404] {strides = array<i32>} : memref<32x256xf32, #tpu.memory_space<vmem>>, vector<16xf32>,
        tpu.vector_store %arg8[%parallel_loop3A_403, %parallel_loop3A_404], %parallel_loop3A_399 {strides = array<i32>} : memref<32x256xf32, #tpu.memory_space<vmem>>, vector<16xf32>,
        %parallel_loop3A_406 = arith.constant 15 : i32
        %parallel_loop3A_407 = vector.broadcast %parallel_loop3A_406 : i32 to vector<16xi32>
        %parallel_loop3A_408 = arith.addi %parallel_loop3A_255, %parallel_loop3A_407 : vector<16xi32>
        %parallel_loop3A_409 = tpu.vector_load_idx %arg6[%parallel_loop3A_251, %parallel_loop3A_408] : memref<256x128xf32, #tpu.memory_space<vmem>>[vector<16xi32>, vector<16xi32>], vector<16xf32>,
        %parallel_loop3A_410 = arith.constant 16 : i32
        %parallel_loop3A_411 = arith.muli %parallel_loop3A_247, %parallel_loop3A_410 : i32
        %parallel_loop3A_412 = arith.constant 15 : i32
        %parallel_loop3A_413 = arith.index_cast %parallel_loop3A_412 : i32 to index
        %parallel_loop3A_414 = arith.index_cast %parallel_loop3A_411 : i32 to index
        %parallel_loop3A_415 = tpu.vector_load %arg8[%parallel_loop3A_413, %parallel_loop3A_414] {strides = array<i32>} : memref<32x256xf32, #tpu.memory_space<vmem>>, vector<16xf32>,
        tpu.vector_store %arg8[%parallel_loop3A_413, %parallel_loop3A_414], %parallel_loop3A_409 {strides = array<i32>} : memref<32x256xf32, #tpu.memory_space<vmem>>, vector<16xf32>,
        %parallel_loop3A_416 = arith.constant 16 : i32
        %parallel_loop3A_417 = vector.broadcast %parallel_loop3A_416 : i32 to vector<16xi32>
        %parallel_loop3A_418 = arith.addi %parallel_loop3A_255, %parallel_loop3A_417 : vector<16xi32>
        %parallel_loop3A_419 = tpu.vector_load_idx %arg6[%parallel_loop3A_251, %parallel_loop3A_418] : memref<256x128xf32, #tpu.memory_space<vmem>>[vector<16xi32>, vector<16xi32>], vector<16xf32>,
        %parallel_loop3A_420 = arith.constant 16 : i32
        %parallel_loop3A_421 = arith.muli %parallel_loop3A_247, %parallel_loop3A_420 : i32
        %parallel_loop3A_422 = arith.constant 16 : i32
        %parallel_loop3A_423 = arith.index_cast %parallel_loop3A_422 : i32 to index
        %parallel_loop3A_424 = arith.index_cast %parallel_loop3A_421 : i32 to index
        %parallel_loop3A_425 = tpu.vector_load %arg8[%parallel_loop3A_423, %parallel_loop3A_424] {strides = array<i32>} : memref<32x256xf32, #tpu.memory_space<vmem>>, vector<16xf32>,
        tpu.vector_store %arg8[%parallel_loop3A_423, %parallel_loop3A_424], %parallel_loop3A_419 {strides = array<i32>} : memref<32x256xf32, #tpu.memory_space<vmem>>, vector<16xf32>,
        %parallel_loop3A_426 = arith.constant 17 : i32
        %parallel_loop3A_427 = vector.broadcast %parallel_loop3A_426 : i32 to vector<16xi32>
        %parallel_loop3A_428 = arith.addi %parallel_loop3A_255, %parallel_loop3A_427 : vector<16xi32>
        %parallel_loop3A_429 = tpu.vector_load_idx %arg6[%parallel_loop3A_251, %parallel_loop3A_428] : memref<256x128xf32, #tpu.memory_space<vmem>>[vector<16xi32>, vector<16xi32>], vector<16xf32>,
        %parallel_loop3A_430 = arith.constant 16 : i32
        %parallel_loop3A_431 = arith.muli %parallel_loop3A_247, %parallel_loop3A_430 : i32
        %parallel_loop3A_432 = arith.constant 17 : i32
        %parallel_loop3A_433 = arith.index_cast %parallel_loop3A_432 : i32 to index
        %parallel_loop3A_434 = arith.index_cast %parallel_loop3A_431 : i32 to index
        %parallel_loop3A_435 = tpu.vector_load %arg8[%parallel_loop3A_433, %parallel_loop3A_434] {strides = array<i32>} : memref<32x256xf32, #tpu.memory_space<vmem>>, vector<16xf32>,
        tpu.vector_store %arg8[%parallel_loop3A_433, %parallel_loop3A_434], %parallel_loop3A_429 {strides = array<i32>} : memref<32x256xf32, #tpu.memory_space<vmem>>, vector<16xf32>,
        %parallel_loop3A_436 = arith.constant 18 : i32
        %parallel_loop3A_437 = vector.broadcast %parallel_loop3A_436 : i32 to vector<16xi32>
        %parallel_loop3A_438 = arith.addi %parallel_loop3A_255, %parallel_loop3A_437 : vector<16xi32>
        %parallel_loop3A_439 = tpu.vector_load_idx %arg6[%parallel_loop3A_251, %parallel_loop3A_438] : memref<256x128xf32, #tpu.memory_space<vmem>>[vector<16xi32>, vector<16xi32>], vector<16xf32>,
        %parallel_loop3A_440 = arith.constant 16 : i32
        %parallel_loop3A_441 = arith.muli %parallel_loop3A_247, %parallel_loop3A_440 : i32
        %parallel_loop3A_442 = arith.constant 18 : i32
        %parallel_loop3A_443 = arith.index_cast %parallel_loop3A_442 : i32 to index
        %parallel_loop3A_444 = arith.index_cast %parallel_loop3A_441 : i32 to index
        %parallel_loop3A_445 = tpu.vector_load %arg8[%parallel_loop3A_443, %parallel_loop3A_444] {strides = array<i32>} : memref<32x256xf32, #tpu.memory_space<vmem>>, vector<16xf32>,
        tpu.vector_store %arg8[%parallel_loop3A_443, %parallel_loop3A_444], %parallel_loop3A_439 {strides = array<i32>} : memref<32x256xf32, #tpu.memory_space<vmem>>, vector<16xf32>,
        %parallel_loop3A_446 = arith.constant 19 : i32
        %parallel_loop3A_447 = vector.broadcast %parallel_loop3A_446 : i32 to vector<16xi32>
        %parallel_loop3A_448 = arith.addi %parallel_loop3A_255, %parallel_loop3A_447 : vector<16xi32>
        %parallel_loop3A_449 = tpu.vector_load_idx %arg6[%parallel_loop3A_251, %parallel_loop3A_448] : memref<256x128xf32, #tpu.memory_space<vmem>>[vector<16xi32>, vector<16xi32>], vector<16xf32>,
        %parallel_loop3A_450 = arith.constant 16 : i32
        %parallel_loop3A_451 = arith.muli %parallel_loop3A_247, %parallel_loop3A_450 : i32
        %parallel_loop3A_452 = arith.constant 19 : i32
        %parallel_loop3A_453 = arith.index_cast %parallel_loop3A_452 : i32 to index
        %parallel_loop3A_454 = arith.index_cast %parallel_loop3A_451 : i32 to index
        %parallel_loop3A_455 = tpu.vector_load %arg8[%parallel_loop3A_453, %parallel_loop3A_454] {strides = array<i32>} : memref<32x256xf32, #tpu.memory_space<vmem>>, vector<16xf32>,
        tpu.vector_store %arg8[%parallel_loop3A_453, %parallel_loop3A_454], %parallel_loop3A_449 {strides = array<i32>} : memref<32x256xf32, #tpu.memory_space<vmem>>, vector<16xf32>,
        %parallel_loop3A_456 = arith.constant 20 : i32
        %parallel_loop3A_457 = vector.broadcast %parallel_loop3A_456 : i32 to vector<16xi32>
        %parallel_loop3A_458 = arith.addi %parallel_loop3A_255, %parallel_loop3A_457 : vector<16xi32>
        %parallel_loop3A_459 = tpu.vector_load_idx %arg6[%parallel_loop3A_251, %parallel_loop3A_458] : memref<256x128xf32, #tpu.memory_space<vmem>>[vector<16xi32>, vector<16xi32>], vector<16xf32>,
        %parallel_loop3A_460 = arith.constant 16 : i32
        %parallel_loop3A_461 = arith.muli %parallel_loop3A_247, %parallel_loop3A_460 : i32
        %parallel_loop3A_462 = arith.constant 20 : i32
        %parallel_loop3A_463 = arith.index_cast %parallel_loop3A_462 : i32 to index
        %parallel_loop3A_464 = arith.index_cast %parallel_loop3A_461 : i32 to index
        %parallel_loop3A_465 = tpu.vector_load %arg8[%parallel_loop3A_463, %parallel_loop3A_464] {strides = array<i32>} : memref<32x256xf32, #tpu.memory_space<vmem>>, vector<16xf32>,
        tpu.vector_store %arg8[%parallel_loop3A_463, %parallel_loop3A_464], %parallel_loop3A_459 {strides = array<i32>} : memref<32x256xf32, #tpu.memory_space<vmem>>, vector<16xf32>,
        %parallel_loop3A_466 = arith.constant 21 : i32
        %parallel_loop3A_467 = vector.broadcast %parallel_loop3A_466 : i32 to vector<16xi32>
        %parallel_loop3A_468 = arith.addi %parallel_loop3A_255, %parallel_loop3A_467 : vector<16xi32>
        %parallel_loop3A_469 = tpu.vector_load_idx %arg6[%parallel_loop3A_251, %parallel_loop3A_468] : memref<256x128xf32, #tpu.memory_space<vmem>>[vector<16xi32>, vector<16xi32>], vector<16xf32>,
        %parallel_loop3A_470 = arith.constant 16 : i32
        %parallel_loop3A_471 = arith.muli %parallel_loop3A_247, %parallel_loop3A_470 : i32
        %parallel_loop3A_472 = arith.constant 21 : i32
        %parallel_loop3A_473 = arith.index_cast %parallel_loop3A_472 : i32 to index
        %parallel_loop3A_474 = arith.index_cast %parallel_loop3A_471 : i32 to index
        %parallel_loop3A_475 = tpu.vector_load %arg8[%parallel_loop3A_473, %parallel_loop3A_474] {strides = array<i32>} : memref<32x256xf32, #tpu.memory_space<vmem>>, vector<16xf32>,
        tpu.vector_store %arg8[%parallel_loop3A_473, %parallel_loop3A_474], %parallel_loop3A_469 {strides = array<i32>} : memref<32x256xf32, #tpu.memory_space<vmem>>, vector<16xf32>,
        %parallel_loop3A_476 = arith.constant 22 : i32
        %parallel_loop3A_477 = vector.broadcast %parallel_loop3A_476 : i32 to vector<16xi32>
        %parallel_loop3A_478 = arith.addi %parallel_loop3A_255, %parallel_loop3A_477 : vector<16xi32>
        %parallel_loop3A_479 = tpu.vector_load_idx %arg6[%parallel_loop3A_251, %parallel_loop3A_478] : memref<256x128xf32, #tpu.memory_space<vmem>>[vector<16xi32>, vector<16xi32>], vector<16xf32>,
        %parallel_loop3A_480 = arith.constant 16 : i32
        %parallel_loop3A_481 = arith.muli %parallel_loop3A_247, %parallel_loop3A_480 : i32
        %parallel_loop3A_482 = arith.constant 22 : i32
        %parallel_loop3A_483 = arith.index_cast %parallel_loop3A_482 : i32 to index
        %parallel_loop3A_484 = arith.index_cast %parallel_loop3A_481 : i32 to index
        %parallel_loop3A_485 = tpu.vector_load %arg8[%parallel_loop3A_483, %parallel_loop3A_484] {strides = array<i32>} : memref<32x256xf32, #tpu.memory_space<vmem>>, vector<16xf32>,
        tpu.vector_store %arg8[%parallel_loop3A_483, %parallel_loop3A_484], %parallel_loop3A_479 {strides = array<i32>} : memref<32x256xf32, #tpu.memory_space<vmem>>, vector<16xf32>,
        %parallel_loop3A_486 = arith.constant 23 : i32
        %parallel_loop3A_487 = vector.broadcast %parallel_loop3A_486 : i32 to vector<16xi32>
        %parallel_loop3A_488 = arith.addi %parallel_loop3A_255, %parallel_loop3A_487 : vector<16xi32>
        %parallel_loop3A_489 = tpu.vector_load_idx %arg6[%parallel_loop3A_251, %parallel_loop3A_488] : memref<256x128xf32, #tpu.memory_space<vmem>>[vector<16xi32>, vector<16xi32>], vector<16xf32>,
        %parallel_loop3A_490 = arith.constant 16 : i32
        %parallel_loop3A_491 = arith.muli %parallel_loop3A_247, %parallel_loop3A_490 : i32
        %parallel_loop3A_492 = arith.constant 23 : i32
        %parallel_loop3A_493 = arith.index_cast %parallel_loop3A_492 : i32 to index
        %parallel_loop3A_494 = arith.index_cast %parallel_loop3A_491 : i32 to index
        %parallel_loop3A_495 = tpu.vector_load %arg8[%parallel_loop3A_493, %parallel_loop3A_494] {strides = array<i32>} : memref<32x256xf32, #tpu.memory_space<vmem>>, vector<16xf32>,
        tpu.vector_store %arg8[%parallel_loop3A_493, %parallel_loop3A_494], %parallel_loop3A_489 {strides = array<i32>} : memref<32x256xf32, #tpu.memory_space<vmem>>, vector<16xf32>,
        %parallel_loop3A_496 = arith.constant 24 : i32
        %parallel_loop3A_497 = vector.broadcast %parallel_loop3A_496 : i32 to vector<16xi32>
        %parallel_loop3A_498 = arith.addi %parallel_loop3A_255, %parallel_loop3A_497 : vector<16xi32>
        %parallel_loop3A_499 = tpu.vector_load_idx %arg6[%parallel_loop3A_251, %parallel_loop3A_498] : memref<256x128xf32, #tpu.memory_space<vmem>>[vector<16xi32>, vector<16xi32>], vector<16xf32>,
        %parallel_loop3A_500 = arith.constant 16 : i32
        %parallel_loop3A_501 = arith.muli %parallel_loop3A_247, %parallel_loop3A_500 : i32
        %parallel_loop3A_502 = arith.constant 24 : i32
        %parallel_loop3A_503 = arith.index_cast %parallel_loop3A_502 : i32 to index
        %parallel_loop3A_504 = arith.index_cast %parallel_loop3A_501 : i32 to index
        %parallel_loop3A_505 = tpu.vector_load %arg8[%parallel_loop3A_503, %parallel_loop3A_504] {strides = array<i32>} : memref<32x256xf32, #tpu.memory_space<vmem>>, vector<16xf32>,
        tpu.vector_store %arg8[%parallel_loop3A_503, %parallel_loop3A_504], %parallel_loop3A_499 {strides = array<i32>} : memref<32x256xf32, #tpu.memory_space<vmem>>, vector<16xf32>,
        %parallel_loop3A_506 = arith.constant 25 : i32
        %parallel_loop3A_507 = vector.broadcast %parallel_loop3A_506 : i32 to vector<16xi32>
        %parallel_loop3A_508 = arith.addi %parallel_loop3A_255, %parallel_loop3A_507 : vector<16xi32>
        %parallel_loop3A_509 = tpu.vector_load_idx %arg6[%parallel_loop3A_251, %parallel_loop3A_508] : memref<256x128xf32, #tpu.memory_space<vmem>>[vector<16xi32>, vector<16xi32>], vector<16xf32>,
        %parallel_loop3A_510 = arith.constant 16 : i32
        %parallel_loop3A_511 = arith.muli %parallel_loop3A_247, %parallel_loop3A_510 : i32
        %parallel_loop3A_512 = arith.constant 25 : i32
        %parallel_loop3A_513 = arith.index_cast %parallel_loop3A_512 : i32 to index
        %parallel_loop3A_514 = arith.index_cast %parallel_loop3A_511 : i32 to index
        %parallel_loop3A_515 = tpu.vector_load %arg8[%parallel_loop3A_513, %parallel_loop3A_514] {strides = array<i32>} : memref<32x256xf32, #tpu.memory_space<vmem>>, vector<16xf32>,
        tpu.vector_store %arg8[%parallel_loop3A_513, %parallel_loop3A_514], %parallel_loop3A_509 {strides = array<i32>} : memref<32x256xf32, #tpu.memory_space<vmem>>, vector<16xf32>,
        %parallel_loop3A_516 = arith.constant 26 : i32
        %parallel_loop3A_517 = vector.broadcast %parallel_loop3A_516 : i32 to vector<16xi32>
        %parallel_loop3A_518 = arith.addi %parallel_loop3A_255, %parallel_loop3A_517 : vector<16xi32>
        %parallel_loop3A_519 = tpu.vector_load_idx %arg6[%parallel_loop3A_251, %parallel_loop3A_518] : memref<256x128xf32, #tpu.memory_space<vmem>>[vector<16xi32>, vector<16xi32>], vector<16xf32>,
        %parallel_loop3A_520 = arith.constant 16 : i32
        %parallel_loop3A_521 = arith.muli %parallel_loop3A_247, %parallel_loop3A_520 : i32
        %parallel_loop3A_522 = arith.constant 26 : i32
        %parallel_loop3A_523 = arith.index_cast %parallel_loop3A_522 : i32 to index
        %parallel_loop3A_524 = arith.index_cast %parallel_loop3A_521 : i32 to index
        %parallel_loop3A_525 = tpu.vector_load %arg8[%parallel_loop3A_523, %parallel_loop3A_524] {strides = array<i32>} : memref<32x256xf32, #tpu.memory_space<vmem>>, vector<16xf32>,
        tpu.vector_store %arg8[%parallel_loop3A_523, %parallel_loop3A_524], %parallel_loop3A_519 {strides = array<i32>} : memref<32x256xf32, #tpu.memory_space<vmem>>, vector<16xf32>,
        %parallel_loop3A_526 = arith.constant 27 : i32
        %parallel_loop3A_527 = vector.broadcast %parallel_loop3A_526 : i32 to vector<16xi32>
        %parallel_loop3A_528 = arith.addi %parallel_loop3A_255, %parallel_loop3A_527 : vector<16xi32>
        %parallel_loop3A_529 = tpu.vector_load_idx %arg6[%parallel_loop3A_251, %parallel_loop3A_528] : memref<256x128xf32, #tpu.memory_space<vmem>>[vector<16xi32>, vector<16xi32>], vector<16xf32>,
        %parallel_loop3A_530 = arith.constant 16 : i32
        %parallel_loop3A_531 = arith.muli %parallel_loop3A_247, %parallel_loop3A_530 : i32
        %parallel_loop3A_532 = arith.constant 27 : i32
        %parallel_loop3A_533 = arith.index_cast %parallel_loop3A_532 : i32 to index
        %parallel_loop3A_534 = arith.index_cast %parallel_loop3A_531 : i32 to index
        %parallel_loop3A_535 = tpu.vector_load %arg8[%parallel_loop3A_533, %parallel_loop3A_534] {strides = array<i32>} : memref<32x256xf32, #tpu.memory_space<vmem>>, vector<16xf32>,
        tpu.vector_store %arg8[%parallel_loop3A_533, %parallel_loop3A_534], %parallel_loop3A_529 {strides = array<i32>} : memref<32x256xf32, #tpu.memory_space<vmem>>, vector<16xf32>,
        %parallel_loop3A_536 = arith.constant 28 : i32
        %parallel_loop3A_537 = vector.broadcast %parallel_loop3A_536 : i32 to vector<16xi32>
        %parallel_loop3A_538 = arith.addi %parallel_loop3A_255, %parallel_loop3A_537 : vector<16xi32>
        %parallel_loop3A_539 = tpu.vector_load_idx %arg6[%parallel_loop3A_251, %parallel_loop3A_538] : memref<256x128xf32, #tpu.memory_space<vmem>>[vector<16xi32>, vector<16xi32>], vector<16xf32>,
        %parallel_loop3A_540 = arith.constant 16 : i32
        %parallel_loop3A_541 = arith.muli %parallel_loop3A_247, %parallel_loop3A_540 : i32
        %parallel_loop3A_542 = arith.constant 28 : i32
        %parallel_loop3A_543 = arith.index_cast %parallel_loop3A_542 : i32 to index
        %parallel_loop3A_544 = arith.index_cast %parallel_loop3A_541 : i32 to index
        %parallel_loop3A_545 = tpu.vector_load %arg8[%parallel_loop3A_543, %parallel_loop3A_544] {strides = array<i32>} : memref<32x256xf32, #tpu.memory_space<vmem>>, vector<16xf32>,
        tpu.vector_store %arg8[%parallel_loop3A_543, %parallel_loop3A_544], %parallel_loop3A_539 {strides = array<i32>} : memref<32x256xf32, #tpu.memory_space<vmem>>, vector<16xf32>,
        %parallel_loop3A_546 = arith.constant 29 : i32
        %parallel_loop3A_547 = vector.broadcast %parallel_loop3A_546 : i32 to vector<16xi32>
        %parallel_loop3A_548 = arith.addi %parallel_loop3A_255, %parallel_loop3A_547 : vector<16xi32>
        %parallel_loop3A_549 = tpu.vector_load_idx %arg6[%parallel_loop3A_251, %parallel_loop3A_548] : memref<256x128xf32, #tpu.memory_space<vmem>>[vector<16xi32>, vector<16xi32>], vector<16xf32>,
        %parallel_loop3A_550 = arith.constant 16 : i32
        %parallel_loop3A_551 = arith.muli %parallel_loop3A_247, %parallel_loop3A_550 : i32
        %parallel_loop3A_552 = arith.constant 29 : i32
        %parallel_loop3A_553 = arith.index_cast %parallel_loop3A_552 : i32 to index
        %parallel_loop3A_554 = arith.index_cast %parallel_loop3A_551 : i32 to index
        %parallel_loop3A_555 = tpu.vector_load %arg8[%parallel_loop3A_553, %parallel_loop3A_554] {strides = array<i32>} : memref<32x256xf32, #tpu.memory_space<vmem>>, vector<16xf32>,
        tpu.vector_store %arg8[%parallel_loop3A_553, %parallel_loop3A_554], %parallel_loop3A_549 {strides = array<i32>} : memref<32x256xf32, #tpu.memory_space<vmem>>, vector<16xf32>,
        %parallel_loop3A_556 = arith.constant 30 : i32
        %parallel_loop3A_557 = vector.broadcast %parallel_loop3A_556 : i32 to vector<16xi32>
        %parallel_loop3A_558 = arith.addi %parallel_loop3A_255, %parallel_loop3A_557 : vector<16xi32>
        %parallel_loop3A_559 = tpu.vector_load_idx %arg6[%parallel_loop3A_251, %parallel_loop3A_558] : memref<256x128xf32, #tpu.memory_space<vmem>>[vector<16xi32>, vector<16xi32>], vector<16xf32>,
        %parallel_loop3A_560 = arith.constant 16 : i32
        %parallel_loop3A_561 = arith.muli %parallel_loop3A_247, %parallel_loop3A_560 : i32
        %parallel_loop3A_562 = arith.constant 30 : i32
        %parallel_loop3A_563 = arith.index_cast %parallel_loop3A_562 : i32 to index
        %parallel_loop3A_564 = arith.index_cast %parallel_loop3A_561 : i32 to index
        %parallel_loop3A_565 = tpu.vector_load %arg8[%parallel_loop3A_563, %parallel_loop3A_564] {strides = array<i32>} : memref<32x256xf32, #tpu.memory_space<vmem>>, vector<16xf32>,
        tpu.vector_store %arg8[%parallel_loop3A_563, %parallel_loop3A_564], %parallel_loop3A_559 {strides = array<i32>} : memref<32x256xf32, #tpu.memory_space<vmem>>, vector<16xf32>,
        %parallel_loop3A_566 = arith.constant 31 : i32
        %parallel_loop3A_567 = vector.broadcast %parallel_loop3A_566 : i32 to vector<16xi32>
        %parallel_loop3A_568 = arith.addi %parallel_loop3A_255, %parallel_loop3A_567 : vector<16xi32>
        %parallel_loop3A_569 = tpu.vector_load_idx %arg6[%parallel_loop3A_251, %parallel_loop3A_568] : memref<256x128xf32, #tpu.memory_space<vmem>>[vector<16xi32>, vector<16xi32>], vector<16xf32>,
        %parallel_loop3A_570 = arith.constant 16 : i32
        %parallel_loop3A_571 = arith.muli %parallel_loop3A_247, %parallel_loop3A_570 : i32
        %parallel_loop3A_572 = arith.constant 31 : i32
        %parallel_loop3A_573 = arith.index_cast %parallel_loop3A_572 : i32 to index
        %parallel_loop3A_574 = arith.index_cast %parallel_loop3A_571 : i32 to index
        %parallel_loop3A_575 = tpu.vector_load %arg8[%parallel_loop3A_573, %parallel_loop3A_574] {strides = array<i32>} : memref<32x256xf32, #tpu.memory_space<vmem>>, vector<16xf32>,
        tpu.vector_store %arg8[%parallel_loop3A_573, %parallel_loop3A_574], %parallel_loop3A_569 {strides = array<i32>} : memref<32x256xf32, #tpu.memory_space<vmem>>, vector<16xf32>,
      } {sc.loop_unroll_factor = 2 : i64, sc.parallel_access}
      %mul3A_196 = arith.constant 32 : i32
      %mul3A_197 = arith.muli %mul3A_196, %add3A_177 : i32
      %add3A_198 = arith.addi %add3A, %mul3A_197 : i32
      %jit3A_199 = arith.constant 16 : i32
      %div3A_200 = arith.divsi %add3A_198, %jit3A_199 : i32
      %sign3A_201 = arith.constant 0 : i32
      %sign3A_202 = arith.cmpi sgt, %add3A_198, %sign3A_201 : i32
      %sign3A_203 = arith.extui %sign3A_202 : i1 to i32
      %sign3A_204 = arith.constant 0 : i32
      %sign3A_205 = arith.cmpi slt, %add3A_198, %sign3A_204 : i32
      %sign3A_206 = arith.extui %sign3A_205 : i1 to i32
      %sign3A_207 = arith.subi %sign3A_203, %sign3A_206 : i32
      %sign3A_208 = arith.constant 0 : i32
      %sign3A_209 = arith.cmpi sgt, %jit3A_199, %sign3A_208 : i32
      %sign3A_210 = arith.extui %sign3A_209 : i1 to i32
      %sign3A_211 = arith.constant 0 : i32
      %sign3A_212 = arith.cmpi slt, %jit3A_199, %sign3A_211 : i32
      %sign3A_213 = arith.extui %sign3A_212 : i1 to i32
      %sign3A_214 = arith.subi %sign3A_210, %sign3A_213 : i32
      %ne3A_215 = arith.cmpi ne, %sign3A_207, %sign3A_214 : i32
      %rem3A_216 = arith.remsi %add3A_198, %jit3A_199 : i32
      %ne3A_217 = arith.constant 0 : i32
      %ne3A_218 = arith.cmpi ne, %rem3A_216, %ne3A_217 : i32
      %and3A_219 = arith.andi %ne3A_215, %ne3A_218 : i1
      %sub3A_220 = arith.constant 1 : i32
      %sub3A_221 = arith.subi %div3A_200, %sub3A_220 : i32
      %select_n3A_222 = arith.select %and3A_219, %sub3A_221, %div3A_200 : i32
      %jit3A_223 = arith.constant 16 : i32
      %eq3A_224 = arith.constant 0 : i32
      %eq3A_225 = arith.cmpi eq, %jit3A_223, %eq3A_224 : i32
      %jit3A_226 = arith.constant 1 : i32
      %select_n3A_227 = arith.select %eq3A_225, %jit3A_226, %jit3A_223 : i32
      %rem3A_228 = arith.remsi %add3A_198, %select_n3A_227 : i32
      %ne3A_229 = arith.constant 0 : i32
      %ne3A_230 = arith.cmpi ne, %rem3A_228, %ne3A_229 : i32
      %lt3A_231 = arith.constant 0 : i32
      %lt3A_232 = arith.cmpi slt, %rem3A_228, %lt3A_231 : i32
      %lt3A_233 = arith.constant 0 : i32
      %lt3A_234 = arith.cmpi slt, %select_n3A_227, %lt3A_233 : i32
      %ne3A_235 = arith.xori %lt3A_232, %lt3A_234 : i1
      %and3A_236 = arith.andi %ne3A_235, %ne3A_230 : i1
      %add3A_237 = arith.addi %rem3A_228, %select_n3A_227 : i32
      %select_n3A_238 = arith.select %and3A_236, %add3A_237, %rem3A_228 : i32
      %mul3A_239 = arith.constant 256 : i32
      %mul3A_240 = arith.muli %select_n3A_238, %mul3A_239 : i32
      %dma_start3A_241 = arith.constant 0 : i32
      %dma_start3A_242 = tpu.memref_slice %arg4[%select_n3A_222, %dma_start3A_241, %mul3A_240] : memref<200x32x4096xf32, #tpu.memory_space<hbm>> -> memref<1x32x256xf32, #tpu.memory_space<hbm>>
      %dma_start3A_243 = tpu.memref_squeeze %dma_start3A_242 : memref<1x32x256xf32, #tpu.memory_space<hbm>> -> memref<32x256xf32, #tpu.memory_space<hbm>>
      %dma_start3A_244 = arith.constant 0 : i32
      %dma_start3A_245 = tpu.memref_slice %arg4[%select_n3A_222, %dma_start3A_244, %mul3A_240] : memref<200x32x4096xf32, #tpu.memory_space<hbm>> -> memref<1x32x256xf32, #tpu.memory_space<hbm>>
      %dma_start3A_246 = tpu.memref_squeeze %dma_start3A_245 : memref<1x32x256xf32, #tpu.memory_space<hbm>> -> memref<32x256xf32, #tpu.memory_space<hbm>>
      tpu.enqueue_dma source(%arg8 : memref<32x256xf32, #tpu.memory_space<vmem>>) target(%dma_start3A_246 : memref<32x256xf32, #tpu.memory_space<hbm>>) target_semaphore(%arg17 : memref<!tpu.dma_semaphore, #tpu.memory_space<semaphore_mem>>)
    }
    %scan3A_85 = arith.constant 50 : i32
    %dma_wait3A = arith.constant 0 : i32
    %dma_wait3A_86 = arith.constant 0 : i32
    %dma_wait3A_87 = arith.constant 0 : i32
    %dma_wait3A_88 = tpu.memref_slice %arg4[%dma_wait3A, %dma_wait3A_86, %dma_wait3A_87] : memref<200x32x4096xf32, #tpu.memory_space<hbm>> -> memref<1x32x256xf32, #tpu.memory_space<hbm>>
    %dma_wait3A_89 = tpu.memref_squeeze %dma_wait3A_88 : memref<1x32x256xf32, #tpu.memory_space<hbm>> -> memref<32x256xf32, #tpu.memory_space<hbm>>
    %dma_wait3A_90 = arith.constant 0 : i32
    %dma_wait3A_91 = arith.constant 0 : i32
    %dma_wait3A_92 = tpu.memref_slice %arg4[%dma_wait3A, %dma_wait3A_90, %dma_wait3A_91] : memref<200x32x4096xf32, #tpu.memory_space<hbm>> -> memref<1x32x256xf32, #tpu.memory_space<hbm>>
    %dma_wait3A_93 = tpu.memref_squeeze %dma_wait3A_92 : memref<1x32x256xf32, #tpu.memory_space<hbm>> -> memref<32x256xf32, #tpu.memory_space<hbm>>
    tpu.wait_dma2 semaphore(%arg16 : memref<!tpu.dma_semaphore, #tpu.memory_space<semaphore_mem>>) src(%arg7 : memref<32x256xf32, #tpu.memory_space<vmem>>) dst(%dma_wait3A_93 : memref<32x256xf32, #tpu.memory_space<hbm>>)
    %dma_wait3A_94 = arith.constant 0 : i32
    %dma_wait3A_95 = arith.constant 0 : i32
    %dma_wait3A_96 = arith.constant 0 : i32
    %dma_wait3A_97 = tpu.memref_slice %arg4[%dma_wait3A_94, %dma_wait3A_95, %dma_wait3A_96] : memref<200x32x4096xf32, #tpu.memory_space<hbm>> -> memref<1x32x256xf32, #tpu.memory_space<hbm>>
    %dma_wait3A_98 = tpu.memref_squeeze %dma_wait3A_97 : memref<1x32x256xf32, #tpu.memory_space<hbm>> -> memref<32x256xf32, #tpu.memory_space<hbm>>
    %dma_wait3A_99 = arith.constant 0 : i32
    %dma_wait3A_100 = arith.constant 0 : i32
    %dma_wait3A_101 = tpu.memref_slice %arg4[%dma_wait3A_94, %dma_wait3A_99, %dma_wait3A_100] : memref<200x32x4096xf32, #tpu.memory_space<hbm>> -> memref<1x32x256xf32, #tpu.memory_space<hbm>>
    %dma_wait3A_102 = tpu.memref_squeeze %dma_wait3A_101 : memref<1x32x256xf32, #tpu.memory_space<hbm>> -> memref<32x256xf32, #tpu.memory_space<hbm>>
    tpu.wait_dma2 semaphore(%arg17 : memref<!tpu.dma_semaphore, #tpu.memory_space<semaphore_mem>>) src(%arg8 : memref<32x256xf32, #tpu.memory_space<vmem>>) dst(%dma_wait3A_102 : memref<32x256xf32, #tpu.memory_space<hbm>>)
    return
  }
}

</mosaic_0001>

<sc_bundles>
// kernel: kernel.4.cloned.1.call-start
scs
__scs_entry_jumppad:
0x0: {  	(pc) =	sbr.rel $0x88, $3  }
0x1: {  	(tag) =	ssettag $0x0;
	lr =	simm.s32 $0x1  }
0x2: {  	[smem:$0x3F9F] =	sst lr;
	_ =	strace $0xD0000000  }
0x3: {  	_ = 	snop  }
0x4: {  	_ = 	snop  }
0x5: {  	_ = 	snop  }
0x6: {  	_ = 	snop  }
0x7: {  	_ = 	snop  }
__scs_overlays_trampoline_lowered:
0x8: {  	[smem:$0x3FAE] =	sst s0  }
0x9: {  	[smem:$0x3FAF] =	sst s1  }
0xa: {  	[smem:$0x3FB0] =	sst s2  }
0xb: {  	[smem:$0x3FB1] =	sst s3  }
0xc: {  	[smem:$0x3FB2] =	sst s4  }
0xd: {  	[smem:$0x3FB3] =	sst s5  }
0xe: {  	[smem:$0x3FB4] =	sst s6  }
0xf: {  	[smem:$0x3FB5] =	sst s7  }
0x10: {  	[smem:$0x3FB6] =	sst s8  }
0x11: {  	[smem:$0x3FB7] =	sst s9;
	s0 =	simm.s32 @!p0 $0x0  }
0x12: {  	s1 =	sld [smem:$0x3F9D];
	s0 =	simm.s32 @p0 $0x1  }
0x13: {  	[smem:$0x3FB8] =	sst s0;
	s0 =	simm.s32 @!p1 $0x0  }
0x14: {  	s2 =	sld [smem:$0x3F9C];
	s0 =	simm.s32 @p1 $0x1  }
0x15: {  	[smem:$0x3FB9] =	sst s0;
	s0 =	simm.s32 @!p2 $0x0  }
0x16: {  	s3 =	sld [smem:$0x3FDB];
	s0 =	simm.s32 @p2 $0x1  }
0x17: {  	s4 =	simm.s32 $0x1BF5;
	[smem:$0x3FBB] =	sst s0  }
0x18: {  	s0 =	sld [smem:$0x3F9E];
	_ =	swait.ge [sflag:s4], $0x0  }
0x19: {  	s7 =	sld [smem:$0x3F9F]  }
0x1a: {  	s8 =	sadd.s32 $0xFFFFE003, lr  }
0x1b: {  	s9 =	sadd.s32 $0xFFFFFEF7, lr;
	s5 =	simm.s32 $0xFFFFFFFF;
	p2 =	slt.u32 s8, $0xFFFFF086  }
0x1c: {  	p1 =	slt.u32 s9, $0xF7A;
	s5 =	simm.s32 @!p2 $0x0  }
0x1d: {  	s5 =	simm.s32 @p1 $0x1;
	p0 =	seq.s32 s7, s2  }
0x1e: {  	s7 =	smul.u32 @!p0 $0xF7A, s2;
	p2 =	seq.s32 @!p0 s5, $0x0  }
0x1f: {  	s9 =	smul.u32 $0xF7A, s1;
	s8 =	simm.s32 @!p0 $0x1BF5;
	p2 =	por !p2, p0  }
0x20: {  	[sflag:s8] =	ssyncset.s32 @!p0 $0xFFFFF086;
	s6 =	sadd.s32 @!p0 s3, s7;
	s7 =	simm.s32 @!p0 $0x108  }
0x21: {  	s3 =	sadd.s32 s3, s9;
	s6 =	sadd.s32 @!p0 $0x88, s6;
	s7 =	simm.s32 @p2 $0x1082  }
0x22: {  	[simem:s7], [sflag:s8] =	dma.local @!p0 [hbm:s6], $0xF7A  }
0x23: {  	s9 =	sor.u32 $0xD0000000, s2;
	s6 =	simm.s32 $0x108;
	_ =	swait.ge @!p0 [sflag:s8], $0x0  }
0x24: {  	s3 =	sadd.s32 $0x88, s3;
	s6 =	simm.s32 @!p1 $0x1082;
	[sflag:s4] =	ssyncset.s32 $0xFFFFF086  }
0x25: {  	[simem:s6], [sflag:s4] =	dma.local [hbm:s3], $0xF7A  }
0x26: {  	[smem:$0x3F9F] =	sst s1;
	(tag) =	ssettag s2;
	_ =	strace s9  }
0x27: {  	s1 =	sld [smem:$0x3FAF]  }
0x28: {  	s2 =	sld [smem:$0x3FB0]  }
0x29: {  	s4 =	sld [smem:$0x3FB2]  }
0x2a: {  	p0 =	seq.s32 s5, $0x0;
	s5 =	sld [smem:$0x3FB3]  }
0x2b: {  	s6 =	sld [smem:$0x3FB4]  }
0x2c: {  	s7 =	sld [smem:$0x3FB5]  }
0x2d: {  	s3 =	simm.s32 $0x108;
	s8 =	sld [smem:$0x3FB6]  }
0x2e: {  	s3 =	simm.s32 @!p0 $0x1082;
	s9 =	sld [smem:$0x3FB7]  }
0x2f: {  	lr =	sadd.s32 s0, s3;
	s0 =	sld [smem:$0x3FAE]  }
0x30: {  	s3 =	sld [smem:$0x3FB1]  }
0x31: {  	[smem:$0x3FBA] =	sst s10  }
0x32: {  	s10 =	sld [smem:$0x3FB8];
	_ =	sdelay $0x3  }
0x33: {  	p0 =	seq.s32 s10, $0x1;
	s10 =	sld [smem:$0x3FBA];
	_ =	sdelay $0x3  }
0x34: {  	[smem:$0x3FBA] =	sst s10  }
0x35: {  	s10 =	sld [smem:$0x3FB9];
	_ =	sdelay $0x3  }
0x36: {  	p1 =	seq.s32 s10, $0x1;
	s10 =	sld [smem:$0x3FBA];
	_ =	sdelay $0x3  }
0x37: {  	[smem:$0x3FBA] =	sst s10  }
0x38: {  	s10 =	sld [smem:$0x3FBB]  }
0x39: {  	_ = 	snop;
	(pc) =	sbr.ind lr, $3  }
0x3a: {  	_ = 	snop  }
0x3b: {  	_ = 	snop  }
0x3c: {  	p2 =	seq.s32 s10, $0x1;
	s10 =	sld [smem:$0x3FBA]  }
0x3d: {  	_ =	shalt  }
0x3e: {  	_ =	shalt  }
0x3f: {  	_ =	shalt  }
0x40: {  	_ =	shalt  }
0x41: {  	_ =	shalt  }
0x42: {  	_ =	shalt  }
0x43: {  	_ =	shalt  }
0x44: {  	_ =	shalt  }
0x45: {  	_ =	shalt  }
0x46: {  	_ =	shalt  }
0x47: {  	_ =	shalt  }
0x48: {  	_ =	shalt  }
0x49: {  	_ =	shalt  }
0x4a: {  	_ =	shalt  }
0x4b: {  	_ =	shalt  }
0x4c: {  	_ =	shalt  }
0x4d: {  	_ =	shalt  }
0x4e: {  	_ =	shalt  }
0x4f: {  	_ =	shalt  }
0x50: {  	_ =	shalt  }
0x51: {  	_ =	shalt  }
0x52: {  	_ =	shalt  }
0x53: {  	_ =	shalt  }
0x54: {  	_ =	shalt  }
0x55: {  	_ =	shalt  }
0x56: {  	_ =	shalt  }
0x57: {  	_ =	shalt  }
0x58: {  	_ =	shalt  }
0x59: {  	_ =	shalt  }
0x5a: {  	_ =	shalt  }
0x5b: {  	_ =	shalt  }
0x5c: {  	_ =	shalt  }
0x5d: {  	_ =	shalt  }
0x5e: {  	_ =	shalt  }
0x5f: {  	_ =	shalt  }
0x60: {  	_ =	shalt  }
0x61: {  	_ =	shalt  }
0x62: {  	_ =	shalt  }
0x63: {  	_ =	shalt  }
0x64: {  	_ =	shalt  }
0x65: {  	_ =	shalt  }
0x66: {  	_ =	shalt  }
0x67: {  	_ =	shalt  }
0x68: {  	_ =	shalt  }
0x69: {  	_ =	shalt  }
0x6a: {  	_ =	shalt  }
0x6b: {  	_ =	shalt  }
0x6c: {  	_ =	shalt  }
0x6d: {  	_ =	shalt  }
0x6e: {  	_ =	shalt  }
0x6f: {  	_ =	shalt  }
0x70: {  	_ =	shalt  }
0x71: {  	_ =	shalt  }
0x72: {  	_ =	shalt  }
0x73: {  	_ =	shalt  }
0x74: {  	_ =	shalt  }
0x75: {  	_ =	shalt  }
0x76: {  	_ =	shalt  }
0x77: {  	_ =	shalt  }
0x78: {  	_ =	shalt  }
0x79: {  	_ =	shalt  }
0x7a: {  	_ =	shalt  }
0x7b: {  	_ =	shalt  }
0x7c: {  	_ =	shalt  }
0x7d: {  	_ =	shalt  }
0x7e: {  	_ =	shalt  }
0x7f: {  	_ =	shalt  }
0x80: {  	_ =	shalt  }
0x81: {  	_ =	shalt  }
0x82: {  	_ =	shalt  }
0x83: {  	_ =	shalt  }
0x84: {  	_ =	shalt  }
0x85: {  	_ =	shalt  }
0x86: {  	_ =	shalt  }
0x87: {  	_ =	shalt  }
.Lfunc_end0:
.L_simem_size_0:
called_computation_lowered:
.L_overlay_start_0:
0x88: {  	s2 =	sld [smem:$0x3FD9]  }
0x89: {  	s3 =	sld [smem:$0x3FFE];
	_ =	sdelay $0x1  }
0x8a: {  	s1 =	srdreg.scid  }
0x8b: {  	s0 =	sand.u32 $0x1, s1  }
0x8c: {  	s17 =	sshll.u32 s0, $0xA;
	s2 =	sadd.s32 s3, s2  }
0x8d: {  	s2 =	sadd.s32 s2, s17  }
0x8e: {  	[smem:$0x3FC6] =	sst s2  }
0x8f: {  	_ = 	snop  }
0x90: {  	s2 =	sld [smem:$0x3FC8];
	(tm) =	ssettm $0x1  }
0x91: {  	s18 =	sld [smem:$0x3FFB];
	_ =	sdelay $0x3  }
0x92: {  	_ =	strace s18  }
0x93: {  	s3 =	sld [smem:$0x3FFC];
	_ =	sdelay $0x3  }
0x94: {  	_ =	strace s3  }
0x95: {  	s3 =	sld [smem:$0x3FFD];
	_ =	sdelay $0x3  }
0x96: {  	_ =	strace s3  }
0x97: {  	_ =	strace $0x8FFFFFFF  }
0x98: {  	s19 =	sld [smem:$0x3FDB];
	_ =	sdelay $0x1  }
0x99: {  	s4 =	simm.s32 $_scs_section_size  }
0x9a: {  	s5 =	simm.s32 $_size__tile_overlayer_lowered;
	s6 =	simm.s32 $_tile_overlayer_lowered  }
0x9b: {  	s22 =	simm.s32 $0x1BFF;
	s21 =	sshll.u32 s6, $0x1;
	s3 =	sadd.s32 s4, s19  }
0x9c: {  	s7 =	simm.s32 $0x0;
	s20 =	sshll.u32 s5, $0x1;
	s5 =	sadd.s32 s21, s3  }
0x9d: {  	[timem:s7], [sflag:s22] =	dma.local [hbm:s5], s20  }
0x9e: {  	_ =	swait.ge [sflag:s22], s20  }
0x9f: {  	s4 =	ssub.s32 $0x0, s20;
	[sflag:s22] =	ssyncset.done $0x0  }
0xa0: {  	[sflag:s22] =	ssyncadd.s32 s4;
	_ =	sdelay $0x1  }
0xa1: {  	s23 =	simm.s32 $0x1B8B  }
0xa2: {  	_ =	swait.ge [sflag:s23], $0x1  }
0xa3: {  	[sflag:s23] =	ssyncset.done $0x0  }
0xa4: {  	s25 =	simm.s32 $0x1B8E;
	s24 =	sld [smem:$0x3FFE];
	[sflag:s23] =	ssyncadd.s32 $0xFFFFFFFF  }
0xa5: {  	s26 =	simm.s32 $execute0_lowered;
	[smem:$0x3FD2] =	sst s25  }
0xa6: {  	s5 =	sshll.u32 s26, $0x1;
	_ =	strace $0x80000046;
	[dreg:$0x1] =	wrdreg $0xFFFFFFFF  }
0xa7: {  	s28 =	simm.s32 $_size_execute0_lowered;
	s3 =	sadd.s32 s3, s5;
	[dreg:$0x0] =	wrdreg $0x0  }
0xa8: {  	s5 =	sshll.u32 s28, $0x1;
	[dreg:$0x2] =	wrdreg s3  }
0xa9: {  	[dreg:$0x3] =	wrdreg s5  }
0xaa: {  	[dreg:$0x4] =	wrdreg $0xC0  }
0xab: {  	_ =	task [dreg:s7], $0x5FFFF  }
0xac: {  	[dreg:$0x1] =	wrdreg $0xFFFFFFFF  }
0xad: {  	[dreg:$0x0] =	wrdreg $0x60  }
0xae: {  	[dreg:$0x2] =	wrdreg s2  }
0xaf: {  	[dreg:$0x3] =	wrdreg s24  }
0xb0: {  	[dreg:$0x4] =	wrdreg $0x9  }
0xb1: {  	_ =	task.clear_ibuf [dreg:s7], $0x5FFFF;
	_ =	strace $0x90000046  }
0xb2: {  	s29 =	simm.s32 $0x9;
	_ =	strace $0x80000048  }
0xb3: {  	_ =	swait.ge [sflag:s29], $0x1  }
0xb4: {  	[sflag:s29] =	ssyncadd.s32 $0xFFFFFFFF  }
0xb5: {  	_ =	strace $0x90000048  }
0xb6: {  	_ =	sfence  }
0xb7: {  	s30 =	sld [smem:$0x0];
	_ =	sdelay $0x2  }
0xb8: {  	s31 =	sshll.u32 s1, $0xD;
	s1 =	sshrl.u32 s1, $0x2  }
0xb9: {  	s3 =	sand.u32 $0x4000, s31;
	s1 =	sadd.s32 s1, s30  }
0xba: {  	s0 =	sor.u32 s3, s0;
	s1 =	sshll.u32 s1, $0x11  }
0xbb: {  	s0 =	sor.u32 s1, s0  }
0xbc: {  	s0 =	sadd.s32 $0x8F2B, s0  }
0xbd: {  	[sflag:s0] =	ssyncadd.remote.s32 $0x1  }
0xbe: {  	_ =	sfence.sel $0xFFFF  }
0xbf: {  	[dreg:$0x0] =	wrdreg $0xFFFFFFFF;
	(pc) =	sbr.abs _section_cstart, $3  }
0xc0: {  	[dreg:$0x1] =	wrdreg $0xFFFFFFFF  }
0xc1: {  	_ =	task.clear_ibuf [dreg:s7], $0x2FFFF;
	_ =	strace $0x9FFFFFFF  }
0xc2: {  	(tm) =	ssettm $0x7FFFFFFF  }
0xc3: {  	_ =	shalt  }
tec
execute0_lowered:
.L_overlay_start_1:
0x0: {  	(tag) =	ssettag $0x1  }
0x1: {  	s2 =	rddreg [dreg:$0x0]  }
0x2: {  	s0 =	srdreg.scid;
	s3 =	stileid.u32  }
0x3: {  	s1 =	rddreg [dreg:$0x1];
	s29 =	simm.s32 $0x2800;
	s30 =	simm.s32 $0x3C00  }
0x4: {  	s31 =	simm.s32 $0x5;
	s26 =	sshll.u32 s3, $0x1;
	s3 =	simm.s32 $0x0  }
0x5: {  	s5 =	sand.u32 $0x1, s0;
	s13 =	sadd.s32 $0xF4080, s2;
	[smem:$0x7FF] =	sst s3  }
0x6: {  	s28 =	sadd.s32 $0x3D0A00, s1;
	_ =	strace $0x80000047;
	[dreg:$0x4] =	wrdreg s13  }
0x7: {  	s4 =	sadd.s32 $0x800, s1;
	s14 =	sadd.s32 $0x3D0C00, s1;
	[dreg:$0x5] =	wrdreg s28  }
0x8: {  	s15 =	sadd.s32 $0xF4180, s2;
	s17 =	sadd.s32 $0x3D0E00, s1;
	[dreg:$0x8] =	wrdreg s14  }
0x9: {  	s18 =	sadd.s32 $0xF4000, s2;
	s1 =	sadd.s32 $0x3D0800, s1;
	[dreg:$0x9] =	wrdreg s15  }
0xa: {  	s0 =	sor.u32 s5, s26;
	s5 =	ssub.s32 $0x2, s5;
	[dreg:$0xb] =	wrdreg s17  }
0xb: {  	s8 =	smul.u32 $0x3D000, s0;
	s9 =	sshrl.u32 s5, $0x1;
	[dreg:$0xc] =	wrdreg s18  }
0xc: {  	s10 =	smul.u32 $0x7A00, s0;
	s13 =	sadd.s32 $0xF4100, s2;
	[dreg:$0xd] =	wrdreg s1  }
0xd: {  	s20 =	smul.u32 $0x1E800, s0;
	p0 =	sgt.s32 s0, $0x1;
	p1 =	seq.s32 s0, $0x0  }
0xe: {  	v0 =	vimm.s32 $0x1780;
	vm0 =	vcmask $0x300;
	v1 =	vimm.s32 $0x3F80;
	p2 =	seq.s32 s0, $0x1;
	p3 =	seq.s32 s0, $0x2;
	p4 =	seq.s32 s0, $0x3  }
0xf: {  	vm1 =	vcmask $0x704;
	v0 =	vsel vm0, $0x0, v0;
	v1 =	vsel vm0, $0x2800, v1;
	s18 =	simm.s32 $0xA000;
	s14 =	simm.s32 $0xE000;
	s5 =	ssub.s32 s5, s9  }
0x10: {  	vm2 =	vcmask $0xB08;
	v0 =	vsel vm1, $0x80, v0;
	v1 =	vsel vm1, $0x2880, v1;
	[dreg:$0x6] =	wrdreg s13;
	s13 =	simm.s32 $0x8C00;
	s6 =	sshrl.u32 s8, $0x3  }
0x11: {  	vm4 =	vcmask $0xF0C;
	v0 =	vsel vm2, $0x100, v0;
	v1 =	vsel vm2, $0x2900, v1;
	s7 =	sadd.s32 $0x2000, s8;
	s8 =	sadd.s32 $0x3000, s8;
	s25 =	smax.u32 s5, $0x1  }
0x12: {  	vm5 =	vcmask $0x1310;
	v0 =	vsel vm4, $0x180, v0;
	v1 =	vsel vm4, $0x2980, v1;
	s12 =	sadd.s32 $0x7800, s10;
	s10 =	sadd.s32 s2, s10;
	[dreg:$0x13] =	wrdreg s25  }
0x13: {  	vm6 =	vcmask $0x1714;
	v0 =	vsel vm5, $0x200, v0;
	v1 =	vsel vm5, $0x2A00, v1;
	s1 =	sadd.s32 s4, s20;
	s16 =	sadd.s32 s2, s12;
	[dreg:$0x7] =	wrdreg s10  }
0x14: {  	vm7 =	vcmask $0x1B18;
	s11 =	sadd.s32 s2, s6;
	v0 =	vsel vm6, $0x280, v0;
	s21 =	sadd.s32 $0xF4280, s10;
	v1 =	vsel vm6, $0x2A80, v1;
	[dreg:$0xa] =	wrdreg s16  }
0x15: {  	vm8 =	vcmask $0x1F1C;
	s19 =	sshll.u32 s12, $0x2;
	s26 =	sadd.s32 $0x1E8500, s10;
	[dreg:$0xf] =	wrdreg s21;
	v0 =	vsel vm7, $0x300, v0;
	v1 =	vsel vm7, $0x2B00, v1  }
0x16: {  	vm9 =	vcmask $0x2320;
	s28 =	sadd.s32 $0x2DC780, s10;
	s10 =	simm.s32 $0x7800;
	[dreg:$0x14] =	wrdreg s26;
	v0 =	vsel vm8, $0x380, v0;
	v1 =	vsel vm8, $0x2B80, v1  }
0x17: {  	vm10 =	vcmask $0x2724;
	s12 =	simm.s32 $0x0;
	s6 =	sadd.s32 $0x200, s11;
	[dreg:$0x15] =	wrdreg s28;
	v0 =	vsel vm9, $0x1400, v0;
	v1 =	vsel vm9, $0x3C00, v1  }
0x18: {  	vm11 =	vcmask $0x2B28;
	s9 =	sadd.s32 s4, s19;
	s22 =	sadd.s32 $0x1E8700, s11;
	[dreg:$0x3] =	wrdreg s6;
	v0 =	vsel vm10, $0x1480, v0;
	v1 =	vsel vm10, $0x3C80, v1  }
.Ltmp0:
0x19: {  	vm12 =	vcmask $0x2F2C;
	s23 =	sadd.s32 $0xF4480, s11;
	[dreg:$0xe] =	wrdreg s9;
	v0 =	vsel vm11, $0x1500, v0;
	v1 =	vsel vm11, $0x3D00, v1;
	(pc) =	sbr.rel .LBB2_1-.Ltmp0, $4  }
0x1a: {  	vm13 =	vcmask $0x3330;
	s24 =	sadd.s32 $0x2DC980, s11;
	s19 =	simm.s32 $0x1400;
	[dreg:$0x10] =	wrdreg s22;
	v0 =	vsel vm12, $0x1580, v0;
	v1 =	vsel vm12, $0x3D80, v1  }
0x1b: {  	vm14 =	vcmask $0x3734;
	s16 =	simm.s32 $0x1;
	s11 =	simm.s32 $0x4;
	[dreg:$0x11] =	wrdreg s23;
	v0 =	vsel vm13, $0x1600, v0;
	v1 =	vsel vm13, $0x3E00, v1  }
0x1c: {  	vm15 =	vcmask $0x3B38;
	s6 =	smul.u32 $0xF4000, s0;
	[dreg:$0x12] =	wrdreg s24;
	s24 =	sadd.s32 $0x800, s1;
	v0 =	vsel vm14, $0x1680, v0;
	v1 =	vsel vm14, $0x3E80, v1  }
0x1d: {  	s1 =	simm.s32 $0x5000;
	s0 =	simm.s32 $0x6400;
	s9 =	simm.s32 $0x2;
	v0 =	vsel vm15, $0x1700, v0;
	v1 =	vsel vm15, $0x3F00, v1  }
.LBB2_31:
0x1e: {  	[hbm4b:s12+s3] =	stream.linear.scatter [tilespmem:s18], [sflag:$0x5], $0x1000, $0x38;
	[tilespmem:$0x12000] =	vst v63  }
0x1f: {  	s31 =	simm.s32 $0x5  }
0x20: {  	_ =	swait.ge [sflag:s31], $0x1000  }
0x21: {  	s19 =	simm.s32 $0x1400;
	s29 =	simm.s32 $0x2800;
	[sflag:s31] =	ssyncset.done $0x0  }
0x22: {  	s30 =	simm.s32 $0x3C00;
	s12 =	rddreg [dreg:$0x16];
	[sflag:s31] =	ssyncadd.s32 $0xFFFFF000  }
.LBB2_32:
0x23: {  	s12 =	sadd.s32 $0x1, s12;
	s5 =	rddreg [dreg:$0x13]  }
0x24: {  	p5 =	sne.s32 s12, s5  }
.Ltmp1:
0x25: {  	_ = 	snop;
	(pc) =	sbr.rel @!p5 .LBB2_33-.Ltmp1, $1  }
0x26: {  	_ =	sdelay $0x3  }
.LBB2_1:
0x27: {  	[dreg:$0x16] =	wrdreg s12  }
0x28: {  	s5 =	rddreg [dreg:$0x7]  }
0x29: {  	[tilespmem:s3], [sflag:$0x1] =	stream.linear.gather [hbm4b:s5+s3], $0x1000, $0x38;
	[tilespmem:$0x12000] =	vst v63  }
0x2a: {  	s20 =	rddreg [dreg:$0xf]  }
0x2b: {  	[tilespmem:s19], [sflag:$0x1] =	stream.linear.gather [hbm4b:s20+s3], $0x1000, $0x38;
	[tilespmem:$0x12000] =	vst v63  }
0x2c: {  	s21 =	rddreg [dreg:$0x14]  }
0x2d: {  	[tilespmem:s29], [sflag:$0x1] =	stream.linear.gather [hbm4b:s21+s3], $0x1000, $0x38;
	[tilespmem:$0x12000] =	vst v63  }
0x2e: {  	s22 =	rddreg [dreg:$0x15]  }
0x2f: {  	[tilespmem:s30], [sflag:$0x1] =	stream.linear.gather [hbm4b:s22+s3], $0x1000, $0x38;
	[tilespmem:$0x12000] =	vst v63  }
0x30: {  	s23 =	rddreg [dreg:$0x3]  }
0x31: {  	[tilespmem:s1], [sflag:$0x2] =	stream.linear.gather [hbm4b:s23+s3], $0x1000, $0x38;
	[tilespmem:$0x12000] =	vst v63  }
0x32: {  	s25 =	rddreg [dreg:$0x11]  }
0x33: {  	[tilespmem:s0], [sflag:$0x2] =	stream.linear.gather [hbm4b:s25+s3], $0x1000, $0x38;
	[tilespmem:$0x12000] =	vst v63  }
0x34: {  	s26 =	rddreg [dreg:$0x10]  }
0x35: {  	[tilespmem:s10], [sflag:$0x2] =	stream.linear.gather [hbm4b:s26+s3], $0x1000, $0x38;
	[tilespmem:$0x12000] =	vst v63  }
0x36: {  	s28 =	rddreg [dreg:$0x12];
	s20 =	simm.s32 $0x0  }
0x37: {  	[tilespmem:s13], [sflag:$0x2] =	stream.linear.gather [hbm4b:s28+s3], $0x1000, $0x38;
	[tilespmem:$0x12000] =	vst v63  }
.LBB2_2:
0x38: {  	s12 =	simm.s32 $0x0  }
0x39: {  	s5 =	simm.s32 $0x1;
	s17 =	simm.s32 $0x2;
	s15 =	simm.s32 $0x3;
	v2 =	vmov s12  }
0x3a: {  	s22 =	simm.s32 $0x4;
	s21 =	simm.s32 $0x5;
	s23 =	simm.s32 $0x6;
	v4 =	vmov s5;
	v5 =	vmov s17;
	v6 =	vmov s15  }
0x3b: {  	s25 =	simm.s32 $0x7;
	s28 =	simm.s32 $0x9;
	v7 =	vmov s22;
	v8 =	vmov s21;
	v9 =	vmov s23  }
0x3c: {  	v16 =	vmov s25;
	v20 =	vmov s28;
	v3 =	vand.u32 $0x78, v2  }
0x3d: {  	v2 =	vshll.u32 v2, $0x3;
	v10 =	vand.u32 $0x79, v4;
	v11 =	vand.u32 $0x7A, v5  }
0x3e: {  	v12 =	vand.u32 $0x7B, v6;
	v13 =	vand.u32 $0x7C, v7;
	v14 =	vand.u32 $0x7D, v8  }
0x3f: {  	v15 =	vand.u32 $0x7E, v9;
	v4 =	vshll.u32 v4, $0x3;
	v5 =	vshll.u32 v5, $0x3  }
0x40: {  	s5 =	simm.s32 $0xA;
	v6 =	vshll.u32 v6, $0x3;
	v7 =	vshll.u32 v7, $0x3;
	v8 =	vshll.u32 v8, $0x3  }
0x41: {  	s15 =	simm.s32 $0xB;
	s21 =	simm.s32 $0xC;
	s22 =	simm.s32 $0xD;
	v9 =	vshll.u32 v9, $0x3;
	v17 =	vshll.u32 v16, $0x3;
	v21 =	vmov s5  }
0x42: {  	s23 =	simm.s32 $0xE;
	v22 =	vmov s15;
	v23 =	vmov s21;
	v24 =	vmov s22  }
0x43: {  	v25 =	vmov s23;
	v26 =	vand.u32 $0x79, v20;
	v2 =	vand.u32 $0xC00, v2  }
0x44: {  	v4 =	vand.u32 $0xC00, v4;
	v5 =	vand.u32 $0xC00, v5;
	v2 =	vor.u32 v3, v2  }
0x45: {  	_ =	swait.ge [sflag:s16], $0x4000;
	v3 =	vand.u32 $0x7F, v16;
	v16 =	vand.u32 $0xC00, v17;
	v4 =	vor.u32 v10, v4  }
0x46: {  	p5 =	seq.s32 s20, $0x0;
	[sflag:s16] =	ssyncset.done $0x0;
	v5 =	vor.u32 v11, v5;
	v3 =	vor.u32 v3, v16;
	v16 =	vadd.s32 v0, v4  }
0x47: {  	s12 =	simm.s32 @!p5 $0x3;
	[sflag:s16] =	ssyncadd.s32 $0xFFFFC000;
	v6 =	vand.u32 $0xC00, v6;
	v7 =	vand.u32 $0xC00, v7;
	v11 =	vadd.s32 v0, v5  }
0x48: {  	_ =	swait.ge @!p5 [sflag:s12], $0x4000;
	v8 =	vand.u32 $0xC00, v8;
	v6 =	vor.u32 v12, v6;
	v10 =	vadd.s32 v0, v3  }
0x49: {  	v9 =	vand.u32 $0xC00, v9;
	v7 =	vor.u32 v13, v7;
	[sflag:s12] =	ssyncset.done @!p5 $0x0;
	v12 =	vadd.s32 v0, v6  }
0x4a: {  	v27 =	vand.u32 $0x7A, v21;
	v8 =	vor.u32 v14, v8;
	v13 =	vadd.s32 v0, v7;
	[sflag:s12] =	ssyncadd.s32 @!p5 $0xFFFFC000  }
0x4b: {  	v28 =	vand.u32 $0x7B, v22;
	v9 =	vor.u32 v15, v9;
	v15 =	vadd.s32 v0, v8;
	v16 =	vld.idx.msk [tilespmem:v16+s3+$0x0], $0xffff  }
0x4c: {  	s26 =	simm.s32 $0x8;
	v29 =	vand.u32 $0x7C, v23;
	v30 =	vand.u32 $0x7D, v24;
	v17 =	vadd.s32 v0, v2;
	v11 =	vld.idx.msk [tilespmem:v11+s3+$0x0], $0xffff  }
0x4d: {  	v31 =	vand.u32 $0x7E, v25;
	v14 =	vmov s26;
	v19 =	vadd.s32 v0, v9;
	v10 =	vld.idx.msk [tilespmem:v10+s3+$0x0], $0xffff  }
0x4e: {  	v18 =	vand.u32 $0x78, v14;
	v4 =	vadd.s32 v1, v4;
	v5 =	vadd.s32 v1, v5;
	v12 =	vld.idx.msk [tilespmem:v12+s3+$0x0], $0xffff  }
0x4f: {  	s21 =	simm.s32 $0xA080;
	v6 =	vadd.s32 v1, v6;
	v7 =	vadd.s32 v1, v7;
	v8 =	vadd.s32 v1, v8;
	v13 =	vld.idx.msk [tilespmem:v13+s3+$0x0], $0xffff  }
0x50: {  	v14 =	vshll.u32 v14, $0x3;
	v9 =	vadd.s32 v1, v9;
	v3 =	vadd.s32 v1, v3;
	v15 =	vld.idx.msk [tilespmem:v15+s3+$0x0], $0xffff;
	[tilespmem:s21+$0xFFFFFFA0] =	vst v16  }
0x51: {  	v14 =	vand.u32 $0xC00, v14;
	v17 =	vld.idx.msk [tilespmem:v17+s3+$0x0], $0xffff;
	v16 =	vshll.u32 v23, $0x3;
	v23 =	vadd.s32 v1, v2;
	[tilespmem:s21+$0xFFFFFFC0] =	vst v11  }
0x52: {  	v11 =	vshll.u32 v24, $0x3;
	v24 =	vshll.u32 v25, $0x3;
	v2 =	vor.u32 v18, v14;
	[tilespmem:s21+$0x60] =	vst v10;
	v10 =	vld.idx.msk [tilespmem:v19+s3+$0x0], $0xffff  }
0x53: {  	s25 =	simm.s32 $0xF;
	[tilespmem:s21+$0xFFFFFFE0] =	vst v12;
	v19 =	vshll.u32 v20, $0x3;
	v20 =	vshll.u32 v21, $0x3;
	v21 =	vshll.u32 v22, $0x3;
	v4 =	vld.idx.msk [tilespmem:v4+s3+$0x0], $0xffff  }
0x54: {  	[tilespmem:s21+$0x0] =	vst v13;
	v22 =	vmov s25;
	v5 =	vld.idx.msk [tilespmem:v5+s3+$0x0], $0xffff;
	v13 =	vadd.s32 v0, v2;
	v16 =	vand.u32 $0xC00, v16  }
0x55: {  	[tilespmem:s21+$0x20] =	vst v15;
	v6 =	vld.idx.msk [tilespmem:v6+s3+$0x0], $0xffff;
	v11 =	vand.u32 $0xC00, v11;
	v25 =	vshll.u32 v22, $0x3;
	v15 =	vand.u32 $0xC00, v20  }
0x56: {  	v3 =	vld.idx.msk [tilespmem:v3+s3+$0x0], $0xffff;
	v12 =	vand.u32 $0x7F, v22;
	v14 =	vand.u32 $0xC00, v25;
	v15 =	vor.u32 v27, v15  }
0x57: {  	[tilespmem:s21+$0xFFFFFF80] =	vst v17;
	v7 =	vld.idx.msk [tilespmem:v7+s3+$0x0], $0xffff;
	v18 =	vand.u32 $0xC00, v19;
	v12 =	vor.u32 v12, v14;
	v17 =	vadd.s32 v0, v15  }
0x58: {  	s26 =	simm.s32 $0x20;
	v8 =	vld.idx.msk [tilespmem:v8+s3+$0x0], $0xffff;
	v11 =	vor.u32 v30, v11;
	v14 =	vor.u32 v26, v18;
	v18 =	vadd.s32 v0, v12  }
0x59: {  	s22 =	simm.s32 $0xE0;
	s12 =	sor.u32 $0x30, s26;
	v19 =	vand.u32 $0xC00, v21;
	v16 =	vor.u32 v29, v16;
	v22 =	vadd.s32 v0, v11;
	v21 =	vld.idx.msk [tilespmem:v23+s3+$0x0], $0xffff;
	[tilespmem:s21+$0x40] =	vst v10  }
0x5a: {  	s23 =	simm.s32 $0x40;
	s28 =	sor.u32 $0x70, s22;
	v19 =	vor.u32 v28, v19;
	v10 =	vadd.s32 v0, v14;
	[tilespmem:s12+$0xA000] =	vst v4;
	v9 =	vld.idx.msk [tilespmem:v9+s3+$0x0], $0xffff  }
0x5b: {  	s23 =	sor.u32 $0x50, s23;
	s25 =	simm.s32 $0x60;
	v20 =	vadd.s32 v0, v19;
	v35 =	vadd.s32 v1, v15;
	v4 =	vand.u32 $0xC00, v24;
	[tilespmem:s28+$0xA000] =	vst v3;
	v3 =	vld.idx.msk [tilespmem:v13+s3+$0x0], $0xffff  }
0x5c: {  	s15 =	sor.u32 $0x70, s25;
	[tilespmem:s23+$0xA000] =	vst v5;
	v13 =	vadd.s32 v0, v16;
	v26 =	vor.u32 v31, v4;
	v29 =	vld.idx.msk [tilespmem:v17+s3+$0x0], $0xffff  }
0x5d: {  	s5 =	simm.s32 $0x10;
	s26 =	simm.s32 $0xC0;
	s25 =	simm.s32 $0xA0;
	v62 =	vadd.s32 v1, v12;
	[tilespmem:s15+$0xA000] =	vst v6;
	v27 =	vld.idx.msk [tilespmem:v18+s3+$0x0], $0xffff;
	v18 =	vadd.s32 v0, v26  }
0x5e: {  	s17 =	sor.u32 $0x30, s25;
	v33 =	vadd.s32 v1, v14;
	v5 =	vmov s5;
	[tilespmem:s21+$0x10] =	vst v7;
	s5 =	simm.s32 $0x12;
	s15 =	simm.s32 $0x13;
	v24 =	vadd.s32 v1, v19;
	v23 =	vld.idx.msk [tilespmem:v22+s3+$0x0], $0xffff  }
0x5f: {  	s23 =	sor.u32 $0x50, s26;
	[tilespmem:s17+$0xA000] =	vst v8;
	s26 =	simm.s32 $0x15;
	v4 =	vand.u32 $0x78, v5;
	s28 =	simm.s32 $0x11;
	v63 =	vmov s5;
	v32 =	vmov s15;
	v6 =	vld.idx.msk [tilespmem:v10+s3+$0x0], $0xffff  }
0x60: {  	v5 =	vshll.u32 v5, $0x3;
	v14 =	vmov s26;
	v28 =	vmov s28;
	v34 =	vld.idx.msk [tilespmem:v20+s3+$0x0], $0xffff;
	[tilespmem:s21+$0xFFFFFF90] =	vst v21  }
0x61: {  	s25 =	simm.s32 $0x14;
	v7 =	vand.u32 $0xC00, v5;
	v22 =	vadd.s32 v1, v16;
	v15 =	vadd.s32 v1, v26;
	[tilespmem:s23+$0xA000] =	vst v9;
	v25 =	vld.idx.msk [tilespmem:v13+s3+$0x0], $0xffff;
	s23 =	simm.s32 $0xA180  }
0x62: {  	s28 =	simm.s32 $0x16;
	v19 =	vshll.u32 v32, $0x3;
	v20 =	vmov s25;
	v12 =	vand.u32 $0x79, v28;
	[tilespmem:s23+$0xFFFFFFC0] =	vst v29;
	v18 =	vld.idx.msk [tilespmem:v18+s3+$0x0], $0xffff  }
0x63: {  	v17 =	vadd.s32 v1, v11;
	v21 =	vmov s28;
	v8 =	vand.u32 $0x7C, v20;
	[tilespmem:s23+$0x60] =	vst v27;
	v13 =	vld.idx.msk [tilespmem:v35+s3+$0x0], $0xffff  }
0x64: {  	v26 =	vshll.u32 v63, $0x3;
	v10 =	vand.u32 $0x7A, v63;
	v5 =	vand.u32 $0x7E, v21;
	[tilespmem:s23+$0xFFFFFFA0] =	vst v6;
	v16 =	vld.idx.msk [tilespmem:v62+s3+$0x0], $0xffff  }
0x65: {  	s12 =	simm.s32 $0x17;
	s25 =	simm.s32 $0x18;
	s21 =	sshll.u32 s20, $0xD;
	v9 =	vand.u32 $0x7B, v32;
	[tilespmem:s23+$0xFFFFFFE0] =	vst v34;
	v27 =	vshll.u32 v28, $0x3;
	v6 =	vand.u32 $0x7D, v14;
	v11 =	vld.idx.msk [tilespmem:v33+s3+$0x0], $0xffff  }
.LBB2_3:
0x66: {  	p6 =	slt.u32 s25, $0x1F8;
	v20 =	vshll.u32 v20, $0x3;
	v28 =	vmov s12;
	v29 =	vadd.s32 v1, v2;
	v24 =	vld.idx.msk [tilespmem:v24+s3+$0x0], $0xffff;
	[tilespmem:s23+$0x0] =	vst v25  }
0x67: {  	v14 =	vshll.u32 v14, $0x3;
	v21 =	vshll.u32 v21, $0x3;
	s22 =	sadd.s32 $0x100, s22;
	v25 =	vshll.u32 v28, $0x3;
	v22 =	vld.idx.msk [tilespmem:v22+s3+$0x0], $0xffff;
	[tilespmem:s23+$0x20] =	vst v23  }
0x68: {  	v2 =	vor.u32 v4, v7;
	v4 =	vand.u32 $0x7F, v28;
	s12 =	sadd.s32 $0xFFFFFF40, s22;
	s17 =	sadd.s32 $0xFFFFFF60, s22;
	s26 =	sor.u32 $0x70, s22;
	v7 =	vand.u32 $0xC00, v25;
	v17 =	vld.idx.msk [tilespmem:v17+s3+$0x0], $0xffff;
	[tilespmem:s23+$0x40] =	vst v18  }
0x69: {  	v23 =	vand.u32 $0xC00, v27;
	s28 =	sadd.s32 $0xFFFFFF80, s22;
	s15 =	sadd.s32 $0xFFFFFFC0, s22;
	s5 =	sadd.s32 $0xFFFFFFE0, s22;
	v18 =	vadd.s32 v0, v2;
	v7 =	vor.u32 v4, v7;
	v15 =	vld.idx.msk [tilespmem:v15+s3+$0x0], $0xffff;
	[tilespmem:s26+$0xA000] =	vst v16  }
0x6a: {  	v12 =	vor.u32 v12, v23;
	s12 =	sor.u32 $0x30, s12;
	s17 =	sor.u32 $0x50, s17;
	v4 =	vand.u32 $0xC00, v26;
	s26 =	sor.u32 $0x70, s28;
	v16 =	vadd.s32 v0, v7;
	[tilespmem:s23+$0xFFFFFF80] =	vst v3  }
0x6b: {  	s5 =	sor.u32 $0x50, s5;
	v23 =	vadd.s32 v0, v12;
	v10 =	vor.u32 v10, v4;
	v3 =	vand.u32 $0xC00, v19;
	v19 =	vld.idx.msk [tilespmem:v29+s3+$0x0], $0xffff;
	[tilespmem:s12+$0xA000] =	vst v11;
	s12 =	sor.u32 $0x30, s15  }
0x6c: {  	v11 =	vadd.s32 v0, v10;
	v9 =	vor.u32 v9, v3;
	v3 =	vand.u32 $0xC00, v20;
	[tilespmem:s17+$0xA000] =	vst v13  }
0x6d: {  	v4 =	vand.u32 $0xC00, v14;
	v13 =	vadd.s32 v0, v9;
	v8 =	vor.u32 v8, v3;
	[tilespmem:s26+$0xA000] =	vst v24  }
0x6e: {  	v6 =	vor.u32 v6, v4;
	v4 =	vand.u32 $0xC00, v21;
	v3 =	vld.idx.msk [tilespmem:v18+s3+$0x0], $0xffff;
	v18 =	vadd.s32 v0, v8;
	[tilespmem:s23+$0x10] =	vst v22  }
0x6f: {  	v14 =	vmov s25;
	v26 =	vor.u32 v5, v4;
	v22 =	vadd.s32 v0, v6;
	v5 =	vld.idx.msk [tilespmem:v16+s3+$0x0], $0xffff;
	[tilespmem:s12+$0xA000] =	vst v17  }
0x70: {  	v4 =	vand.u32 $0x78, v14;
	s12 =	sadd.s32 $0x1, s25;
	v17 =	vadd.s32 v0, v26;
	v16 =	vld.idx.msk [tilespmem:v23+s3+$0x0], $0xffff;
	[tilespmem:s5+$0xA000] =	vst v15  }
0x71: {  	v15 =	vshll.u32 v14, $0x3;
	v27 =	vmov s12;
	s5 =	sadd.s32 $0x2, s25;
	s12 =	sadd.s32 $0x3, s25;
	v28 =	vld.idx.msk [tilespmem:v11+s3+$0x0], $0xffff;
	v11 =	vadd.s32 v1, v7;
	[tilespmem:s23+$0xFFFFFF90] =	vst v19  }
0x72: {  	v30 =	vadd.s32 v1, v12;
	v19 =	vmov s5;
	v29 =	vmov s12;
	s5 =	sadd.s32 $0x4, s25;
	s12 =	sadd.s32 $0x5, s25;
	v31 =	vld.idx.msk [tilespmem:v13+s3+$0x0], $0xffff  }
0x73: {  	v20 =	vmov s5;
	v14 =	vmov s12;
	s5 =	sadd.s32 $0x6, s25;
	v13 =	vadd.s32 v1, v10;
	v25 =	vld.idx.msk [tilespmem:v18+s3+$0x0], $0xffff  }
.Ltmp2:
0x74: {  	v24 =	vadd.s32 v1, v9;
	v7 =	vand.u32 $0xC00, v15;
	s23 =	sadd.s32 $0x100, s23;
	v21 =	vmov s5;
	v23 =	vld.idx.msk [tilespmem:v22+s3+$0x0], $0xffff;
	(pc) =	sbr.rel @p6 .LBB2_3-.Ltmp2, $4  }
0x75: {  	v12 =	vand.u32 $0x79, v27;
	v10 =	vand.u32 $0x7A, v19;
	v22 =	vadd.s32 v1, v8;
	v18 =	vld.idx.msk [tilespmem:v17+s3+$0x0], $0xffff;
	[tilespmem:s23+$0x60] =	vst v5  }
0x76: {  	v9 =	vand.u32 $0x7B, v29;
	v8 =	vand.u32 $0x7C, v20;
	v17 =	vadd.s32 v1, v6;
	[tilespmem:s23+$0xFFFFFFA0] =	vst v16;
	v16 =	vld.idx.msk [tilespmem:v11+s3+$0x0], $0xffff  }
0x77: {  	v15 =	vadd.s32 v1, v26;
	v6 =	vand.u32 $0x7D, v14;
	v5 =	vand.u32 $0x7E, v21;
	v11 =	vld.idx.msk [tilespmem:v30+s3+$0x0], $0xffff;
	[tilespmem:s23+$0xFFFFFFC0] =	vst v28  }
0x78: {  	v27 =	vshll.u32 v27, $0x3;
	v26 =	vshll.u32 v19, $0x3;
	v19 =	vshll.u32 v29, $0x3;
	s12 =	sadd.s32 $0x7, s25;
	s25 =	sadd.s32 $0x8, s25;
	v13 =	vld.idx.msk [tilespmem:v13+s3+$0x0], $0xffff;
	[tilespmem:s23+$0xFFFFFFE0] =	vst v31  }
0x79: {  	v28 =	vmov s12  }
0x7a: {  	v20 =	vshll.u32 v20, $0x3;
	v2 =	vadd.s32 v1, v2;
	v14 =	vshll.u32 v14, $0x3  }
0x7b: {  	[tilespmem:s23+$0x0] =	vst v25;
	v21 =	vshll.u32 v21, $0x3;
	v47 =	vand.u32 $0xC00, v27;
	v48 =	vand.u32 $0xC00, v26  }
0x7c: {  	[tilespmem:s23+$0x20] =	vst v23;
	v51 =	vand.u32 $0xC00, v19;
	v29 =	vshll.u32 v28, $0x3;
	v12 =	vor.u32 v12, v47  }
0x7d: {  	s22 =	sadd.s32 $0x100, s22;
	v24 =	vld.idx.msk [tilespmem:v24+s3+$0x0], $0xffff;
	[tilespmem:s23+$0xFFFFFF80] =	vst v3;
	v45 =	vand.u32 $0x7F, v28;
	v10 =	vor.u32 v10, v48;
	v50 =	vadd.s32 v0, v12  }
0x7e: {  	[tilespmem:s23+$0x40] =	vst v18;
	s5 =	sor.u32 $0x70, s22;
	v22 =	vld.idx.msk [tilespmem:v22+s3+$0x0], $0xffff;
	s15 =	sadd.s32 $0xFFFFFF40, s22;
	v9 =	vor.u32 v9, v51;
	v52 =	vand.u32 $0xC00, v20;
	v3 =	vadd.s32 v0, v10  }
0x7f: {  	s25 =	sadd.s32 $0xFFFFFF60, s22;
	v17 =	vld.idx.msk [tilespmem:v17+s3+$0x0], $0xffff;
	v14 =	vand.u32 $0xC00, v14;
	[tilespmem:s5+$0xA000] =	vst v16;
	s15 =	sor.u32 $0x30, s15;
	v53 =	vadd.s32 v0, v9;
	v8 =	vor.u32 v8, v52  }
0x80: {  	s17 =	sadd.s32 $0xFFFFFF80, s22;
	v46 =	vand.u32 $0xC00, v29;
	v15 =	vld.idx.msk [tilespmem:v15+s3+$0x0], $0xffff;
	s5 =	sor.u32 $0x50, s25;
	v6 =	vor.u32 v6, v14;
	[tilespmem:s15+$0xA000] =	vst v11;
	v54 =	vadd.s32 v0, v8  }
0x81: {  	v55 =	vand.u32 $0xC00, v21;
	s26 =	sor.u32 $0x70, s17;
	v25 =	vor.u32 v45, v46;
	v56 =	vadd.s32 v0, v6;
	[tilespmem:s5+$0xA000] =	vst v13;
	v2 =	vld.idx.msk [tilespmem:v2+s3+$0x0], $0xffff  }
0x82: {  	s28 =	sadd.s32 $0xFFFFFFC0, s22;
	v5 =	vor.u32 v5, v55;
	v49 =	vadd.s32 v0, v25;
	[tilespmem:s26+$0xA000] =	vst v24;
	v16 =	vld.idx.msk [tilespmem:v50+s3+$0x0], $0xffff  }
0x83: {  	v4 =	vor.u32 v4, v7;
	s17 =	sadd.s32 $0xFFFFFFE0, s22;
	v58 =	vadd.s32 v0, v5;
	s5 =	sor.u32 $0x30, s28;
	[tilespmem:s23+$0x10] =	vst v22;
	v3 =	vld.idx.msk [tilespmem:v3+s3+$0x0], $0xffff  }
0x84: {  	v60 =	vadd.s32 v0, v4;
	s15 =	sor.u32 $0x50, s17;
	[tilespmem:s5+$0xA000] =	vst v17;
	v11 =	vld.idx.msk [tilespmem:v53+s3+$0x0], $0xffff  }
0x85: {  	v10 =	vadd.s32 v1, v10;
	[tilespmem:s15+$0xA000] =	vst v15;
	v61 =	vld.idx.msk [tilespmem:v54+s3+$0x0], $0xffff  }
0x86: {  	v9 =	vadd.s32 v1, v9;
	s5 =	sadd.s32 $0x100, s23;
	v62 =	vld.idx.msk [tilespmem:v56+s3+$0x0], $0xffff;
	[tilespmem:s23+$0xFFFFFF90] =	vst v2  }
0x87: {  	v57 =	vld.idx.msk [tilespmem:v49+s3+$0x0], $0xffff;
	v2 =	vadd.s32 v1, v12;
	[tilespmem:s5+$0xFFFFFFA0] =	vst v16  }
0x88: {  	v59 =	vadd.s32 v1, v25;
	v63 =	vld.idx.msk [tilespmem:v58+s3+$0x0], $0xffff;
	[tilespmem:s5+$0xFFFFFFC0] =	vst v3  }
0x89: {  	v8 =	vadd.s32 v1, v8;
	v3 =	vld.idx.msk [tilespmem:v60+s3+$0x0], $0xffff;
	[tilespmem:s5+$0xFFFFFFE0] =	vst v11  }
0x8a: {  	v6 =	vadd.s32 v1, v6;
	[tilespmem:s5+$0x0] =	vst v61;
	v10 =	vld.idx.msk [tilespmem:v10+s3+$0x0], $0xffff  }
0x8b: {  	v5 =	vadd.s32 v1, v5;
	[tilespmem:s5+$0x20] =	vst v62;
	v9 =	vld.idx.msk [tilespmem:v9+s3+$0x0], $0xffff  }
0x8c: {  	v4 =	vadd.s32 v1, v4;
	s12 =	sadd.s32 $0x100, s22;
	[tilespmem:s5+$0x60] =	vst v57;
	v2 =	vld.idx.msk [tilespmem:v2+s3+$0x0], $0xffff  }
0x8d: {  	s25 =	sadd.s32 $0xFFFFFF60, s12;
	[tilespmem:s5+$0x40] =	vst v63;
	v7 =	vld.idx.msk [tilespmem:v59+s3+$0x0], $0xffff  }
0x8e: {  	s26 =	sadd.s32 $0xFFFFFF80, s12;
	s15 =	sor.u32 $0x50, s25;
	v8 =	vld.idx.msk [tilespmem:v8+s3+$0x0], $0xffff;
	[tilespmem:s5+$0xFFFFFF80] =	vst v3  }
0x8f: {  	s28 =	sor.u32 $0x70, s26;
	s23 =	sadd.s32 $0xFFFFFF40, s12;
	v6 =	vld.idx.msk [tilespmem:v6+s3+$0x0], $0xffff;
	[tilespmem:s15+$0xA000] =	vst v10  }
0x90: {  	s17 =	sor.u32 $0x30, s23;
	v3 =	vld.idx.msk [tilespmem:v5+s3+$0x0], $0xffff;
	[tilespmem:s28+$0xA000] =	vst v9  }
0x91: {  	s22 =	sor.u32 $0x70, s12;
	[tilespmem:s17+$0xA000] =	vst v2;
	v2 =	vld.idx.msk [tilespmem:v4+s3+$0x0], $0xffff  }
0x92: {  	p6 =	sne.s32 s20, $0x1D;
	s23 =	sshll.u32 s20, $0xF;
	[tilespmem:s22+$0xA000] =	vst v7;
	s22 =	sadd.s32 $0xFFFFFFC0, s12  }
.Ltmp3:
0x93: {  	[tilespmem:s5+$0x10] =	vst v8;
	s12 =	sadd.s32 $0xFFFFFFE0, s12;
	s15 =	sor.u32 $0x30, s22;
	(pc) =	sbr.rel @p6 .LBB2_6-.Ltmp3, $4  }
0x94: {  	s25 =	sadd.s32 s6, s23;
	s12 =	sor.u32 $0x50, s12;
	[tilespmem:s15+$0xA000] =	vst v6  }
0x95: {  	s26 =	sshrl.u32 s25, $0x3;
	[tilespmem:s12+$0xA000] =	vst v3  }
0x96: {  	s28 =	sadd.s32 s4, s26;
	[tilespmem:s5+$0xFFFFFF90] =	vst v2  }
0x97: {  	[hbm4b:s28+s3] =	stream.linear.scatter [tilespmem:s18], [sflag:$0x3], $0x4000, $0x38;
	[tilespmem:$0x12000] =	vst v63  }
.Ltmp4:
0x98: {  	(pc) =	sbr.rel .LBB2_7-.Ltmp4, $4  }
0x99: {  	_ = 	snop  }
0x9a: {  	_ =	swait.ge [sflag:s9], $0x4000  }
0x9b: {  	[sflag:s9] =	ssyncset.done $0x0  }
0x9c: {  	[sflag:s9] =	ssyncadd.s32 $0xFFFFC000  }
.LBB2_6:
0x9d: {  	s5 =	sadd.s32 s21, s7  }
0x9e: {  	s5 =	sshrl.u32 s5, $0x3  }
0x9f: {  	s5 =	sadd.s32 s2, s5  }
0xa0: {  	[tilespmem:s3], [sflag:$0x1] =	stream.linear.gather [hbm4b:s5+s3], $0x1000, $0x38;
	[tilespmem:$0x12000] =	vst v63  }
0xa1: {  	s12 =	sadd.s32 $0xF4280, s5  }
0xa2: {  	[tilespmem:s19], [sflag:$0x1] =	stream.linear.gather [hbm4b:s12+s3], $0x1000, $0x38;
	[tilespmem:$0x12000] =	vst v63  }
0xa3: {  	s28 =	sadd.s32 $0x1E8500, s5  }
0xa4: {  	[tilespmem:s29], [sflag:$0x1] =	stream.linear.gather [hbm4b:s28+s3], $0x1000, $0x38;
	[tilespmem:$0x12000] =	vst v63  }
.Ltmp5:
0xa5: {  	s5 =	sadd.s32 $0x2DC780, s5;
	(pc) =	sbr.rel @p5 .LBB2_8-.Ltmp5, $4  }
0xa6: {  	[tilespmem:s30], [sflag:$0x1] =	stream.linear.gather [hbm4b:s5+s3], $0x1000, $0x38;
	[tilespmem:$0x12000] =	vst v63  }
0xa7: {  	_ =	swait.ge [sflag:s9], $0x4000  }
0xa8: {  	[sflag:s9] =	ssyncset.done $0x0  }
0xa9: {  	[sflag:s9] =	ssyncadd.s32 $0xFFFFC000  }
.LBB2_7:
0xaa: {  	_ =	swait.ge [sflag:s11], $0x4000  }
0xab: {  	[sflag:s11] =	ssyncset.done $0x0  }
0xac: {  	[sflag:s11] =	ssyncadd.s32 $0xFFFFC000  }
.LBB2_8:
0xad: {  	s5 =	simm.s32 $0x0;
	s23 =	simm.s32 $0x1;
	s12 =	simm.s32 $0x2  }
0xae: {  	s25 =	simm.s32 $0x3;
	s26 =	simm.s32 $0x4;
	s15 =	simm.s32 $0x5;
	v2 =	vmov s5;
	v4 =	vmov s23;
	v5 =	vmov s12  }
0xaf: {  	s28 =	simm.s32 $0x6;
	s17 =	simm.s32 $0x9;
	s22 =	simm.s32 $0xA;
	v6 =	vmov s25;
	v7 =	vmov s26;
	v8 =	vmov s15  }
0xb0: {  	v9 =	vmov s28;
	v20 =	vmov s17;
	v21 =	vmov s22  }
0xb1: {  	v3 =	vand.u32 $0x78, v2;
	v2 =	vshll.u32 v2, $0x3;
	v10 =	vand.u32 $0x79, v4  }
0xb2: {  	v11 =	vand.u32 $0x7A, v5;
	v12 =	vand.u32 $0x7B, v6;
	v13 =	vand.u32 $0x7C, v7  }
0xb3: {  	v14 =	vand.u32 $0x7D, v8;
	v15 =	vand.u32 $0x7E, v9;
	v4 =	vshll.u32 v4, $0x3  }
0xb4: {  	s12 =	simm.s32 $0x7;
	v5 =	vshll.u32 v5, $0x3;
	v6 =	vshll.u32 v6, $0x3;
	v7 =	vshll.u32 v7, $0x3  }
0xb5: {  	s23 =	simm.s32 $0xB;
	s25 =	simm.s32 $0xC;
	s26 =	simm.s32 $0xD;
	v16 =	vmov s12;
	v8 =	vshll.u32 v8, $0x3;
	v9 =	vshll.u32 v9, $0x3  }
0xb6: {  	s28 =	simm.s32 $0xE;
	v22 =	vmov s23;
	v23 =	vmov s25;
	v24 =	vmov s26  }
0xb7: {  	v25 =	vmov s28;
	v2 =	vand.u32 $0xC00, v2;
	v17 =	vshll.u32 v16, $0x3  }
0xb8: {  	v4 =	vand.u32 $0xC00, v4;
	v5 =	vand.u32 $0xC00, v5;
	v2 =	vor.u32 v3, v2  }
0xb9: {  	v3 =	vand.u32 $0x7F, v16;
	v16 =	vand.u32 $0xC00, v17;
	v4 =	vor.u32 v10, v4  }
0xba: {  	v5 =	vor.u32 v11, v5;
	v3 =	vor.u32 v3, v16;
	v16 =	vadd.s32 v0, v4  }
0xbb: {  	v26 =	vand.u32 $0x79, v20;
	v6 =	vand.u32 $0xC00, v6;
	v11 =	vadd.s32 v0, v5  }
0xbc: {  	v7 =	vand.u32 $0xC00, v7;
	v6 =	vor.u32 v12, v6;
	v10 =	vadd.s32 v0, v3  }
0xbd: {  	v27 =	vand.u32 $0x7A, v21;
	v7 =	vor.u32 v13, v7;
	v12 =	vadd.s32 v0, v6  }
0xbe: {  	v8 =	vand.u32 $0xC00, v8;
	v9 =	vand.u32 $0xC00, v9;
	v13 =	vadd.s32 v0, v7  }
0xbf: {  	v28 =	vand.u32 $0x7B, v22;
	v8 =	vor.u32 v14, v8;
	v17 =	vadd.s32 v0, v2;
	v16 =	vld.idx.msk [tilespmem:v16+s1+$0x0], $0xffff  }
0xc0: {  	s15 =	simm.s32 $0x8;
	v29 =	vand.u32 $0x7C, v23;
	v9 =	vor.u32 v15, v9;
	v15 =	vadd.s32 v0, v8;
	v11 =	vld.idx.msk [tilespmem:v11+s1+$0x0], $0xffff  }
0xc1: {  	v30 =	vand.u32 $0x7D, v24;
	v14 =	vmov s15;
	v19 =	vadd.s32 v0, v9;
	v10 =	vld.idx.msk [tilespmem:v10+s1+$0x0], $0xffff  }
0xc2: {  	v31 =	vand.u32 $0x7E, v25;
	v18 =	vand.u32 $0x78, v14;
	v4 =	vadd.s32 v1, v4;
	v12 =	vld.idx.msk [tilespmem:v12+s1+$0x0], $0xffff  }
0xc3: {  	s23 =	simm.s32 $0xE080;
	v5 =	vadd.s32 v1, v5;
	v6 =	vadd.s32 v1, v6;
	v7 =	vadd.s32 v1, v7;
	v13 =	vld.idx.msk [tilespmem:v13+s1+$0x0], $0xffff  }
0xc4: {  	v14 =	vshll.u32 v14, $0x3;
	v8 =	vadd.s32 v1, v8;
	v9 =	vadd.s32 v1, v9;
	v17 =	vld.idx.msk [tilespmem:v17+s1+$0x0], $0xffff;
	[tilespmem:s23+$0xFFFFFFA0] =	vst v16  }
0xc5: {  	v3 =	vadd.s32 v1, v3;
	v14 =	vand.u32 $0xC00, v14;
	v15 =	vld.idx.msk [tilespmem:v15+s1+$0x0], $0xffff;
	v16 =	vshll.u32 v23, $0x3;
	[tilespmem:s23+$0xFFFFFFC0] =	vst v11  }
0xc6: {  	v23 =	vadd.s32 v1, v2;
	v11 =	vshll.u32 v24, $0x3;
	v24 =	vshll.u32 v25, $0x3;
	[tilespmem:s23+$0x60] =	vst v10;
	v10 =	vld.idx.msk [tilespmem:v19+s1+$0x0], $0xffff  }
0xc7: {  	s12 =	simm.s32 $0xF;
	[tilespmem:s23+$0xFFFFFFE0] =	vst v12;
	v2 =	vor.u32 v18, v14;
	v19 =	vshll.u32 v20, $0x3;
	v20 =	vshll.u32 v21, $0x3;
	v4 =	vld.idx.msk [tilespmem:v4+s1+$0x0], $0xffff  }
0xc8: {  	[tilespmem:s23+$0x0] =	vst v13;
	v21 =	vshll.u32 v22, $0x3;
	v22 =	vmov s12;
	v5 =	vld.idx.msk [tilespmem:v5+s1+$0x0], $0xffff;
	v13 =	vadd.s32 v0, v2  }
0xc9: {  	v6 =	vld.idx.msk [tilespmem:v6+s1+$0x0], $0xffff;
	v11 =	vand.u32 $0xC00, v11;
	v25 =	vshll.u32 v22, $0x3;
	v12 =	vand.u32 $0x7F, v22  }
0xca: {  	[tilespmem:s23+$0x20] =	vst v15;
	v3 =	vld.idx.msk [tilespmem:v3+s1+$0x0], $0xffff;
	v18 =	vand.u32 $0xC00, v19;
	v11 =	vor.u32 v30, v11;
	v14 =	vand.u32 $0xC00, v25  }
0xcb: {  	[tilespmem:s23+$0xFFFFFF80] =	vst v17;
	v7 =	vld.idx.msk [tilespmem:v7+s1+$0x0], $0xffff;
	v15 =	vand.u32 $0xC00, v20;
	v22 =	vadd.s32 v0, v11;
	v12 =	vor.u32 v12, v14  }
0xcc: {  	s15 =	simm.s32 $0x20;
	v8 =	vld.idx.msk [tilespmem:v8+s1+$0x0], $0xffff;
	v15 =	vor.u32 v27, v15;
	v14 =	vor.u32 v26, v18;
	v18 =	vadd.s32 v0, v12  }
0xcd: {  	s22 =	simm.s32 $0xE0;
	s5 =	sor.u32 $0x30, s15;
	v19 =	vand.u32 $0xC00, v21;
	v17 =	vadd.s32 v0, v15;
	v21 =	vld.idx.msk [tilespmem:v23+s1+$0x0], $0xffff;
	[tilespmem:s23+$0x40] =	vst v10  }
0xce: {  	s17 =	sor.u32 $0x70, s22;
	s25 =	simm.s32 $0x40;
	v16 =	vand.u32 $0xC00, v16;
	v19 =	vor.u32 v28, v19;
	v10 =	vadd.s32 v0, v14;
	[tilespmem:s5+$0xE000] =	vst v4;
	v9 =	vld.idx.msk [tilespmem:v9+s1+$0x0], $0xffff  }
0xcf: {  	s15 =	sor.u32 $0x50, s25;
	v16 =	vor.u32 v29, v16;
	v20 =	vadd.s32 v0, v19;
	v4 =	vand.u32 $0xC00, v24;
	[tilespmem:s17+$0xE000] =	vst v3;
	v3 =	vld.idx.msk [tilespmem:v13+s1+$0x0], $0xffff  }
0xd0: {  	s25 =	simm.s32 $0x11;
	[tilespmem:s15+$0xE000] =	vst v5;
	s15 =	simm.s32 $0xA0;
	v13 =	vadd.s32 v0, v16;
	v26 =	vor.u32 v31, v4;
	v23 =	vld.idx.msk [tilespmem:v22+s1+$0x0], $0xffff  }
0xd1: {  	s26 =	simm.s32 $0x10;
	v28 =	vmov s25;
	v33 =	vadd.s32 v1, v15;
	[tilespmem:s23+$0x10] =	vst v7;
	s17 =	simm.s32 $0x60;
	s12 =	sor.u32 $0x30, s15;
	v27 =	vadd.s32 v0, v26;
	v18 =	vld.idx.msk [tilespmem:v18+s1+$0x0], $0xffff  }
0xd2: {  	v12 =	vadd.s32 v1, v12;
	v63 =	vadd.s32 v1, v14;
	v5 =	vmov s26;
	s26 =	simm.s32 $0x12;
	s28 =	sor.u32 $0x70, s17;
	[tilespmem:s12+$0xE000] =	vst v8;
	v17 =	vld.idx.msk [tilespmem:v17+s1+$0x0], $0xffff  }
0xd3: {  	v4 =	vand.u32 $0x78, v5;
	v5 =	vshll.u32 v5, $0x3;
	v29 =	vmov s26;
	s26 =	simm.s32 $0x15;
	s17 =	simm.s32 $0xC0;
	[tilespmem:s28+$0xE000] =	vst v6;
	v6 =	vld.idx.msk [tilespmem:v10+s1+$0x0], $0xffff  }
0xd4: {  	s25 =	simm.s32 $0x14;
	v24 =	vadd.s32 v1, v19;
	v14 =	vmov s26;
	v7 =	vand.u32 $0xC00, v5;
	s15 =	sor.u32 $0x50, s17;
	v32 =	vld.idx.msk [tilespmem:v20+s1+$0x0], $0xffff;
	[tilespmem:s23+$0xFFFFFF90] =	vst v21  }
0xd5: {  	v22 =	vadd.s32 v1, v16;
	v15 =	vadd.s32 v1, v26;
	s28 =	simm.s32 $0x13;
	v20 =	vmov s25;
	s23 =	simm.s32 $0xE180;
	[tilespmem:s15+$0xE000] =	vst v9;
	v25 =	vld.idx.msk [tilespmem:v13+s1+$0x0], $0xffff  }
0xd6: {  	v26 =	vshll.u32 v29, $0x3;
	v62 =	vmov s28;
	s28 =	simm.s32 $0x16;
	v8 =	vand.u32 $0x7C, v20;
	v19 =	vld.idx.msk [tilespmem:v27+s1+$0x0], $0xffff;
	[tilespmem:s23+$0x60] =	vst v18  }
0xd7: {  	v21 =	vmov s28;
	v10 =	vand.u32 $0x7A, v29;
	[tilespmem:s23+$0xFFFFFFC0] =	vst v17;
	v18 =	vadd.s32 v1, v11;
	v16 =	vld.idx.msk [tilespmem:v12+s1+$0x0], $0xffff  }
0xd8: {  	v13 =	vand.u32 $0x79, v28;
	v9 =	vand.u32 $0x7B, v62;
	v5 =	vand.u32 $0x7E, v21;
	[tilespmem:s23+$0xFFFFFFA0] =	vst v6;
	v12 =	vld.idx.msk [tilespmem:v33+s1+$0x0], $0xffff  }
0xd9: {  	s12 =	simm.s32 $0x17;
	s25 =	simm.s32 $0x18;
	v27 =	vshll.u32 v28, $0x3;
	v17 =	vshll.u32 v62, $0x3;
	[tilespmem:s23+$0xFFFFFFE0] =	vst v32;
	v6 =	vand.u32 $0x7D, v14;
	v11 =	vld.idx.msk [tilespmem:v63+s1+$0x0], $0xffff  }
.LBB2_9:
0xda: {  	p5 =	slt.u32 s25, $0x1F8;
	v20 =	vshll.u32 v20, $0x3;
	v28 =	vmov s12;
	v29 =	vadd.s32 v1, v2;
	v24 =	vld.idx.msk [tilespmem:v24+s1+$0x0], $0xffff;
	[tilespmem:s23+$0x0] =	vst v25  }
0xdb: {  	v14 =	vshll.u32 v14, $0x3;
	v21 =	vshll.u32 v21, $0x3;
	s22 =	sadd.s32 $0x100, s22;
	v25 =	vshll.u32 v28, $0x3;
	v22 =	vld.idx.msk [tilespmem:v22+s1+$0x0], $0xffff;
	[tilespmem:s23+$0x20] =	vst v23  }
0xdc: {  	v2 =	vor.u32 v4, v7;
	v4 =	vand.u32 $0x7F, v28;
	s5 =	sadd.s32 $0xFFFFFF40, s22;
	s12 =	sadd.s32 $0xFFFFFF60, s22;
	s15 =	sor.u32 $0x70, s22;
	v7 =	vand.u32 $0xC00, v25;
	v18 =	vld.idx.msk [tilespmem:v18+s1+$0x0], $0xffff;
	[tilespmem:s23+$0x40] =	vst v19  }
0xdd: {  	v23 =	vand.u32 $0xC00, v27;
	s17 =	sadd.s32 $0xFFFFFF80, s22;
	s26 =	sadd.s32 $0xFFFFFFC0, s22;
	s28 =	sadd.s32 $0xFFFFFFE0, s22;
	v19 =	vadd.s32 v0, v2;
	v7 =	vor.u32 v4, v7;
	v15 =	vld.idx.msk [tilespmem:v15+s1+$0x0], $0xffff;
	[tilespmem:s15+$0xE000] =	vst v16  }
0xde: {  	v13 =	vor.u32 v13, v23;
	s5 =	sor.u32 $0x30, s5;
	s12 =	sor.u32 $0x50, s12;
	v4 =	vand.u32 $0xC00, v26;
	s15 =	sor.u32 $0x70, s17;
	v16 =	vadd.s32 v0, v7;
	[tilespmem:s23+$0xFFFFFF80] =	vst v3  }
0xdf: {  	v23 =	vadd.s32 v0, v13;
	s17 =	sor.u32 $0x50, s28;
	v10 =	vor.u32 v10, v4;
	v3 =	vand.u32 $0xC00, v17;
	v17 =	vld.idx.msk [tilespmem:v29+s1+$0x0], $0xffff;
	[tilespmem:s5+$0xE000] =	vst v11;
	s5 =	sor.u32 $0x30, s26  }
0xe0: {  	v11 =	vadd.s32 v0, v10;
	v9 =	vor.u32 v9, v3;
	v3 =	vand.u32 $0xC00, v20;
	[tilespmem:s12+$0xE000] =	vst v12  }
0xe1: {  	v4 =	vand.u32 $0xC00, v14;
	v12 =	vadd.s32 v0, v9;
	v8 =	vor.u32 v8, v3;
	[tilespmem:s15+$0xE000] =	vst v24  }
0xe2: {  	v6 =	vor.u32 v6, v4;
	v4 =	vand.u32 $0xC00, v21;
	v3 =	vld.idx.msk [tilespmem:v19+s1+$0x0], $0xffff;
	v19 =	vadd.s32 v0, v8;
	[tilespmem:s23+$0x10] =	vst v22  }
0xe3: {  	v14 =	vmov s25;
	v26 =	vor.u32 v5, v4;
	v22 =	vadd.s32 v0, v6;
	v5 =	vld.idx.msk [tilespmem:v16+s1+$0x0], $0xffff;
	[tilespmem:s5+$0xE000] =	vst v18  }
0xe4: {  	v4 =	vand.u32 $0x78, v14;
	s5 =	sadd.s32 $0x1, s25;
	v18 =	vadd.s32 v0, v26;
	v16 =	vld.idx.msk [tilespmem:v23+s1+$0x0], $0xffff;
	[tilespmem:s17+$0xE000] =	vst v15  }
0xe5: {  	s12 =	sadd.s32 $0x3, s25;
	v15 =	vshll.u32 v14, $0x3;
	v27 =	vmov s5;
	s5 =	sadd.s32 $0x2, s25;
	v28 =	vld.idx.msk [tilespmem:v11+s1+$0x0], $0xffff;
	v11 =	vadd.s32 v1, v7;
	[tilespmem:s23+$0xFFFFFF90] =	vst v17  }
0xe6: {  	v30 =	vadd.s32 v1, v13;
	v29 =	vmov s12;
	s12 =	sadd.s32 $0x5, s25;
	v17 =	vmov s5;
	s5 =	sadd.s32 $0x4, s25;
	v31 =	vld.idx.msk [tilespmem:v12+s1+$0x0], $0xffff  }
0xe7: {  	v14 =	vmov s12;
	v20 =	vmov s5;
	s5 =	sadd.s32 $0x6, s25;
	v12 =	vadd.s32 v1, v10;
	v25 =	vld.idx.msk [tilespmem:v19+s1+$0x0], $0xffff  }
.Ltmp6:
0xe8: {  	v24 =	vadd.s32 v1, v9;
	v7 =	vand.u32 $0xC00, v15;
	s23 =	sadd.s32 $0x100, s23;
	v21 =	vmov s5;
	v23 =	vld.idx.msk [tilespmem:v22+s1+$0x0], $0xffff;
	(pc) =	sbr.rel @p5 .LBB2_9-.Ltmp6, $4  }
0xe9: {  	v13 =	vand.u32 $0x79, v27;
	v10 =	vand.u32 $0x7A, v17;
	v22 =	vadd.s32 v1, v8;
	v19 =	vld.idx.msk [tilespmem:v18+s1+$0x0], $0xffff;
	[tilespmem:s23+$0x60] =	vst v5  }
0xea: {  	v9 =	vand.u32 $0x7B, v29;
	v8 =	vand.u32 $0x7C, v20;
	v18 =	vadd.s32 v1, v6;
	[tilespmem:s23+$0xFFFFFFA0] =	vst v16;
	v16 =	vld.idx.msk [tilespmem:v11+s1+$0x0], $0xffff  }
0xeb: {  	v15 =	vadd.s32 v1, v26;
	v6 =	vand.u32 $0x7D, v14;
	v5 =	vand.u32 $0x7E, v21;
	v11 =	vld.idx.msk [tilespmem:v30+s1+$0x0], $0xffff;
	[tilespmem:s23+$0xFFFFFFC0] =	vst v28  }
0xec: {  	s12 =	sadd.s32 $0x7, s25;
	v27 =	vshll.u32 v27, $0x3;
	v26 =	vshll.u32 v17, $0x3;
	v17 =	vshll.u32 v29, $0x3;
	s25 =	sadd.s32 $0x8, s25;
	v12 =	vld.idx.msk [tilespmem:v12+s1+$0x0], $0xffff;
	[tilespmem:s23+$0xFFFFFFE0] =	vst v31  }
0xed: {  	v28 =	vmov s12  }
0xee: {  	v20 =	vshll.u32 v20, $0x3;
	v2 =	vadd.s32 v1, v2;
	v14 =	vshll.u32 v14, $0x3  }
0xef: {  	[tilespmem:s23+$0x0] =	vst v25;
	v21 =	vshll.u32 v21, $0x3;
	v49 =	vand.u32 $0xC00, v27;
	v50 =	vand.u32 $0xC00, v26  }
0xf0: {  	[tilespmem:s23+$0x20] =	vst v23;
	v17 =	vand.u32 $0xC00, v17;
	v29 =	vshll.u32 v28, $0x3;
	v13 =	vor.u32 v13, v49  }
0xf1: {  	s25 =	sadd.s32 $0x100, s22;
	v24 =	vld.idx.msk [tilespmem:v24+s1+$0x0], $0xffff;
	[tilespmem:s23+$0xFFFFFF80] =	vst v3;
	v47 =	vand.u32 $0x7F, v28;
	v10 =	vor.u32 v10, v50;
	v52 =	vadd.s32 v0, v13  }
0xf2: {  	[tilespmem:s23+$0x40] =	vst v19;
	s5 =	sor.u32 $0x70, s25;
	v22 =	vld.idx.msk [tilespmem:v22+s1+$0x0], $0xffff;
	s15 =	sadd.s32 $0xFFFFFF40, s25;
	v9 =	vor.u32 v9, v17;
	v53 =	vand.u32 $0xC00, v20;
	v3 =	vadd.s32 v0, v10  }
0xf3: {  	s26 =	sadd.s32 $0xFFFFFF60, s25;
	v18 =	vld.idx.msk [tilespmem:v18+s1+$0x0], $0xffff;
	v14 =	vand.u32 $0xC00, v14;
	[tilespmem:s5+$0xE000] =	vst v16;
	s15 =	sor.u32 $0x30, s15;
	v54 =	vadd.s32 v0, v9;
	v8 =	vor.u32 v8, v53  }
0xf4: {  	s17 =	sadd.s32 $0xFFFFFF80, s25;
	v56 =	vand.u32 $0xC00, v21;
	v15 =	vld.idx.msk [tilespmem:v15+s1+$0x0], $0xffff;
	s5 =	sor.u32 $0x50, s26;
	v6 =	vor.u32 v6, v14;
	[tilespmem:s15+$0xE000] =	vst v11;
	v55 =	vadd.s32 v0, v8  }
0xf5: {  	v48 =	vand.u32 $0xC00, v29;
	s28 =	sor.u32 $0x70, s17;
	v5 =	vor.u32 v5, v56;
	v57 =	vadd.s32 v0, v6;
	[tilespmem:s5+$0xE000] =	vst v12;
	v2 =	vld.idx.msk [tilespmem:v2+s1+$0x0], $0xffff  }
0xf6: {  	s17 =	sadd.s32 $0xFFFFFFC0, s25;
	v25 =	vor.u32 v47, v48;
	v59 =	vadd.s32 v0, v5;
	[tilespmem:s28+$0xE000] =	vst v24;
	v16 =	vld.idx.msk [tilespmem:v52+s1+$0x0], $0xffff  }
0xf7: {  	v4 =	vor.u32 v4, v7;
	s22 =	sadd.s32 $0xFFFFFFE0, s25;
	v51 =	vadd.s32 v0, v25;
	s5 =	sor.u32 $0x30, s17;
	[tilespmem:s23+$0x10] =	vst v22;
	v3 =	vld.idx.msk [tilespmem:v3+s1+$0x0], $0xffff  }
0xf8: {  	v61 =	vadd.s32 v0, v4;
	s15 =	sor.u32 $0x50, s22;
	[tilespmem:s5+$0xE000] =	vst v18;
	v11 =	vld.idx.msk [tilespmem:v54+s1+$0x0], $0xffff  }
0xf9: {  	v10 =	vadd.s32 v1, v10;
	[tilespmem:s15+$0xE000] =	vst v15;
	v12 =	vld.idx.msk [tilespmem:v55+s1+$0x0], $0xffff  }
0xfa: {  	v8 =	vadd.s32 v1, v8;
	s5 =	sadd.s32 $0x100, s23;
	v62 =	vld.idx.msk [tilespmem:v57+s1+$0x0], $0xffff;
	[tilespmem:s23+$0xFFFFFF90] =	vst v2  }
0xfb: {  	v63 =	vld.idx.msk [tilespmem:v59+s1+$0x0], $0xffff;
	v2 =	vadd.s32 v1, v13;
	[tilespmem:s5+$0xFFFFFFA0] =	vst v16  }
0xfc: {  	v6 =	vadd.s32 v1, v6;
	v58 =	vld.idx.msk [tilespmem:v51+s1+$0x0], $0xffff;
	[tilespmem:s5+$0xFFFFFFC0] =	vst v3  }
0xfd: {  	v60 =	vadd.s32 v1, v25;
	v3 =	vld.idx.msk [tilespmem:v61+s1+$0x0], $0xffff;
	[tilespmem:s5+$0xFFFFFFE0] =	vst v11  }
0xfe: {  	v9 =	vadd.s32 v1, v9;
	[tilespmem:s5+$0x0] =	vst v12;
	v10 =	vld.idx.msk [tilespmem:v10+s1+$0x0], $0xffff  }
0xff: {  	v5 =	vadd.s32 v1, v5;
	[tilespmem:s5+$0x20] =	vst v62;
	v8 =	vld.idx.msk [tilespmem:v8+s1+$0x0], $0xffff  }
0x100: {  	v4 =	vadd.s32 v1, v4;
	s12 =	sadd.s32 $0x100, s25;
	[tilespmem:s5+$0x40] =	vst v63;
	v2 =	vld.idx.msk [tilespmem:v2+s1+$0x0], $0xffff  }
0x101: {  	s26 =	sadd.s32 $0xFFFFFF60, s12;
	[tilespmem:s5+$0x60] =	vst v58;
	v6 =	vld.idx.msk [tilespmem:v6+s1+$0x0], $0xffff  }
0x102: {  	s15 =	sor.u32 $0x50, s26;
	v7 =	vld.idx.msk [tilespmem:v60+s1+$0x0], $0xffff;
	[tilespmem:s5+$0xFFFFFF80] =	vst v3  }
0x103: {  	s25 =	sadd.s32 $0xFFFFFF40, s12;
	v9 =	vld.idx.msk [tilespmem:v9+s1+$0x0], $0xffff;
	[tilespmem:s15+$0xE000] =	vst v10  }
0x104: {  	s17 =	sor.u32 $0x30, s25;
	s25 =	sadd.s32 $0xFFFFFFC0, s12;
	v3 =	vld.idx.msk [tilespmem:v5+s1+$0x0], $0xffff;
	[tilespmem:s5+$0x10] =	vst v8  }
0x105: {  	s15 =	sor.u32 $0x30, s25;
	[tilespmem:s17+$0xE000] =	vst v2;
	v2 =	vld.idx.msk [tilespmem:v4+s1+$0x0], $0xffff  }
0x106: {  	p5 =	seq.s32 s20, $0x1D;
	s28 =	sadd.s32 $0xFFFFFF80, s12;
	s23 =	sor.u32 $0x70, s12;
	[tilespmem:s15+$0xE000] =	vst v6  }
.Ltmp7:
0x107: {  	s12 =	sadd.s32 $0xFFFFFFE0, s12;
	[tilespmem:s23+$0xE000] =	vst v7;
	s23 =	sor.u32 $0x70, s28;
	(pc) =	sbr.rel @p5 .LBB2_12-.Ltmp7, $4  }
0x108: {  	s12 =	sor.u32 $0x50, s12;
	[tilespmem:s23+$0xE000] =	vst v9  }
0x109: {  	s26 =	sshll.u32 s20, $0xC;
	[tilespmem:s12+$0xE000] =	vst v3  }
0x10a: {  	s28 =	sadd.s32 s24, s26;
	[tilespmem:s5+$0xFFFFFF90] =	vst v2  }
0x10b: {  	[hbm4b:s28+s3] =	stream.linear.scatter [tilespmem:s14], [sflag:$0x4], $0x4000, $0x38;
	[tilespmem:$0x12000] =	vst v63  }
0x10c: {  	s5 =	sadd.s32 s21, s8  }
0x10d: {  	s5 =	sshrl.u32 s5, $0x3  }
0x10e: {  	s5 =	sadd.s32 s2, s5  }
0x10f: {  	[tilespmem:s1], [sflag:$0x2] =	stream.linear.gather [hbm4b:s5+s3], $0x1000, $0x38;
	[tilespmem:$0x12000] =	vst v63  }
0x110: {  	s12 =	sadd.s32 $0xF4280, s5  }
0x111: {  	[tilespmem:s0], [sflag:$0x2] =	stream.linear.gather [hbm4b:s12+s3], $0x1000, $0x38;
	[tilespmem:$0x12000] =	vst v63  }
.Ltmp8:
0x112: {  	_ = 	snop;
	(pc) =	sbr.rel .LBB2_2-.Ltmp8, $4  }
0x113: {  	s28 =	sadd.s32 $0x1E8500, s5  }
0x114: {  	[tilespmem:s10], [sflag:$0x2] =	stream.linear.gather [hbm4b:s28+s3], $0x1000, $0x38;
	[tilespmem:$0x12000] =	vst v63  }
0x115: {  	s20 =	sadd.s32 $0x1, s20;
	s5 =	sadd.s32 $0x2DC780, s5  }
0x116: {  	[tilespmem:s13], [sflag:$0x2] =	stream.linear.gather [hbm4b:s5+s3], $0x1000, $0x38;
	[tilespmem:$0x12000] =	vst v63  }
.LBB2_12:
0x117: {  	s5 =	simm.s32 $0x0  }
0x118: {  	s20 =	simm.s32 $0x3;
	s12 =	simm.s32 $0x1;
	s15 =	simm.s32 $0x2  }
0x119: {  	s26 =	simm.s32 $0x3;
	s28 =	simm.s32 $0x4;
	s17 =	simm.s32 $0x5;
	v2 =	vmov s5;
	v4 =	vmov s12;
	v5 =	vmov s15  }
0x11a: {  	s21 =	simm.s32 $0x6;
	s22 =	simm.s32 $0x7;
	_ =	swait.ge [sflag:s20], $0x4000;
	v6 =	vmov s26;
	v7 =	vmov s28;
	v8 =	vmov s17  }
0x11b: {  	v9 =	vmov s21;
	v16 =	vmov s22;
	v3 =	vand.u32 $0x78, v2;
	[sflag:s20] =	ssyncset.done $0x0  }
0x11c: {  	v2 =	vshll.u32 v2, $0x3;
	v10 =	vand.u32 $0x79, v4;
	v11 =	vand.u32 $0x7A, v5;
	[sflag:s20] =	ssyncadd.s32 $0xFFFFC000  }
0x11d: {  	v12 =	vand.u32 $0x7B, v6;
	v13 =	vand.u32 $0x7C, v7;
	v14 =	vand.u32 $0x7D, v8;
	_ =	swait.ge [sflag:s11], $0x4000  }
0x11e: {  	s17 =	simm.s32 $0x9;
	s21 =	simm.s32 $0xB;
	v15 =	vand.u32 $0x7E, v9;
	v4 =	vshll.u32 v4, $0x3;
	v5 =	vshll.u32 v5, $0x3;
	[sflag:s11] =	ssyncset.done $0x0  }
0x11f: {  	s22 =	simm.s32 $0xC;
	v6 =	vshll.u32 v6, $0x3;
	v7 =	vshll.u32 v7, $0x3;
	v8 =	vshll.u32 v8, $0x3;
	s23 =	rddreg [dreg:$0xa];
	[sflag:s11] =	ssyncadd.s32 $0xFFFFC000  }
0x120: {  	v9 =	vshll.u32 v9, $0x3;
	v17 =	vshll.u32 v16, $0x3;
	v20 =	vmov s17;
	[tilespmem:s5], [sflag:$0x5] =	stream.linear.gather [hbm4b:s23+s5], $0x1000, $0x38;
	[tilespmem:$0x12000] =	vst v63  }
0x121: {  	v22 =	vmov s21;
	v23 =	vmov s22;
	v2 =	vand.u32 $0xC00, v2;
	s25 =	sadd.s32 $0xF4280, s23  }
0x122: {  	v4 =	vand.u32 $0xC00, v4;
	v5 =	vand.u32 $0xC00, v5;
	v6 =	vand.u32 $0xC00, v6;
	[tilespmem:s19], [sflag:$0x5] =	stream.linear.gather [hbm4b:s25+s5], $0x1000, $0x38;
	[tilespmem:$0x12000] =	vst v63  }
0x123: {  	v2 =	vor.u32 v3, v2;
	v3 =	vand.u32 $0x7F, v16;
	v16 =	vand.u32 $0xC00, v17;
	s26 =	sadd.s32 $0x1E8500, s23  }
0x124: {  	v7 =	vand.u32 $0xC00, v7;
	v8 =	vand.u32 $0xC00, v8;
	v3 =	vor.u32 v3, v16;
	[tilespmem:s29], [sflag:$0x5] =	stream.linear.gather [hbm4b:s26+s5], $0x1000, $0x38;
	[tilespmem:$0x12000] =	vst v63  }
0x125: {  	v9 =	vand.u32 $0xC00, v9;
	v4 =	vor.u32 v10, v4;
	v10 =	vadd.s32 v0, v3;
	s28 =	sadd.s32 $0x2DC780, s23  }
0x126: {  	v26 =	vand.u32 $0x79, v20;
	v5 =	vor.u32 v11, v5;
	v16 =	vadd.s32 v0, v4;
	[tilespmem:s30], [sflag:$0x5] =	stream.linear.gather [hbm4b:s28+s5], $0x1000, $0x38;
	[tilespmem:$0x12000] =	vst v63  }
0x127: {  	v28 =	vand.u32 $0x7B, v22;
	v6 =	vor.u32 v12, v6;
	v11 =	vadd.s32 v0, v5;
	_ =	swait.ge [sflag:s31], $0x4000  }
0x128: {  	s15 =	simm.s32 $0x8;
	v29 =	vand.u32 $0x7C, v23;
	v7 =	vor.u32 v13, v7;
	v12 =	vadd.s32 v0, v6;
	[sflag:s31] =	ssyncset.done $0x0  }
0x129: {  	s20 =	simm.s32 $0xA;
	v8 =	vor.u32 v14, v8;
	v14 =	vmov s15;
	v13 =	vadd.s32 v0, v7;
	[sflag:s31] =	ssyncadd.s32 $0xFFFFC000  }
0x12a: {  	v9 =	vor.u32 v15, v9;
	v21 =	vmov s20;
	v15 =	vadd.s32 v0, v8;
	v10 =	vld.idx.msk [tilespmem:v10+s3+$0x0], $0xffff  }
0x12b: {  	v17 =	vadd.s32 v0, v2;
	v18 =	vand.u32 $0x78, v14;
	v19 =	vadd.s32 v0, v9;
	v16 =	vld.idx.msk [tilespmem:v16+s3+$0x0], $0xffff  }
0x12c: {  	v14 =	vshll.u32 v14, $0x3;
	v4 =	vadd.s32 v1, v4;
	v5 =	vadd.s32 v1, v5;
	v11 =	vld.idx.msk [tilespmem:v11+s3+$0x0], $0xffff  }
0x12d: {  	v6 =	vadd.s32 v1, v6;
	v27 =	vand.u32 $0x7A, v21;
	v3 =	vadd.s32 v1, v3;
	v12 =	vld.idx.msk [tilespmem:v12+s3+$0x0], $0xffff  }
0x12e: {  	s21 =	simm.s32 $0xA080;
	v7 =	vadd.s32 v1, v7;
	v8 =	vadd.s32 v1, v8;
	v9 =	vadd.s32 v1, v9;
	s23 =	simm.s32 $0xD;
	s25 =	simm.s32 $0xE;
	v13 =	vld.idx.msk [tilespmem:v13+s3+$0x0], $0xffff  }
0x12f: {  	v14 =	vand.u32 $0xC00, v14;
	v24 =	vmov s23;
	v25 =	vmov s25;
	v15 =	vld.idx.msk [tilespmem:v15+s3+$0x0], $0xffff;
	[tilespmem:s21+$0x60] =	vst v10  }
0x130: {  	v30 =	vand.u32 $0x7D, v24;
	v31 =	vand.u32 $0x7E, v25;
	v10 =	vld.idx.msk [tilespmem:v19+s3+$0x0], $0xffff;
	v19 =	vshll.u32 v20, $0x3;
	[tilespmem:s21+$0xFFFFFFA0] =	vst v16  }
0x131: {  	s26 =	simm.s32 $0xF;
	v17 =	vld.idx.msk [tilespmem:v17+s3+$0x0], $0xffff;
	v20 =	vshll.u32 v21, $0x3;
	v21 =	vshll.u32 v22, $0x3;
	v16 =	vshll.u32 v23, $0x3;
	[tilespmem:s21+$0xFFFFFFC0] =	vst v11  }
0x132: {  	v22 =	vmov s26;
	v23 =	vadd.s32 v1, v2;
	v11 =	vshll.u32 v24, $0x3;
	[tilespmem:s21+$0xFFFFFFE0] =	vst v12;
	v3 =	vld.idx.msk [tilespmem:v3+s3+$0x0], $0xffff  }
0x133: {  	v24 =	vshll.u32 v25, $0x3;
	v2 =	vor.u32 v18, v14;
	[tilespmem:s21+$0x0] =	vst v13;
	v4 =	vld.idx.msk [tilespmem:v4+s3+$0x0], $0xffff;
	v25 =	vshll.u32 v22, $0x3  }
0x134: {  	[tilespmem:s21+$0x20] =	vst v15;
	v5 =	vld.idx.msk [tilespmem:v5+s3+$0x0], $0xffff;
	v12 =	vand.u32 $0x7F, v22;
	v13 =	vadd.s32 v0, v2;
	v15 =	vand.u32 $0xC00, v20  }
0x135: {  	v6 =	vld.idx.msk [tilespmem:v6+s3+$0x0], $0xffff;
	v18 =	vand.u32 $0xC00, v19;
	v14 =	vand.u32 $0xC00, v25;
	v15 =	vor.u32 v27, v15  }
0x136: {  	[tilespmem:s21+$0xFFFFFF80] =	vst v17;
	v7 =	vld.idx.msk [tilespmem:v7+s3+$0x0], $0xffff;
	v19 =	vand.u32 $0xC00, v21;
	v12 =	vor.u32 v12, v14;
	v17 =	vadd.s32 v0, v15  }
0x137: {  	s20 =	simm.s32 $0xE0;
	v8 =	vld.idx.msk [tilespmem:v8+s3+$0x0], $0xffff;
	v19 =	vor.u32 v28, v19;
	v14 =	vor.u32 v26, v18;
	v18 =	vadd.s32 v0, v12  }
0x138: {  	s15 =	sor.u32 $0x70, s20;
	s28 =	simm.s32 $0x20;
	v11 =	vand.u32 $0xC00, v11;
	v20 =	vadd.s32 v0, v19;
	[tilespmem:s21+$0x40] =	vst v10;
	v21 =	vld.idx.msk [tilespmem:v23+s3+$0x0], $0xffff  }
0x139: {  	s23 =	simm.s32 $0x60;
	s5 =	sor.u32 $0x30, s28;
	v16 =	vand.u32 $0xC00, v16;
	v11 =	vor.u32 v30, v11;
	v10 =	vadd.s32 v0, v14;
	v9 =	vld.idx.msk [tilespmem:v9+s3+$0x0], $0xffff;
	[tilespmem:s15+$0xA000] =	vst v3  }
0x13a: {  	s25 =	sor.u32 $0x70, s23;
	v16 =	vor.u32 v29, v16;
	v22 =	vadd.s32 v0, v11;
	[tilespmem:s5+$0xA000] =	vst v4;
	v3 =	vld.idx.msk [tilespmem:v13+s3+$0x0], $0xffff;
	v4 =	vand.u32 $0xC00, v24  }
0x13b: {  	s23 =	simm.s32 $0x13;
	s26 =	simm.s32 $0xA0;
	v13 =	vadd.s32 v0, v16;
	[tilespmem:s25+$0xA000] =	vst v6;
	v26 =	vor.u32 v31, v4;
	v17 =	vld.idx.msk [tilespmem:v17+s3+$0x0], $0xffff  }
0x13c: {  	s17 =	simm.s32 $0x40;
	v62 =	vmov s23;
	s12 =	sor.u32 $0x30, s26;
	s26 =	simm.s32 $0x15;
	v33 =	vadd.s32 v1, v15;
	[tilespmem:s21+$0x10] =	vst v7;
	v27 =	vadd.s32 v0, v26;
	v18 =	vld.idx.msk [tilespmem:v18+s3+$0x0], $0xffff  }
0x13d: {  	s22 =	simm.s32 $0x10;
	v12 =	vadd.s32 v1, v12;
	v63 =	vadd.s32 v1, v14;
	v14 =	vmov s26;
	s15 =	sor.u32 $0x50, s17;
	s17 =	simm.s32 $0x11;
	[tilespmem:s12+$0xA000] =	vst v8;
	v32 =	vld.idx.msk [tilespmem:v20+s3+$0x0], $0xffff  }
0x13e: {  	s28 =	simm.s32 $0xC0;
	v24 =	vadd.s32 v1, v19;
	[tilespmem:s15+$0xA000] =	vst v5;
	v5 =	vmov s22;
	v28 =	vmov s17;
	s22 =	simm.s32 $0x12;
	v6 =	vld.idx.msk [tilespmem:v10+s3+$0x0], $0xffff  }
0x13f: {  	s25 =	simm.s32 $0x14;
	s15 =	sor.u32 $0x50, s28;
	v4 =	vand.u32 $0x78, v5;
	v5 =	vshll.u32 v5, $0x3;
	v29 =	vmov s22;
	v23 =	vld.idx.msk [tilespmem:v22+s3+$0x0], $0xffff;
	[tilespmem:s21+$0xFFFFFF90] =	vst v21  }
0x140: {  	v20 =	vmov s25;
	v22 =	vadd.s32 v1, v16;
	v15 =	vadd.s32 v1, v26;
	s21 =	simm.s32 $0xA180;
	[tilespmem:s15+$0xA000] =	vst v9;
	v25 =	vld.idx.msk [tilespmem:v13+s3+$0x0], $0xffff  }
0x141: {  	s28 =	simm.s32 $0x16;
	v7 =	vand.u32 $0xC00, v5;
	v8 =	vand.u32 $0x7C, v20;
	v26 =	vshll.u32 v29, $0x3;
	v19 =	vld.idx.msk [tilespmem:v27+s3+$0x0], $0xffff;
	[tilespmem:s21+$0x60] =	vst v18  }
0x142: {  	v21 =	vmov s28;
	v10 =	vand.u32 $0x7A, v29;
	[tilespmem:s21+$0xFFFFFFC0] =	vst v17;
	v18 =	vadd.s32 v1, v11;
	v16 =	vld.idx.msk [tilespmem:v12+s3+$0x0], $0xffff  }
0x143: {  	v13 =	vand.u32 $0x79, v28;
	v9 =	vand.u32 $0x7B, v62;
	v5 =	vand.u32 $0x7E, v21;
	[tilespmem:s21+$0xFFFFFFA0] =	vst v6;
	v12 =	vld.idx.msk [tilespmem:v33+s3+$0x0], $0xffff  }
0x144: {  	s12 =	simm.s32 $0x17;
	s22 =	simm.s32 $0x18;
	v27 =	vshll.u32 v28, $0x3;
	v17 =	vshll.u32 v62, $0x3;
	[tilespmem:s21+$0xFFFFFFE0] =	vst v32;
	v6 =	vand.u32 $0x7D, v14;
	v11 =	vld.idx.msk [tilespmem:v63+s3+$0x0], $0xffff  }
.LBB2_13:
0x145: {  	p5 =	slt.u32 s22, $0x1F8;
	v20 =	vshll.u32 v20, $0x3;
	v28 =	vmov s12;
	v29 =	vadd.s32 v1, v2;
	v24 =	vld.idx.msk [tilespmem:v24+s3+$0x0], $0xffff;
	[tilespmem:s21+$0x0] =	vst v25  }
0x146: {  	v14 =	vshll.u32 v14, $0x3;
	v21 =	vshll.u32 v21, $0x3;
	s20 =	sadd.s32 $0x100, s20;
	v25 =	vshll.u32 v28, $0x3;
	v22 =	vld.idx.msk [tilespmem:v22+s3+$0x0], $0xffff;
	[tilespmem:s21+$0x20] =	vst v23  }
0x147: {  	v2 =	vor.u32 v4, v7;
	v4 =	vand.u32 $0x7F, v28;
	s5 =	sadd.s32 $0xFFFFFF40, s20;
	s12 =	sadd.s32 $0xFFFFFF60, s20;
	s15 =	sor.u32 $0x70, s20;
	v7 =	vand.u32 $0xC00, v25;
	v18 =	vld.idx.msk [tilespmem:v18+s3+$0x0], $0xffff;
	[tilespmem:s21+$0x40] =	vst v19  }
0x148: {  	v23 =	vand.u32 $0xC00, v27;
	s17 =	sadd.s32 $0xFFFFFF80, s20;
	s23 =	sadd.s32 $0xFFFFFFC0, s20;
	s25 =	sadd.s32 $0xFFFFFFE0, s20;
	v19 =	vadd.s32 v0, v2;
	v7 =	vor.u32 v4, v7;
	v15 =	vld.idx.msk [tilespmem:v15+s3+$0x0], $0xffff;
	[tilespmem:s15+$0xA000] =	vst v16  }
0x149: {  	v13 =	vor.u32 v13, v23;
	s5 =	sor.u32 $0x30, s5;
	s12 =	sor.u32 $0x50, s12;
	v4 =	vand.u32 $0xC00, v26;
	s15 =	sor.u32 $0x70, s17;
	v16 =	vadd.s32 v0, v7;
	[tilespmem:s21+$0xFFFFFF80] =	vst v3  }
0x14a: {  	v23 =	vadd.s32 v0, v13;
	s17 =	sor.u32 $0x50, s25;
	v10 =	vor.u32 v10, v4;
	v3 =	vand.u32 $0xC00, v17;
	v17 =	vld.idx.msk [tilespmem:v29+s3+$0x0], $0xffff;
	[tilespmem:s5+$0xA000] =	vst v11;
	s5 =	sor.u32 $0x30, s23  }
0x14b: {  	v11 =	vadd.s32 v0, v10;
	v9 =	vor.u32 v9, v3;
	v3 =	vand.u32 $0xC00, v20;
	[tilespmem:s12+$0xA000] =	vst v12  }
0x14c: {  	v4 =	vand.u32 $0xC00, v14;
	v12 =	vadd.s32 v0, v9;
	v8 =	vor.u32 v8, v3;
	[tilespmem:s15+$0xA000] =	vst v24  }
0x14d: {  	v6 =	vor.u32 v6, v4;
	v4 =	vand.u32 $0xC00, v21;
	v3 =	vld.idx.msk [tilespmem:v19+s3+$0x0], $0xffff;
	v19 =	vadd.s32 v0, v8;
	[tilespmem:s21+$0x10] =	vst v22  }
0x14e: {  	v14 =	vmov s22;
	v26 =	vor.u32 v5, v4;
	v22 =	vadd.s32 v0, v6;
	v5 =	vld.idx.msk [tilespmem:v16+s3+$0x0], $0xffff;
	[tilespmem:s5+$0xA000] =	vst v18  }
0x14f: {  	v4 =	vand.u32 $0x78, v14;
	s5 =	sadd.s32 $0x1, s22;
	v18 =	vadd.s32 v0, v26;
	v16 =	vld.idx.msk [tilespmem:v23+s3+$0x0], $0xffff;
	[tilespmem:s17+$0xA000] =	vst v15  }
0x150: {  	s12 =	sadd.s32 $0x3, s22;
	v15 =	vshll.u32 v14, $0x3;
	v27 =	vmov s5;
	s5 =	sadd.s32 $0x2, s22;
	v28 =	vld.idx.msk [tilespmem:v11+s3+$0x0], $0xffff;
	v11 =	vadd.s32 v1, v7;
	[tilespmem:s21+$0xFFFFFF90] =	vst v17  }
0x151: {  	v30 =	vadd.s32 v1, v13;
	v29 =	vmov s12;
	s12 =	sadd.s32 $0x5, s22;
	v17 =	vmov s5;
	s5 =	sadd.s32 $0x4, s22;
	v31 =	vld.idx.msk [tilespmem:v12+s3+$0x0], $0xffff  }
0x152: {  	v14 =	vmov s12;
	v20 =	vmov s5;
	s5 =	sadd.s32 $0x6, s22;
	v12 =	vadd.s32 v1, v10;
	v25 =	vld.idx.msk [tilespmem:v19+s3+$0x0], $0xffff  }
.Ltmp9:
0x153: {  	v24 =	vadd.s32 v1, v9;
	v7 =	vand.u32 $0xC00, v15;
	s21 =	sadd.s32 $0x100, s21;
	v21 =	vmov s5;
	v23 =	vld.idx.msk [tilespmem:v22+s3+$0x0], $0xffff;
	(pc) =	sbr.rel @p5 .LBB2_13-.Ltmp9, $4  }
0x154: {  	v13 =	vand.u32 $0x79, v27;
	v10 =	vand.u32 $0x7A, v17;
	v22 =	vadd.s32 v1, v8;
	v19 =	vld.idx.msk [tilespmem:v18+s3+$0x0], $0xffff;
	[tilespmem:s21+$0x60] =	vst v5  }
0x155: {  	v9 =	vand.u32 $0x7B, v29;
	v8 =	vand.u32 $0x7C, v20;
	v18 =	vadd.s32 v1, v6;
	[tilespmem:s21+$0xFFFFFFA0] =	vst v16;
	v16 =	vld.idx.msk [tilespmem:v11+s3+$0x0], $0xffff  }
0x156: {  	v15 =	vadd.s32 v1, v26;
	v6 =	vand.u32 $0x7D, v14;
	v5 =	vand.u32 $0x7E, v21;
	v11 =	vld.idx.msk [tilespmem:v30+s3+$0x0], $0xffff;
	[tilespmem:s21+$0xFFFFFFC0] =	vst v28  }
0x157: {  	s12 =	sadd.s32 $0x7, s22;
	v27 =	vshll.u32 v27, $0x3;
	v26 =	vshll.u32 v17, $0x3;
	v17 =	vshll.u32 v29, $0x3;
	s22 =	sadd.s32 $0x8, s22;
	v12 =	vld.idx.msk [tilespmem:v12+s3+$0x0], $0xffff;
	[tilespmem:s21+$0xFFFFFFE0] =	vst v31  }
0x158: {  	v28 =	vmov s12  }
0x159: {  	v20 =	vshll.u32 v20, $0x3;
	v2 =	vadd.s32 v1, v2;
	v14 =	vshll.u32 v14, $0x3  }
0x15a: {  	[tilespmem:s21+$0x0] =	vst v25;
	v21 =	vshll.u32 v21, $0x3;
	v49 =	vand.u32 $0xC00, v27;
	v50 =	vand.u32 $0xC00, v26  }
0x15b: {  	[tilespmem:s21+$0x20] =	vst v23;
	v17 =	vand.u32 $0xC00, v17;
	v29 =	vshll.u32 v28, $0x3;
	v13 =	vor.u32 v13, v49  }
0x15c: {  	s25 =	sadd.s32 $0x100, s20;
	v24 =	vld.idx.msk [tilespmem:v24+s3+$0x0], $0xffff;
	[tilespmem:s21+$0xFFFFFF80] =	vst v3;
	v47 =	vand.u32 $0x7F, v28;
	v10 =	vor.u32 v10, v50;
	v52 =	vadd.s32 v0, v13  }
0x15d: {  	[tilespmem:s21+$0x40] =	vst v19;
	s5 =	sor.u32 $0x70, s25;
	v22 =	vld.idx.msk [tilespmem:v22+s3+$0x0], $0xffff;
	s15 =	sadd.s32 $0xFFFFFF40, s25;
	v9 =	vor.u32 v9, v17;
	v53 =	vand.u32 $0xC00, v20;
	v3 =	vadd.s32 v0, v10  }
0x15e: {  	s26 =	sadd.s32 $0xFFFFFF60, s25;
	v18 =	vld.idx.msk [tilespmem:v18+s3+$0x0], $0xffff;
	v14 =	vand.u32 $0xC00, v14;
	[tilespmem:s5+$0xA000] =	vst v16;
	s15 =	sor.u32 $0x30, s15;
	v54 =	vadd.s32 v0, v9;
	v8 =	vor.u32 v8, v53  }
0x15f: {  	s17 =	sadd.s32 $0xFFFFFF80, s25;
	v56 =	vand.u32 $0xC00, v21;
	v15 =	vld.idx.msk [tilespmem:v15+s3+$0x0], $0xffff;
	s5 =	sor.u32 $0x50, s26;
	v6 =	vor.u32 v6, v14;
	[tilespmem:s15+$0xA000] =	vst v11;
	v55 =	vadd.s32 v0, v8  }
0x160: {  	v48 =	vand.u32 $0xC00, v29;
	s28 =	sor.u32 $0x70, s17;
	v5 =	vor.u32 v5, v56;
	v57 =	vadd.s32 v0, v6;
	[tilespmem:s5+$0xA000] =	vst v12;
	v2 =	vld.idx.msk [tilespmem:v2+s3+$0x0], $0xffff  }
0x161: {  	s17 =	sadd.s32 $0xFFFFFFC0, s25;
	v25 =	vor.u32 v47, v48;
	v59 =	vadd.s32 v0, v5;
	[tilespmem:s28+$0xA000] =	vst v24;
	v16 =	vld.idx.msk [tilespmem:v52+s3+$0x0], $0xffff  }
0x162: {  	v4 =	vor.u32 v4, v7;
	s20 =	sadd.s32 $0xFFFFFFE0, s25;
	v51 =	vadd.s32 v0, v25;
	s5 =	sor.u32 $0x30, s17;
	[tilespmem:s21+$0x10] =	vst v22;
	v3 =	vld.idx.msk [tilespmem:v3+s3+$0x0], $0xffff  }
0x163: {  	v61 =	vadd.s32 v0, v4;
	s15 =	sor.u32 $0x50, s20;
	[tilespmem:s5+$0xA000] =	vst v18;
	v11 =	vld.idx.msk [tilespmem:v54+s3+$0x0], $0xffff  }
0x164: {  	v10 =	vadd.s32 v1, v10;
	[tilespmem:s15+$0xA000] =	vst v15;
	v12 =	vld.idx.msk [tilespmem:v55+s3+$0x0], $0xffff  }
0x165: {  	v9 =	vadd.s32 v1, v9;
	s5 =	sadd.s32 $0x100, s21;
	v62 =	vld.idx.msk [tilespmem:v57+s3+$0x0], $0xffff;
	[tilespmem:s21+$0xFFFFFF90] =	vst v2  }
0x166: {  	v63 =	vld.idx.msk [tilespmem:v59+s3+$0x0], $0xffff;
	v2 =	vadd.s32 v1, v13;
	[tilespmem:s5+$0xFFFFFFA0] =	vst v16  }
0x167: {  	v8 =	vadd.s32 v1, v8;
	v58 =	vld.idx.msk [tilespmem:v51+s3+$0x0], $0xffff;
	[tilespmem:s5+$0xFFFFFFC0] =	vst v3  }
0x168: {  	v6 =	vadd.s32 v1, v6;
	v3 =	vld.idx.msk [tilespmem:v61+s3+$0x0], $0xffff;
	[tilespmem:s5+$0xFFFFFFE0] =	vst v11  }
0x169: {  	v60 =	vadd.s32 v1, v25;
	[tilespmem:s5+$0x0] =	vst v12;
	v10 =	vld.idx.msk [tilespmem:v10+s3+$0x0], $0xffff  }
0x16a: {  	v5 =	vadd.s32 v1, v5;
	[tilespmem:s5+$0x20] =	vst v62;
	v9 =	vld.idx.msk [tilespmem:v9+s3+$0x0], $0xffff  }
0x16b: {  	v4 =	vadd.s32 v1, v4;
	s12 =	sadd.s32 $0x100, s25;
	[tilespmem:s5+$0x40] =	vst v63;
	v2 =	vld.idx.msk [tilespmem:v2+s3+$0x0], $0xffff  }
0x16c: {  	s23 =	sadd.s32 $0xFFFFFF60, s12;
	[tilespmem:s5+$0x60] =	vst v58;
	v8 =	vld.idx.msk [tilespmem:v8+s3+$0x0], $0xffff  }
0x16d: {  	s25 =	sadd.s32 $0xFFFFFF80, s12;
	s15 =	sor.u32 $0x50, s23;
	v6 =	vld.idx.msk [tilespmem:v6+s3+$0x0], $0xffff;
	[tilespmem:s5+$0xFFFFFF80] =	vst v3  }
0x16e: {  	s22 =	sadd.s32 $0xFFFFFF40, s12;
	s26 =	sor.u32 $0x70, s25;
	v7 =	vld.idx.msk [tilespmem:v60+s3+$0x0], $0xffff;
	[tilespmem:s15+$0xA000] =	vst v10  }
0x16f: {  	s17 =	sor.u32 $0x30, s22;
	v3 =	vld.idx.msk [tilespmem:v5+s3+$0x0], $0xffff;
	[tilespmem:s26+$0xA000] =	vst v9  }
0x170: {  	s28 =	sadd.s32 $0xFFFFFFC0, s12;
	[tilespmem:s17+$0xA000] =	vst v2;
	v2 =	vld.idx.msk [tilespmem:v4+s3+$0x0], $0xffff  }
0x171: {  	s15 =	sor.u32 $0x30, s28;
	[tilespmem:s5+$0x10] =	vst v8  }
0x172: {  	s21 =	sor.u32 $0x70, s12;
	s12 =	sadd.s32 $0xFFFFFFE0, s12;
	[tilespmem:s15+$0xA000] =	vst v6  }
0x173: {  	s12 =	sor.u32 $0x50, s12;
	[tilespmem:s21+$0xA000] =	vst v7  }
0x174: {  	[tilespmem:s12+$0xA000] =	vst v3  }
0x175: {  	[tilespmem:s5+$0xFFFFFF90] =	vst v2  }
.Ltmp10:
0x176: {  	s5 =	rddreg [dreg:$0xe];
	(pc) =	sbr.rel @p0 .LBB2_20-.Ltmp10, $4  }
0x177: {  	[hbm4b:s5+s3] =	stream.linear.scatter [tilespmem:s18], [sflag:$0x5], $0x4000, $0x38;
	[tilespmem:$0x12000] =	vst v63  }
0x178: {  	_ =	swait.ge [sflag:s31], $0x4000  }
0x179: {  	[sflag:s31] =	ssyncset.done $0x0  }
0x17a: {  	[sflag:s31] =	ssyncadd.s32 $0xFFFFC000  }
.Ltmp11:
0x17b: {  	(pc) =	sbr.rel @p1 .LBB2_25-.Ltmp11, $2  }
0x17c: {  	_ =	sdelay $0x2  }
0x17d: {  	s12 =	rddreg [dreg:$0x16]  }
.Ltmp12:
0x17e: {  	(pc) =	sbr.rel @!p2 .LBB2_32-.Ltmp12, $1  }
0x17f: {  	_ =	sdelay $0x3  }
0x180: {  	s5 =	simm.s32 $0x0;
	s15 =	rddreg [dreg:$0x4]  }
0x181: {  	[tilespmem:s5], [sflag:$0x5] =	stream.linear.gather [hbm4b:s15+s5], $0x400, $0x38;
	[tilespmem:$0x12000] =	vst v63  }
0x182: {  	s12 =	sadd.s32 $0xF4280, s15  }
0x183: {  	[tilespmem:s19], [sflag:$0x5] =	stream.linear.gather [hbm4b:s12+s5], $0x400, $0x38;
	[tilespmem:$0x12000] =	vst v63  }
0x184: {  	s22 =	sadd.s32 $0x1E8500, s15  }
0x185: {  	[tilespmem:s29], [sflag:$0x5] =	stream.linear.gather [hbm4b:s22+s5], $0x400, $0x38;
	[tilespmem:$0x12000] =	vst v63  }
0x186: {  	s25 =	simm.s32 $0x7;
	s26 =	simm.s32 $0x1;
	s23 =	sadd.s32 $0x2DC780, s15;
	v2 =	vor.u32 s5, v0  }
0x187: {  	v3 =	vor.u32 s25, v0;
	[tilespmem:s30], [sflag:$0x5] =	stream.linear.gather [hbm4b:s23+s5], $0x400, $0x38;
	[tilespmem:$0x12000] =	vst v63  }
0x188: {  	s17 =	simm.s32 $0x2;
	v4 =	vor.u32 s26, v0;
	_ =	swait.ge [sflag:s31], $0x1000  }
0x189: {  	v5 =	vor.u32 s17, v0;
	s29 =	simm.s32 $0x3;
	[sflag:s31] =	ssyncset.done $0x0  }
0x18a: {  	s21 =	simm.s32 $0x5;
	v6 =	vor.u32 s29, v0;
	[sflag:s31] =	ssyncadd.s32 $0xFFFFF000  }
0x18b: {  	v8 =	vor.u32 s21, v0;
	s22 =	simm.s32 $0x6;
	v7 =	vld.idx.msk [tilespmem:v2+s3+$0x0], $0xffff  }
0x18c: {  	s15 =	simm.s32 $0xF;
	v9 =	vor.u32 s22, v0;
	v3 =	vld.idx.msk [tilespmem:v3+s3+$0x0], $0xffff  }
0x18d: {  	s20 =	simm.s32 $0x4;
	v15 =	vor.u32 s15, v0;
	v4 =	vld.idx.msk [tilespmem:v4+s3+$0x0], $0xffff  }
0x18e: {  	v2 =	vor.u32 s20, v0;
	v5 =	vld.idx.msk [tilespmem:v5+s3+$0x0], $0xffff  }
0x18f: {  	v10 =	vor.u32 s25, v1;
	v6 =	vld.idx.msk [tilespmem:v6+s3+$0x0], $0xffff  }
0x190: {  	v11 =	vor.u32 s26, v1;
	v8 =	vld.idx.msk [tilespmem:v8+s3+$0x0], $0xffff  }
0x191: {  	v12 =	vor.u32 s17, v1;
	s12 =	simm.s32 $0xA080;
	v9 =	vld.idx.msk [tilespmem:v9+s3+$0x0], $0xffff  }
0x192: {  	v13 =	vor.u32 s29, v1;
	v15 =	vld.idx.msk [tilespmem:v15+s3+$0x0], $0xffff;
	[tilespmem:s12+$0x60] =	vst v3  }
0x193: {  	v2 =	vld.idx.msk [tilespmem:v2+s3+$0x0], $0xffff;
	[tilespmem:s12+$0xFFFFFFA0] =	vst v4;
	v3 =	vor.u32 s21, v1  }
0x194: {  	[tilespmem:s12+$0xFFFFFFC0] =	vst v5;
	v5 =	vor.u32 s22, v1;
	v4 =	vld.idx.msk [tilespmem:v10+s3+$0x0], $0xffff  }
0x195: {  	[tilespmem:s12+$0xFFFFFFE0] =	vst v6;
	v6 =	vor.u32 s5, v1;
	v10 =	vld.idx.msk [tilespmem:v11+s3+$0x0], $0xffff  }
0x196: {  	v14 =	vor.u32 s20, v1;
	s19 =	simm.s32 $0xA;
	[tilespmem:s12+$0x20] =	vst v8;
	v12 =	vld.idx.msk [tilespmem:v12+s3+$0x0], $0xffff  }
0x197: {  	s20 =	simm.s32 $0xC;
	[tilespmem:s12+$0x40] =	vst v9;
	v9 =	vor.u32 s19, v0;
	v13 =	vld.idx.msk [tilespmem:v13+s3+$0x0], $0xffff  }
0x198: {  	s17 =	simm.s32 $0x8;
	s21 =	simm.s32 $0xE0;
	[tilespmem:s12+$0xFFFFFF80] =	vst v7;
	v7 =	vor.u32 s20, v0;
	v3 =	vld.idx.msk [tilespmem:v3+s3+$0x0], $0xffff  }
0x199: {  	s23 =	simm.s32 $0x20;
	s5 =	simm.s32 $0x9;
	v11 =	vor.u32 s17, v0;
	s30 =	sor.u32 $0x70, s21;
	[tilespmem:s12+$0x0] =	vst v2;
	v5 =	vld.idx.msk [tilespmem:v5+s3+$0x0], $0xffff  }
0x19a: {  	s25 =	simm.s32 $0x40;
	s23 =	sor.u32 $0x30, s23;
	s22 =	simm.s32 $0xB;
	v8 =	vor.u32 s5, v0;
	v6 =	vld.idx.msk [tilespmem:v6+s3+$0x0], $0xffff;
	[tilespmem:s30+$0xA000] =	vst v4  }
0x19b: {  	s28 =	simm.s32 $0xD;
	s26 =	simm.s32 $0x60;
	s25 =	sor.u32 $0x50, s25;
	v14 =	vld.idx.msk [tilespmem:v14+s3+$0x0], $0xffff;
	v4 =	vor.u32 s22, v0;
	[tilespmem:s23+$0xA000] =	vst v10  }
0x19c: {  	s31 =	sor.u32 $0x70, s26;
	v9 =	vld.idx.msk [tilespmem:v9+s3+$0x0], $0xffff;
	v10 =	vor.u32 s28, v0;
	[tilespmem:s25+$0xA000] =	vst v12  }
0x19d: {  	s29 =	simm.s32 $0xA0;
	s26 =	simm.s32 $0xE;
	v18 =	vor.u32 s22, v1;
	v17 =	vld.idx.msk [tilespmem:v7+s3+$0x0], $0xffff;
	[tilespmem:s31+$0xA000] =	vst v13;
	v13 =	vor.u32 s15, v1;
	s22 =	simm.s32 $0xA180  }
0x19e: {  	v2 =	vld.idx.msk [tilespmem:v11+s3+$0x0], $0xffff;
	v12 =	vor.u32 s26, v0;
	s25 =	sor.u32 $0x30, s29;
	[tilespmem:s22+$0x60] =	vst v15  }
0x19f: {  	v8 =	vld.idx.msk [tilespmem:v8+s3+$0x0], $0xffff;
	s30 =	simm.s32 $0xC0;
	[tilespmem:s25+$0xA000] =	vst v3;
	v3 =	vor.u32 s19, v1  }
0x1a0: {  	s31 =	sor.u32 $0x50, s30;
	[tilespmem:s12+$0x10] =	vst v14;
	v14 =	vor.u32 s5, v1;
	v16 =	vld.idx.msk [tilespmem:v4+s3+$0x0], $0xffff  }
0x1a1: {  	[tilespmem:s31+$0xA000] =	vst v5;
	v11 =	vld.idx.msk [tilespmem:v10+s3+$0x0], $0xffff  }
0x1a2: {  	[tilespmem:s12+$0xFFFFFF90] =	vst v6;
	v7 =	vld.idx.msk [tilespmem:v13+s3+$0x0], $0xffff;
	v13 =	vor.u32 s20, v1  }
0x1a3: {  	[tilespmem:s22+$0xFFFFFFC0] =	vst v9;
	v10 =	vld.idx.msk [tilespmem:v12+s3+$0x0], $0xffff;
	v12 =	vor.u32 s28, v1  }
0x1a4: {  	[tilespmem:s22+$0xFFFFFFA0] =	vst v8;
	s20 =	simm.s32 $0x10;
	v8 =	vor.u32 s26, v1;
	v5 =	vld.idx.msk [tilespmem:v3+s3+$0x0], $0xffff  }
0x1a5: {  	s23 =	simm.s32 $0x12;
	s25 =	simm.s32 $0x13;
	v3 =	vor.u32 s20, v0;
	v4 =	vld.idx.msk [tilespmem:v14+s3+$0x0], $0xffff;
	[tilespmem:s22+$0xFFFFFFE0] =	vst v16  }
0x1a6: {  	v9 =	vor.u32 s17, v1;
	[tilespmem:s22+$0x0] =	vst v17;
	s26 =	simm.s32 $0x11;
	s28 =	simm.s32 $0x17;
	s12 =	simm.s32 $0x18;
	v6 =	vld.idx.msk [tilespmem:v18+s3+$0x0], $0xffff  }
.LBB2_18:
0x1a7: {  	p5 =	slt.u32 s12, $0x78;
	s5 =	sadd.s32 $0x4, s20;
	v14 =	vor.u32 s28, v0;
	v13 =	vld.idx.msk [tilespmem:v13+s3+$0x0], $0xffff;
	[tilespmem:s22+$0x20] =	vst v11;
	s21 =	sadd.s32 $0x100, s21  }
0x1a8: {  	v11 =	vor.u32 s26, v0;
	s15 =	sadd.s32 $0xFFFFFF40, s21;
	s17 =	sadd.s32 $0xFFFFFF60, s21;
	v12 =	vld.idx.msk [tilespmem:v12+s3+$0x0], $0xffff;
	[tilespmem:s22+$0x40] =	vst v10;
	s19 =	sor.u32 $0x70, s21  }
0x1a9: {  	v10 =	vor.u32 s23, v0;
	s29 =	sadd.s32 $0xFFFFFF80, s21;
	s30 =	sadd.s32 $0xFFFFFFC0, s21;
	s31 =	sadd.s32 $0xFFFFFFE0, s21;
	v8 =	vld.idx.msk [tilespmem:v8+s3+$0x0], $0xffff;
	[tilespmem:s19+$0xA000] =	vst v7  }
0x1aa: {  	v7 =	vor.u32 s25, v0;
	s15 =	sor.u32 $0x30, s15;
	s17 =	sor.u32 $0x50, s17;
	s19 =	sor.u32 $0x70, s29;
	[tilespmem:s22+$0xFFFFFF80] =	vst v2;
	v2 =	vld.idx.msk [tilespmem:v3+s3+$0x0], $0xffff  }
0x1ab: {  	s29 =	sadd.s32 $0x5, s20;
	v3 =	vor.u32 s5, v0;
	v9 =	vld.idx.msk [tilespmem:v9+s3+$0x0], $0xffff;
	[tilespmem:s15+$0xA000] =	vst v4;
	s15 =	sor.u32 $0x30, s30;
	s30 =	sor.u32 $0x50, s31  }
0x1ac: {  	v4 =	vor.u32 s29, v0;
	s31 =	sadd.s32 $0x6, s20;
	v14 =	vld.idx.msk [tilespmem:v14+s3+$0x0], $0xffff;
	[tilespmem:s17+$0xA000] =	vst v5;
	s17 =	smov.u32 s20;
	s20 =	smov.u32 s12  }
0x1ad: {  	v15 =	vor.u32 s31, v0;
	v5 =	vld.idx.msk [tilespmem:v11+s3+$0x0], $0xffff;
	[tilespmem:s19+$0xA000] =	vst v6  }
0x1ae: {  	v16 =	vor.u32 s28, v1;
	v6 =	vld.idx.msk [tilespmem:v10+s3+$0x0], $0xffff;
	[tilespmem:s22+$0x10] =	vst v13  }
0x1af: {  	v17 =	vor.u32 s26, v1;
	v18 =	vld.idx.msk [tilespmem:v7+s3+$0x0], $0xffff;
	[tilespmem:s15+$0xA000] =	vst v12  }
0x1b0: {  	v19 =	vor.u32 s23, v1;
	v20 =	vld.idx.msk [tilespmem:v3+s3+$0x0], $0xffff;
	[tilespmem:s30+$0xA000] =	vst v8  }
0x1b1: {  	v21 =	vor.u32 s25, v1;
	v11 =	vld.idx.msk [tilespmem:v4+s3+$0x0], $0xffff;
	[tilespmem:s22+$0xFFFFFF90] =	vst v9;
	s22 =	sadd.s32 $0x100, s22  }
.Ltmp13:
0x1b2: {  	v13 =	vor.u32 s5, v1;
	v10 =	vld.idx.msk [tilespmem:v15+s3+$0x0], $0xffff;
	[tilespmem:s22+$0x60] =	vst v14;
	(pc) =	sbr.rel @p5 .LBB2_18-.Ltmp13, $4  }
0x1b3: {  	v12 =	vor.u32 s29, v1;
	[tilespmem:s22+$0xFFFFFFA0] =	vst v5;
	v7 =	vld.idx.msk [tilespmem:v16+s3+$0x0], $0xffff  }
0x1b4: {  	v8 =	vor.u32 s31, v1;
	v4 =	vld.idx.msk [tilespmem:v17+s3+$0x0], $0xffff;
	[tilespmem:s22+$0xFFFFFFC0] =	vst v6  }
0x1b5: {  	s26 =	sadd.s32 $0x1, s12;
	s23 =	sadd.s32 $0x2, s12;
	v3 =	vor.u32 s12, v0;
	v5 =	vld.idx.msk [tilespmem:v19+s3+$0x0], $0xffff;
	[tilespmem:s22+$0xFFFFFFE0] =	vst v18  }
0x1b6: {  	s25 =	sadd.s32 $0x3, s20;
	s28 =	sadd.s32 $0x7, s20;
	s12 =	sadd.s32 $0x8, s12;
	v9 =	vor.u32 s17, v1;
	v6 =	vld.idx.msk [tilespmem:v21+s3+$0x0], $0xffff;
	[tilespmem:s22+$0x0] =	vst v20  }
0x1b7: {  	_ =	sdelay $0x1  }
0x1b8: {  	[tilespmem:s22+$0x20] =	vst v11  }
0x1b9: {  	s5 =	sadd.s32 $0x100, s21;
	[tilespmem:s22+$0x40] =	vst v10  }
0x1ba: {  	v41 =	vor.u32 s28, v0;
	v42 =	vld.idx.msk [tilespmem:v13+s3+$0x0], $0xffff;
	[tilespmem:s22+$0xFFFFFF80] =	vst v2;
	s12 =	sor.u32 $0x70, s5;
	s15 =	sadd.s32 $0xFFFFFF40, s5  }
0x1bb: {  	v43 =	vor.u32 s26, v0;
	s31 =	sadd.s32 $0xFFFFFF60, s5;
	v44 =	vld.idx.msk [tilespmem:v12+s3+$0x0], $0xffff;
	[tilespmem:s12+$0xA000] =	vst v7;
	s15 =	sor.u32 $0x30, s15  }
0x1bc: {  	v45 =	vor.u32 s23, v0;
	s19 =	sadd.s32 $0xFFFFFF80, s5;
	v2 =	vld.idx.msk [tilespmem:v8+s3+$0x0], $0xffff;
	s12 =	sor.u32 $0x50, s31;
	[tilespmem:s15+$0xA000] =	vst v4  }
0x1bd: {  	s17 =	sadd.s32 $0x4, s20;
	v46 =	vor.u32 s25, v0;
	v9 =	vld.idx.msk [tilespmem:v9+s3+$0x0], $0xffff;
	s19 =	sor.u32 $0x70, s19;
	[tilespmem:s12+$0xA000] =	vst v5  }
0x1be: {  	s21 =	sadd.s32 $0x5, s20;
	v3 =	vld.idx.msk [tilespmem:v3+s3+$0x0], $0xffff;
	v47 =	vor.u32 s17, v0;
	s29 =	sadd.s32 $0xFFFFFFC0, s5;
	[tilespmem:s19+$0xA000] =	vst v6  }
0x1bf: {  	s30 =	sadd.s32 $0x6, s20;
	v48 =	vor.u32 s21, v0;
	s31 =	sadd.s32 $0xFFFFFFE0, s5;
	s12 =	sor.u32 $0x30, s29;
	v11 =	vld.idx.msk [tilespmem:v41+s3+$0x0], $0xffff;
	[tilespmem:s22+$0x10] =	vst v42  }
0x1c0: {  	v50 =	vor.u32 s30, v0;
	s15 =	sor.u32 $0x50, s31;
	v49 =	vld.idx.msk [tilespmem:v43+s3+$0x0], $0xffff;
	[tilespmem:s12+$0xA000] =	vst v44  }
0x1c1: {  	v52 =	vor.u32 s28, v1;
	v51 =	vld.idx.msk [tilespmem:v45+s3+$0x0], $0xffff;
	[tilespmem:s15+$0xA000] =	vst v2  }
0x1c2: {  	v53 =	vld.idx.msk [tilespmem:v46+s3+$0x0], $0xffff;
	v2 =	vor.u32 s26, v1;
	[tilespmem:s22+$0xFFFFFF90] =	vst v9;
	s22 =	sadd.s32 $0x100, s22  }
0x1c3: {  	v54 =	vor.u32 s23, v1;
	v4 =	vld.idx.msk [tilespmem:v47+s3+$0x0], $0xffff;
	[tilespmem:s22+$0xFFFFFF80] =	vst v3  }
0x1c4: {  	v55 =	vor.u32 s25, v1;
	v5 =	vld.idx.msk [tilespmem:v48+s3+$0x0], $0xffff;
	[tilespmem:s22+$0x60] =	vst v11  }
0x1c5: {  	v57 =	vor.u32 s17, v1;
	v56 =	vld.idx.msk [tilespmem:v50+s3+$0x0], $0xffff;
	[tilespmem:s22+$0xFFFFFFA0] =	vst v49  }
0x1c6: {  	v58 =	vor.u32 s21, v1;
	[tilespmem:s22+$0xFFFFFFC0] =	vst v51;
	v12 =	vld.idx.msk [tilespmem:v52+s3+$0x0], $0xffff  }
0x1c7: {  	v59 =	vor.u32 s30, v1;
	[tilespmem:s22+$0xFFFFFFE0] =	vst v53;
	v2 =	vld.idx.msk [tilespmem:v2+s3+$0x0], $0xffff  }
0x1c8: {  	v61 =	vor.u32 s20, v1;
	[tilespmem:s22+$0x0] =	vst v4;
	v60 =	vld.idx.msk [tilespmem:v54+s3+$0x0], $0xffff  }
0x1c9: {  	s5 =	sadd.s32 $0x100, s5;
	[tilespmem:s22+$0x20] =	vst v5;
	v62 =	vld.idx.msk [tilespmem:v55+s3+$0x0], $0xffff  }
0x1ca: {  	s25 =	sor.u32 $0x70, s5;
	s26 =	sadd.s32 $0xFFFFFF40, s5;
	[tilespmem:s22+$0x40] =	vst v56;
	v6 =	vld.idx.msk [tilespmem:v57+s3+$0x0], $0xffff  }
0x1cb: {  	s28 =	sadd.s32 $0xFFFFFF60, s5;
	s17 =	sor.u32 $0x30, s26;
	v63 =	vld.idx.msk [tilespmem:v58+s3+$0x0], $0xffff;
	[tilespmem:s25+$0xA000] =	vst v12  }
0x1cc: {  	s29 =	sadd.s32 $0xFFFFFF80, s5;
	s15 =	sor.u32 $0x50, s28;
	v3 =	vld.idx.msk [tilespmem:v59+s3+$0x0], $0xffff;
	[tilespmem:s17+$0xA000] =	vst v2  }
0x1cd: {  	s30 =	sor.u32 $0x70, s29;
	v2 =	vld.idx.msk [tilespmem:v61+s3+$0x0], $0xffff;
	[tilespmem:s15+$0xA000] =	vst v60  }
0x1ce: {  	s31 =	sadd.s32 $0xFFFFFFC0, s5;
	[tilespmem:s30+$0xA000] =	vst v62  }
.Ltmp14:
0x1cf: {  	s5 =	sadd.s32 $0xFFFFFFE0, s5;
	s15 =	sor.u32 $0x30, s31;
	[tilespmem:s22+$0x10] =	vst v6;
	(pc) =	sbr.rel .LBB2_31-.Ltmp14, $4  }
0x1d0: {  	s5 =	sor.u32 $0x50, s5;
	[tilespmem:s15+$0xA000] =	vst v63  }
0x1d1: {  	[tilespmem:s5+$0xA000] =	vst v3  }
0x1d2: {  	[tilespmem:s22+$0xFFFFFF90] =	vst v2  }
0x1d3: {  	s12 =	rddreg [dreg:$0x5]  }
.LBB2_20:
.Ltmp15:
0x1d4: {  	(pc) =	sbr.rel @p3 .LBB2_28-.Ltmp15, $2  }
0x1d5: {  	_ =	sdelay $0x2  }
0x1d6: {  	s12 =	rddreg [dreg:$0x16]  }
.Ltmp16:
0x1d7: {  	(pc) =	sbr.rel @!p4 .LBB2_32-.Ltmp16, $1  }
0x1d8: {  	_ =	sdelay $0x3  }
0x1d9: {  	s5 =	simm.s32 $0x0;
	s15 =	rddreg [dreg:$0x9]  }
0x1da: {  	[tilespmem:s5], [sflag:$0x5] =	stream.linear.gather [hbm4b:s15+s5], $0x400, $0x38;
	[tilespmem:$0x12000] =	vst v63  }
0x1db: {  	s12 =	sadd.s32 $0xF4280, s15  }
0x1dc: {  	[tilespmem:s19], [sflag:$0x5] =	stream.linear.gather [hbm4b:s12+s5], $0x400, $0x38;
	[tilespmem:$0x12000] =	vst v63  }
0x1dd: {  	s22 =	sadd.s32 $0x1E8500, s15  }
0x1de: {  	[tilespmem:s29], [sflag:$0x5] =	stream.linear.gather [hbm4b:s22+s5], $0x400, $0x38;
	[tilespmem:$0x12000] =	vst v63  }
0x1df: {  	s25 =	simm.s32 $0x7;
	s26 =	simm.s32 $0x1;
	s23 =	sadd.s32 $0x2DC780, s15;
	v2 =	vor.u32 s5, v0  }
0x1e0: {  	v3 =	vor.u32 s25, v0;
	[tilespmem:s30], [sflag:$0x5] =	stream.linear.gather [hbm4b:s23+s5], $0x400, $0x38;
	[tilespmem:$0x12000] =	vst v63  }
0x1e1: {  	s17 =	simm.s32 $0x2;
	v4 =	vor.u32 s26, v0;
	_ =	swait.ge [sflag:s31], $0x1000  }
0x1e2: {  	v5 =	vor.u32 s17, v0;
	s29 =	simm.s32 $0x3;
	[sflag:s31] =	ssyncset.done $0x0  }
0x1e3: {  	s21 =	simm.s32 $0x5;
	v6 =	vor.u32 s29, v0;
	[sflag:s31] =	ssyncadd.s32 $0xFFFFF000  }
0x1e4: {  	v8 =	vor.u32 s21, v0;
	s22 =	simm.s32 $0x6;
	v7 =	vld.idx.msk [tilespmem:v2+s3+$0x0], $0xffff  }
0x1e5: {  	s15 =	simm.s32 $0xF;
	v9 =	vor.u32 s22, v0;
	v3 =	vld.idx.msk [tilespmem:v3+s3+$0x0], $0xffff  }
0x1e6: {  	s20 =	simm.s32 $0x4;
	v15 =	vor.u32 s15, v0;
	v4 =	vld.idx.msk [tilespmem:v4+s3+$0x0], $0xffff  }
0x1e7: {  	v2 =	vor.u32 s20, v0;
	v5 =	vld.idx.msk [tilespmem:v5+s3+$0x0], $0xffff  }
0x1e8: {  	v10 =	vor.u32 s25, v1;
	v6 =	vld.idx.msk [tilespmem:v6+s3+$0x0], $0xffff  }
0x1e9: {  	v11 =	vor.u32 s26, v1;
	v8 =	vld.idx.msk [tilespmem:v8+s3+$0x0], $0xffff  }
0x1ea: {  	v12 =	vor.u32 s17, v1;
	s12 =	simm.s32 $0xA080;
	v9 =	vld.idx.msk [tilespmem:v9+s3+$0x0], $0xffff  }
0x1eb: {  	v13 =	vor.u32 s29, v1;
	v15 =	vld.idx.msk [tilespmem:v15+s3+$0x0], $0xffff;
	[tilespmem:s12+$0x60] =	vst v3  }
0x1ec: {  	v2 =	vld.idx.msk [tilespmem:v2+s3+$0x0], $0xffff;
	[tilespmem:s12+$0xFFFFFFA0] =	vst v4;
	v3 =	vor.u32 s21, v1  }
0x1ed: {  	[tilespmem:s12+$0xFFFFFFC0] =	vst v5;
	v5 =	vor.u32 s22, v1;
	v4 =	vld.idx.msk [tilespmem:v10+s3+$0x0], $0xffff  }
0x1ee: {  	[tilespmem:s12+$0xFFFFFFE0] =	vst v6;
	v6 =	vor.u32 s5, v1;
	v10 =	vld.idx.msk [tilespmem:v11+s3+$0x0], $0xffff  }
0x1ef: {  	v14 =	vor.u32 s20, v1;
	s19 =	simm.s32 $0xA;
	[tilespmem:s12+$0x20] =	vst v8;
	v12 =	vld.idx.msk [tilespmem:v12+s3+$0x0], $0xffff  }
0x1f0: {  	s20 =	simm.s32 $0xC;
	[tilespmem:s12+$0x40] =	vst v9;
	v9 =	vor.u32 s19, v0;
	v13 =	vld.idx.msk [tilespmem:v13+s3+$0x0], $0xffff  }
0x1f1: {  	s17 =	simm.s32 $0x8;
	s21 =	simm.s32 $0xE0;
	[tilespmem:s12+$0xFFFFFF80] =	vst v7;
	v7 =	vor.u32 s20, v0;
	v3 =	vld.idx.msk [tilespmem:v3+s3+$0x0], $0xffff  }
0x1f2: {  	s23 =	simm.s32 $0x20;
	s5 =	simm.s32 $0x9;
	v11 =	vor.u32 s17, v0;
	s30 =	sor.u32 $0x70, s21;
	[tilespmem:s12+$0x0] =	vst v2;
	v5 =	vld.idx.msk [tilespmem:v5+s3+$0x0], $0xffff  }
0x1f3: {  	s25 =	simm.s32 $0x40;
	s23 =	sor.u32 $0x30, s23;
	s22 =	simm.s32 $0xB;
	v8 =	vor.u32 s5, v0;
	v6 =	vld.idx.msk [tilespmem:v6+s3+$0x0], $0xffff;
	[tilespmem:s30+$0xA000] =	vst v4  }
0x1f4: {  	s28 =	simm.s32 $0xD;
	s26 =	simm.s32 $0x60;
	s25 =	sor.u32 $0x50, s25;
	v14 =	vld.idx.msk [tilespmem:v14+s3+$0x0], $0xffff;
	v4 =	vor.u32 s22, v0;
	[tilespmem:s23+$0xA000] =	vst v10  }
0x1f5: {  	s31 =	sor.u32 $0x70, s26;
	v9 =	vld.idx.msk [tilespmem:v9+s3+$0x0], $0xffff;
	v10 =	vor.u32 s28, v0;
	[tilespmem:s25+$0xA000] =	vst v12  }
0x1f6: {  	s29 =	simm.s32 $0xA0;
	s26 =	simm.s32 $0xE;
	v18 =	vor.u32 s22, v1;
	v17 =	vld.idx.msk [tilespmem:v7+s3+$0x0], $0xffff;
	[tilespmem:s31+$0xA000] =	vst v13;
	v13 =	vor.u32 s15, v1;
	s22 =	simm.s32 $0xA180  }
0x1f7: {  	v2 =	vld.idx.msk [tilespmem:v11+s3+$0x0], $0xffff;
	v12 =	vor.u32 s26, v0;
	s25 =	sor.u32 $0x30, s29;
	[tilespmem:s22+$0x60] =	vst v15  }
0x1f8: {  	v8 =	vld.idx.msk [tilespmem:v8+s3+$0x0], $0xffff;
	s30 =	simm.s32 $0xC0;
	[tilespmem:s25+$0xA000] =	vst v3;
	v3 =	vor.u32 s19, v1  }
0x1f9: {  	s31 =	sor.u32 $0x50, s30;
	[tilespmem:s12+$0x10] =	vst v14;
	v14 =	vor.u32 s5, v1;
	v16 =	vld.idx.msk [tilespmem:v4+s3+$0x0], $0xffff  }
0x1fa: {  	[tilespmem:s31+$0xA000] =	vst v5;
	v11 =	vld.idx.msk [tilespmem:v10+s3+$0x0], $0xffff  }
0x1fb: {  	[tilespmem:s12+$0xFFFFFF90] =	vst v6;
	v7 =	vld.idx.msk [tilespmem:v13+s3+$0x0], $0xffff;
	v13 =	vor.u32 s20, v1  }
0x1fc: {  	[tilespmem:s22+$0xFFFFFFC0] =	vst v9;
	v10 =	vld.idx.msk [tilespmem:v12+s3+$0x0], $0xffff;
	v12 =	vor.u32 s28, v1  }
0x1fd: {  	[tilespmem:s22+$0xFFFFFFA0] =	vst v8;
	s20 =	simm.s32 $0x10;
	v8 =	vor.u32 s26, v1;
	v5 =	vld.idx.msk [tilespmem:v3+s3+$0x0], $0xffff  }
0x1fe: {  	s23 =	simm.s32 $0x12;
	s25 =	simm.s32 $0x13;
	v3 =	vor.u32 s20, v0;
	v4 =	vld.idx.msk [tilespmem:v14+s3+$0x0], $0xffff;
	[tilespmem:s22+$0xFFFFFFE0] =	vst v16  }
0x1ff: {  	v9 =	vor.u32 s17, v1;
	[tilespmem:s22+$0x0] =	vst v17;
	s26 =	simm.s32 $0x11;
	s28 =	simm.s32 $0x17;
	s12 =	simm.s32 $0x18;
	v6 =	vld.idx.msk [tilespmem:v18+s3+$0x0], $0xffff  }
.LBB2_23:
0x200: {  	p5 =	slt.u32 s12, $0x78;
	s5 =	sadd.s32 $0x4, s20;
	v14 =	vor.u32 s28, v0;
	v13 =	vld.idx.msk [tilespmem:v13+s3+$0x0], $0xffff;
	[tilespmem:s22+$0x20] =	vst v11;
	s21 =	sadd.s32 $0x100, s21  }
0x201: {  	v11 =	vor.u32 s26, v0;
	s15 =	sadd.s32 $0xFFFFFF40, s21;
	s17 =	sadd.s32 $0xFFFFFF60, s21;
	v12 =	vld.idx.msk [tilespmem:v12+s3+$0x0], $0xffff;
	[tilespmem:s22+$0x40] =	vst v10;
	s19 =	sor.u32 $0x70, s21  }
0x202: {  	v10 =	vor.u32 s23, v0;
	s29 =	sadd.s32 $0xFFFFFF80, s21;
	s30 =	sadd.s32 $0xFFFFFFC0, s21;
	s31 =	sadd.s32 $0xFFFFFFE0, s21;
	v8 =	vld.idx.msk [tilespmem:v8+s3+$0x0], $0xffff;
	[tilespmem:s19+$0xA000] =	vst v7  }
0x203: {  	v7 =	vor.u32 s25, v0;
	s15 =	sor.u32 $0x30, s15;
	s17 =	sor.u32 $0x50, s17;
	s19 =	sor.u32 $0x70, s29;
	[tilespmem:s22+$0xFFFFFF80] =	vst v2;
	v2 =	vld.idx.msk [tilespmem:v3+s3+$0x0], $0xffff  }
0x204: {  	s29 =	sadd.s32 $0x5, s20;
	v3 =	vor.u32 s5, v0;
	v9 =	vld.idx.msk [tilespmem:v9+s3+$0x0], $0xffff;
	[tilespmem:s15+$0xA000] =	vst v4;
	s15 =	sor.u32 $0x30, s30;
	s30 =	sor.u32 $0x50, s31  }
0x205: {  	v4 =	vor.u32 s29, v0;
	s31 =	sadd.s32 $0x6, s20;
	v14 =	vld.idx.msk [tilespmem:v14+s3+$0x0], $0xffff;
	[tilespmem:s17+$0xA000] =	vst v5;
	s17 =	smov.u32 s20;
	s20 =	smov.u32 s12  }
0x206: {  	v15 =	vor.u32 s31, v0;
	v5 =	vld.idx.msk [tilespmem:v11+s3+$0x0], $0xffff;
	[tilespmem:s19+$0xA000] =	vst v6  }
0x207: {  	v16 =	vor.u32 s28, v1;
	v6 =	vld.idx.msk [tilespmem:v10+s3+$0x0], $0xffff;
	[tilespmem:s22+$0x10] =	vst v13  }
0x208: {  	v17 =	vor.u32 s26, v1;
	v18 =	vld.idx.msk [tilespmem:v7+s3+$0x0], $0xffff;
	[tilespmem:s15+$0xA000] =	vst v12  }
0x209: {  	v19 =	vor.u32 s23, v1;
	v20 =	vld.idx.msk [tilespmem:v3+s3+$0x0], $0xffff;
	[tilespmem:s30+$0xA000] =	vst v8  }
0x20a: {  	v21 =	vor.u32 s25, v1;
	v11 =	vld.idx.msk [tilespmem:v4+s3+$0x0], $0xffff;
	[tilespmem:s22+$0xFFFFFF90] =	vst v9;
	s22 =	sadd.s32 $0x100, s22  }
.Ltmp17:
0x20b: {  	v13 =	vor.u32 s5, v1;
	v10 =	vld.idx.msk [tilespmem:v15+s3+$0x0], $0xffff;
	[tilespmem:s22+$0x60] =	vst v14;
	(pc) =	sbr.rel @p5 .LBB2_23-.Ltmp17, $4  }
0x20c: {  	v12 =	vor.u32 s29, v1;
	[tilespmem:s22+$0xFFFFFFA0] =	vst v5;
	v7 =	vld.idx.msk [tilespmem:v16+s3+$0x0], $0xffff  }
0x20d: {  	v8 =	vor.u32 s31, v1;
	v4 =	vld.idx.msk [tilespmem:v17+s3+$0x0], $0xffff;
	[tilespmem:s22+$0xFFFFFFC0] =	vst v6  }
0x20e: {  	s26 =	sadd.s32 $0x1, s12;
	s23 =	sadd.s32 $0x2, s12;
	v3 =	vor.u32 s12, v0;
	v5 =	vld.idx.msk [tilespmem:v19+s3+$0x0], $0xffff;
	[tilespmem:s22+$0xFFFFFFE0] =	vst v18  }
0x20f: {  	s25 =	sadd.s32 $0x3, s20;
	s28 =	sadd.s32 $0x7, s20;
	s12 =	sadd.s32 $0x8, s12;
	v9 =	vor.u32 s17, v1;
	v6 =	vld.idx.msk [tilespmem:v21+s3+$0x0], $0xffff;
	[tilespmem:s22+$0x0] =	vst v20  }
0x210: {  	_ =	sdelay $0x1  }
0x211: {  	[tilespmem:s22+$0x20] =	vst v11  }
0x212: {  	s5 =	sadd.s32 $0x100, s21;
	[tilespmem:s22+$0x40] =	vst v10  }
0x213: {  	v41 =	vor.u32 s28, v0;
	v42 =	vld.idx.msk [tilespmem:v13+s3+$0x0], $0xffff;
	[tilespmem:s22+$0xFFFFFF80] =	vst v2;
	s12 =	sor.u32 $0x70, s5;
	s15 =	sadd.s32 $0xFFFFFF40, s5  }
0x214: {  	v43 =	vor.u32 s26, v0;
	s31 =	sadd.s32 $0xFFFFFF60, s5;
	v44 =	vld.idx.msk [tilespmem:v12+s3+$0x0], $0xffff;
	[tilespmem:s12+$0xA000] =	vst v7;
	s15 =	sor.u32 $0x30, s15  }
0x215: {  	v45 =	vor.u32 s23, v0;
	s19 =	sadd.s32 $0xFFFFFF80, s5;
	v2 =	vld.idx.msk [tilespmem:v8+s3+$0x0], $0xffff;
	s12 =	sor.u32 $0x50, s31;
	[tilespmem:s15+$0xA000] =	vst v4  }
0x216: {  	s17 =	sadd.s32 $0x4, s20;
	v46 =	vor.u32 s25, v0;
	v9 =	vld.idx.msk [tilespmem:v9+s3+$0x0], $0xffff;
	s19 =	sor.u32 $0x70, s19;
	[tilespmem:s12+$0xA000] =	vst v5  }
0x217: {  	s21 =	sadd.s32 $0x5, s20;
	v3 =	vld.idx.msk [tilespmem:v3+s3+$0x0], $0xffff;
	v47 =	vor.u32 s17, v0;
	s29 =	sadd.s32 $0xFFFFFFC0, s5;
	[tilespmem:s19+$0xA000] =	vst v6  }
0x218: {  	s30 =	sadd.s32 $0x6, s20;
	v48 =	vor.u32 s21, v0;
	s31 =	sadd.s32 $0xFFFFFFE0, s5;
	s12 =	sor.u32 $0x30, s29;
	v11 =	vld.idx.msk [tilespmem:v41+s3+$0x0], $0xffff;
	[tilespmem:s22+$0x10] =	vst v42  }
0x219: {  	v50 =	vor.u32 s30, v0;
	s15 =	sor.u32 $0x50, s31;
	v49 =	vld.idx.msk [tilespmem:v43+s3+$0x0], $0xffff;
	[tilespmem:s12+$0xA000] =	vst v44  }
0x21a: {  	v52 =	vor.u32 s28, v1;
	v51 =	vld.idx.msk [tilespmem:v45+s3+$0x0], $0xffff;
	[tilespmem:s15+$0xA000] =	vst v2  }
0x21b: {  	v53 =	vld.idx.msk [tilespmem:v46+s3+$0x0], $0xffff;
	v2 =	vor.u32 s26, v1;
	[tilespmem:s22+$0xFFFFFF90] =	vst v9;
	s22 =	sadd.s32 $0x100, s22  }
0x21c: {  	v54 =	vor.u32 s23, v1;
	v4 =	vld.idx.msk [tilespmem:v47+s3+$0x0], $0xffff;
	[tilespmem:s22+$0xFFFFFF80] =	vst v3  }
0x21d: {  	v55 =	vor.u32 s25, v1;
	v5 =	vld.idx.msk [tilespmem:v48+s3+$0x0], $0xffff;
	[tilespmem:s22+$0x60] =	vst v11  }
0x21e: {  	v57 =	vor.u32 s17, v1;
	v56 =	vld.idx.msk [tilespmem:v50+s3+$0x0], $0xffff;
	[tilespmem:s22+$0xFFFFFFA0] =	vst v49  }
0x21f: {  	v58 =	vor.u32 s21, v1;
	[tilespmem:s22+$0xFFFFFFC0] =	vst v51;
	v12 =	vld.idx.msk [tilespmem:v52+s3+$0x0], $0xffff  }
0x220: {  	v59 =	vor.u32 s30, v1;
	[tilespmem:s22+$0xFFFFFFE0] =	vst v53;
	v2 =	vld.idx.msk [tilespmem:v2+s3+$0x0], $0xffff  }
0x221: {  	v61 =	vor.u32 s20, v1;
	[tilespmem:s22+$0x0] =	vst v4;
	v60 =	vld.idx.msk [tilespmem:v54+s3+$0x0], $0xffff  }
0x222: {  	s5 =	sadd.s32 $0x100, s5;
	[tilespmem:s22+$0x20] =	vst v5;
	v62 =	vld.idx.msk [tilespmem:v55+s3+$0x0], $0xffff  }
0x223: {  	s25 =	sor.u32 $0x70, s5;
	s26 =	sadd.s32 $0xFFFFFF40, s5;
	[tilespmem:s22+$0x40] =	vst v56;
	v6 =	vld.idx.msk [tilespmem:v57+s3+$0x0], $0xffff  }
0x224: {  	s28 =	sadd.s32 $0xFFFFFF60, s5;
	s17 =	sor.u32 $0x30, s26;
	v63 =	vld.idx.msk [tilespmem:v58+s3+$0x0], $0xffff;
	[tilespmem:s25+$0xA000] =	vst v12  }
0x225: {  	s29 =	sadd.s32 $0xFFFFFF80, s5;
	s15 =	sor.u32 $0x50, s28;
	v3 =	vld.idx.msk [tilespmem:v59+s3+$0x0], $0xffff;
	[tilespmem:s17+$0xA000] =	vst v2  }
0x226: {  	s30 =	sor.u32 $0x70, s29;
	v2 =	vld.idx.msk [tilespmem:v61+s3+$0x0], $0xffff;
	[tilespmem:s15+$0xA000] =	vst v60  }
0x227: {  	s31 =	sadd.s32 $0xFFFFFFC0, s5;
	[tilespmem:s30+$0xA000] =	vst v62  }
.Ltmp18:
0x228: {  	s5 =	sadd.s32 $0xFFFFFFE0, s5;
	s15 =	sor.u32 $0x30, s31;
	[tilespmem:s22+$0x10] =	vst v6;
	(pc) =	sbr.rel .LBB2_31-.Ltmp18, $4  }
0x229: {  	s5 =	sor.u32 $0x50, s5;
	[tilespmem:s15+$0xA000] =	vst v63  }
0x22a: {  	[tilespmem:s5+$0xA000] =	vst v3  }
0x22b: {  	[tilespmem:s22+$0xFFFFFF90] =	vst v2  }
0x22c: {  	s12 =	rddreg [dreg:$0xb]  }
.LBB2_25:
0x22d: {  	s5 =	simm.s32 $0x0;
	s15 =	rddreg [dreg:$0xc]  }
0x22e: {  	[tilespmem:s5], [sflag:$0x5] =	stream.linear.gather [hbm4b:s15+s5], $0x400, $0x38;
	[tilespmem:$0x12000] =	vst v63  }
0x22f: {  	s12 =	sadd.s32 $0xF4280, s15  }
0x230: {  	[tilespmem:s19], [sflag:$0x5] =	stream.linear.gather [hbm4b:s12+s5], $0x400, $0x38;
	[tilespmem:$0x12000] =	vst v63  }
0x231: {  	s22 =	sadd.s32 $0x1E8500, s15  }
0x232: {  	[tilespmem:s29], [sflag:$0x5] =	stream.linear.gather [hbm4b:s22+s5], $0x400, $0x38;
	[tilespmem:$0x12000] =	vst v63  }
0x233: {  	s25 =	simm.s32 $0x7;
	s26 =	simm.s32 $0x1;
	s23 =	sadd.s32 $0x2DC780, s15;
	v2 =	vor.u32 s5, v0  }
0x234: {  	v3 =	vor.u32 s25, v0;
	[tilespmem:s30], [sflag:$0x5] =	stream.linear.gather [hbm4b:s23+s5], $0x400, $0x38;
	[tilespmem:$0x12000] =	vst v63  }
0x235: {  	s17 =	simm.s32 $0x2;
	v4 =	vor.u32 s26, v0;
	_ =	swait.ge [sflag:s31], $0x1000  }
0x236: {  	s20 =	simm.s32 $0x3;
	v5 =	vor.u32 s17, v0;
	[sflag:s31] =	ssyncset.done $0x0  }
0x237: {  	v6 =	vor.u32 s20, v0;
	s22 =	simm.s32 $0x5;
	[sflag:s31] =	ssyncadd.s32 $0xFFFFF000  }
0x238: {  	s15 =	simm.s32 $0xF;
	v8 =	vor.u32 s22, v0;
	v7 =	vld.idx.msk [tilespmem:v2+s3+$0x0], $0xffff  }
0x239: {  	v15 =	vor.u32 s15, v0;
	s23 =	simm.s32 $0x6;
	v3 =	vld.idx.msk [tilespmem:v3+s3+$0x0], $0xffff  }
0x23a: {  	s21 =	simm.s32 $0x4;
	v9 =	vor.u32 s23, v0;
	v4 =	vld.idx.msk [tilespmem:v4+s3+$0x0], $0xffff  }
0x23b: {  	v2 =	vor.u32 s21, v0;
	v5 =	vld.idx.msk [tilespmem:v5+s3+$0x0], $0xffff  }
0x23c: {  	v10 =	vor.u32 s25, v1;
	v6 =	vld.idx.msk [tilespmem:v6+s3+$0x0], $0xffff  }
0x23d: {  	v11 =	vor.u32 s26, v1;
	v8 =	vld.idx.msk [tilespmem:v8+s3+$0x0], $0xffff  }
0x23e: {  	v12 =	vor.u32 s17, v1;
	s12 =	simm.s32 $0xA080;
	v15 =	vld.idx.msk [tilespmem:v15+s3+$0x0], $0xffff  }
0x23f: {  	v13 =	vor.u32 s20, v1;
	v9 =	vld.idx.msk [tilespmem:v9+s3+$0x0], $0xffff;
	[tilespmem:s12+$0x60] =	vst v3  }
0x240: {  	v2 =	vld.idx.msk [tilespmem:v2+s3+$0x0], $0xffff;
	[tilespmem:s12+$0xFFFFFFA0] =	vst v4;
	v3 =	vor.u32 s22, v1  }
0x241: {  	[tilespmem:s12+$0xFFFFFFC0] =	vst v5;
	v5 =	vor.u32 s23, v1;
	v4 =	vld.idx.msk [tilespmem:v10+s3+$0x0], $0xffff  }
0x242: {  	[tilespmem:s12+$0xFFFFFFE0] =	vst v6;
	v6 =	vor.u32 s5, v1;
	v10 =	vld.idx.msk [tilespmem:v11+s3+$0x0], $0xffff  }
0x243: {  	v14 =	vor.u32 s21, v1;
	s26 =	simm.s32 $0xC;
	[tilespmem:s12+$0x20] =	vst v8;
	v12 =	vld.idx.msk [tilespmem:v12+s3+$0x0], $0xffff  }
0x244: {  	s17 =	simm.s32 $0x8;
	[tilespmem:s12+$0xFFFFFF80] =	vst v7;
	v7 =	vor.u32 s26, v0;
	v13 =	vld.idx.msk [tilespmem:v13+s3+$0x0], $0xffff  }
0x245: {  	s20 =	simm.s32 $0xA;
	s21 =	simm.s32 $0xE0;
	v11 =	vor.u32 s17, v0;
	[tilespmem:s12+$0x40] =	vst v9;
	v3 =	vld.idx.msk [tilespmem:v3+s3+$0x0], $0xffff  }
0x246: {  	s25 =	simm.s32 $0x20;
	s29 =	sor.u32 $0x70, s21;
	s5 =	simm.s32 $0x9;
	v9 =	vor.u32 s20, v0;
	[tilespmem:s12+$0x0] =	vst v2;
	v5 =	vld.idx.msk [tilespmem:v5+s3+$0x0], $0xffff  }
0x247: {  	s25 =	sor.u32 $0x30, s25;
	s30 =	simm.s32 $0x40;
	s23 =	simm.s32 $0xB;
	v8 =	vor.u32 s5, v0;
	v6 =	vld.idx.msk [tilespmem:v6+s3+$0x0], $0xffff;
	[tilespmem:s29+$0xA000] =	vst v4  }
0x248: {  	s28 =	simm.s32 $0x60;
	s19 =	simm.s32 $0xD;
	s22 =	sor.u32 $0x50, s30;
	v14 =	vld.idx.msk [tilespmem:v14+s3+$0x0], $0xffff;
	v4 =	vor.u32 s23, v0;
	[tilespmem:s25+$0xA000] =	vst v10  }
0x249: {  	s31 =	sor.u32 $0x70, s28;
	v17 =	vld.idx.msk [tilespmem:v7+s3+$0x0], $0xffff;
	v10 =	vor.u32 s19, v0;
	[tilespmem:s22+$0xA000] =	vst v12;
	s29 =	simm.s32 $0xA0  }
0x24a: {  	s28 =	simm.s32 $0xE;
	s30 =	simm.s32 $0xC0;
	v2 =	vld.idx.msk [tilespmem:v11+s3+$0x0], $0xffff;
	[tilespmem:s31+$0xA000] =	vst v13;
	v13 =	vor.u32 s15, v1;
	s22 =	sor.u32 $0x30, s29  }
0x24b: {  	v12 =	vor.u32 s28, v0;
	s31 =	sor.u32 $0x50, s30;
	v9 =	vld.idx.msk [tilespmem:v9+s3+$0x0], $0xffff;
	[tilespmem:s22+$0xA000] =	vst v3  }
0x24c: {  	v8 =	vld.idx.msk [tilespmem:v8+s3+$0x0], $0xffff;
	v3 =	vor.u32 s20, v1;
	[tilespmem:s31+$0xA000] =	vst v5  }
0x24d: {  	s22 =	simm.s32 $0xA180;
	[tilespmem:s12+$0x10] =	vst v14;
	v14 =	vor.u32 s5, v1;
	v16 =	vld.idx.msk [tilespmem:v4+s3+$0x0], $0xffff  }
0x24e: {  	v18 =	vor.u32 s23, v1;
	v11 =	vld.idx.msk [tilespmem:v10+s3+$0x0], $0xffff;
	[tilespmem:s22+$0x60] =	vst v15  }
0x24f: {  	[tilespmem:s12+$0xFFFFFF90] =	vst v6;
	v7 =	vld.idx.msk [tilespmem:v13+s3+$0x0], $0xffff;
	v13 =	vor.u32 s26, v1  }
0x250: {  	v10 =	vld.idx.msk [tilespmem:v12+s3+$0x0], $0xffff;
	v12 =	vor.u32 s19, v1;
	[tilespmem:s22+$0xFFFFFFC0] =	vst v9  }
0x251: {  	s20 =	simm.s32 $0x10;
	[tilespmem:s22+$0xFFFFFFA0] =	vst v8;
	v8 =	vor.u32 s28, v1;
	v5 =	vld.idx.msk [tilespmem:v3+s3+$0x0], $0xffff  }
0x252: {  	s23 =	simm.s32 $0x12;
	s25 =	simm.s32 $0x13;
	v3 =	vor.u32 s20, v0;
	v4 =	vld.idx.msk [tilespmem:v14+s3+$0x0], $0xffff;
	[tilespmem:s22+$0xFFFFFFE0] =	vst v16  }
0x253: {  	s28 =	simm.s32 $0x17;
	s12 =	simm.s32 $0x18;
	[tilespmem:s22+$0x0] =	vst v17;
	s26 =	simm.s32 $0x11;
	v9 =	vor.u32 s17, v1;
	v6 =	vld.idx.msk [tilespmem:v18+s3+$0x0], $0xffff  }
.LBB2_26:
0x254: {  	p5 =	slt.u32 s12, $0x78;
	s5 =	sadd.s32 $0x4, s20;
	v14 =	vor.u32 s28, v0;
	v13 =	vld.idx.msk [tilespmem:v13+s3+$0x0], $0xffff;
	[tilespmem:s22+$0x20] =	vst v11;
	s21 =	sadd.s32 $0x100, s21  }
0x255: {  	v11 =	vor.u32 s26, v0;
	s15 =	sadd.s32 $0xFFFFFF40, s21;
	s17 =	sadd.s32 $0xFFFFFF60, s21;
	v12 =	vld.idx.msk [tilespmem:v12+s3+$0x0], $0xffff;
	[tilespmem:s22+$0x40] =	vst v10;
	s19 =	sor.u32 $0x70, s21  }
0x256: {  	v10 =	vor.u32 s23, v0;
	s29 =	sadd.s32 $0xFFFFFF80, s21;
	s30 =	sadd.s32 $0xFFFFFFC0, s21;
	s31 =	sadd.s32 $0xFFFFFFE0, s21;
	v8 =	vld.idx.msk [tilespmem:v8+s3+$0x0], $0xffff;
	[tilespmem:s19+$0xA000] =	vst v7  }
0x257: {  	v7 =	vor.u32 s25, v0;
	s15 =	sor.u32 $0x30, s15;
	s17 =	sor.u32 $0x50, s17;
	s19 =	sor.u32 $0x70, s29;
	[tilespmem:s22+$0xFFFFFF80] =	vst v2;
	v2 =	vld.idx.msk [tilespmem:v3+s3+$0x0], $0xffff  }
0x258: {  	s29 =	sadd.s32 $0x5, s20;
	v3 =	vor.u32 s5, v0;
	v9 =	vld.idx.msk [tilespmem:v9+s3+$0x0], $0xffff;
	[tilespmem:s15+$0xA000] =	vst v4;
	s15 =	sor.u32 $0x30, s30;
	s30 =	sor.u32 $0x50, s31  }
0x259: {  	v4 =	vor.u32 s29, v0;
	s31 =	sadd.s32 $0x6, s20;
	v14 =	vld.idx.msk [tilespmem:v14+s3+$0x0], $0xffff;
	[tilespmem:s17+$0xA000] =	vst v5;
	s17 =	smov.u32 s20;
	s20 =	smov.u32 s12  }
0x25a: {  	v15 =	vor.u32 s31, v0;
	v5 =	vld.idx.msk [tilespmem:v11+s3+$0x0], $0xffff;
	[tilespmem:s19+$0xA000] =	vst v6  }
0x25b: {  	v16 =	vor.u32 s28, v1;
	v6 =	vld.idx.msk [tilespmem:v10+s3+$0x0], $0xffff;
	[tilespmem:s22+$0x10] =	vst v13  }
0x25c: {  	v17 =	vor.u32 s26, v1;
	v18 =	vld.idx.msk [tilespmem:v7+s3+$0x0], $0xffff;
	[tilespmem:s15+$0xA000] =	vst v12  }
0x25d: {  	v19 =	vor.u32 s23, v1;
	v20 =	vld.idx.msk [tilespmem:v3+s3+$0x0], $0xffff;
	[tilespmem:s30+$0xA000] =	vst v8  }
0x25e: {  	v21 =	vor.u32 s25, v1;
	v11 =	vld.idx.msk [tilespmem:v4+s3+$0x0], $0xffff;
	[tilespmem:s22+$0xFFFFFF90] =	vst v9;
	s22 =	sadd.s32 $0x100, s22  }
.Ltmp19:
0x25f: {  	v13 =	vor.u32 s5, v1;
	v10 =	vld.idx.msk [tilespmem:v15+s3+$0x0], $0xffff;
	[tilespmem:s22+$0x60] =	vst v14;
	(pc) =	sbr.rel @p5 .LBB2_26-.Ltmp19, $4  }
0x260: {  	v12 =	vor.u32 s29, v1;
	[tilespmem:s22+$0xFFFFFFA0] =	vst v5;
	v7 =	vld.idx.msk [tilespmem:v16+s3+$0x0], $0xffff  }
0x261: {  	v8 =	vor.u32 s31, v1;
	v4 =	vld.idx.msk [tilespmem:v17+s3+$0x0], $0xffff;
	[tilespmem:s22+$0xFFFFFFC0] =	vst v6  }
0x262: {  	s26 =	sadd.s32 $0x1, s12;
	s23 =	sadd.s32 $0x2, s12;
	v3 =	vor.u32 s12, v0;
	v5 =	vld.idx.msk [tilespmem:v19+s3+$0x0], $0xffff;
	[tilespmem:s22+$0xFFFFFFE0] =	vst v18  }
0x263: {  	s25 =	sadd.s32 $0x3, s20;
	s28 =	sadd.s32 $0x7, s20;
	s12 =	sadd.s32 $0x8, s12;
	v9 =	vor.u32 s17, v1;
	v6 =	vld.idx.msk [tilespmem:v21+s3+$0x0], $0xffff;
	[tilespmem:s22+$0x0] =	vst v20  }
0x264: {  	_ =	sdelay $0x1  }
0x265: {  	[tilespmem:s22+$0x20] =	vst v11  }
0x266: {  	s5 =	sadd.s32 $0x100, s21;
	[tilespmem:s22+$0x40] =	vst v10  }
0x267: {  	v41 =	vor.u32 s28, v0;
	v42 =	vld.idx.msk [tilespmem:v13+s3+$0x0], $0xffff;
	[tilespmem:s22+$0xFFFFFF80] =	vst v2;
	s12 =	sor.u32 $0x70, s5;
	s15 =	sadd.s32 $0xFFFFFF40, s5  }
0x268: {  	v43 =	vor.u32 s26, v0;
	s31 =	sadd.s32 $0xFFFFFF60, s5;
	v44 =	vld.idx.msk [tilespmem:v12+s3+$0x0], $0xffff;
	[tilespmem:s12+$0xA000] =	vst v7;
	s15 =	sor.u32 $0x30, s15  }
0x269: {  	v45 =	vor.u32 s23, v0;
	s19 =	sadd.s32 $0xFFFFFF80, s5;
	v2 =	vld.idx.msk [tilespmem:v8+s3+$0x0], $0xffff;
	s12 =	sor.u32 $0x50, s31;
	[tilespmem:s15+$0xA000] =	vst v4  }
0x26a: {  	s17 =	sadd.s32 $0x4, s20;
	v46 =	vor.u32 s25, v0;
	v9 =	vld.idx.msk [tilespmem:v9+s3+$0x0], $0xffff;
	s19 =	sor.u32 $0x70, s19;
	[tilespmem:s12+$0xA000] =	vst v5  }
0x26b: {  	s21 =	sadd.s32 $0x5, s20;
	v3 =	vld.idx.msk [tilespmem:v3+s3+$0x0], $0xffff;
	v47 =	vor.u32 s17, v0;
	s29 =	sadd.s32 $0xFFFFFFC0, s5;
	[tilespmem:s19+$0xA000] =	vst v6  }
0x26c: {  	s30 =	sadd.s32 $0x6, s20;
	v48 =	vor.u32 s21, v0;
	s31 =	sadd.s32 $0xFFFFFFE0, s5;
	s12 =	sor.u32 $0x30, s29;
	v11 =	vld.idx.msk [tilespmem:v41+s3+$0x0], $0xffff;
	[tilespmem:s22+$0x10] =	vst v42  }
0x26d: {  	v50 =	vor.u32 s30, v0;
	s15 =	sor.u32 $0x50, s31;
	v49 =	vld.idx.msk [tilespmem:v43+s3+$0x0], $0xffff;
	[tilespmem:s12+$0xA000] =	vst v44  }
0x26e: {  	v52 =	vor.u32 s28, v1;
	v51 =	vld.idx.msk [tilespmem:v45+s3+$0x0], $0xffff;
	[tilespmem:s15+$0xA000] =	vst v2  }
0x26f: {  	v53 =	vld.idx.msk [tilespmem:v46+s3+$0x0], $0xffff;
	v2 =	vor.u32 s26, v1;
	[tilespmem:s22+$0xFFFFFF90] =	vst v9;
	s22 =	sadd.s32 $0x100, s22  }
0x270: {  	v54 =	vor.u32 s23, v1;
	v4 =	vld.idx.msk [tilespmem:v47+s3+$0x0], $0xffff;
	[tilespmem:s22+$0xFFFFFF80] =	vst v3  }
0x271: {  	v55 =	vor.u32 s25, v1;
	v5 =	vld.idx.msk [tilespmem:v48+s3+$0x0], $0xffff;
	[tilespmem:s22+$0x60] =	vst v11  }
0x272: {  	v57 =	vor.u32 s17, v1;
	v56 =	vld.idx.msk [tilespmem:v50+s3+$0x0], $0xffff;
	[tilespmem:s22+$0xFFFFFFA0] =	vst v49  }
0x273: {  	v58 =	vor.u32 s21, v1;
	[tilespmem:s22+$0xFFFFFFC0] =	vst v51;
	v12 =	vld.idx.msk [tilespmem:v52+s3+$0x0], $0xffff  }
0x274: {  	v59 =	vor.u32 s30, v1;
	[tilespmem:s22+$0xFFFFFFE0] =	vst v53;
	v2 =	vld.idx.msk [tilespmem:v2+s3+$0x0], $0xffff  }
0x275: {  	v61 =	vor.u32 s20, v1;
	[tilespmem:s22+$0x0] =	vst v4;
	v60 =	vld.idx.msk [tilespmem:v54+s3+$0x0], $0xffff  }
0x276: {  	s5 =	sadd.s32 $0x100, s5;
	[tilespmem:s22+$0x20] =	vst v5;
	v62 =	vld.idx.msk [tilespmem:v55+s3+$0x0], $0xffff  }
0x277: {  	s25 =	sor.u32 $0x70, s5;
	s26 =	sadd.s32 $0xFFFFFF40, s5;
	[tilespmem:s22+$0x40] =	vst v56;
	v6 =	vld.idx.msk [tilespmem:v57+s3+$0x0], $0xffff  }
0x278: {  	s28 =	sadd.s32 $0xFFFFFF60, s5;
	s17 =	sor.u32 $0x30, s26;
	v63 =	vld.idx.msk [tilespmem:v58+s3+$0x0], $0xffff;
	[tilespmem:s25+$0xA000] =	vst v12  }
0x279: {  	s29 =	sadd.s32 $0xFFFFFF80, s5;
	s15 =	sor.u32 $0x50, s28;
	v3 =	vld.idx.msk [tilespmem:v59+s3+$0x0], $0xffff;
	[tilespmem:s17+$0xA000] =	vst v2  }
0x27a: {  	s30 =	sor.u32 $0x70, s29;
	v2 =	vld.idx.msk [tilespmem:v61+s3+$0x0], $0xffff;
	[tilespmem:s15+$0xA000] =	vst v60  }
0x27b: {  	s31 =	sadd.s32 $0xFFFFFFC0, s5;
	[tilespmem:s30+$0xA000] =	vst v62  }
.Ltmp20:
0x27c: {  	s5 =	sadd.s32 $0xFFFFFFE0, s5;
	s15 =	sor.u32 $0x30, s31;
	[tilespmem:s22+$0x10] =	vst v6;
	(pc) =	sbr.rel .LBB2_31-.Ltmp20, $4  }
0x27d: {  	s5 =	sor.u32 $0x50, s5;
	[tilespmem:s15+$0xA000] =	vst v63  }
0x27e: {  	[tilespmem:s5+$0xA000] =	vst v3  }
0x27f: {  	[tilespmem:s22+$0xFFFFFF90] =	vst v2  }
0x280: {  	s12 =	rddreg [dreg:$0xd]  }
.LBB2_28:
0x281: {  	s5 =	simm.s32 $0x0;
	s15 =	rddreg [dreg:$0x6]  }
0x282: {  	[tilespmem:s5], [sflag:$0x5] =	stream.linear.gather [hbm4b:s15+s5], $0x400, $0x38;
	[tilespmem:$0x12000] =	vst v63  }
0x283: {  	s12 =	sadd.s32 $0xF4280, s15  }
0x284: {  	[tilespmem:s19], [sflag:$0x5] =	stream.linear.gather [hbm4b:s12+s5], $0x400, $0x38;
	[tilespmem:$0x12000] =	vst v63  }
0x285: {  	s22 =	sadd.s32 $0x1E8500, s15  }
0x286: {  	[tilespmem:s29], [sflag:$0x5] =	stream.linear.gather [hbm4b:s22+s5], $0x400, $0x38;
	[tilespmem:$0x12000] =	vst v63  }
0x287: {  	s25 =	simm.s32 $0x7;
	s26 =	simm.s32 $0x1;
	s23 =	sadd.s32 $0x2DC780, s15;
	v2 =	vor.u32 s5, v0  }
0x288: {  	v3 =	vor.u32 s25, v0;
	[tilespmem:s30], [sflag:$0x5] =	stream.linear.gather [hbm4b:s23+s5], $0x400, $0x38;
	[tilespmem:$0x12000] =	vst v63  }
0x289: {  	s17 =	simm.s32 $0x2;
	v4 =	vor.u32 s26, v0;
	_ =	swait.ge [sflag:s31], $0x1000  }
0x28a: {  	v5 =	vor.u32 s17, v0;
	s29 =	simm.s32 $0x3;
	[sflag:s31] =	ssyncset.done $0x0  }
0x28b: {  	s21 =	simm.s32 $0x5;
	v6 =	vor.u32 s29, v0;
	[sflag:s31] =	ssyncadd.s32 $0xFFFFF000  }
0x28c: {  	v8 =	vor.u32 s21, v0;
	s22 =	simm.s32 $0x6;
	v7 =	vld.idx.msk [tilespmem:v2+s3+$0x0], $0xffff  }
0x28d: {  	s15 =	simm.s32 $0xF;
	v9 =	vor.u32 s22, v0;
	v3 =	vld.idx.msk [tilespmem:v3+s3+$0x0], $0xffff  }
0x28e: {  	s20 =	simm.s32 $0x4;
	v15 =	vor.u32 s15, v0;
	v4 =	vld.idx.msk [tilespmem:v4+s3+$0x0], $0xffff  }
0x28f: {  	v2 =	vor.u32 s20, v0;
	v5 =	vld.idx.msk [tilespmem:v5+s3+$0x0], $0xffff  }
0x290: {  	v10 =	vor.u32 s25, v1;
	v6 =	vld.idx.msk [tilespmem:v6+s3+$0x0], $0xffff  }
0x291: {  	v11 =	vor.u32 s26, v1;
	v8 =	vld.idx.msk [tilespmem:v8+s3+$0x0], $0xffff  }
0x292: {  	v12 =	vor.u32 s17, v1;
	s12 =	simm.s32 $0xA080;
	v9 =	vld.idx.msk [tilespmem:v9+s3+$0x0], $0xffff  }
0x293: {  	v13 =	vor.u32 s29, v1;
	v15 =	vld.idx.msk [tilespmem:v15+s3+$0x0], $0xffff;
	[tilespmem:s12+$0x60] =	vst v3  }
0x294: {  	v2 =	vld.idx.msk [tilespmem:v2+s3+$0x0], $0xffff;
	[tilespmem:s12+$0xFFFFFFA0] =	vst v4;
	v3 =	vor.u32 s21, v1  }
0x295: {  	[tilespmem:s12+$0xFFFFFFC0] =	vst v5;
	v5 =	vor.u32 s22, v1;
	v4 =	vld.idx.msk [tilespmem:v10+s3+$0x0], $0xffff  }
0x296: {  	[tilespmem:s12+$0xFFFFFFE0] =	vst v6;
	v6 =	vor.u32 s5, v1;
	v10 =	vld.idx.msk [tilespmem:v11+s3+$0x0], $0xffff  }
0x297: {  	v14 =	vor.u32 s20, v1;
	s19 =	simm.s32 $0xA;
	[tilespmem:s12+$0x20] =	vst v8;
	v12 =	vld.idx.msk [tilespmem:v12+s3+$0x0], $0xffff  }
0x298: {  	s20 =	simm.s32 $0xC;
	[tilespmem:s12+$0x40] =	vst v9;
	v9 =	vor.u32 s19, v0;
	v13 =	vld.idx.msk [tilespmem:v13+s3+$0x0], $0xffff  }
0x299: {  	s17 =	simm.s32 $0x8;
	s21 =	simm.s32 $0xE0;
	[tilespmem:s12+$0xFFFFFF80] =	vst v7;
	v7 =	vor.u32 s20, v0;
	v3 =	vld.idx.msk [tilespmem:v3+s3+$0x0], $0xffff  }
0x29a: {  	s23 =	simm.s32 $0x20;
	s5 =	simm.s32 $0x9;
	v11 =	vor.u32 s17, v0;
	s30 =	sor.u32 $0x70, s21;
	[tilespmem:s12+$0x0] =	vst v2;
	v5 =	vld.idx.msk [tilespmem:v5+s3+$0x0], $0xffff  }
0x29b: {  	s25 =	simm.s32 $0x40;
	s23 =	sor.u32 $0x30, s23;
	s22 =	simm.s32 $0xB;
	v8 =	vor.u32 s5, v0;
	v6 =	vld.idx.msk [tilespmem:v6+s3+$0x0], $0xffff;
	[tilespmem:s30+$0xA000] =	vst v4  }
0x29c: {  	s28 =	simm.s32 $0xD;
	s26 =	simm.s32 $0x60;
	s25 =	sor.u32 $0x50, s25;
	v14 =	vld.idx.msk [tilespmem:v14+s3+$0x0], $0xffff;
	v4 =	vor.u32 s22, v0;
	[tilespmem:s23+$0xA000] =	vst v10  }
0x29d: {  	s31 =	sor.u32 $0x70, s26;
	v9 =	vld.idx.msk [tilespmem:v9+s3+$0x0], $0xffff;
	v10 =	vor.u32 s28, v0;
	[tilespmem:s25+$0xA000] =	vst v12  }
0x29e: {  	s29 =	simm.s32 $0xA0;
	s26 =	simm.s32 $0xE;
	v18 =	vor.u32 s22, v1;
	v17 =	vld.idx.msk [tilespmem:v7+s3+$0x0], $0xffff;
	[tilespmem:s31+$0xA000] =	vst v13;
	v13 =	vor.u32 s15, v1;
	s22 =	simm.s32 $0xA180  }
0x29f: {  	v2 =	vld.idx.msk [tilespmem:v11+s3+$0x0], $0xffff;
	v12 =	vor.u32 s26, v0;
	s25 =	sor.u32 $0x30, s29;
	[tilespmem:s22+$0x60] =	vst v15  }
0x2a0: {  	v8 =	vld.idx.msk [tilespmem:v8+s3+$0x0], $0xffff;
	s30 =	simm.s32 $0xC0;
	[tilespmem:s25+$0xA000] =	vst v3;
	v3 =	vor.u32 s19, v1  }
0x2a1: {  	s31 =	sor.u32 $0x50, s30;
	[tilespmem:s12+$0x10] =	vst v14;
	v14 =	vor.u32 s5, v1;
	v16 =	vld.idx.msk [tilespmem:v4+s3+$0x0], $0xffff  }
0x2a2: {  	[tilespmem:s31+$0xA000] =	vst v5;
	v11 =	vld.idx.msk [tilespmem:v10+s3+$0x0], $0xffff  }
0x2a3: {  	[tilespmem:s12+$0xFFFFFF90] =	vst v6;
	v7 =	vld.idx.msk [tilespmem:v13+s3+$0x0], $0xffff;
	v13 =	vor.u32 s20, v1  }
0x2a4: {  	[tilespmem:s22+$0xFFFFFFC0] =	vst v9;
	v10 =	vld.idx.msk [tilespmem:v12+s3+$0x0], $0xffff;
	v12 =	vor.u32 s28, v1  }
0x2a5: {  	[tilespmem:s22+$0xFFFFFFA0] =	vst v8;
	s20 =	simm.s32 $0x10;
	v8 =	vor.u32 s26, v1;
	v5 =	vld.idx.msk [tilespmem:v3+s3+$0x0], $0xffff  }
0x2a6: {  	s23 =	simm.s32 $0x12;
	s25 =	simm.s32 $0x13;
	v3 =	vor.u32 s20, v0;
	v4 =	vld.idx.msk [tilespmem:v14+s3+$0x0], $0xffff;
	[tilespmem:s22+$0xFFFFFFE0] =	vst v16  }
0x2a7: {  	v9 =	vor.u32 s17, v1;
	[tilespmem:s22+$0x0] =	vst v17;
	s26 =	simm.s32 $0x11;
	s28 =	simm.s32 $0x17;
	s12 =	simm.s32 $0x18;
	v6 =	vld.idx.msk [tilespmem:v18+s3+$0x0], $0xffff  }
.LBB2_29:
0x2a8: {  	p5 =	slt.u32 s12, $0x78;
	s5 =	sadd.s32 $0x4, s20;
	v14 =	vor.u32 s28, v0;
	v13 =	vld.idx.msk [tilespmem:v13+s3+$0x0], $0xffff;
	[tilespmem:s22+$0x20] =	vst v11;
	s21 =	sadd.s32 $0x100, s21  }
0x2a9: {  	v11 =	vor.u32 s26, v0;
	s15 =	sadd.s32 $0xFFFFFF40, s21;
	s17 =	sadd.s32 $0xFFFFFF60, s21;
	v12 =	vld.idx.msk [tilespmem:v12+s3+$0x0], $0xffff;
	[tilespmem:s22+$0x40] =	vst v10;
	s19 =	sor.u32 $0x70, s21  }
0x2aa: {  	v10 =	vor.u32 s23, v0;
	s29 =	sadd.s32 $0xFFFFFF80, s21;
	s30 =	sadd.s32 $0xFFFFFFC0, s21;
	s31 =	sadd.s32 $0xFFFFFFE0, s21;
	v8 =	vld.idx.msk [tilespmem:v8+s3+$0x0], $0xffff;
	[tilespmem:s19+$0xA000] =	vst v7  }
0x2ab: {  	v7 =	vor.u32 s25, v0;
	s15 =	sor.u32 $0x30, s15;
	s17 =	sor.u32 $0x50, s17;
	s19 =	sor.u32 $0x70, s29;
	[tilespmem:s22+$0xFFFFFF80] =	vst v2;
	v2 =	vld.idx.msk [tilespmem:v3+s3+$0x0], $0xffff  }
0x2ac: {  	s29 =	sadd.s32 $0x5, s20;
	v3 =	vor.u32 s5, v0;
	v9 =	vld.idx.msk [tilespmem:v9+s3+$0x0], $0xffff;
	[tilespmem:s15+$0xA000] =	vst v4;
	s15 =	sor.u32 $0x30, s30;
	s30 =	sor.u32 $0x50, s31  }
0x2ad: {  	v4 =	vor.u32 s29, v0;
	s31 =	sadd.s32 $0x6, s20;
	v14 =	vld.idx.msk [tilespmem:v14+s3+$0x0], $0xffff;
	[tilespmem:s17+$0xA000] =	vst v5;
	s17 =	smov.u32 s20;
	s20 =	smov.u32 s12  }
0x2ae: {  	v15 =	vor.u32 s31, v0;
	v5 =	vld.idx.msk [tilespmem:v11+s3+$0x0], $0xffff;
	[tilespmem:s19+$0xA000] =	vst v6  }
0x2af: {  	v16 =	vor.u32 s28, v1;
	v6 =	vld.idx.msk [tilespmem:v10+s3+$0x0], $0xffff;
	[tilespmem:s22+$0x10] =	vst v13  }
0x2b0: {  	v17 =	vor.u32 s26, v1;
	v18 =	vld.idx.msk [tilespmem:v7+s3+$0x0], $0xffff;
	[tilespmem:s15+$0xA000] =	vst v12  }
0x2b1: {  	v19 =	vor.u32 s23, v1;
	v20 =	vld.idx.msk [tilespmem:v3+s3+$0x0], $0xffff;
	[tilespmem:s30+$0xA000] =	vst v8  }
0x2b2: {  	v21 =	vor.u32 s25, v1;
	v11 =	vld.idx.msk [tilespmem:v4+s3+$0x0], $0xffff;
	[tilespmem:s22+$0xFFFFFF90] =	vst v9;
	s22 =	sadd.s32 $0x100, s22  }
.Ltmp21:
0x2b3: {  	v13 =	vor.u32 s5, v1;
	v10 =	vld.idx.msk [tilespmem:v15+s3+$0x0], $0xffff;
	[tilespmem:s22+$0x60] =	vst v14;
	(pc) =	sbr.rel @p5 .LBB2_29-.Ltmp21, $4  }
0x2b4: {  	v12 =	vor.u32 s29, v1;
	[tilespmem:s22+$0xFFFFFFA0] =	vst v5;
	v7 =	vld.idx.msk [tilespmem:v16+s3+$0x0], $0xffff  }
0x2b5: {  	v8 =	vor.u32 s31, v1;
	v4 =	vld.idx.msk [tilespmem:v17+s3+$0x0], $0xffff;
	[tilespmem:s22+$0xFFFFFFC0] =	vst v6  }
0x2b6: {  	s26 =	sadd.s32 $0x1, s12;
	s23 =	sadd.s32 $0x2, s12;
	v3 =	vor.u32 s12, v0;
	v5 =	vld.idx.msk [tilespmem:v19+s3+$0x0], $0xffff;
	[tilespmem:s22+$0xFFFFFFE0] =	vst v18  }
0x2b7: {  	s25 =	sadd.s32 $0x3, s20;
	s28 =	sadd.s32 $0x7, s20;
	s12 =	sadd.s32 $0x8, s12;
	v9 =	vor.u32 s17, v1;
	v6 =	vld.idx.msk [tilespmem:v21+s3+$0x0], $0xffff;
	[tilespmem:s22+$0x0] =	vst v20  }
0x2b8: {  	_ =	sdelay $0x1  }
0x2b9: {  	[tilespmem:s22+$0x20] =	vst v11  }
0x2ba: {  	s5 =	sadd.s32 $0x100, s21;
	[tilespmem:s22+$0x40] =	vst v10  }
0x2bb: {  	v41 =	vor.u32 s28, v0;
	v42 =	vld.idx.msk [tilespmem:v13+s3+$0x0], $0xffff;
	[tilespmem:s22+$0xFFFFFF80] =	vst v2;
	s12 =	sor.u32 $0x70, s5;
	s15 =	sadd.s32 $0xFFFFFF40, s5  }
0x2bc: {  	v43 =	vor.u32 s26, v0;
	s31 =	sadd.s32 $0xFFFFFF60, s5;
	v44 =	vld.idx.msk [tilespmem:v12+s3+$0x0], $0xffff;
	[tilespmem:s12+$0xA000] =	vst v7;
	s15 =	sor.u32 $0x30, s15  }
0x2bd: {  	v45 =	vor.u32 s23, v0;
	s19 =	sadd.s32 $0xFFFFFF80, s5;
	v2 =	vld.idx.msk [tilespmem:v8+s3+$0x0], $0xffff;
	s12 =	sor.u32 $0x50, s31;
	[tilespmem:s15+$0xA000] =	vst v4  }
0x2be: {  	s17 =	sadd.s32 $0x4, s20;
	v46 =	vor.u32 s25, v0;
	v9 =	vld.idx.msk [tilespmem:v9+s3+$0x0], $0xffff;
	s19 =	sor.u32 $0x70, s19;
	[tilespmem:s12+$0xA000] =	vst v5  }
0x2bf: {  	s21 =	sadd.s32 $0x5, s20;
	v3 =	vld.idx.msk [tilespmem:v3+s3+$0x0], $0xffff;
	v47 =	vor.u32 s17, v0;
	s29 =	sadd.s32 $0xFFFFFFC0, s5;
	[tilespmem:s19+$0xA000] =	vst v6  }
0x2c0: {  	s30 =	sadd.s32 $0x6, s20;
	v48 =	vor.u32 s21, v0;
	s31 =	sadd.s32 $0xFFFFFFE0, s5;
	s12 =	sor.u32 $0x30, s29;
	v11 =	vld.idx.msk [tilespmem:v41+s3+$0x0], $0xffff;
	[tilespmem:s22+$0x10] =	vst v42  }
0x2c1: {  	v50 =	vor.u32 s30, v0;
	s15 =	sor.u32 $0x50, s31;
	v49 =	vld.idx.msk [tilespmem:v43+s3+$0x0], $0xffff;
	[tilespmem:s12+$0xA000] =	vst v44  }
0x2c2: {  	v52 =	vor.u32 s28, v1;
	v51 =	vld.idx.msk [tilespmem:v45+s3+$0x0], $0xffff;
	[tilespmem:s15+$0xA000] =	vst v2  }
0x2c3: {  	v53 =	vld.idx.msk [tilespmem:v46+s3+$0x0], $0xffff;
	v2 =	vor.u32 s26, v1;
	[tilespmem:s22+$0xFFFFFF90] =	vst v9;
	s22 =	sadd.s32 $0x100, s22  }
0x2c4: {  	v54 =	vor.u32 s23, v1;
	v4 =	vld.idx.msk [tilespmem:v47+s3+$0x0], $0xffff;
	[tilespmem:s22+$0xFFFFFF80] =	vst v3  }
0x2c5: {  	v55 =	vor.u32 s25, v1;
	v5 =	vld.idx.msk [tilespmem:v48+s3+$0x0], $0xffff;
	[tilespmem:s22+$0x60] =	vst v11  }
0x2c6: {  	v57 =	vor.u32 s17, v1;
	v56 =	vld.idx.msk [tilespmem:v50+s3+$0x0], $0xffff;
	[tilespmem:s22+$0xFFFFFFA0] =	vst v49  }
0x2c7: {  	v58 =	vor.u32 s21, v1;
	[tilespmem:s22+$0xFFFFFFC0] =	vst v51;
	v12 =	vld.idx.msk [tilespmem:v52+s3+$0x0], $0xffff  }
0x2c8: {  	v59 =	vor.u32 s30, v1;
	[tilespmem:s22+$0xFFFFFFE0] =	vst v53;
	v2 =	vld.idx.msk [tilespmem:v2+s3+$0x0], $0xffff  }
0x2c9: {  	v61 =	vor.u32 s20, v1;
	[tilespmem:s22+$0x0] =	vst v4;
	v60 =	vld.idx.msk [tilespmem:v54+s3+$0x0], $0xffff  }
0x2ca: {  	s5 =	sadd.s32 $0x100, s5;
	[tilespmem:s22+$0x20] =	vst v5;
	v62 =	vld.idx.msk [tilespmem:v55+s3+$0x0], $0xffff  }
0x2cb: {  	s25 =	sor.u32 $0x70, s5;
	s26 =	sadd.s32 $0xFFFFFF40, s5;
	[tilespmem:s22+$0x40] =	vst v56;
	v6 =	vld.idx.msk [tilespmem:v57+s3+$0x0], $0xffff  }
0x2cc: {  	s28 =	sadd.s32 $0xFFFFFF60, s5;
	s17 =	sor.u32 $0x30, s26;
	v63 =	vld.idx.msk [tilespmem:v58+s3+$0x0], $0xffff;
	[tilespmem:s25+$0xA000] =	vst v12  }
0x2cd: {  	s29 =	sadd.s32 $0xFFFFFF80, s5;
	s15 =	sor.u32 $0x50, s28;
	v3 =	vld.idx.msk [tilespmem:v59+s3+$0x0], $0xffff;
	[tilespmem:s17+$0xA000] =	vst v2  }
0x2ce: {  	s30 =	sor.u32 $0x70, s29;
	v2 =	vld.idx.msk [tilespmem:v61+s3+$0x0], $0xffff;
	[tilespmem:s15+$0xA000] =	vst v60  }
0x2cf: {  	s31 =	sadd.s32 $0xFFFFFFC0, s5;
	[tilespmem:s30+$0xA000] =	vst v62  }
.Ltmp22:
0x2d0: {  	s5 =	sadd.s32 $0xFFFFFFE0, s5;
	s15 =	sor.u32 $0x30, s31;
	[tilespmem:s22+$0x10] =	vst v6;
	(pc) =	sbr.rel .LBB2_31-.Ltmp22, $4  }
0x2d1: {  	s5 =	sor.u32 $0x50, s5;
	[tilespmem:s15+$0xA000] =	vst v63  }
0x2d2: {  	[tilespmem:s5+$0xA000] =	vst v3  }
0x2d3: {  	[tilespmem:s22+$0xFFFFFF90] =	vst v2  }
0x2d4: {  	s12 =	rddreg [dreg:$0x8]  }
.LBB2_33:
0x2d5: {  	_ =	sfence.sel $0x180000  }
0x2d6: {  	[bflag:$0x0] =	sbarrier.arrive $0xFFFF  }
0x2d7: {  	_ =	strace $0x90000047  }
0x2d8: {  	s0 =	stileid.u32;
	[bflag:$0x2] =	sbarrier.arrive $0xFFFF  }
0x2d9: {  	p0 =	sne.s32 s0, $0x0;
	s0 =	rddreg [dreg:$0x2]  }
0x2da: {  	s0 =	sadd.s32 @!p0 $0x100000, s0  }
0x2db: {  	[sflag:s0] =	ssyncadd.tile.s32 @!p0 $0x1;
	_ =	shalt  }
.Lfunc_end2:
_tile_overlayer_lowered:
.L_overlay_start_2:
0x2dc: {  	(tag) =	ssettag $0x2  }
0x2dd: {  	s0 =	rddreg [dreg:$0x0];
	s2 =	stileid.u32  }
0x2de: {  	s1 =	rddreg [dreg:$0x1];
	p0 =	sne.s32 s2, $0x0  }
0x2df: {  	s3 =	rddreg [dreg:$0x2];
	[bflag:$0x3] =	sbarrier.arrive $0xFFFF;
	s2 =	simm.s32 @!p0 $0x1C05  }
0x2e0: {  	[timem:s3], [sflag:s2] =	dma.local @!p0 [hbm:s0], s1  }
0x2e1: {  	s0 =	simm.s32 @!p0 $0x5  }
0x2e2: {  	_ =	swait.ge @!p0 [sflag:s0], s1  }
0x2e3: {  	s1 =	ssub.s32 @!p0 $0x0, s1;
	[sflag:s0] =	ssyncset.done @!p0 $0x0  }
0x2e4: {  	[sflag:s0] =	ssyncadd.s32 @!p0 s1  }
0x2e5: {  	[bflag:$0x3] =	sbarrier.arrive $0xFFFF  }
0x2e6: {  	_ =	shalt  }

// kernel: kernel.7.cloned.1.call-start
scs
__scs_entry_jumppad:
0x0: {  	(pc) =	sbr.rel $0x88, $3  }
0x1: {  	(tag) =	ssettag $0x0;
	lr =	simm.s32 $0x1  }
0x2: {  	[smem:$0x3F9F] =	sst lr;
	_ =	strace $0xD0000000  }
0x3: {  	_ = 	snop  }
0x4: {  	_ = 	snop  }
0x5: {  	_ = 	snop  }
0x6: {  	_ = 	snop  }
0x7: {  	_ = 	snop  }
__scs_overlays_trampoline_lowered:
0x8: {  	[smem:$0x3FAE] =	sst s0  }
0x9: {  	[smem:$0x3FAF] =	sst s1  }
0xa: {  	[smem:$0x3FB0] =	sst s2  }
0xb: {  	[smem:$0x3FB1] =	sst s3  }
0xc: {  	[smem:$0x3FB2] =	sst s4  }
0xd: {  	[smem:$0x3FB3] =	sst s5  }
0xe: {  	[smem:$0x3FB4] =	sst s6  }
0xf: {  	[smem:$0x3FB5] =	sst s7  }
0x10: {  	[smem:$0x3FB6] =	sst s8  }
0x11: {  	[smem:$0x3FB7] =	sst s9;
	s0 =	simm.s32 @!p0 $0x0  }
0x12: {  	s1 =	sld [smem:$0x3F9D];
	s0 =	simm.s32 @p0 $0x1  }
0x13: {  	[smem:$0x3FB8] =	sst s0;
	s0 =	simm.s32 @!p1 $0x0  }
0x14: {  	s2 =	sld [smem:$0x3F9C];
	s0 =	simm.s32 @p1 $0x1  }
0x15: {  	[smem:$0x3FB9] =	sst s0;
	s0 =	simm.s32 @!p2 $0x0  }
0x16: {  	s3 =	sld [smem:$0x3FDB];
	s0 =	simm.s32 @p2 $0x1  }
0x17: {  	s4 =	simm.s32 $0x1BF5;
	[smem:$0x3FBB] =	sst s0  }
0x18: {  	s0 =	sld [smem:$0x3F9E];
	_ =	swait.ge [sflag:s4], $0x0  }
0x19: {  	s7 =	sld [smem:$0x3F9F]  }
0x1a: {  	s8 =	sadd.s32 $0xFFFFE003, lr  }
0x1b: {  	s9 =	sadd.s32 $0xFFFFFEF7, lr;
	s5 =	simm.s32 $0xFFFFFFFF;
	p2 =	slt.u32 s8, $0xFFFFF086  }
0x1c: {  	p1 =	slt.u32 s9, $0xF7A;
	s5 =	simm.s32 @!p2 $0x0  }
0x1d: {  	s5 =	simm.s32 @p1 $0x1;
	p0 =	seq.s32 s7, s2  }
0x1e: {  	s7 =	smul.u32 @!p0 $0xF7A, s2;
	p2 =	seq.s32 @!p0 s5, $0x0  }
0x1f: {  	s9 =	smul.u32 $0xF7A, s1;
	s8 =	simm.s32 @!p0 $0x1BF5;
	p2 =	por !p2, p0  }
0x20: {  	[sflag:s8] =	ssyncset.s32 @!p0 $0xFFFFF086;
	s6 =	sadd.s32 @!p0 s3, s7;
	s7 =	simm.s32 @!p0 $0x108  }
0x21: {  	s3 =	sadd.s32 s3, s9;
	s6 =	sadd.s32 @!p0 $0x88, s6;
	s7 =	simm.s32 @p2 $0x1082  }
0x22: {  	[simem:s7], [sflag:s8] =	dma.local @!p0 [hbm:s6], $0xF7A  }
0x23: {  	s9 =	sor.u32 $0xD0000000, s2;
	s6 =	simm.s32 $0x108;
	_ =	swait.ge @!p0 [sflag:s8], $0x0  }
0x24: {  	s3 =	sadd.s32 $0x88, s3;
	s6 =	simm.s32 @!p1 $0x1082;
	[sflag:s4] =	ssyncset.s32 $0xFFFFF086  }
0x25: {  	[simem:s6], [sflag:s4] =	dma.local [hbm:s3], $0xF7A  }
0x26: {  	[smem:$0x3F9F] =	sst s1;
	(tag) =	ssettag s2;
	_ =	strace s9  }
0x27: {  	s1 =	sld [smem:$0x3FAF]  }
0x28: {  	s2 =	sld [smem:$0x3FB0]  }
0x29: {  	s4 =	sld [smem:$0x3FB2]  }
0x2a: {  	p0 =	seq.s32 s5, $0x0;
	s5 =	sld [smem:$0x3FB3]  }
0x2b: {  	s6 =	sld [smem:$0x3FB4]  }
0x2c: {  	s7 =	sld [smem:$0x3FB5]  }
0x2d: {  	s3 =	simm.s32 $0x108;
	s8 =	sld [smem:$0x3FB6]  }
0x2e: {  	s3 =	simm.s32 @!p0 $0x1082;
	s9 =	sld [smem:$0x3FB7]  }
0x2f: {  	lr =	sadd.s32 s0, s3;
	s0 =	sld [smem:$0x3FAE]  }
0x30: {  	s3 =	sld [smem:$0x3FB1]  }
0x31: {  	[smem:$0x3FBA] =	sst s10  }
0x32: {  	s10 =	sld [smem:$0x3FB8];
	_ =	sdelay $0x3  }
0x33: {  	p0 =	seq.s32 s10, $0x1;
	s10 =	sld [smem:$0x3FBA];
	_ =	sdelay $0x3  }
0x34: {  	[smem:$0x3FBA] =	sst s10  }
0x35: {  	s10 =	sld [smem:$0x3FB9];
	_ =	sdelay $0x3  }
0x36: {  	p1 =	seq.s32 s10, $0x1;
	s10 =	sld [smem:$0x3FBA];
	_ =	sdelay $0x3  }
0x37: {  	[smem:$0x3FBA] =	sst s10  }
0x38: {  	s10 =	sld [smem:$0x3FBB]  }
0x39: {  	_ = 	snop;
	(pc) =	sbr.ind lr, $3  }
0x3a: {  	_ = 	snop  }
0x3b: {  	_ = 	snop  }
0x3c: {  	p2 =	seq.s32 s10, $0x1;
	s10 =	sld [smem:$0x3FBA]  }
0x3d: {  	_ =	shalt  }
0x3e: {  	_ =	shalt  }
0x3f: {  	_ =	shalt  }
0x40: {  	_ =	shalt  }
0x41: {  	_ =	shalt  }
0x42: {  	_ =	shalt  }
0x43: {  	_ =	shalt  }
0x44: {  	_ =	shalt  }
0x45: {  	_ =	shalt  }
0x46: {  	_ =	shalt  }
0x47: {  	_ =	shalt  }
0x48: {  	_ =	shalt  }
0x49: {  	_ =	shalt  }
0x4a: {  	_ =	shalt  }
0x4b: {  	_ =	shalt  }
0x4c: {  	_ =	shalt  }
0x4d: {  	_ =	shalt  }
0x4e: {  	_ =	shalt  }
0x4f: {  	_ =	shalt  }
0x50: {  	_ =	shalt  }
0x51: {  	_ =	shalt  }
0x52: {  	_ =	shalt  }
0x53: {  	_ =	shalt  }
0x54: {  	_ =	shalt  }
0x55: {  	_ =	shalt  }
0x56: {  	_ =	shalt  }
0x57: {  	_ =	shalt  }
0x58: {  	_ =	shalt  }
0x59: {  	_ =	shalt  }
0x5a: {  	_ =	shalt  }
0x5b: {  	_ =	shalt  }
0x5c: {  	_ =	shalt  }
0x5d: {  	_ =	shalt  }
0x5e: {  	_ =	shalt  }
0x5f: {  	_ =	shalt  }
0x60: {  	_ =	shalt  }
0x61: {  	_ =	shalt  }
0x62: {  	_ =	shalt  }
0x63: {  	_ =	shalt  }
0x64: {  	_ =	shalt  }
0x65: {  	_ =	shalt  }
0x66: {  	_ =	shalt  }
0x67: {  	_ =	shalt  }
0x68: {  	_ =	shalt  }
0x69: {  	_ =	shalt  }
0x6a: {  	_ =	shalt  }
0x6b: {  	_ =	shalt  }
0x6c: {  	_ =	shalt  }
0x6d: {  	_ =	shalt  }
0x6e: {  	_ =	shalt  }
0x6f: {  	_ =	shalt  }
0x70: {  	_ =	shalt  }
0x71: {  	_ =	shalt  }
0x72: {  	_ =	shalt  }
0x73: {  	_ =	shalt  }
0x74: {  	_ =	shalt  }
0x75: {  	_ =	shalt  }
0x76: {  	_ =	shalt  }
0x77: {  	_ =	shalt  }
0x78: {  	_ =	shalt  }
0x79: {  	_ =	shalt  }
0x7a: {  	_ =	shalt  }
0x7b: {  	_ =	shalt  }
0x7c: {  	_ =	shalt  }
0x7d: {  	_ =	shalt  }
0x7e: {  	_ =	shalt  }
0x7f: {  	_ =	shalt  }
0x80: {  	_ =	shalt  }
0x81: {  	_ =	shalt  }
0x82: {  	_ =	shalt  }
0x83: {  	_ =	shalt  }
0x84: {  	_ =	shalt  }
0x85: {  	_ =	shalt  }
0x86: {  	_ =	shalt  }
0x87: {  	_ =	shalt  }
.Lfunc_end0:
.L_simem_size_0:
called_computation.1_lowered:
.L_overlay_start_0:
0x88: {  	s2 =	sld [smem:$0x3FD9]  }
0x89: {  	s3 =	sld [smem:$0x3FFE];
	_ =	sdelay $0x1  }
0x8a: {  	s1 =	srdreg.scid  }
0x8b: {  	s0 =	sand.u32 $0x1, s1  }
0x8c: {  	s17 =	sshll.u32 s0, $0xA;
	s2 =	sadd.s32 s3, s2  }
0x8d: {  	s2 =	sadd.s32 s2, s17  }
0x8e: {  	[smem:$0x3FC6] =	sst s2  }
0x8f: {  	_ = 	snop  }
0x90: {  	s2 =	sld [smem:$0x3FC9]  }
0x91: {  	s18 =	sld [smem:$0x3FD0];
	(tm) =	ssettm $0x1  }
0x92: {  	s4 =	sld [smem:$0x3FFB];
	_ =	sdelay $0x3  }
0x93: {  	_ =	strace s4  }
0x94: {  	s4 =	sld [smem:$0x3FFC];
	_ =	sdelay $0x3  }
0x95: {  	_ =	strace s4  }
0x96: {  	s4 =	sld [smem:$0x3FFD];
	_ =	sdelay $0x3  }
0x97: {  	_ =	strace s4  }
0x98: {  	_ =	strace $0x8FFFFFFF  }
0x99: {  	s19 =	sld [smem:$0x3FDB];
	_ =	sdelay $0x1  }
0x9a: {  	s5 =	simm.s32 $_scs_section_size  }
0x9b: {  	s6 =	simm.s32 $_size__tile_overlayer_lowered;
	s7 =	simm.s32 $_tile_overlayer_lowered  }
0x9c: {  	s22 =	simm.s32 $0x1BFF;
	s21 =	sshll.u32 s7, $0x1;
	s4 =	sadd.s32 s5, s19  }
0x9d: {  	s8 =	simm.s32 $0x0;
	s20 =	sshll.u32 s6, $0x1;
	s6 =	sadd.s32 s21, s4  }
0x9e: {  	[timem:s8], [sflag:s22] =	dma.local [hbm:s6], s20  }
0x9f: {  	_ =	swait.ge [sflag:s22], s20  }
0xa0: {  	s5 =	ssub.s32 $0x0, s20;
	[sflag:s22] =	ssyncset.done $0x0  }
0xa1: {  	[sflag:s22] =	ssyncadd.s32 s5;
	_ =	sdelay $0x1  }
0xa2: {  	s23 =	simm.s32 $0x1B8B  }
0xa3: {  	_ =	swait.ge [sflag:s23], $0x1  }
0xa4: {  	[sflag:s23] =	ssyncset.done $0x0  }
0xa5: {  	s25 =	simm.s32 $0x1B8E;
	s24 =	sld [smem:$0x3FFE];
	[sflag:s23] =	ssyncadd.s32 $0xFFFFFFFF  }
0xa6: {  	s26 =	simm.s32 $execute0_lowered;
	[smem:$0x3FD2] =	sst s25  }
0xa7: {  	s6 =	sshll.u32 s26, $0x1;
	_ =	strace $0x80000049;
	[dreg:$0x1] =	wrdreg $0xFFFFFFFF  }
0xa8: {  	s28 =	simm.s32 $_size_execute0_lowered;
	s4 =	sadd.s32 s4, s6;
	[dreg:$0x0] =	wrdreg $0x0  }
0xa9: {  	s6 =	sshll.u32 s28, $0x1;
	[dreg:$0x2] =	wrdreg s4  }
0xaa: {  	[dreg:$0x3] =	wrdreg s6  }
0xab: {  	[dreg:$0x4] =	wrdreg $0xC0  }
0xac: {  	_ =	task [dreg:s8], $0x5FFFF  }
0xad: {  	[dreg:$0x1] =	wrdreg $0xFFFFFFFF  }
0xae: {  	[dreg:$0x0] =	wrdreg $0x60  }
0xaf: {  	[dreg:$0x2] =	wrdreg s24  }
0xb0: {  	[dreg:$0x3] =	wrdreg s2  }
0xb1: {  	[dreg:$0x4] =	wrdreg s18  }
0xb2: {  	[dreg:$0x5] =	wrdreg $0x9  }
0xb3: {  	_ =	task.clear_ibuf [dreg:s8], $0x6FFFF;
	_ =	strace $0x90000049  }
0xb4: {  	s29 =	simm.s32 $0x9;
	_ =	strace $0x8000004B  }
0xb5: {  	_ =	swait.ge [sflag:s29], $0x1  }
0xb6: {  	[sflag:s29] =	ssyncadd.s32 $0xFFFFFFFF  }
0xb7: {  	_ =	strace $0x9000004B  }
0xb8: {  	_ =	sfence  }
0xb9: {  	s30 =	sld [smem:$0x0];
	_ =	sdelay $0x2  }
0xba: {  	s31 =	sshll.u32 s1, $0xD;
	s1 =	sshrl.u32 s1, $0x2  }
0xbb: {  	s3 =	sand.u32 $0x4000, s31;
	s1 =	sadd.s32 s1, s30  }
0xbc: {  	s0 =	sor.u32 s3, s0;
	s1 =	sshll.u32 s1, $0x11  }
0xbd: {  	s0 =	sor.u32 s1, s0  }
0xbe: {  	s0 =	sadd.s32 $0x8F2B, s0  }
0xbf: {  	[sflag:s0] =	ssyncadd.remote.s32 $0x1  }
0xc0: {  	_ =	sfence.sel $0xFFFF  }
0xc1: {  	[dreg:$0x0] =	wrdreg $0xFFFFFFFF;
	(pc) =	sbr.abs _section_cstart, $3  }
0xc2: {  	[dreg:$0x1] =	wrdreg $0xFFFFFFFF  }
0xc3: {  	_ =	task.clear_ibuf [dreg:s8], $0x2FFFF;
	_ =	strace $0x9FFFFFFF  }
0xc4: {  	(tm) =	ssettm $0x7FFFFFFF  }
0xc5: {  	_ =	shalt  }
tec
execute0_lowered:
.L_overlay_start_1:
0x0: {  	(tag) =	ssettag $0x1  }
0x1: {  	s0 =	rddreg [dreg:$0x0]  }
0x2: {  	s1 =	rddreg [dreg:$0x1]  }
0x3: {  	s6 =	rddreg [dreg:$0x2];
	s3 =	simm.s32 $0x0;
	s2 =	srdreg.scid  }
0x4: {  	s5 =	stileid.u32;
	s14 =	simm.s32 $0x5;
	s18 =	simm.s32 $0x8000  }
0x5: {  	s28 =	simm.s32 $0x0;
	[smem:$0x7FF] =	sst s3;
	s2 =	sand.u32 $0x1, s2  }
0x6: {  	s4 =	sshll.u32 s5, $0x1;
	s0 =	sadd.s32 $0x800, s0;
	s9 =	sshll.u32 s5, $0x4  }
0x7: {  	s29 =	sshll.u32 s5, $0xB;
	_ =	strace $0x8000004A;
	[dreg:$0x4] =	wrdreg s4  }
0x8: {  	s7 =	sor.u32 s2, s4;
	[dreg:$0x6] =	wrdreg s0;
	s22 =	ssub.s32 $0x2, s2  }
0x9: {  	[dreg:$0x7] =	wrdreg s9;
	s25 =	sand.u32 $0x80, s9;
	s23 =	sshll.u32 s7, $0x8  }
0xa: {  	s24 =	sshrl.u32 s22, $0x1;
	s9 =	sor.u32 $0x14000, s25;
	[dreg:$0x5] =	wrdreg s7  }
0xb: {  	s31 =	sshll.u32 s7, $0xB;
	s2 =	sand.u32 $0xF00, s23;
	s0 =	ssub.s32 s22, s24  }
0xc: {  	s5 =	sand.u32 $0x7800, s31;
	s8 =	sadd.s32 s1, s2;
	s26 =	sadd.s32 s2, s6  }
0xd: {  	s2 =	sand.u32 $0x4000, s29;
	[dreg:$0x8] =	wrdreg s5;
	s0 =	smax.u32 s0, $0x1  }
0xe: {  	v0 =	vlaneseq.u32;
	s30 =	sand.u32 $0xF, s7;
	s1 =	sadd.s32 s26, s2;
	[dreg:$0xa] =	wrdreg s0  }
0xf: {  	v0 =	vmul.u32 $0x80, v0;
	p0 =	sne.s32 s30, $0x0;
	s2 =	simm.s32 $0x0;
	[dreg:$0x9] =	wrdreg s1  }
.LBB2_1:
0x10: {  	[dreg:$0xb] =	wrdreg s2;
	s0 =	simm.s32 $0x14000;
	s26 =	sand.u32 $0x1000, s3  }
0x11: {  	[tilespmem:s0], [sflag:$0x5] =	stream.linear.gather [hbm4b:s8+s3], $0x800, $0x38;
	[tilespmem:$0x14C00] =	vst v63  }
0x12: {  	s0 =	sshrl.u32 s26, $0x2;
	_ =	swait.ge [sflag:s14], $0x800  }
0x13: {  	s1 =	sand.u32 $0x60, s3;
	s0 =	sadd.s32 s0, s9;
	[sflag:s14] =	ssyncset.done $0x0  }
0x14: {  	s5 =	sor.u32 $0x10, s1;
	s1 =	sadd.s32 s1, s0;
	[sflag:s14] =	ssyncadd.s32 $0xFFFFF800  }
0x15: {  	s29 =	sadd.s32 s5, s0;
	v1 =	vld [tilespmem:s1+$0x0]  }
0x16: {  	s2 =	simm.s32 $0x400;
	s30 =	sand.u32 $0x80, s3;
	s4 =	simm.s32 $0x20;
	v4 =	vld [tilespmem:s29+$0x0]  }
0x17: {  	s6 =	simm.s32 $0x14800;
	s7 =	sand.u32 $0x1000, s2;
	s31 =	sand.u32 $0x60, s4  }
0x18: {  	s13 =	sand.u32 $0x80, s4;
	s10 =	sor.u32 s30, s5;
	s7 =	sshrl.u32 s7, $0x2  }
0x19: {  	s11 =	sor.u32 $0x10, s31;
	s0 =	simm.s32 $0x14A00;
	s7 =	sadd.s32 s7, s9  }
0x1a: {  	s5 =	simm.s32 $0x2;
	s15 =	sadd.s32 s31, s7;
	s12 =	sadd.s32 s11, s7;
	v2 =	vshra.s32 v1, $0x2;
	v3 =	vshll.u32 v1, $0x5  }
0x1b: {  	s7 =	simm.s32 $0x14A20;
	s1 =	sor.u32 s13, s11;
	s11 =	simm.s32 $0x14800;
	v1 =	vld [tilespmem:s15+$0x0];
	[tilespmem:s6+$0x0] =	vst v2;
	v3 =	vand.u32 $0x60, v3;
	v2 =	vshra.s32 v4, $0x2;
	v4 =	vshll.u32 v4, $0x5  }
.LBB2_2:
0x1c: {  	s5 =	sadd.s32 $0x2, s5;
	s2 =	sadd.s32 $0x400, s2  }
0x1d: {  	v5 =	vld [tilespmem:s12+$0x0];
	[tilespmem:s0+$0x0] =	vst v3;
	v3 =	vand.u32 $0x60, v4;
	s11 =	sadd.s32 $0x20, s11;
	s0 =	smov.u32 s7;
	p1 =	slt.u32 s5, $0xE  }
.Ltmp0:
0x1e: {  	s4 =	sadd.s32 $0x20, s4;
	s12 =	sand.u32 $0x1000, s2;
	[tilespmem:s10+$0x14A00] =	vst v3;
	(pc) =	sbr.rel @p1 .LBB2_2-.Ltmp0, $4  }
0x1f: {  	s13 =	sand.u32 $0x60, s4;
	s12 =	sshrl.u32 s12, $0x2;
	[tilespmem:s10+$0x14800] =	vst v2  }
0x20: {  	s16 =	sand.u32 $0x80, s4;
	s15 =	sor.u32 $0x10, s13;
	s10 =	sadd.s32 s12, s9  }
0x21: {  	s13 =	sadd.s32 s13, s10;
	s12 =	sadd.s32 s15, s10;
	s15 =	sor.u32 s16, s15;
	v2 =	vshra.s32 v1, $0x2;
	v3 =	vshll.u32 v1, $0x5  }
0x22: {  	s7 =	sadd.s32 $0x20, s7;
	s10 =	smov.u32 s1;
	v1 =	vld [tilespmem:s13+$0x0];
	[tilespmem:s11+$0x0] =	vst v2;
	v3 =	vand.u32 $0x60, v3;
	v2 =	vshra.s32 v5, $0x2;
	v4 =	vshll.u32 v5, $0x5;
	s1 =	smov.u32 s15  }
0x23: {  	v5 =	vld [tilespmem:s12+$0x0];
	_ =	sdelay $0x1  }
0x24: {  	[tilespmem:s0+$0x0] =	vst v3  }
0x25: {  	v3 =	vand.u32 $0x60, v4;
	[tilespmem:s10+$0x14800] =	vst v2  }
0x26: {  	s30 =	sadd.s32 $0x20, s11;
	[tilespmem:s10+$0x14A00] =	vst v3;
	v2 =	vshra.s32 v1, $0x2;
	v1 =	vshll.u32 v1, $0x5  }
0x27: {  	[tilespmem:s30+$0x0] =	vst v2;
	v1 =	vand.u32 $0x60, v1;
	v2 =	vshll.u32 v5, $0x5  }
0x28: {  	[tilespmem:s7+$0x0] =	vst v1;
	v1 =	vand.u32 $0x60, v2  }
0x29: {  	v2 =	vshra.s32 v5, $0x2;
	[tilespmem:s1+$0x14A00] =	vst v1  }
0x2a: {  	s31 =	simm.s32 $0x100;
	[tilespmem:s1+$0x14800] =	vst v2  }
0x2b: {  	s2 =	simm.s32 $0x14800;
	s29 =	simm.s32 $0x0;
	s0 =	rddreg [dreg:$0x6]  }
0x2c: {  	[tilespmem:s28], [sflag:$0x1] =	stream.indirect.gather [hbm4b:s0+s31], $0x80, s2, s31, $0xb8;
	[tilespmem:$0x14C00] =	vst v63  }
.LBB2_4:
0x2d: {  	s0 =	sshll.u32 s29, $0xB  }
0x2e: {  	s30 =	sshllo.u32 s29, $0x1;
	s1 =	simm.s32 $0x14000;
	s0 =	sand.u32 $0x1F000, s0  }
0x2f: {  	s25 =	rddreg [dreg:$0x7];
	s24 =	sshll.u32 s30, $0x8;
	s0 =	sadd.s32 s0, s8  }
0x30: {  	[tilespmem:s1], [sflag:$0x5] =	stream.linear.gather [hbm4b:s0+s28], $0x800, $0x38;
	[tilespmem:$0x14C00] =	vst v63  }
0x31: {  	s0 =	sor.u32 s25, s24  }
0x32: {  	s26 =	sand.u32 $0x1000, s28;
	s0 =	sand.u32 $0x380, s0  }
0x33: {  	s1 =	sshrl.u32 s26, $0x2;
	_ =	swait.ge [sflag:s14], $0x800;
	s0 =	sor.u32 $0x14000, s0  }
0x34: {  	s2 =	sand.u32 $0x60, s28;
	[sflag:s14] =	ssyncset.done $0x0;
	s1 =	sadd.s32 s1, s0  }
0x35: {  	s4 =	sor.u32 $0x10, s2;
	[sflag:s14] =	ssyncadd.s32 $0xFFFFF800;
	s2 =	sadd.s32 s2, s1  }
0x36: {  	s5 =	sadd.s32 s4, s1;
	v1 =	vld [tilespmem:s2+$0x0]  }
0x37: {  	s7 =	sand.u32 $0x80, s28;
	v4 =	vld [tilespmem:s5+$0x0];
	s2 =	simm.s32 $0x400  }
0x38: {  	s12 =	sor.u32 s7, s4;
	s7 =	simm.s32 $0x20;
	s10 =	sand.u32 $0x1000, s2  }
0x39: {  	s11 =	sand.u32 $0x60, s7;
	s16 =	sand.u32 $0x80, s7;
	s31 =	sshrl.u32 s10, $0x2  }
0x3a: {  	s15 =	sor.u32 $0x10, s11;
	s1 =	simm.s32 $0x14900;
	s4 =	sadd.s32 s31, s0  }
0x3b: {  	s5 =	simm.s32 $0x14B00;
	s10 =	simm.s32 $0x2;
	s11 =	sadd.s32 s11, s4;
	v2 =	vshra.s32 v1, $0x2;
	v3 =	vshll.u32 v1, $0x5  }
0x3c: {  	s13 =	sadd.s32 s15, s4;
	s4 =	sor.u32 s16, s15;
	v1 =	vld [tilespmem:s11+$0x0];
	s11 =	simm.s32 $0x14B20;
	[tilespmem:s1+$0x0] =	vst v2;
	v3 =	vand.u32 $0x60, v3;
	v2 =	vshra.s32 v4, $0x2;
	v4 =	vshll.u32 v4, $0x5  }
.LBB2_5:
0x3d: {  	s10 =	sadd.s32 $0x2, s10;
	s2 =	sadd.s32 $0x400, s2  }
0x3e: {  	v5 =	vld [tilespmem:s13+$0x0];
	[tilespmem:s5+$0x0] =	vst v3;
	v3 =	vand.u32 $0x60, v4;
	s1 =	sadd.s32 $0x20, s1;
	s5 =	smov.u32 s11;
	p1 =	slt.u32 s10, $0xE  }
.Ltmp1:
0x3f: {  	s7 =	sadd.s32 $0x20, s7;
	s13 =	sand.u32 $0x1000, s2;
	[tilespmem:s12+$0x14B00] =	vst v3;
	(pc) =	sbr.rel @p1 .LBB2_5-.Ltmp1, $4  }
0x40: {  	s15 =	sand.u32 $0x60, s7;
	s13 =	sshrl.u32 s13, $0x2;
	[tilespmem:s12+$0x14900] =	vst v2  }
0x41: {  	s17 =	sand.u32 $0x80, s7;
	s16 =	sor.u32 $0x10, s15;
	s12 =	sadd.s32 s13, s0  }
0x42: {  	s15 =	sadd.s32 s15, s12;
	s13 =	sadd.s32 s16, s12;
	s16 =	sor.u32 s17, s16;
	v2 =	vshra.s32 v1, $0x2;
	v3 =	vshll.u32 v1, $0x5  }
0x43: {  	s11 =	sadd.s32 $0x20, s11;
	s12 =	smov.u32 s4;
	v1 =	vld [tilespmem:s15+$0x0];
	[tilespmem:s1+$0x0] =	vst v2;
	v3 =	vand.u32 $0x60, v3;
	v2 =	vshra.s32 v5, $0x2;
	v4 =	vshll.u32 v5, $0x5;
	s4 =	smov.u32 s16  }
0x44: {  	v5 =	vld [tilespmem:s13+$0x0];
	_ =	sdelay $0x1  }
0x45: {  	[tilespmem:s5+$0x0] =	vst v3  }
0x46: {  	v3 =	vand.u32 $0x60, v4;
	[tilespmem:s12+$0x14900] =	vst v2  }
0x47: {  	s0 =	sadd.s32 $0x20, s1;
	[tilespmem:s12+$0x14B00] =	vst v3;
	v2 =	vshra.s32 v1, $0x2;
	v1 =	vshll.u32 v1, $0x5  }
0x48: {  	[tilespmem:s0+$0x0] =	vst v2;
	v1 =	vand.u32 $0x60, v1;
	v2 =	vshll.u32 v5, $0x5  }
0x49: {  	[tilespmem:s11+$0x0] =	vst v1;
	v1 =	vand.u32 $0x60, v2  }
0x4a: {  	v2 =	vshra.s32 v5, $0x2;
	[tilespmem:s4+$0x14B00] =	vst v1  }
0x4b: {  	s2 =	simm.s32 $0x14900;
	[tilespmem:s4+$0x14900] =	vst v2  }
0x4c: {  	s12 =	simm.s32 $0x1;
	s11 =	simm.s32 $0x100;
	s0 =	rddreg [dreg:$0x6]  }
0x4d: {  	[tilespmem:s18], [sflag:$0x2] =	stream.indirect.gather [hbm4b:s0+s11], $0x80, s2, s11, $0xb8;
	[tilespmem:$0x14C00] =	vst v63  }
0x4e: {  	_ =	swait.ge [sflag:s12], $0x8000  }
0x4f: {  	p1 =	seq.s32 s29, $0x0;
	[sflag:s12] =	ssyncset.done $0x0  }
0x50: {  	s0 =	simm.s32 @!p1 $0x3;
	[sflag:s12] =	ssyncadd.s32 $0xFFFF8000  }
0x51: {  	_ =	swait.ge @!p1 [sflag:s0], $0x2000  }
0x52: {  	[sflag:s0] =	ssyncset.done @!p1 $0x0  }
0x53: {  	s13 =	simm.s32 $0x14A10;
	[sflag:s0] =	ssyncadd.s32 @!p1 $0xFFFFE000  }
0x54: {  	v1 =	vld [tilespmem:s13+$0x0];
	_ =	sdelay $0x1  }
0x55: {  	s15 =	simm.s32 $0x10  }
0x56: {  	s16 =	simm.s32 $0x0;
	v2 =	vmov s15;
	v3 =	vld [tilespmem:s13+$0xFFFFFFF0]  }
0x57: {  	v4 =	vmov s16;
	v2 =	vshll.u32 v2, $0x7  }
0x58: {  	v4 =	vshll.u32 v4, $0x7;
	v2 =	vor.u32 v0, v2;
	v5 =	vand.u32 $0xFFFFFF80, v1  }
0x59: {  	v7 =	vor.u32 v0, v4;
	v6 =	vand.u32 $0x7F, v1;
	v4 =	vadd.s32 v2, v5  }
0x5a: {  	v4 =	vor.u32 v6, v4  }
0x5b: {  	v8 =	vand.u32 $0xFFFFFF80, v3;
	v9 =	vadd.s32 $0x2, v3  }
0x5c: {  	v5 =	vand.u32 $0x7F, v3;
	v8 =	vadd.s32 v7, v8;
	v12 =	vand.u32 $0xFFFFFF80, v9  }
0x5d: {  	v5 =	vor.u32 v5, v8;
	v6 =	vadd.s32 $0x1, v1;
	v8 =	vadd.s32 $0x1, v3  }
0x5e: {  	v9 =	vand.u32 $0x7F, v9;
	v10 =	vand.u32 $0xFFFFFF80, v6;
	v11 =	vand.u32 $0xFFFFFF80, v8  }
0x5f: {  	v6 =	vand.u32 $0x7F, v6;
	v8 =	vand.u32 $0x7F, v8;
	v10 =	vadd.s32 v2, v10;
	v4 =	vld.idx.msk [tilespmem:v4+s3+$0x0], $0xffff  }
0x60: {  	v11 =	vadd.s32 v7, v11;
	v6 =	vor.u32 v6, v10;
	v10 =	vadd.s32 v7, v12  }
0x61: {  	s31 =	sand.u32 $0x400, s16;
	v11 =	vor.u32 v8, v11;
	v8 =	vadd.s32 $0x3, v3;
	v9 =	vor.u32 v9, v10  }
0x62: {  	s17 =	sor.u32 $0x10000, s31;
	s0 =	sand.u32 $0x70, s15;
	v10 =	vadd.s32 $0x2, v1;
	v12 =	vand.u32 $0xFFFFFF80, v8;
	v8 =	vand.u32 $0x7F, v8  }
0x63: {  	s7 =	sor.u32 s0, s17;
	v13 =	vand.u32 $0xFFFFFF80, v10;
	v12 =	vadd.s32 v7, v12;
	v10 =	vand.u32 $0x7F, v10  }
0x64: {  	v13 =	vadd.s32 v2, v13;
	v12 =	vor.u32 v8, v12;
	v8 =	vadd.s32 $0x4, v3;
	[tilespmem:s7+$0x0] =	vst v4  }
0x65: {  	v14 =	vadd.s32 $0x5, v3;
	v13 =	vor.u32 v10, v13;
	v10 =	vand.u32 $0xFFFFFF80, v8;
	v6 =	vld.idx.msk [tilespmem:v6+s3+$0x0], $0xffff  }
0x66: {  	v4 =	vand.u32 $0x7F, v8;
	v8 =	vadd.s32 v7, v10;
	v10 =	vand.u32 $0xFFFFFF80, v14  }
0x67: {  	v15 =	vadd.s32 $0x3, v1;
	v14 =	vand.u32 $0x7F, v14;
	v10 =	vadd.s32 v7, v10  }
0x68: {  	v5 =	vld.idx.msk [tilespmem:v5+s3+$0x0], $0xffff;
	v16 =	vor.u32 v4, v8;
	v4 =	vand.u32 $0xFFFFFF80, v15;
	v8 =	vand.u32 $0x7F, v15  }
0x69: {  	v14 =	vor.u32 v14, v10;
	v4 =	vadd.s32 v2, v4;
	v10 =	vadd.s32 $0x6, v3  }
0x6a: {  	v15 =	vadd.s32 $0x7, v3;
	v17 =	vor.u32 v8, v4;
	v4 =	vand.u32 $0xFFFFFF80, v10;
	[tilespmem:s7+$0x80] =	vst v6  }
0x6b: {  	s1 =	sand.u32 $0x60, s16;
	v18 =	vand.u32 $0xFFFFFF80, v15;
	v8 =	vand.u32 $0x7F, v10;
	v4 =	vadd.s32 v7, v4;
	v13 =	vld.idx.msk [tilespmem:v13+s3+$0x0], $0xffff  }
0x6c: {  	s5 =	sor.u32 s1, s17;
	v10 =	vor.u32 v8, v4;
	v4 =	vadd.s32 v7, v18;
	v8 =	vand.u32 $0x7F, v15  }
0x6d: {  	[tilespmem:s5+$0x0] =	vst v5;
	v15 =	vadd.s32 $0x8, v3;
	v6 =	vadd.s32 $0x4, v1;
	v8 =	vor.u32 v8, v4  }
0x6e: {  	v11 =	vld.idx.msk [tilespmem:v11+s3+$0x0], $0xffff;
	v5 =	vand.u32 $0xFFFFFF80, v15;
	v15 =	vand.u32 $0x7F, v15;
	v18 =	vand.u32 $0xFFFFFF80, v6  }
0x6f: {  	v4 =	vand.u32 $0x7F, v6;
	v6 =	vadd.s32 v2, v18;
	v18 =	vadd.s32 $0x9, v3  }
0x70: {  	v19 =	vor.u32 v4, v6;
	v4 =	vadd.s32 v7, v5;
	v5 =	vand.u32 $0xFFFFFF80, v18;
	[tilespmem:s7+$0x100] =	vst v13  }
0x71: {  	v6 =	vor.u32 v15, v4;
	v4 =	vadd.s32 v7, v5;
	v5 =	vand.u32 $0x7F, v18;
	v15 =	vld.idx.msk [tilespmem:v17+s3+$0x0], $0xffff  }
0x72: {  	v4 =	vor.u32 v5, v4;
	v5 =	vadd.s32 $0xA, v3;
	v13 =	vadd.s32 $0x5, v1  }
0x73: {  	v20 =	vadd.s32 $0xB, v3;
	[tilespmem:s5+$0x80] =	vst v11;
	v18 =	vand.u32 $0xFFFFFF80, v5;
	v17 =	vand.u32 $0xFFFFFF80, v13  }
0x74: {  	v13 =	vand.u32 $0x7F, v13;
	v11 =	vadd.s32 v7, v18;
	v18 =	vld.idx.msk [tilespmem:v9+s3+$0x0], $0xffff;
	v17 =	vadd.s32 v2, v17  }
0x75: {  	v5 =	vand.u32 $0x7F, v5;
	v13 =	vor.u32 v13, v17;
	v17 =	vand.u32 $0xFFFFFF80, v20  }
0x76: {  	v9 =	vand.u32 $0x7F, v20;
	v5 =	vor.u32 v5, v11;
	v11 =	vadd.s32 v7, v17;
	[tilespmem:s7+$0x180] =	vst v15  }
0x77: {  	v17 =	vadd.s32 $0xC, v3;
	v9 =	vor.u32 v9, v11;
	v11 =	vadd.s32 $0x6, v1;
	v19 =	vld.idx.msk [tilespmem:v19+s3+$0x0], $0xffff  }
0x78: {  	v21 =	vand.u32 $0xFFFFFF80, v17;
	v17 =	vand.u32 $0x7F, v17;
	v20 =	vand.u32 $0xFFFFFF80, v11  }
0x79: {  	v15 =	vadd.s32 $0xD, v3;
	v11 =	vand.u32 $0x7F, v11;
	[tilespmem:s5+$0x100] =	vst v18;
	v20 =	vadd.s32 v2, v20  }
0x7a: {  	v21 =	vadd.s32 v7, v21;
	v12 =	vld.idx.msk [tilespmem:v12+s3+$0x0], $0xffff;
	v11 =	vor.u32 v11, v20;
	v20 =	vand.u32 $0xFFFFFF80, v15  }
0x7b: {  	v23 =	vor.u32 v17, v21;
	v15 =	vand.u32 $0x7F, v15;
	v17 =	vadd.s32 v7, v20  }
0x7c: {  	v22 =	vor.u32 v15, v17;
	v15 =	vadd.s32 $0xE, v3;
	v17 =	vadd.s32 $0x7, v1;
	[tilespmem:s7+$0x200] =	vst v19  }
0x7d: {  	v18 =	vand.u32 $0xFFFFFF80, v15;
	v15 =	vand.u32 $0x7F, v15;
	v20 =	vand.u32 $0xFFFFFF80, v17;
	v13 =	vld.idx.msk [tilespmem:v13+s3+$0x0], $0xffff  }
0x7e: {  	v17 =	vand.u32 $0x7F, v17;
	v18 =	vadd.s32 v7, v18;
	v19 =	vadd.s32 $0xF, v3  }
0x7f: {  	v20 =	vadd.s32 v2, v20;
	[tilespmem:s5+$0x180] =	vst v12;
	v21 =	vor.u32 v15, v18;
	v15 =	vand.u32 $0xFFFFFF80, v19  }
0x80: {  	v18 =	vand.u32 $0x7F, v19;
	v19 =	vadd.s32 $0x10, v3;
	v16 =	vld.idx.msk [tilespmem:v16+s3+$0x0], $0xffff;
	v15 =	vadd.s32 v7, v15  }
0x81: {  	v12 =	vor.u32 v17, v20;
	v20 =	vor.u32 v18, v15;
	v15 =	vand.u32 $0xFFFFFF80, v19  }
0x82: {  	v17 =	vadd.s32 $0x8, v1;
	v18 =	vand.u32 $0x7F, v19;
	v15 =	vadd.s32 v7, v15;
	[tilespmem:s7+$0x280] =	vst v13  }
0x83: {  	s19 =	sand.u32 $0x7, s16;
	v24 =	vand.u32 $0xFFFFFF80, v17;
	v19 =	vor.u32 v18, v15;
	v15 =	vadd.s32 $0x11, v3;
	v11 =	vld.idx.msk [tilespmem:v11+s3+$0x0], $0xffff  }
0x84: {  	v13 =	vand.u32 $0x7F, v17;
	v17 =	vadd.s32 v2, v24;
	v18 =	vand.u32 $0xFFFFFF80, v15;
	s7 =	sshll.u32 s19, $0x4  }
0x85: {  	v24 =	vadd.s32 $0x12, v3;
	v15 =	vand.u32 $0x7F, v15;
	[tilespmem:s5+$0x200] =	vst v16;
	v16 =	vadd.s32 $0x9, v1;
	s7 =	sadd.s32 $0x0, s7  }
0x86: {  	v18 =	vadd.s32 v7, v18;
	v13 =	vor.u32 v13, v17;
	v17 =	vand.u32 $0xFFFFFF80, v24;
	s7 =	sadd.s32 $0x10, s7  }
0x87: {  	v14 =	vld.idx.msk [tilespmem:v14+s3+$0x0], $0xffff;
	v18 =	vor.u32 v15, v18;
	v15 =	vadd.s32 v7, v17;
	v17 =	vand.u32 $0x7F, v24;
	s7 =	sor.u32 $0x300, s7  }
0x88: {  	v25 =	vand.u32 $0xFFFFFF80, v16;
	v24 =	vadd.s32 $0x13, v3;
	v17 =	vor.u32 v17, v15;
	[tilespmem:s7+$0x10000] =	vst v11  }
0x89: {  	v15 =	vand.u32 $0x7F, v16;
	v16 =	vadd.s32 v2, v25;
	v25 =	vand.u32 $0xFFFFFF80, v24;
	v12 =	vld.idx.msk [tilespmem:v12+s3+$0x0], $0xffff  }
0x8a: {  	v11 =	vand.u32 $0x7F, v24;
	v24 =	vadd.s32 v7, v25;
	v25 =	vadd.s32 $0x14, v3  }
0x8b: {  	v26 =	vor.u32 v15, v16;
	v16 =	vor.u32 v11, v24;
	v11 =	vand.u32 $0xFFFFFF80, v25  }
0x8c: {  	s4 =	sor.u32 s15, s16;
	v27 =	vadd.s32 $0x16, v3;
	[tilespmem:s5+$0x280] =	vst v14;
	v15 =	vand.u32 $0x7F, v25;
	v11 =	vadd.s32 v7, v11  }
0x8d: {  	s4 =	sor.u32 $0x380, s4;
	v30 =	vadd.s32 $0x1A, v3;
	v10 =	vld.idx.msk [tilespmem:v10+s3+$0x0], $0xffff;
	v15 =	vor.u32 v15, v11;
	v11 =	vadd.s32 $0x15, v3  }
0x8e: {  	s20 =	sand.u32 $0x3, s16;
	v40 =	vadd.s32 $0x10, v1;
	v28 =	vand.u32 $0xFFFFFF80, v27;
	v25 =	vand.u32 $0xFFFFFF80, v11;
	[tilespmem:s4+$0x10000] =	vst v12  }
0x8f: {  	s5 =	sshll.u32 s20, $0x5;
	v12 =	vadd.s32 v7, v25;
	v25 =	vand.u32 $0x7F, v27;
	v27 =	vadd.s32 v7, v28;
	v28 =	vld.idx.msk [tilespmem:v13+s3+$0x0], $0xffff  }
0x90: {  	v47 =	vadd.s32 $0x11, v1;
	v59 =	vadd.s32 $0x12, v1;
	v24 =	vadd.s32 $0xA, v1;
	s21 =	sadd.s32 $0x0, s5  }
0x91: {  	v41 =	vand.u32 $0x7F, v40;
	v49 =	vand.u32 $0xFFFFFF80, v47;
	v14 =	vand.u32 $0xFFFFFF80, v24;
	s4 =	sor.u32 $0x300, s21  }
0x92: {  	s22 =	sor.u32 $0x10800, s31;
	v50 =	vand.u32 $0x7F, v47;
	v24 =	vand.u32 $0x7F, v24;
	v14 =	vadd.s32 v2, v14;
	[tilespmem:s4+$0x10000] =	vst v10  }
0x93: {  	s23 =	sor.u32 s0, s22;
	v51 =	vadd.s32 v2, v49;
	v11 =	vand.u32 $0x7F, v11;
	v24 =	vor.u32 v24, v14;
	v8 =	vld.idx.msk [tilespmem:v8+s3+$0x0], $0xffff  }
0x94: {  	v14 =	vor.u32 v11, v12;
	v13 =	vor.u32 v25, v27;
	v11 =	vadd.s32 $0xB, v1;
	[tilespmem:s23+$0x0] =	vst v28  }
0x95: {  	v12 =	vadd.s32 $0x17, v3;
	v25 =	vadd.s32 $0x18, v3;
	v10 =	vand.u32 $0xFFFFFF80, v11;
	v26 =	vld.idx.msk [tilespmem:v26+s3+$0x0], $0xffff  }
0x96: {  	s2 =	sor.u32 s16, s16;
	v27 =	vand.u32 $0xFFFFFF80, v12;
	v11 =	vand.u32 $0x7F, v11;
	v10 =	vadd.s32 v2, v10  }
0x97: {  	s2 =	sor.u32 $0x380, s2;
	v12 =	vand.u32 $0x7F, v12;
	v29 =	vor.u32 v11, v10;
	v10 =	vand.u32 $0xFFFFFF80, v25  }
0x98: {  	s24 =	sor.u32 $0x10880, s31;
	v27 =	vadd.s32 v7, v27;
	v11 =	vand.u32 $0x7F, v25;
	v10 =	vadd.s32 v7, v10;
	[tilespmem:s2+$0x10000] =	vst v8  }
0x99: {  	s25 =	sor.u32 s0, s24;
	v25 =	vadd.s32 $0x19, v3;
	v11 =	vor.u32 v11, v10;
	v10 =	vadd.s32 $0xC, v1;
	v6 =	vld.idx.msk [tilespmem:v6+s3+$0x0], $0xffff  }
0x9a: {  	v12 =	vor.u32 v12, v27;
	v27 =	vand.u32 $0xFFFFFF80, v25;
	v28 =	vand.u32 $0xFFFFFF80, v10;
	[tilespmem:s25+$0x0] =	vst v26  }
0x9b: {  	v25 =	vand.u32 $0x7F, v25;
	v8 =	vand.u32 $0x7F, v10;
	v28 =	vadd.s32 v2, v28;
	v24 =	vld.idx.msk [tilespmem:v24+s3+$0x0], $0xffff  }
0x9c: {  	v27 =	vadd.s32 v7, v27;
	v28 =	vor.u32 v8, v28;
	v8 =	vand.u32 $0xFFFFFF80, v30  }
0x9d: {  	s4 =	sor.u32 s1, s22;
	v10 =	vor.u32 v25, v27;
	v25 =	vand.u32 $0x7F, v30;
	v8 =	vadd.s32 v7, v8  }
0x9e: {  	s26 =	sor.u32 $0x10900, s31;
	v27 =	vadd.s32 $0x1B, v3;
	v30 =	vadd.s32 $0xD, v1;
	v26 =	vor.u32 v25, v8;
	[tilespmem:s4+$0x0] =	vst v6  }
0x9f: {  	s6 =	sor.u32 s0, s26;
	v8 =	vand.u32 $0xFFFFFF80, v27;
	v25 =	vand.u32 $0x7F, v27;
	v27 =	vand.u32 $0xFFFFFF80, v30;
	v4 =	vld.idx.msk [tilespmem:v4+s3+$0x0], $0xffff  }
0xa0: {  	v8 =	vadd.s32 v7, v8;
	v6 =	vadd.s32 v2, v27;
	v27 =	vadd.s32 $0x1D, v3;
	[tilespmem:s6+$0x0] =	vst v24  }
0xa1: {  	v25 =	vor.u32 v25, v8;
	v8 =	vand.u32 $0x7F, v30;
	v30 =	vadd.s32 $0x1C, v3;
	v29 =	vld.idx.msk [tilespmem:v29+s3+$0x0], $0xffff  }
0xa2: {  	v39 =	vor.u32 v50, v51;
	v32 =	vand.u32 $0xFFFFFF80, v27;
	v31 =	vand.u32 $0xFFFFFF80, v30  }
0xa3: {  	s2 =	sor.u32 s1, s24;
	v27 =	vand.u32 $0x7F, v27;
	v30 =	vand.u32 $0x7F, v30;
	v31 =	vadd.s32 v7, v31  }
0xa4: {  	s10 =	sor.u32 $0x10980, s31;
	v33 =	vor.u32 v8, v6;
	v6 =	vadd.s32 v7, v32;
	v8 =	vor.u32 v30, v31;
	[tilespmem:s2+$0x0] =	vst v4  }
0xa5: {  	s11 =	sor.u32 s0, s10;
	s7 =	simm.s32 $0x14A30;
	v30 =	vadd.s32 $0x1E, v3;
	v3 =	vadd.s32 $0x1F, v3;
	v24 =	vadd.s32 $0xE, v1;
	v34 =	vld.idx.msk [tilespmem:v5+s3+$0x0], $0xffff  }
0xa6: {  	v6 =	vor.u32 v27, v6;
	v60 =	vand.u32 $0xFFFFFF80, v3;
	v31 =	vand.u32 $0xFFFFFF80, v24;
	v4 =	vld [tilespmem:s7+$0x0];
	[tilespmem:s11+$0x0] =	vst v29  }
0xa7: {  	v3 =	vand.u32 $0x7F, v3;
	v27 =	vadd.s32 v2, v31;
	v31 =	vand.u32 $0xFFFFFF80, v30;
	v28 =	vld.idx.msk [tilespmem:v28+s3+$0x0], $0xffff  }
0xa8: {  	v24 =	vand.u32 $0x7F, v24;
	v30 =	vand.u32 $0x7F, v30;
	v31 =	vadd.s32 v7, v31  }
0xa9: {  	s16 =	simm.s32 $0x20;
	s4 =	sor.u32 s1, s26;
	v24 =	vor.u32 v24, v27;
	v7 =	vadd.s32 v7, v60;
	v5 =	vor.u32 v30, v31  }
0xaa: {  	s12 =	sor.u32 $0x10A00, s31;
	s13 =	simm.s32 $0x30;
	v30 =	vadd.s32 $0xF, v1;
	v31 =	vmov s16;
	v3 =	vor.u32 v3, v7;
	[tilespmem:s4+$0x0] =	vst v34  }
0xab: {  	s15 =	sor.u32 s0, s12;
	v7 =	vand.u32 $0xFFFFFF80, v30;
	v30 =	vand.u32 $0x7F, v30;
	v29 =	vmov s13;
	v35 =	vld.idx.msk [tilespmem:v9+s3+$0x0], $0xffff  }
0xac: {  	v27 =	vld [tilespmem:s7+$0xFFFFFFF0];
	v61 =	vadd.s32 v2, v7;
	v62 =	vand.u32 $0x7F, v4;
	v42 =	vadd.s32 $0x1, v4;
	[tilespmem:s15+$0x0] =	vst v28  }
0xad: {  	v53 =	vadd.s32 $0x2, v4;
	v7 =	vshll.u32 v29, $0x7;
	v29 =	vshll.u32 v31, $0x7;
	v33 =	vld.idx.msk [tilespmem:v33+s3+$0x0], $0xffff  }
0xae: {  	v31 =	vand.u32 $0xFFFFFF80, v4;
	v30 =	vor.u32 v30, v61;
	v37 =	vand.u32 $0xFFFFFF80, v42  }
0xaf: {  	s2 =	sor.u32 s1, s10;
	v34 =	vand.u32 $0x7F, v42;
	v56 =	vand.u32 $0xFFFFFF80, v53;
	v57 =	vand.u32 $0x7F, v53  }
0xb0: {  	s17 =	sor.u32 $0x10A80, s31;
	v42 =	vadd.s32 $0x13, v1;
	v53 =	vadd.s32 $0x4, v4;
	v7 =	vor.u32 v0, v7;
	[tilespmem:s2+$0x0] =	vst v35  }
0xb1: {  	s19 =	sor.u32 s0, s17;
	v63 =	vand.u32 $0xFFFFFF80, v27;
	v36 =	vand.u32 $0x7F, v27;
	v9 =	vor.u32 v0, v29;
	v23 =	vld.idx.msk [tilespmem:v23+s3+$0x0], $0xffff  }
0xb2: {  	v29 =	vand.u32 $0xFFFFFF80, v40;
	v43 =	vadd.s32 $0x1, v27;
	v44 =	vadd.s32 $0x2, v27;
	[tilespmem:s19+$0x0] =	vst v33  }
0xb3: {  	v52 =	vadd.s32 $0x3, v27;
	v60 =	vadd.s32 $0x5, v27;
	v40 =	vand.u32 $0xFFFFFF80, v59;
	v24 =	vld.idx.msk [tilespmem:v24+s3+$0x0], $0xffff  }
0xb4: {  	v49 =	vadd.s32 $0x7, v27;
	v31 =	vadd.s32 v7, v31;
	v29 =	vadd.s32 v2, v29  }
0xb5: {  	s4 =	sor.u32 s1, s12;
	v38 =	vand.u32 $0xFFFFFF80, v43;
	v37 =	vadd.s32 v7, v37;
	v32 =	vand.u32 $0x7F, v43  }
0xb6: {  	s20 =	sor.u32 $0x10B00, s31;
	v46 =	vand.u32 $0xFFFFFF80, v44;
	v48 =	vand.u32 $0x7F, v44;
	v54 =	vand.u32 $0xFFFFFF80, v52;
	[tilespmem:s4+$0x0] =	vst v23  }
0xb7: {  	s21 =	sor.u32 s0, s20;
	v55 =	vand.u32 $0x7F, v52;
	v61 =	vadd.s32 v2, v40;
	v51 =	vand.u32 $0xFFFFFF80, v49;
	v58 =	vld.idx.msk [tilespmem:v22+s3+$0x0], $0xffff  }
0xb8: {  	v52 =	vand.u32 $0x7F, v42;
	v31 =	vor.u32 v62, v31;
	v29 =	vor.u32 v41, v29;
	[tilespmem:s21+$0x0] =	vst v24  }
0xb9: {  	v45 =	vadd.s32 v9, v38;
	v37 =	vor.u32 v34, v37;
	v34 =	vadd.s32 v9, v46;
	v30 =	vld.idx.msk [tilespmem:v30+s3+$0x0], $0xffff  }
0xba: {  	v62 =	vand.u32 $0xFFFFFF80, v60;
	v41 =	vadd.s32 $0x3, v4;
	v28 =	vadd.s32 v9, v63  }
0xbb: {  	v32 =	vor.u32 v32, v45;
	v38 =	vor.u32 v48, v34;
	v28 =	vor.u32 v36, v28;
	s2 =	sor.u32 s1, s17  }
0xbc: {  	s22 =	sor.u32 $0x10B80, s31;
	v44 =	vadd.s32 v9, v62;
	v45 =	vand.u32 $0xFFFFFF80, v41;
	v48 =	vadd.s32 $0x6, v27;
	[tilespmem:s2+$0x0] =	vst v58  }
0xbd: {  	s23 =	sor.u32 s0, s22;
	v47 =	vand.u32 $0x7F, v41;
	v63 =	vand.u32 $0x7F, v60;
	v50 =	vand.u32 $0xFFFFFF80, v48;
	v46 =	vld.idx.msk [tilespmem:v21+s3+$0x0], $0xffff  }
0xbe: {  	v34 =	vand.u32 $0x7F, v48;
	v48 =	vadd.s32 $0x10, v27;
	v35 =	vadd.s32 v7, v56;
	v31 =	vld.idx.msk [tilespmem:v31+s3+$0x0], $0xffff;
	[tilespmem:s23+$0x0] =	vst v30  }
0xbf: {  	v41 =	vadd.s32 v9, v50;
	v35 =	vor.u32 v57, v35;
	v57 =	vadd.s32 $0x9, v27;
	s2 =	simm.s32 $0x100;
	v29 =	vld.idx.msk [tilespmem:v29+s3+$0x0], $0xffff  }
0xc0: {  	v34 =	vor.u32 v34, v41;
	v36 =	vand.u32 $0x7F, v57;
	v28 =	vld.idx.msk [tilespmem:v28+s3+$0x0], $0xffff;
	v33 =	vadd.s32 v9, v51;
	s12 =	sand.u32 $0x400, s2  }
0xc1: {  	s25 =	sand.u32 $0x70, s13;
	v23 =	vadd.s32 v9, v54;
	s4 =	sor.u32 s1, s20;
	v54 =	vand.u32 $0xFFFFFF80, v53;
	v22 =	vadd.s32 $0x4, v27;
	s24 =	sor.u32 $0x10000, s12  }
0xc2: {  	s10 =	sor.u32 $0x11000, s31;
	v23 =	vor.u32 v55, v23;
	v24 =	vand.u32 $0xFFFFFF80, v22;
	v22 =	vand.u32 $0x7F, v22;
	[tilespmem:s4+$0x0] =	vst v46;
	s4 =	sor.u32 s25, s24  }
0xc3: {  	s26 =	sand.u32 $0x60, s16;
	s6 =	sor.u32 s0, s10;
	v24 =	vadd.s32 v9, v24;
	v58 =	vadd.s32 $0x14, v1;
	v30 =	vadd.s32 v7, v45;
	[tilespmem:s4+$0x0] =	vst v31;
	v20 =	vld.idx.msk [tilespmem:v20+s3+$0x0], $0xffff  }
0xc4: {  	v22 =	vor.u32 v22, v24;
	s5 =	sor.u32 s26, s24;
	v43 =	vor.u32 v47, v30;
	v30 =	vand.u32 $0xFFFFFF80, v42;
	v37 =	vld.idx.msk [tilespmem:v37+s3+$0x0], $0xffff;
	[tilespmem:s6+$0x0] =	vst v29  }
0xc5: {  	v24 =	vand.u32 $0x7F, v59;
	v21 =	vor.u32 v63, v44;
	[tilespmem:s5+$0x0] =	vst v28;
	v30 =	vadd.s32 v2, v30;
	v28 =	vld.idx.msk [tilespmem:v39+s3+$0x0], $0xffff  }
0xc6: {  	v24 =	vor.u32 v24, v61;
	v41 =	vor.u32 v52, v30;
	v30 =	vand.u32 $0x7F, v49  }
0xc7: {  	s7 =	sor.u32 s1, s22;
	v33 =	vor.u32 v30, v33;
	v30 =	vadd.s32 v7, v54;
	v29 =	vand.u32 $0x7F, v53  }
0xc8: {  	s15 =	sor.u32 $0x11080, s31;
	v59 =	vadd.s32 $0x5, v4;
	v31 =	vadd.s32 $0x8, v27;
	v56 =	vor.u32 v29, v30;
	v29 =	vld.idx.msk [tilespmem:v32+s3+$0x0], $0xffff;
	[tilespmem:s7+$0x0] =	vst v20  }
0xc9: {  	s17 =	sor.u32 s0, s15;
	v63 =	vadd.s32 $0xC, v27;
	v61 =	vadd.s32 $0x6, v4;
	v55 =	vand.u32 $0xFFFFFF80, v31;
	[tilespmem:s4+$0x80] =	vst v37;
	v19 =	vld.idx.msk [tilespmem:v19+s3+$0x0], $0xffff  }
0xca: {  	v45 =	vadd.s32 $0x7, v4;
	v31 =	vand.u32 $0x7F, v31;
	v30 =	vadd.s32 v9, v55;
	v35 =	vld.idx.msk [tilespmem:v35+s3+$0x0], $0xffff;
	[tilespmem:s17+$0x0] =	vst v28  }
0xcb: {  	v32 =	vor.u32 v31, v30;
	v30 =	vand.u32 $0xFFFFFF80, v57;
	v31 =	vand.u32 $0xFFFFFF80, v58;
	v24 =	vld.idx.msk [tilespmem:v24+s3+$0x0], $0xffff  }
0xcc: {  	v20 =	vadd.s32 v9, v30;
	v30 =	vand.u32 $0x7F, v58;
	v31 =	vadd.s32 v2, v31  }
0xcd: {  	s10 =	sor.u32 s1, s10;
	v40 =	vor.u32 v30, v31;
	v31 =	vor.u32 v36, v20;
	v20 =	vadd.s32 $0xA, v27;
	[tilespmem:s5+$0x80] =	vst v29  }
0xce: {  	s19 =	sor.u32 $0x11100, s31;
	v30 =	vand.u32 $0x7F, v59;
	v28 =	vand.u32 $0xFFFFFF80, v59;
	v29 =	vand.u32 $0xFFFFFF80, v20;
	v60 =	vld.idx.msk [tilespmem:v38+s3+$0x0], $0xffff;
	[tilespmem:s10+$0x0] =	vst v19  }
0xcf: {  	s20 =	sor.u32 s0, s19;
	v20 =	vand.u32 $0x7F, v20;
	v28 =	vadd.s32 v7, v28;
	v29 =	vadd.s32 v9, v29;
	[tilespmem:s4+$0x100] =	vst v35;
	v18 =	vld.idx.msk [tilespmem:v18+s3+$0x0], $0xffff  }
0xd0: {  	v37 =	vor.u32 v30, v28;
	v30 =	vor.u32 v20, v29;
	v20 =	vadd.s32 $0xB, v27;
	[tilespmem:s20+$0x0] =	vst v24;
	v24 =	vld.idx.msk [tilespmem:v43+s3+$0x0], $0xffff  }
0xd1: {  	v42 =	vadd.s32 $0x16, v1;
	v28 =	vadd.s32 $0x15, v1;
	v19 =	vand.u32 $0xFFFFFF80, v20  }
0xd2: {  	v20 =	vand.u32 $0x7F, v20;
	v29 =	vand.u32 $0xFFFFFF80, v28;
	v19 =	vadd.s32 v9, v19  }
0xd3: {  	v47 =	vadd.s32 $0x17, v1;
	s7 =	sor.u32 s1, s15;
	v62 =	vadd.s32 v2, v29;
	v29 =	vor.u32 v20, v19;
	[tilespmem:s5+$0x100] =	vst v60;
	v20 =	vld.idx.msk [tilespmem:v41+s3+$0x0], $0xffff  }
0xd4: {  	v46 =	vand.u32 $0xFFFFFF80, v45;
	v49 =	vand.u32 $0xFFFFFF80, v47;
	v52 =	vadd.s32 $0x8, v4;
	v23 =	vld.idx.msk [tilespmem:v23+s3+$0x0], $0xffff;
	[tilespmem:s7+$0x0] =	vst v18  }
0xd5: {  	v50 =	vadd.s32 v2, v49;
	v53 =	vand.u32 $0xFFFFFF80, v52;
	v55 =	vadd.s32 $0x11, v27;
	v17 =	vld.idx.msk [tilespmem:v17+s3+$0x0], $0xffff;
	[tilespmem:s4+$0x180] =	vst v24  }
0xd6: {  	s21 =	sor.u32 $0x11180, s31;
	v54 =	vadd.s32 v7, v53;
	v57 =	vand.u32 $0x7F, v55;
	v41 =	vadd.s32 $0xD, v27;
	v39 =	vld.idx.msk [tilespmem:v56+s3+$0x0], $0xffff  }
0xd7: {  	s22 =	sor.u32 s0, s21;
	v58 =	vadd.s32 $0x18, v1;
	v28 =	vand.u32 $0x7F, v28;
	v18 =	vand.u32 $0xFFFFFF80, v41  }
0xd8: {  	v43 =	vand.u32 $0xFFFFFF80, v42;
	v18 =	vadd.s32 v9, v18;
	v24 =	vand.u32 $0x7F, v41;
	[tilespmem:s22+$0x0] =	vst v20  }
0xd9: {  	s10 =	sor.u32 s1, s19;
	v24 =	vor.u32 v24, v18;
	v18 =	vand.u32 $0x7F, v42;
	v20 =	vadd.s32 v2, v43;
	[tilespmem:s5+$0x180] =	vst v23;
	v44 =	vld.idx.msk [tilespmem:v40+s3+$0x0], $0xffff  }
0xda: {  	v36 =	vand.u32 $0x7F, v63;
	v38 =	vor.u32 v28, v62;
	v18 =	vor.u32 v18, v20;
	v20 =	vld.idx.msk [tilespmem:v22+s3+$0x0], $0xffff;
	[tilespmem:s10+$0x0] =	vst v17  }
0xdb: {  	v35 =	vand.u32 $0x7F, v61;
	v19 =	vand.u32 $0xFFFFFF80, v61;
	v28 =	vand.u32 $0xFFFFFF80, v63;
	v16 =	vld.idx.msk [tilespmem:v16+s3+$0x0], $0xffff;
	[tilespmem:s4+$0x200] =	vst v39  }
0xdc: {  	s23 =	sor.u32 $0x11200, s31;
	v61 =	vand.u32 $0x7F, v58;
	v63 =	vadd.s32 $0x9, v4;
	v19 =	vadd.s32 v7, v19;
	v37 =	vld.idx.msk [tilespmem:v37+s3+$0x0], $0xffff  }
0xdd: {  	s24 =	sor.u32 s0, s23;
	v28 =	vadd.s32 v9, v28;
	v60 =	vand.u32 $0xFFFFFF80, v58;
	v19 =	vor.u32 v35, v19  }
0xde: {  	v28 =	vor.u32 v36, v28;
	v36 =	vand.u32 $0x7F, v45;
	v35 =	vand.u32 $0x7F, v48;
	[tilespmem:s24+$0x0] =	vst v44  }
0xdf: {  	s7 =	sor.u32 s1, s21;
	v62 =	vadd.s32 v2, v60;
	v45 =	vadd.s32 $0x19, v1;
	v60 =	vadd.s32 $0x1B, v1;
	[tilespmem:s5+$0x200] =	vst v20;
	v20 =	vld.idx.msk [tilespmem:v38+s3+$0x0], $0xffff  }
0xe0: {  	v41 =	vadd.s32 $0x1A, v27;
	v23 =	vadd.s32 $0xE, v27;
	v56 =	vadd.s32 $0x12, v27;
	v51 =	vld.idx.msk [tilespmem:v21+s3+$0x0], $0xffff;
	[tilespmem:s7+$0x0] =	vst v16  }
0xe1: {  	v42 =	vadd.s32 $0x13, v27;
	v22 =	vand.u32 $0xFFFFFF80, v23;
	v23 =	vand.u32 $0x7F, v23;
	v15 =	vld.idx.msk [tilespmem:v15+s3+$0x0], $0xffff;
	[tilespmem:s4+$0x280] =	vst v37;
	s4 =	simm.s32 $0x2  }
0xe2: {  	s6 =	sor.u32 $0x11280, s31;
	v40 =	vadd.s32 v7, v46;
	v17 =	vadd.s32 $0xF, v27;
	v22 =	vadd.s32 v9, v22;
	v19 =	vld.idx.msk [tilespmem:v19+s3+$0x0], $0xffff;
	s15 =	sand.u32 $0x7, s4  }
0xe3: {  	s17 =	sor.u32 s0, s6;
	v36 =	vor.u32 v36, v40;
	v23 =	vor.u32 v23, v22;
	v22 =	vand.u32 $0xFFFFFF80, v17;
	s19 =	sshll.u32 s15, $0x4  }
0xe4: {  	v43 =	vand.u32 $0xFFFFFF80, v63;
	v17 =	vand.u32 $0x7F, v17;
	v22 =	vadd.s32 v9, v22;
	[tilespmem:s17+$0x0] =	vst v20;
	s20 =	sadd.s32 $0x100, s19  }
0xe5: {  	v59 =	vand.u32 $0xFFFFFF80, v56;
	s10 =	sor.u32 s1, s23;
	v22 =	vor.u32 v17, v22;
	v17 =	vand.u32 $0x7F, v47;
	[tilespmem:s5+$0x280] =	vst v51;
	v18 =	vld.idx.msk [tilespmem:v18+s3+$0x0], $0xffff;
	s5 =	sadd.s32 $0x10, s20  }
0xe6: {  	v46 =	vand.u32 $0xFFFFFF80, v45;
	v39 =	vadd.s32 v9, v59;
	v17 =	vor.u32 v17, v50;
	s17 =	simm.s32 $0x1;
	v34 =	vld.idx.msk [tilespmem:v34+s3+$0x0], $0xffff;
	[tilespmem:s10+$0x0] =	vst v15;
	s5 =	sor.u32 $0x300, s5  }
0xe7: {  	v47 =	vadd.s32 $0xA, v4;
	v44 =	vadd.s32 $0x14, v27;
	v21 =	vand.u32 $0xFFFFFF80, v48;
	s21 =	sand.u32 $0x3, s17;
	v14 =	vld.idx.msk [tilespmem:v14+s3+$0x0], $0xffff;
	[tilespmem:s5+$0x10000] =	vst v19  }
0xe8: {  	s22 =	sor.u32 $0x11300, s31;
	v16 =	vand.u32 $0x7F, v52;
	v38 =	vadd.s32 v7, v43;
	v48 =	vand.u32 $0xFFFFFF80, v47;
	s11 =	sshll.u32 s21, $0x5;
	v36 =	vld.idx.msk [tilespmem:v36+s3+$0x0], $0xffff  }
0xe9: {  	s24 =	sor.u32 s0, s22;
	v43 =	vadd.s32 $0x1C, v1;
	v16 =	vor.u32 v16, v54;
	v15 =	vand.u32 $0x7F, v56;
	s23 =	sadd.s32 $0x100, s11  }
0xea: {  	v21 =	vadd.s32 v9, v21;
	v19 =	vor.u32 v15, v39;
	v15 =	vand.u32 $0x7F, v63;
	s5 =	sor.u32 $0x300, s23;
	[tilespmem:s24+$0x0] =	vst v18  }
0xeb: {  	s6 =	sor.u32 s1, s6;
	v50 =	vadd.s32 v7, v48;
	v48 =	vadd.s32 $0xD, v4;
	s11 =	sor.u32 s13, s2;
	v38 =	vor.u32 v15, v38;
	[tilespmem:s5+$0x10000] =	vst v34;
	v15 =	vld.idx.msk [tilespmem:v17+s3+$0x0], $0xffff  }
0xec: {  	v21 =	vor.u32 v35, v21;
	v35 =	vor.u32 v61, v62;
	v20 =	vand.u32 $0xFFFFFF80, v55;
	s7 =	sor.u32 $0x380, s11;
	v33 =	vld.idx.msk [tilespmem:v33+s3+$0x0], $0xffff;
	[tilespmem:s6+$0x0] =	vst v14  }
0xed: {  	v61 =	vand.u32 $0xFFFFFF80, v60;
	v37 =	vand.u32 $0x7F, v42;
	v20 =	vadd.s32 v9, v20;
	v13 =	vld.idx.msk [tilespmem:v13+s3+$0x0], $0xffff;
	[tilespmem:s7+$0x10000] =	vst v36  }
0xee: {  	v56 =	vadd.s32 $0x18, v27;
	v20 =	vor.u32 v57, v20;
	s13 =	sor.u32 $0x11380, s31;
	v18 =	vand.u32 $0xFFFFFF80, v42;
	v49 =	vld.idx.msk [tilespmem:v16+s3+$0x0], $0xffff  }
0xef: {  	s15 =	sor.u32 s16, s2;
	s19 =	sor.u32 s0, s13;
	v39 =	vand.u32 $0x7F, v45;
	v45 =	vadd.s32 $0x1B, v27;
	v17 =	vadd.s32 v9, v18  }
0xf0: {  	s11 =	sor.u32 $0x380, s15;
	v42 =	vand.u32 $0xFFFFFF80, v41;
	v18 =	vor.u32 v37, v17;
	v17 =	vand.u32 $0xFFFFFF80, v44;
	[tilespmem:s19+$0x0] =	vst v15  }
0xf1: {  	s21 =	sor.u32 $0x10800, s12;
	s20 =	sor.u32 s1, s22;
	v14 =	vand.u32 $0x7F, v44;
	v37 =	vadd.s32 v2, v46;
	v17 =	vadd.s32 v9, v17;
	[tilespmem:s11+$0x10000] =	vst v33;
	v51 =	vld.idx.msk [tilespmem:v35+s3+$0x0], $0xffff  }
0xf2: {  	s22 =	sor.u32 s25, s21;
	v37 =	vor.u32 v39, v37;
	v17 =	vor.u32 v14, v17;
	v14 =	vadd.s32 $0x15, v27;
	v32 =	vld.idx.msk [tilespmem:v32+s3+$0x0], $0xffff;
	[tilespmem:s20+$0x0] =	vst v13  }
0xf3: {  	v39 =	vadd.s32 $0xC, v4;
	v15 =	vand.u32 $0xFFFFFF80, v14;
	v16 =	vand.u32 $0x7F, v47;
	v12 =	vld.idx.msk [tilespmem:v12+s3+$0x0], $0xffff;
	[tilespmem:s22+$0x0] =	vst v49  }
0xf4: {  	s23 =	sor.u32 $0x11800, s31;
	v14 =	vand.u32 $0x7F, v14;
	v15 =	vadd.s32 v9, v15;
	v34 =	vor.u32 v16, v50;
	v55 =	vld.idx.msk [tilespmem:v38+s3+$0x0], $0xffff  }
0xf5: {  	s24 =	sor.u32 s0, s23;
	v16 =	vor.u32 v14, v15;
	v14 =	vadd.s32 $0x16, v27;
	v15 =	vadd.s32 $0x1A, v1  }
0xf6: {  	s10 =	sor.u32 s26, s21;
	v52 =	vand.u32 $0xFFFFFF80, v14;
	v14 =	vand.u32 $0x7F, v14;
	v53 =	vand.u32 $0xFFFFFF80, v15;
	[tilespmem:s24+$0x0] =	vst v51  }
0xf7: {  	s5 =	sor.u32 s1, s13;
	s6 =	sor.u32 $0x10880, s12;
	v54 =	vand.u32 $0x7F, v15;
	v13 =	vadd.s32 v9, v52;
	v36 =	vadd.s32 v2, v53;
	[tilespmem:s10+$0x0] =	vst v32;
	v58 =	vld.idx.msk [tilespmem:v37+s3+$0x0], $0xffff  }
0xf8: {  	s13 =	sor.u32 s25, s6;
	v15 =	vor.u32 v14, v13;
	v13 =	vadd.s32 $0xB, v4;
	v35 =	vor.u32 v54, v36;
	v31 =	vld.idx.msk [tilespmem:v31+s3+$0x0], $0xffff;
	[tilespmem:s5+$0x0] =	vst v12  }
0xf9: {  	v46 =	vand.u32 $0xFFFFFF80, v43;
	v40 =	vand.u32 $0xFFFFFF80, v39;
	v57 =	vand.u32 $0xFFFFFF80, v13;
	v62 =	vld.idx.msk [tilespmem:v11+s3+$0x0], $0xffff;
	[tilespmem:s13+$0x0] =	vst v55  }
0xfa: {  	s15 =	sor.u32 $0x11880, s31;
	v47 =	vadd.s32 v2, v46;
	v13 =	vand.u32 $0x7F, v13;
	v38 =	vadd.s32 v7, v57;
	v63 =	vld.idx.msk [tilespmem:v34+s3+$0x0], $0xffff  }
0xfb: {  	s19 =	sor.u32 s0, s15;
	v50 =	vand.u32 $0xFFFFFF80, v48;
	v38 =	vor.u32 v13, v38;
	v13 =	vand.u32 $0xFFFFFF80, v56  }
0xfc: {  	s7 =	sor.u32 s26, s6;
	v52 =	vadd.s32 $0x1C, v27;
	v12 =	vand.u32 $0x7F, v56;
	v13 =	vadd.s32 v9, v13;
	[tilespmem:s19+$0x0] =	vst v58  }
0xfd: {  	s21 =	sor.u32 $0x10900, s12;
	s20 =	sor.u32 s1, s23;
	v11 =	vand.u32 $0x7F, v60;
	v13 =	vor.u32 v12, v13;
	v12 =	vadd.s32 v2, v61;
	[tilespmem:s7+$0x0] =	vst v31;
	v31 =	vld.idx.msk [tilespmem:v35+s3+$0x0], $0xffff  }
0xfe: {  	v53 =	vadd.s32 $0x1D, v27;
	v14 =	vadd.s32 $0x17, v27;
	s22 =	sor.u32 s25, s21;
	v12 =	vor.u32 v11, v12;
	v30 =	vld.idx.msk [tilespmem:v30+s3+$0x0], $0xffff;
	[tilespmem:s20+$0x0] =	vst v62  }
0xff: {  	v49 =	vand.u32 $0x7F, v45;
	v54 =	vand.u32 $0xFFFFFF80, v52;
	v33 =	vand.u32 $0x7F, v52;
	v44 =	vld.idx.msk [tilespmem:v10+s3+$0x0], $0xffff;
	[tilespmem:s22+$0x0] =	vst v63  }
0x100: {  	s23 =	sor.u32 $0x11900, s31;
	v59 =	vand.u32 $0xFFFFFF80, v14;
	v34 =	vand.u32 $0x7F, v39;
	v35 =	vadd.s32 v7, v40;
	v38 =	vld.idx.msk [tilespmem:v38+s3+$0x0], $0xffff  }
0x101: {  	v14 =	vand.u32 $0x7F, v14;
	s24 =	sor.u32 s0, s23;
	v37 =	vadd.s32 v9, v59;
	v34 =	vor.u32 v34, v35  }
0x102: {  	s10 =	sor.u32 s26, s21;
	v51 =	vand.u32 $0x7F, v48;
	v14 =	vor.u32 v14, v37;
	v37 =	vadd.s32 $0x19, v27;
	[tilespmem:s24+$0x0] =	vst v31  }
0x103: {  	s6 =	sor.u32 $0x10980, s12;
	s5 =	sor.u32 s1, s15;
	v56 =	vand.u32 $0xFFFFFF80, v53;
	v11 =	vand.u32 $0xFFFFFF80, v37;
	v31 =	vand.u32 $0x7F, v43;
	[tilespmem:s10+$0x0] =	vst v30;
	v30 =	vld.idx.msk [tilespmem:v12+s3+$0x0], $0xffff  }
0x104: {  	v32 =	vand.u32 $0x7F, v37;
	s13 =	sor.u32 s25, s6;
	v11 =	vadd.s32 v9, v11;
	v31 =	vor.u32 v31, v47;
	v29 =	vld.idx.msk [tilespmem:v29+s3+$0x0], $0xffff;
	[tilespmem:s5+$0x0] =	vst v44  }
0x105: {  	v60 =	vadd.s32 $0xE, v4;
	v61 =	vadd.s32 $0x1E, v27;
	v11 =	vor.u32 v32, v11;
	v26 =	vld.idx.msk [tilespmem:v26+s3+$0x0], $0xffff;
	[tilespmem:s13+$0x0] =	vst v38  }
0x106: {  	s15 =	sor.u32 $0x11980, s31;
	v32 =	vand.u32 $0x7F, v41;
	v10 =	vadd.s32 v9, v42;
	v35 =	vadd.s32 v7, v50;
	v34 =	vld.idx.msk [tilespmem:v34+s3+$0x0], $0xffff  }
0x107: {  	v55 =	vadd.s32 $0x1D, v1;
	s19 =	sor.u32 s0, s15;
	v10 =	vor.u32 v32, v10;
	v32 =	vor.u32 v51, v35  }
0x108: {  	v27 =	vadd.s32 $0x1F, v27;
	v57 =	vand.u32 $0xFFFFFF80, v55;
	s10 =	sor.u32 s26, s6;
	[tilespmem:s19+$0x0] =	vst v30;
	v30 =	vadd.s32 v9, v54  }
0x109: {  	s7 =	sor.u32 s1, s23;
	s20 =	sor.u32 $0x10A00, s12;
	[tilespmem:s10+$0x0] =	vst v29;
	v58 =	vld.idx.msk [tilespmem:v31+s3+$0x0], $0xffff;
	v29 =	vor.u32 v33, v30;
	v30 =	vand.u32 $0x7F, v55;
	v31 =	vadd.s32 v2, v57  }
0x10a: {  	s21 =	sor.u32 s25, s20;
	v59 =	vld.idx.msk [tilespmem:v28+s3+$0x0], $0xffff;
	v28 =	vadd.s32 v9, v56;
	[tilespmem:s7+$0x0] =	vst v26;
	v30 =	vor.u32 v30, v31;
	v31 =	vand.u32 $0x7F, v53  }
0x10b: {  	v36 =	vand.u32 $0x7F, v61;
	v62 =	vand.u32 $0xFFFFFF80, v60;
	v28 =	vor.u32 v31, v28;
	v31 =	vld.idx.msk [tilespmem:v25+s3+$0x0], $0xffff;
	[tilespmem:s21+$0x0] =	vst v34  }
0x10c: {  	v63 =	vadd.s32 v7, v62;
	s22 =	sor.u32 $0x11A00, s31;
	v12 =	vand.u32 $0xFFFFFF80, v45;
	v26 =	vand.u32 $0x7F, v60;
	v35 =	vld.idx.msk [tilespmem:v32+s3+$0x0], $0xffff  }
0x10d: {  	s23 =	sor.u32 s0, s22;
	v12 =	vadd.s32 v9, v12;
	v25 =	vand.u32 $0xFFFFFF80, v61;
	v34 =	vor.u32 v26, v63  }
0x10e: {  	s24 =	sor.u32 s26, s20;
	s5 =	sor.u32 $0x10A80, s12;
	v12 =	vor.u32 v49, v12;
	s13 =	sor.u32 s1, s15;
	v25 =	vadd.s32 v9, v25;
	[tilespmem:s23+$0x0] =	vst v58;
	v32 =	vadd.s32 $0x1E, v1  }
0x10f: {  	s7 =	sor.u32 s1, s22;
	s21 =	simm.s32 $0x2;
	v26 =	vor.u32 v36, v25;
	v25 =	vand.u32 $0xFFFFFF80, v27;
	[tilespmem:s24+$0x0] =	vst v59;
	s24 =	simm.s32 $0x14A50;
	v30 =	vld.idx.msk [tilespmem:v30+s3+$0x0], $0xffff;
	v33 =	vand.u32 $0xFFFFFF80, v32  }
.LBB2_7:
0x110: {  	v36 =	vld [tilespmem:s24+$0x0];
	s21 =	sadd.s32 $0x2, s21;
	s10 =	sor.u32 s26, s5;
	v9 =	vadd.s32 v9, v25;
	s5 =	sor.u32 s25, s5;
	[tilespmem:s13+$0x0] =	vst v31;
	v31 =	vand.u32 $0x7F, v32;
	v32 =	vadd.s32 v2, v33  }
0x111: {  	v27 =	vand.u32 $0x7F, v27;
	v33 =	vadd.s32 $0xF, v4;
	s16 =	sadd.s32 $0x20, s16;
	v25 =	vld [tilespmem:s24+$0xFFFFFFF0];
	p2 =	slt.u32 s21, $0xE;
	[tilespmem:s5+$0x0] =	vst v35;
	v31 =	vor.u32 v31, v32  }
0x112: {  	v32 =	vmov s16;
	s11 =	sand.u32 $0x60, s16;
	s13 =	sadd.s32 $0x10, s16;
	v27 =	vor.u32 v27, v9;
	v9 =	vld.idx.msk [tilespmem:v34+s3+$0x0], $0xffff;
	v34 =	vand.u32 $0xFFFFFF80, v33  }
0x113: {  	s5 =	sor.u32 $0x11A80, s31;
	v35 =	vmov s13;
	v33 =	vand.u32 $0x7F, v33;
	v24 =	vld.idx.msk [tilespmem:v24+s3+$0x0], $0xffff;
	v34 =	vadd.s32 v7, v34  }
0x114: {  	v32 =	vshll.u32 v32, $0x7;
	s15 =	sor.u32 s1, s5;
	s5 =	sor.u32 s0, s5;
	v35 =	vshll.u32 v35, $0x7;
	v33 =	vor.u32 v33, v34;
	v34 =	vld.idx.msk [tilespmem:v8+s3+$0x0], $0xffff;
	v8 =	vmovc v29  }
0x115: {  	v35 =	vor.u32 v0, v35;
	v29 =	vand.u32 $0xFFFFFF80, v36;
	[tilespmem:s5+$0x0] =	vst v30;
	v30 =	vadd.s32 $0x1F, v1;
	v1 =	vmovc v4;
	v4 =	vmovc v36  }
0x116: {  	s19 =	sor.u32 $0x10B00, s12;
	v36 =	vand.u32 $0x7F, v4;
	v29 =	vadd.s32 v35, v29;
	v31 =	vld.idx.msk [tilespmem:v31+s3+$0x0], $0xffff;
	v37 =	vand.u32 $0xFFFFFF80, v30  }
0x117: {  	s5 =	sor.u32 s26, s19;
	s19 =	sor.u32 s25, s19;
	v30 =	vand.u32 $0x7F, v30;
	v29 =	vor.u32 v36, v29;
	v36 =	vadd.s32 v2, v37;
	v2 =	vmovc v7;
	v7 =	vmovc v35  }
0x118: {  	v35 =	vand.u32 $0xFFFFFF80, v25;
	v37 =	vadd.s32 $0x10, v1;
	[tilespmem:s19+$0x0] =	vst v9;
	v30 =	vor.u32 v30, v36  }
0x119: {  	v36 =	vand.u32 $0x7F, v25;
	v9 =	vor.u32 v0, v32;
	v32 =	vand.u32 $0xFFFFFF80, v37;
	[tilespmem:s10+$0x0] =	vst v24;
	v24 =	vld.idx.msk [tilespmem:v33+s3+$0x0], $0xffff  }
0x11a: {  	v33 =	vadd.s32 v9, v35;
	v35 =	vand.u32 $0x7F, v37;
	v32 =	vadd.s32 v2, v32;
	v23 =	vld.idx.msk [tilespmem:v23+s3+$0x0], $0xffff;
	[tilespmem:s7+$0x0] =	vst v34;
	s7 =	sor.u32 $0x11B00, s31  }
0x11b: {  	s17 =	sadd.s32 $0x1, s17;
	v33 =	vor.u32 v36, v33;
	v34 =	vadd.s32 $0x1, v4;
	v32 =	vor.u32 v35, v32;
	v35 =	vld.idx.msk [tilespmem:v6+s3+$0x0], $0xffff;
	s20 =	sor.u32 s1, s7;
	s7 =	sor.u32 s0, s7;
	v6 =	vmovc v28  }
0x11c: {  	s10 =	sand.u32 $0x3, s17;
	v36 =	vadd.s32 $0x2, v25;
	v28 =	vadd.s32 $0x1, v25;
	v37 =	vand.u32 $0xFFFFFF80, v34;
	v29 =	vld.idx.msk [tilespmem:v29+s3+$0x0], $0xffff;
	[tilespmem:s7+$0x0] =	vst v31  }
0x11d: {  	v34 =	vand.u32 $0x7F, v34;
	s7 =	sshll.u32 s10, $0x5;
	v31 =	vand.u32 $0xFFFFFF80, v28;
	v37 =	vadd.s32 v7, v37;
	s10 =	sor.u32 $0x10B80, s12;
	v30 =	vld.idx.msk [tilespmem:v30+s3+$0x0], $0xffff  }
0x11e: {  	s2 =	sadd.s32 $0x100, s2;
	v28 =	vand.u32 $0x7F, v28;
	v31 =	vadd.s32 v9, v31;
	v34 =	vor.u32 v34, v37;
	s19 =	sor.u32 s26, s10;
	s10 =	sor.u32 s25, s10  }
0x11f: {  	s22 =	sand.u32 $0x400, s2;
	s23 =	sor.u32 s16, s2;
	s7 =	sadd.s32 s7, s2;
	v28 =	vor.u32 v28, v31;
	v31 =	vand.u32 $0xFFFFFF80, v36;
	[tilespmem:s10+$0x0] =	vst v24;
	v24 =	vadd.s32 $0x11, v1  }
0x120: {  	s6 =	sand.u32 $0x70, s13;
	v36 =	vand.u32 $0x7F, v36;
	s7 =	sor.u32 $0x300, s7;
	s10 =	sor.u32 $0x10000, s22;
	v31 =	vadd.s32 v9, v31;
	[tilespmem:s5+$0x0] =	vst v23;
	v23 =	vld.idx.msk [tilespmem:v32+s3+$0x0], $0xffff;
	v32 =	vand.u32 $0xFFFFFF80, v24  }
0x121: {  	s31 =	sor.u32 $0x11B80, s31;
	s5 =	sor.u32 s11, s10;
	v31 =	vor.u32 v36, v31;
	s10 =	sor.u32 s6, s10;
	v24 =	vand.u32 $0x7F, v24;
	v33 =	vld.idx.msk [tilespmem:v33+s3+$0x0], $0xffff;
	v32 =	vadd.s32 v2, v32;
	[tilespmem:s15+$0x0] =	vst v35  }
0x122: {  	s0 =	sor.u32 s0, s31;
	v35 =	vadd.s32 $0x3, v25;
	s15 =	sor.u32 $0x380, s23;
	s23 =	sor.u32 s1, s31;
	[tilespmem:s10+$0x0] =	vst v29;
	v29 =	vadd.s32 $0x2, v4;
	v22 =	vld.idx.msk [tilespmem:v22+s3+$0x0], $0xffff;
	v24 =	vor.u32 v24, v32  }
0x123: {  	s1 =	smov.u32 s26;
	s26 =	smov.u32 s11;
	s31 =	smov.u32 s12;
	v32 =	vand.u32 $0xFFFFFF80, v35;
	v35 =	vand.u32 $0x7F, v35;
	v34 =	vld.idx.msk [tilespmem:v34+s3+$0x0], $0xffff;
	v36 =	vand.u32 $0xFFFFFF80, v29;
	[tilespmem:s0+$0x0] =	vst v30  }
0x124: {  	s12 =	smov.u32 s22;
	s11 =	sor.u32 $0x11000, s31;
	v30 =	vadd.s32 v9, v32;
	v29 =	vand.u32 $0x7F, v29;
	s0 =	smov.u32 s25;
	v32 =	vadd.s32 v7, v36;
	v36 =	vld.idx.msk [tilespmem:v5+s3+$0x0], $0xffff;
	v5 =	vmovc v26  }
0x125: {  	s22 =	sor.u32 s1, s11;
	s25 =	smov.u32 s6;
	v26 =	vor.u32 v35, v30;
	v30 =	vadd.s32 $0x4, v25;
	s11 =	sor.u32 s0, s11;
	v29 =	vor.u32 v29, v32  }
0x126: {  	v32 =	vand.u32 $0xFFFFFF80, v30;
	v30 =	vand.u32 $0x7F, v30;
	[tilespmem:s11+$0x0] =	vst v23;
	v23 =	vadd.s32 $0x12, v1  }
0x127: {  	v32 =	vadd.s32 v9, v32;
	[tilespmem:s5+$0x0] =	vst v33;
	v33 =	vadd.s32 $0x5, v25;
	v24 =	vld.idx.msk [tilespmem:v24+s3+$0x0], $0xffff;
	v35 =	vand.u32 $0xFFFFFF80, v23  }
0x128: {  	v32 =	vor.u32 v30, v32;
	v28 =	vld.idx.msk [tilespmem:v28+s3+$0x0], $0xffff;
	[tilespmem:s19+$0x0] =	vst v22;
	v22 =	vand.u32 $0x7F, v23;
	v23 =	vadd.s32 v2, v35  }
0x129: {  	v30 =	vand.u32 $0xFFFFFF80, v33;
	[tilespmem:s10+$0x80] =	vst v34;
	v34 =	vadd.s32 $0x3, v4;
	v35 =	vld.idx.msk [tilespmem:v21+s3+$0x0], $0xffff;
	v21 =	vor.u32 v22, v23  }
0x12a: {  	v22 =	vand.u32 $0x7F, v33;
	v23 =	vadd.s32 v9, v30;
	v29 =	vld.idx.msk [tilespmem:v29+s3+$0x0], $0xffff;
	v30 =	vand.u32 $0xFFFFFF80, v34;
	[tilespmem:s20+$0x0] =	vst v36  }
0x12b: {  	s6 =	sor.u32 $0x11080, s31;
	v22 =	vor.u32 v22, v23;
	v23 =	vand.u32 $0x7F, v34;
	v30 =	vadd.s32 v7, v30;
	v33 =	vld.idx.msk [tilespmem:v3+s3+$0x0], $0xffff;
	v3 =	vmovc v27  }
0x12c: {  	s11 =	sor.u32 s1, s6;
	s6 =	sor.u32 s0, s6;
	v34 =	vadd.s32 $0x7, v25;
	v27 =	vadd.s32 $0x6, v25;
	v23 =	vor.u32 v23, v30  }
0x12d: {  	v30 =	vand.u32 $0xFFFFFF80, v27;
	v27 =	vand.u32 $0x7F, v27;
	[tilespmem:s6+$0x0] =	vst v24;
	v24 =	vadd.s32 $0x13, v1  }
0x12e: {  	[tilespmem:s5+$0x80] =	vst v28;
	v28 =	vadd.s32 v9, v30;
	v30 =	vand.u32 $0xFFFFFF80, v34;
	v36 =	vld.idx.msk [tilespmem:v21+s3+$0x0], $0xffff;
	v37 =	vand.u32 $0xFFFFFF80, v24  }
0x12f: {  	v24 =	vand.u32 $0x7F, v24;
	v31 =	vld.idx.msk [tilespmem:v31+s3+$0x0], $0xffff;
	v21 =	vor.u32 v27, v28;
	[tilespmem:s22+$0x0] =	vst v35;
	v27 =	vadd.s32 v2, v37  }
0x130: {  	v28 =	vadd.s32 v9, v30;
	[tilespmem:s10+$0x100] =	vst v29;
	v29 =	vadd.s32 $0x4, v4;
	v35 =	vld.idx.msk [tilespmem:v20+s3+$0x0], $0xffff;
	v24 =	vor.u32 v24, v27  }
0x131: {  	v20 =	vand.u32 $0x7F, v34;
	v27 =	vadd.s32 $0x8, v25;
	v23 =	vld.idx.msk [tilespmem:v23+s3+$0x0], $0xffff;
	v30 =	vand.u32 $0xFFFFFF80, v29;
	[tilespmem:s23+$0x0] =	vst v33  }
0x132: {  	s6 =	sor.u32 $0x11100, s31;
	v20 =	vor.u32 v20, v28;
	v28 =	vand.u32 $0x7F, v29;
	v29 =	vadd.s32 v7, v30  }
0x133: {  	s19 =	sor.u32 s1, s6;
	s6 =	sor.u32 s0, s6;
	v30 =	vand.u32 $0xFFFFFF80, v27;
	v27 =	vand.u32 $0x7F, v27;
	v28 =	vor.u32 v28, v29  }
0x134: {  	v34 =	vadd.s32 $0x14, v1;
	v33 =	vadd.s32 $0x9, v25;
	v29 =	vadd.s32 v9, v30;
	[tilespmem:s6+$0x0] =	vst v36  }
0x135: {  	v30 =	vor.u32 v27, v29;
	v27 =	vand.u32 $0xFFFFFF80, v33;
	v29 =	vand.u32 $0xFFFFFF80, v34;
	[tilespmem:s5+$0x100] =	vst v31;
	v24 =	vld.idx.msk [tilespmem:v24+s3+$0x0], $0xffff  }
0x136: {  	v27 =	vadd.s32 v9, v27;
	v31 =	vand.u32 $0x7F, v34;
	v29 =	vadd.s32 v2, v29;
	v26 =	vld.idx.msk [tilespmem:v26+s3+$0x0], $0xffff;
	[tilespmem:s11+$0x0] =	vst v35  }
0x137: {  	v33 =	vand.u32 $0x7F, v33;
	v31 =	vor.u32 v31, v29;
	[tilespmem:s10+$0x180] =	vst v23;
	v23 =	vadd.s32 $0x5, v4;
	v19 =	vld.idx.msk [tilespmem:v19+s3+$0x0], $0xffff  }
0x138: {  	v29 =	vor.u32 v33, v27;
	v27 =	vadd.s32 $0xA, v25;
	v33 =	vld.idx.msk [tilespmem:v28+s3+$0x0], $0xffff;
	v28 =	vand.u32 $0xFFFFFF80, v23  }
0x139: {  	s6 =	sor.u32 $0x11180, s31;
	v34 =	vand.u32 $0xFFFFFF80, v27;
	v23 =	vand.u32 $0x7F, v23;
	v28 =	vadd.s32 v7, v28  }
0x13a: {  	s11 =	sor.u32 s1, s6;
	s6 =	sor.u32 s0, s6;
	v27 =	vand.u32 $0x7F, v27;
	v34 =	vadd.s32 v9, v34;
	v23 =	vor.u32 v23, v28  }
0x13b: {  	v28 =	vor.u32 v27, v34;
	v27 =	vadd.s32 $0xB, v25;
	[tilespmem:s6+$0x0] =	vst v24;
	v24 =	vadd.s32 $0x15, v1  }
0x13c: {  	[tilespmem:s5+$0x180] =	vst v26;
	v26 =	vand.u32 $0xFFFFFF80, v27;
	v27 =	vand.u32 $0x7F, v27;
	v31 =	vld.idx.msk [tilespmem:v31+s3+$0x0], $0xffff;
	v34 =	vand.u32 $0xFFFFFF80, v24  }
0x13d: {  	v32 =	vld.idx.msk [tilespmem:v32+s3+$0x0], $0xffff;
	v26 =	vadd.s32 v9, v26;
	[tilespmem:s19+$0x0] =	vst v19;
	v19 =	vand.u32 $0x7F, v24;
	v24 =	vadd.s32 v2, v34  }
0x13e: {  	v27 =	vor.u32 v27, v26;
	[tilespmem:s10+$0x200] =	vst v33;
	v26 =	vadd.s32 $0x6, v4;
	v18 =	vld.idx.msk [tilespmem:v18+s3+$0x0], $0xffff;
	v19 =	vor.u32 v19, v24  }
0x13f: {  	v24 =	vadd.s32 $0xC, v25;
	v33 =	vadd.s32 $0xD, v25;
	v23 =	vld.idx.msk [tilespmem:v23+s3+$0x0], $0xffff;
	v34 =	vand.u32 $0xFFFFFF80, v26  }
0x140: {  	s6 =	sor.u32 $0x11200, s31;
	v35 =	vand.u32 $0xFFFFFF80, v24;
	v26 =	vand.u32 $0x7F, v26;
	v34 =	vadd.s32 v7, v34  }
0x141: {  	s19 =	sor.u32 s1, s6;
	s6 =	sor.u32 s0, s6;
	v24 =	vand.u32 $0x7F, v24;
	v35 =	vadd.s32 v9, v35;
	v34 =	vor.u32 v26, v34  }
0x142: {  	v26 =	vor.u32 v24, v35;
	v24 =	vand.u32 $0xFFFFFF80, v33;
	[tilespmem:s6+$0x0] =	vst v31;
	v31 =	vadd.s32 $0x16, v1  }
0x143: {  	v24 =	vadd.s32 v9, v24;
	[tilespmem:s5+$0x200] =	vst v32;
	v32 =	vand.u32 $0x7F, v33;
	v19 =	vld.idx.msk [tilespmem:v19+s3+$0x0], $0xffff;
	v33 =	vand.u32 $0xFFFFFF80, v31  }
0x144: {  	v22 =	vld.idx.msk [tilespmem:v22+s3+$0x0], $0xffff;
	v24 =	vor.u32 v32, v24;
	[tilespmem:s11+$0x0] =	vst v18;
	v18 =	vand.u32 $0x7F, v31;
	v31 =	vadd.s32 v2, v33  }
0x145: {  	v32 =	vadd.s32 $0xE, v25;
	[tilespmem:s10+$0x280] =	vst v23;
	v23 =	vadd.s32 $0x7, v4;
	v17 =	vld.idx.msk [tilespmem:v17+s3+$0x0], $0xffff;
	v18 =	vor.u32 v18, v31  }
0x146: {  	s4 =	sadd.s32 $0x2, s4;
	v31 =	vand.u32 $0xFFFFFF80, v32;
	v32 =	vand.u32 $0x7F, v32;
	v33 =	vld.idx.msk [tilespmem:v34+s3+$0x0], $0xffff;
	v34 =	vand.u32 $0xFFFFFF80, v23  }
0x147: {  	s6 =	sand.u32 $0x7, s4;
	s10 =	sor.u32 $0x11280, s31;
	v31 =	vadd.s32 v9, v31;
	v35 =	vand.u32 $0x7F, v23;
	v34 =	vadd.s32 v7, v34  }
0x148: {  	s6 =	sshll.u32 s6, $0x4;
	s11 =	sor.u32 s1, s10;
	s10 =	sor.u32 s0, s10;
	v23 =	vor.u32 v32, v31;
	v31 =	vadd.s32 $0xF, v25;
	v32 =	vor.u32 v35, v34  }
0x149: {  	s6 =	sadd.s32 s2, s6;
	v34 =	vand.u32 $0xFFFFFF80, v31;
	v31 =	vand.u32 $0x7F, v31;
	[tilespmem:s10+$0x0] =	vst v19;
	v19 =	vadd.s32 $0x17, v1  }
0x14a: {  	[tilespmem:s5+$0x280] =	vst v22;
	v22 =	vadd.s32 v9, v34;
	v34 =	vadd.s32 $0x10, v25;
	s5 =	sadd.s32 $0x10, s6;
	v18 =	vld.idx.msk [tilespmem:v18+s3+$0x0], $0xffff;
	v35 =	vand.u32 $0xFFFFFF80, v19  }
0x14b: {  	v36 =	vld.idx.msk [tilespmem:v21+s3+$0x0], $0xffff;
	v22 =	vor.u32 v31, v22;
	s5 =	sor.u32 $0x300, s5;
	[tilespmem:s19+$0x0] =	vst v17;
	v17 =	vand.u32 $0x7F, v19;
	v19 =	vadd.s32 v2, v35  }
0x14c: {  	v21 =	vand.u32 $0xFFFFFF80, v34;
	v31 =	vadd.s32 $0x8, v4;
	[tilespmem:s5+$0x10000] =	vst v33;
	v16 =	vld.idx.msk [tilespmem:v16+s3+$0x0], $0xffff;
	v17 =	vor.u32 v17, v19  }
0x14d: {  	v19 =	vand.u32 $0x7F, v34;
	v21 =	vadd.s32 v9, v21;
	v33 =	vand.u32 $0xFFFFFF80, v31;
	v32 =	vld.idx.msk [tilespmem:v32+s3+$0x0], $0xffff  }
0x14e: {  	s5 =	sor.u32 $0x11300, s31;
	v21 =	vor.u32 v19, v21;
	v19 =	vand.u32 $0x7F, v31;
	v31 =	vadd.s32 v7, v33  }
0x14f: {  	v34 =	vadd.s32 $0x12, v25;
	v33 =	vadd.s32 $0x11, v25;
	s6 =	sor.u32 s1, s5;
	s5 =	sor.u32 s0, s5;
	v19 =	vor.u32 v19, v31  }
0x150: {  	v31 =	vand.u32 $0xFFFFFF80, v33;
	v33 =	vand.u32 $0x7F, v33;
	[tilespmem:s5+$0x0] =	vst v18;
	v18 =	vadd.s32 $0x18, v1  }
0x151: {  	v35 =	vand.u32 $0xFFFFFF80, v34;
	v31 =	vadd.s32 v9, v31;
	s5 =	sor.u32 s13, s2;
	[tilespmem:s7+$0x10000] =	vst v36;
	v17 =	vld.idx.msk [tilespmem:v17+s3+$0x0], $0xffff;
	v36 =	vand.u32 $0xFFFFFF80, v18  }
0x152: {  	s5 =	sor.u32 $0x380, s5;
	v37 =	vld.idx.msk [tilespmem:v20+s3+$0x0], $0xffff;
	v20 =	vor.u32 v33, v31;
	[tilespmem:s11+$0x0] =	vst v16;
	v16 =	vand.u32 $0x7F, v18;
	v18 =	vadd.s32 v2, v36  }
0x153: {  	v31 =	vadd.s32 v9, v35;
	[tilespmem:s5+$0x10000] =	vst v32;
	v32 =	vadd.s32 $0x9, v4;
	v15 =	vld.idx.msk [tilespmem:v15+s3+$0x0], $0xffff;
	v16 =	vor.u32 v16, v18  }
0x154: {  	v33 =	vadd.s32 $0x13, v25;
	v18 =	vand.u32 $0x7F, v34;
	v34 =	vld.idx.msk [tilespmem:v19+s3+$0x0], $0xffff;
	v35 =	vand.u32 $0xFFFFFF80, v32  }
0x155: {  	s5 =	sor.u32 $0x11380, s31;
	v19 =	vor.u32 v18, v31;
	v18 =	vand.u32 $0x7F, v32;
	v31 =	vadd.s32 v7, v35  }
0x156: {  	v32 =	vand.u32 $0xFFFFFF80, v33;
	v33 =	vand.u32 $0x7F, v33;
	s7 =	sor.u32 s1, s5;
	s5 =	sor.u32 s0, s5;
	v31 =	vor.u32 v18, v31  }
0x157: {  	v18 =	vadd.s32 v9, v32;
	v32 =	vadd.s32 $0x14, v25;
	[tilespmem:s5+$0x0] =	vst v17;
	v17 =	vadd.s32 $0x19, v1  }
0x158: {  	s5 =	sor.u32 $0x10800, s12;
	v18 =	vor.u32 v33, v18;
	v33 =	vand.u32 $0xFFFFFF80, v32;
	[tilespmem:s15+$0x10000] =	vst v37;
	v35 =	vld.idx.msk [tilespmem:v16+s3+$0x0], $0xffff;
	v16 =	vand.u32 $0xFFFFFF80, v17  }
0x159: {  	s10 =	sor.u32 s26, s5;
	v33 =	vadd.s32 v9, v33;
	s5 =	sor.u32 s25, s5;
	v30 =	vld.idx.msk [tilespmem:v30+s3+$0x0], $0xffff;
	[tilespmem:s6+$0x0] =	vst v15;
	v15 =	vand.u32 $0x7F, v17;
	v16 =	vadd.s32 v2, v16  }
0x15a: {  	v17 =	vand.u32 $0x7F, v32;
	v32 =	vadd.s32 $0xA, v4;
	[tilespmem:s5+$0x0] =	vst v34;
	v14 =	vld.idx.msk [tilespmem:v14+s3+$0x0], $0xffff;
	v15 =	vor.u32 v15, v16  }
0x15b: {  	v17 =	vor.u32 v17, v33;
	v16 =	vadd.s32 $0x15, v25;
	v33 =	vand.u32 $0xFFFFFF80, v32;
	v31 =	vld.idx.msk [tilespmem:v31+s3+$0x0], $0xffff  }
0x15c: {  	v32 =	vand.u32 $0x7F, v32;
	s5 =	sor.u32 $0x11800, s31;
	v34 =	vand.u32 $0xFFFFFF80, v16;
	v33 =	vadd.s32 v7, v33  }
0x15d: {  	v16 =	vand.u32 $0x7F, v16;
	s6 =	sor.u32 s1, s5;
	s5 =	sor.u32 s0, s5;
	v34 =	vadd.s32 v9, v34;
	v32 =	vor.u32 v32, v33  }
0x15e: {  	v33 =	vadd.s32 $0x16, v25;
	v16 =	vor.u32 v16, v34;
	v34 =	vadd.s32 $0x1A, v1;
	[tilespmem:s5+$0x0] =	vst v35  }
0x15f: {  	s5 =	sor.u32 $0x10880, s12;
	[tilespmem:s10+$0x0] =	vst v30;
	v30 =	vand.u32 $0xFFFFFF80, v33;
	v33 =	vand.u32 $0x7F, v33;
	v35 =	vld.idx.msk [tilespmem:v15+s3+$0x0], $0xffff;
	v15 =	vand.u32 $0xFFFFFF80, v34  }
0x160: {  	s10 =	sor.u32 s26, s5;
	s5 =	sor.u32 s25, s5;
	v29 =	vld.idx.msk [tilespmem:v29+s3+$0x0], $0xffff;
	v30 =	vadd.s32 v9, v30;
	[tilespmem:s7+$0x0] =	vst v14;
	v14 =	vand.u32 $0x7F, v34;
	v34 =	vadd.s32 v2, v15  }
0x161: {  	v15 =	vor.u32 v33, v30;
	[tilespmem:s5+$0x0] =	vst v31;
	v30 =	vadd.s32 $0xB, v4;
	v31 =	vld.idx.msk [tilespmem:v13+s3+$0x0], $0xffff;
	v13 =	vor.u32 v14, v34  }
0x162: {  	v14 =	vadd.s32 $0x17, v25;
	v33 =	vadd.s32 $0x18, v25;
	v32 =	vld.idx.msk [tilespmem:v32+s3+$0x0], $0xffff;
	v34 =	vand.u32 $0xFFFFFF80, v30  }
0x163: {  	s5 =	sor.u32 $0x11880, s31;
	v36 =	vand.u32 $0xFFFFFF80, v14;
	v30 =	vand.u32 $0x7F, v30;
	v34 =	vadd.s32 v7, v34  }
0x164: {  	v14 =	vand.u32 $0x7F, v14;
	s7 =	sor.u32 s1, s5;
	s5 =	sor.u32 s0, s5;
	v36 =	vadd.s32 v9, v36;
	v30 =	vor.u32 v30, v34  }
0x165: {  	v14 =	vor.u32 v14, v36;
	v34 =	vand.u32 $0xFFFFFF80, v33;
	[tilespmem:s5+$0x0] =	vst v35;
	v35 =	vadd.s32 $0x1B, v1  }
0x166: {  	s5 =	sor.u32 $0x10900, s12;
	[tilespmem:s10+$0x0] =	vst v29;
	v29 =	vand.u32 $0x7F, v33;
	v33 =	vadd.s32 v9, v34;
	v34 =	vld.idx.msk [tilespmem:v13+s3+$0x0], $0xffff;
	v36 =	vand.u32 $0xFFFFFF80, v35  }
0x167: {  	s10 =	sor.u32 s26, s5;
	s5 =	sor.u32 s25, s5;
	v28 =	vld.idx.msk [tilespmem:v28+s3+$0x0], $0xffff;
	v13 =	vor.u32 v29, v33;
	[tilespmem:s6+$0x0] =	vst v31;
	v29 =	vand.u32 $0x7F, v35;
	v31 =	vadd.s32 v2, v36  }
0x168: {  	v33 =	vadd.s32 $0x19, v25;
	[tilespmem:s5+$0x0] =	vst v32;
	v32 =	vadd.s32 $0xC, v4;
	v35 =	vld.idx.msk [tilespmem:v11+s3+$0x0], $0xffff;
	v29 =	vor.u32 v29, v31  }
0x169: {  	v11 =	vand.u32 $0xFFFFFF80, v33;
	v31 =	vand.u32 $0x7F, v33;
	v30 =	vld.idx.msk [tilespmem:v30+s3+$0x0], $0xffff;
	v33 =	vand.u32 $0xFFFFFF80, v32  }
0x16a: {  	s5 =	sor.u32 $0x11900, s31;
	v11 =	vadd.s32 v9, v11;
	v32 =	vand.u32 $0x7F, v32;
	v33 =	vadd.s32 v7, v33  }
0x16b: {  	s6 =	sor.u32 s1, s5;
	s5 =	sor.u32 s0, s5;
	v11 =	vor.u32 v31, v11;
	v31 =	vadd.s32 $0x1A, v25;
	v32 =	vor.u32 v32, v33  }
0x16c: {  	v33 =	vand.u32 $0xFFFFFF80, v31;
	v31 =	vand.u32 $0x7F, v31;
	[tilespmem:s5+$0x0] =	vst v34;
	v34 =	vadd.s32 $0x1C, v1  }
0x16d: {  	s5 =	sor.u32 $0x10980, s12;
	[tilespmem:s10+$0x0] =	vst v28;
	v28 =	vadd.s32 v9, v33;
	v33 =	vadd.s32 $0x1B, v25;
	v29 =	vld.idx.msk [tilespmem:v29+s3+$0x0], $0xffff;
	v36 =	vand.u32 $0xFFFFFF80, v34  }
0x16e: {  	s10 =	sor.u32 s26, s5;
	s5 =	sor.u32 s25, s5;
	v27 =	vld.idx.msk [tilespmem:v27+s3+$0x0], $0xffff;
	v28 =	vor.u32 v31, v28;
	[tilespmem:s7+$0x0] =	vst v35;
	v31 =	vand.u32 $0x7F, v34;
	v34 =	vadd.s32 v2, v36  }
0x16f: {  	v35 =	vand.u32 $0xFFFFFF80, v33;
	[tilespmem:s5+$0x0] =	vst v30;
	v30 =	vadd.s32 $0xD, v4;
	v36 =	vld.idx.msk [tilespmem:v10+s3+$0x0], $0xffff;
	v31 =	vor.u32 v31, v34;
	v10 =	vmovc v28  }
0x170: {  	v28 =	vand.u32 $0x7F, v33;
	v33 =	vadd.s32 v9, v35;
	v32 =	vld.idx.msk [tilespmem:v32+s3+$0x0], $0xffff;
	v34 =	vand.u32 $0xFFFFFF80, v30  }
0x171: {  	s5 =	sor.u32 $0x11980, s31;
	v28 =	vor.u32 v28, v33;
	v30 =	vand.u32 $0x7F, v30;
	v33 =	vadd.s32 v7, v34  }
0x172: {  	v35 =	vadd.s32 $0x1D, v25;
	s13 =	sor.u32 s1, s5;
	s5 =	sor.u32 s0, s5;
	v34 =	vadd.s32 $0x1C, v25;
	v30 =	vor.u32 v30, v33  }
0x173: {  	v37 =	vadd.s32 $0x1D, v1;
	v33 =	vand.u32 $0xFFFFFF80, v34;
	v34 =	vand.u32 $0x7F, v34;
	[tilespmem:s5+$0x0] =	vst v29  }
0x174: {  	s5 =	sor.u32 $0x10A00, s12;
	[tilespmem:s10+$0x0] =	vst v27;
	v27 =	vadd.s32 v9, v33;
	v33 =	vand.u32 $0xFFFFFF80, v35;
	v38 =	vld.idx.msk [tilespmem:v31+s3+$0x0], $0xffff;
	v31 =	vand.u32 $0xFFFFFF80, v37  }
0x175: {  	s10 =	sor.u32 s26, s5;
	s5 =	sor.u32 s25, s5;
	v26 =	vld.idx.msk [tilespmem:v26+s3+$0x0], $0xffff;
	v29 =	vor.u32 v34, v27;
	[tilespmem:s6+$0x0] =	vst v36;
	v27 =	vand.u32 $0x7F, v37;
	v34 =	vadd.s32 v2, v31  }
0x176: {  	v33 =	vadd.s32 v9, v33;
	[tilespmem:s5+$0x0] =	vst v32;
	v32 =	vadd.s32 $0xE, v4;
	v31 =	vld.idx.msk [tilespmem:v12+s3+$0x0], $0xffff;
	v36 =	vor.u32 v27, v34  }
.Ltmp2:
0x177: {  	v27 =	vand.u32 $0x7F, v35;
	v34 =	vadd.s32 $0x1E, v25;
	v12 =	vmovc v28;
	v35 =	vld.idx.msk [tilespmem:v30+s3+$0x0], $0xffff;
	v30 =	vand.u32 $0xFFFFFF80, v32;
	(pc) =	sbr.rel @p2 .LBB2_7-.Ltmp2, $4  }
0x178: {  	s5 =	sor.u32 $0x11A00, s31;
	v28 =	vor.u32 v27, v33;
	v27 =	vand.u32 $0x7F, v32;
	v30 =	vadd.s32 v7, v30  }
0x179: {  	v32 =	vand.u32 $0xFFFFFF80, v34;
	v33 =	vand.u32 $0x7F, v34;
	s7 =	sor.u32 s1, s5;
	s5 =	sor.u32 s0, s5;
	v34 =	vor.u32 v27, v30  }
0x17a: {  	v30 =	vadd.s32 v9, v32;
	v27 =	vadd.s32 $0x1F, v25;
	v32 =	vadd.s32 $0x1E, v1;
	[tilespmem:s5+$0x0] =	vst v38  }
0x17b: {  	s24 =	sadd.s32 $0x20, s24;
	s5 =	sor.u32 $0x10A80, s12;
	v25 =	vand.u32 $0xFFFFFF80, v27;
	[tilespmem:s10+$0x0] =	vst v26;
	v26 =	vor.u32 v33, v30;
	v30 =	vld.idx.msk [tilespmem:v36+s3+$0x0], $0xffff;
	v33 =	vand.u32 $0xFFFFFF80, v32  }
0x17c: {  	_ =	sdelay $0x3  }
0x17d: {  	v24 =	vld.idx.msk [tilespmem:v24+s3+$0x0], $0xffff;
	_ =	sdelay $0x2  }
0x17e: {  	s2 =	sor.u32 s25, s5;
	v36 =	vadd.s32 $0xF, v4  }
0x17f: {  	s4 =	sor.u32 s26, s5;
	[tilespmem:s2+$0x0] =	vst v35;
	v41 =	vand.u32 $0xFFFFFF80, v36  }
0x180: {  	v43 =	vand.u32 $0x7F, v36;
	v42 =	vld.idx.msk [tilespmem:v34+s3+$0x0], $0xffff;
	v35 =	vadd.s32 v7, v41;
	[tilespmem:s4+$0x0] =	vst v24  }
0x181: {  	v34 =	vor.u32 v43, v35;
	v23 =	vld.idx.msk [tilespmem:v23+s3+$0x0], $0xffff;
	_ =	sdelay $0x1  }
0x182: {  	s23 =	sor.u32 $0x10B00, s12  }
0x183: {  	v44 =	vadd.s32 $0x10, v4;
	s24 =	sor.u32 s25, s23  }
0x184: {  	s2 =	sor.u32 s26, s23;
	v45 =	vand.u32 $0xFFFFFF80, v44;
	[tilespmem:s24+$0x0] =	vst v42  }
0x185: {  	v35 =	vand.u32 $0x7F, v44;
	v24 =	vadd.s32 v7, v45;
	v34 =	vld.idx.msk [tilespmem:v34+s3+$0x0], $0xffff;
	[tilespmem:s2+$0x0] =	vst v23  }
0x186: {  	v46 =	vor.u32 v35, v24;
	v22 =	vld.idx.msk [tilespmem:v22+s3+$0x0], $0xffff;
	_ =	sdelay $0x1  }
0x187: {  	s4 =	sor.u32 $0x10B80, s12  }
0x188: {  	v47 =	vadd.s32 $0x11, v4;
	s5 =	sor.u32 s25, s4  }
0x189: {  	v48 =	vand.u32 $0xFFFFFF80, v47;
	s2 =	sor.u32 s26, s4;
	[tilespmem:s5+$0x0] =	vst v34  }
0x18a: {  	v24 =	vand.u32 $0x7F, v47;
	v34 =	vadd.s32 v7, v48;
	v23 =	vld.idx.msk [tilespmem:v46+s3+$0x0], $0xffff;
	[tilespmem:s2+$0x0] =	vst v22  }
0x18b: {  	v49 =	vor.u32 v24, v34;
	v21 =	vld.idx.msk [tilespmem:v21+s3+$0x0], $0xffff;
	_ =	sdelay $0x1  }
0x18c: {  	s6 =	sor.u32 $0x11000, s12  }
0x18d: {  	v50 =	vadd.s32 $0x12, v4;
	s10 =	sor.u32 s25, s6  }
0x18e: {  	v51 =	vand.u32 $0xFFFFFF80, v50;
	s2 =	sor.u32 s26, s6;
	[tilespmem:s10+$0x0] =	vst v23  }
0x18f: {  	v24 =	vand.u32 $0x7F, v50;
	v23 =	vadd.s32 v7, v51;
	v22 =	vld.idx.msk [tilespmem:v49+s3+$0x0], $0xffff;
	[tilespmem:s2+$0x0] =	vst v21  }
0x190: {  	v52 =	vor.u32 v24, v23;
	v20 =	vld.idx.msk [tilespmem:v20+s3+$0x0], $0xffff;
	_ =	sdelay $0x1  }
0x191: {  	s11 =	sor.u32 $0x11080, s12  }
0x192: {  	v53 =	vadd.s32 $0x13, v4;
	s15 =	sor.u32 s25, s11  }
0x193: {  	v54 =	vand.u32 $0xFFFFFF80, v53;
	s2 =	sor.u32 s26, s11;
	[tilespmem:s15+$0x0] =	vst v22  }
0x194: {  	v23 =	vand.u32 $0x7F, v53;
	v22 =	vadd.s32 v7, v54;
	v21 =	vld.idx.msk [tilespmem:v52+s3+$0x0], $0xffff;
	[tilespmem:s2+$0x0] =	vst v20  }
0x195: {  	v55 =	vor.u32 v23, v22;
	v19 =	vld.idx.msk [tilespmem:v19+s3+$0x0], $0xffff;
	_ =	sdelay $0x1  }
0x196: {  	s16 =	sor.u32 $0x11100, s12  }
0x197: {  	v56 =	vadd.s32 $0x14, v4;
	s17 =	sor.u32 s25, s16  }
0x198: {  	v57 =	vand.u32 $0xFFFFFF80, v56;
	s2 =	sor.u32 s26, s16;
	[tilespmem:s17+$0x0] =	vst v21  }
0x199: {  	v22 =	vand.u32 $0x7F, v56;
	v21 =	vadd.s32 v7, v57;
	v20 =	vld.idx.msk [tilespmem:v55+s3+$0x0], $0xffff;
	[tilespmem:s2+$0x0] =	vst v19  }
0x19a: {  	v58 =	vor.u32 v22, v21;
	v18 =	vld.idx.msk [tilespmem:v18+s3+$0x0], $0xffff;
	_ =	sdelay $0x1  }
0x19b: {  	s19 =	sor.u32 $0x11180, s12  }
0x19c: {  	v59 =	vadd.s32 $0x15, v4;
	s20 =	sor.u32 s25, s19  }
0x19d: {  	v60 =	vand.u32 $0xFFFFFF80, v59;
	s2 =	sor.u32 s26, s19;
	[tilespmem:s20+$0x0] =	vst v20  }
0x19e: {  	v21 =	vand.u32 $0x7F, v59;
	v20 =	vadd.s32 v7, v60;
	v19 =	vld.idx.msk [tilespmem:v58+s3+$0x0], $0xffff;
	[tilespmem:s2+$0x0] =	vst v18  }
0x19f: {  	v61 =	vor.u32 v21, v20;
	v17 =	vld.idx.msk [tilespmem:v17+s3+$0x0], $0xffff;
	_ =	sdelay $0x1  }
0x1a0: {  	s21 =	sor.u32 $0x11200, s12  }
0x1a1: {  	v62 =	vadd.s32 $0x16, v4;
	s22 =	sor.u32 s25, s21  }
0x1a2: {  	v63 =	vand.u32 $0xFFFFFF80, v62;
	s2 =	sor.u32 s26, s21;
	[tilespmem:s22+$0x0] =	vst v19  }
0x1a3: {  	v20 =	vand.u32 $0x7F, v62;
	v19 =	vadd.s32 v7, v63;
	v18 =	vld.idx.msk [tilespmem:v61+s3+$0x0], $0xffff;
	[tilespmem:s2+$0x0] =	vst v17  }
0x1a4: {  	v21 =	vor.u32 v20, v19;
	v16 =	vld.idx.msk [tilespmem:v16+s3+$0x0], $0xffff;
	_ =	sdelay $0x1  }
0x1a5: {  	s23 =	sor.u32 $0x11280, s12  }
0x1a6: {  	s24 =	sor.u32 s25, s23;
	v22 =	vadd.s32 $0x17, v4  }
0x1a7: {  	v23 =	vand.u32 $0xFFFFFF80, v22;
	s2 =	sor.u32 s26, s23;
	[tilespmem:s24+$0x0] =	vst v18  }
0x1a8: {  	v19 =	vand.u32 $0x7F, v22;
	v18 =	vadd.s32 v7, v23;
	v17 =	vld.idx.msk [tilespmem:v21+s3+$0x0], $0xffff;
	[tilespmem:s2+$0x0] =	vst v16  }
0x1a9: {  	v24 =	vor.u32 v19, v18;
	v15 =	vld.idx.msk [tilespmem:v15+s3+$0x0], $0xffff;
	_ =	sdelay $0x1  }
0x1aa: {  	s4 =	sor.u32 $0x11300, s12  }
0x1ab: {  	s5 =	sor.u32 s25, s4;
	v34 =	vadd.s32 $0x18, v4  }
0x1ac: {  	v35 =	vand.u32 $0xFFFFFF80, v34;
	s2 =	sor.u32 s26, s4;
	[tilespmem:s5+$0x0] =	vst v17  }
0x1ad: {  	v18 =	vand.u32 $0x7F, v34;
	v17 =	vadd.s32 v7, v35;
	v16 =	vld.idx.msk [tilespmem:v24+s3+$0x0], $0xffff;
	[tilespmem:s2+$0x0] =	vst v15  }
0x1ae: {  	v36 =	vor.u32 v18, v17;
	v14 =	vld.idx.msk [tilespmem:v14+s3+$0x0], $0xffff;
	_ =	sdelay $0x1  }
0x1af: {  	s6 =	sor.u32 $0x11380, s12  }
0x1b0: {  	v37 =	vadd.s32 $0x19, v4;
	s10 =	sor.u32 s25, s6  }
0x1b1: {  	v38 =	vand.u32 $0xFFFFFF80, v37;
	s2 =	sor.u32 s26, s6;
	[tilespmem:s10+$0x0] =	vst v16  }
0x1b2: {  	v17 =	vand.u32 $0x7F, v37;
	v16 =	vadd.s32 v7, v38;
	v15 =	vld.idx.msk [tilespmem:v36+s3+$0x0], $0xffff;
	[tilespmem:s2+$0x0] =	vst v14  }
0x1b3: {  	v39 =	vor.u32 v17, v16;
	v13 =	vld.idx.msk [tilespmem:v13+s3+$0x0], $0xffff;
	_ =	sdelay $0x1  }
0x1b4: {  	s11 =	sor.u32 $0x11800, s12  }
0x1b5: {  	v40 =	vadd.s32 $0x1A, v4;
	s15 =	sor.u32 s25, s11  }
0x1b6: {  	v41 =	vand.u32 $0xFFFFFF80, v40;
	s2 =	sor.u32 s26, s11;
	[tilespmem:s15+$0x0] =	vst v15  }
0x1b7: {  	v16 =	vand.u32 $0x7F, v40;
	v15 =	vadd.s32 v7, v41;
	v14 =	vld.idx.msk [tilespmem:v39+s3+$0x0], $0xffff;
	[tilespmem:s2+$0x0] =	vst v13  }
0x1b8: {  	v42 =	vor.u32 v16, v15;
	v11 =	vld.idx.msk [tilespmem:v11+s3+$0x0], $0xffff;
	_ =	sdelay $0x1  }
0x1b9: {  	s16 =	sor.u32 $0x11880, s12  }
0x1ba: {  	v43 =	vadd.s32 $0x1B, v4;
	s17 =	sor.u32 s25, s16  }
0x1bb: {  	v44 =	vand.u32 $0xFFFFFF80, v43;
	s2 =	sor.u32 s26, s16;
	[tilespmem:s17+$0x0] =	vst v14  }
0x1bc: {  	v15 =	vand.u32 $0x7F, v43;
	v14 =	vadd.s32 v7, v44;
	v13 =	vld.idx.msk [tilespmem:v42+s3+$0x0], $0xffff;
	[tilespmem:s2+$0x0] =	vst v11  }
0x1bd: {  	v45 =	vor.u32 v15, v14;
	v10 =	vld.idx.msk [tilespmem:v10+s3+$0x0], $0xffff;
	_ =	sdelay $0x1  }
0x1be: {  	s19 =	sor.u32 $0x11900, s12  }
0x1bf: {  	v46 =	vadd.s32 $0x1C, v4;
	s20 =	sor.u32 s25, s19  }
0x1c0: {  	v47 =	vand.u32 $0xFFFFFF80, v46;
	s2 =	sor.u32 s26, s19;
	[tilespmem:s20+$0x0] =	vst v13  }
0x1c1: {  	v14 =	vand.u32 $0x7F, v46;
	v13 =	vadd.s32 v7, v47;
	v11 =	vld.idx.msk [tilespmem:v45+s3+$0x0], $0xffff;
	[tilespmem:s2+$0x0] =	vst v10  }
0x1c2: {  	v48 =	vor.u32 v14, v13;
	v12 =	vld.idx.msk [tilespmem:v12+s3+$0x0], $0xffff  }
0x1c3: {  	[tilespmem:s13+$0x0] =	vst v31  }
0x1c4: {  	v8 =	vld.idx.msk [tilespmem:v8+s3+$0x0], $0xffff;
	s21 =	sor.u32 $0x11980, s12  }
0x1c5: {  	v49 =	vadd.s32 $0x1D, v4;
	s22 =	sor.u32 s25, s21  }
0x1c6: {  	v50 =	vand.u32 $0xFFFFFF80, v49;
	s2 =	sor.u32 s26, s21;
	[tilespmem:s22+$0x0] =	vst v11  }
0x1c7: {  	v13 =	vand.u32 $0x7F, v49;
	v11 =	vadd.s32 v7, v50;
	v10 =	vld.idx.msk [tilespmem:v48+s3+$0x0], $0xffff;
	[tilespmem:s2+$0x0] =	vst v12  }
0x1c8: {  	v11 =	vor.u32 v13, v11;
	v12 =	vld.idx.msk [tilespmem:v29+s3+$0x0], $0xffff  }
0x1c9: {  	[tilespmem:s7+$0x0] =	vst v8;
	v51 =	vand.u32 $0x7F, v32;
	v52 =	vadd.s32 v2, v33  }
0x1ca: {  	v6 =	vld.idx.msk [tilespmem:v6+s3+$0x0], $0xffff;
	s23 =	sor.u32 $0x11A00, s12;
	v13 =	vor.u32 v51, v52  }
0x1cb: {  	v53 =	vadd.s32 $0x1E, v4;
	s24 =	sor.u32 s25, s23  }
0x1cc: {  	v54 =	vand.u32 $0xFFFFFF80, v53;
	s5 =	sor.u32 $0x11A80, s31;
	s2 =	sor.u32 s26, s23;
	[tilespmem:s24+$0x0] =	vst v10  }
0x1cd: {  	v1 =	vadd.s32 $0x1F, v1;
	v8 =	vand.u32 $0x7F, v53;
	s6 =	sor.u32 s0, s5;
	v10 =	vadd.s32 v7, v54;
	v11 =	vld.idx.msk [tilespmem:v11+s3+$0x0], $0xffff;
	[tilespmem:s2+$0x0] =	vst v12  }
0x1ce: {  	v56 =	vand.u32 $0xFFFFFF80, v1;
	[tilespmem:s6+$0x0] =	vst v30;
	v8 =	vor.u32 v8, v10;
	s2 =	sor.u32 s1, s5;
	v55 =	vld.idx.msk [tilespmem:v28+s3+$0x0], $0xffff  }
0x1cf: {  	v1 =	vand.u32 $0x7F, v1;
	v2 =	vadd.s32 v2, v56;
	v13 =	vld.idx.msk [tilespmem:v13+s3+$0x0], $0xffff;
	[tilespmem:s2+$0x0] =	vst v6  }
0x1d0: {  	s7 =	sor.u32 $0x11A80, s12;
	v1 =	vor.u32 v1, v2;
	v2 =	vld.idx.msk [tilespmem:v5+s3+$0x0], $0xffff  }
0x1d1: {  	v57 =	vadd.s32 $0x1F, v4;
	s10 =	sor.u32 s25, s7  }
0x1d2: {  	v58 =	vand.u32 $0xFFFFFF80, v57;
	s4 =	sor.u32 s26, s7;
	s11 =	sor.u32 $0x11B00, s31;
	[tilespmem:s10+$0x0] =	vst v11  }
0x1d3: {  	v4 =	vand.u32 $0x7F, v57;
	s13 =	sor.u32 s0, s11;
	v5 =	vadd.s32 v7, v58;
	v59 =	vld.idx.msk [tilespmem:v8+s3+$0x0], $0xffff;
	[tilespmem:s4+$0x0] =	vst v55  }
0x1d4: {  	v60 =	vadd.s32 v9, v25;
	v61 =	vand.u32 $0x7F, v27;
	[tilespmem:s13+$0x0] =	vst v13;
	v4 =	vor.u32 v4, v5;
	s4 =	sor.u32 s1, s11;
	v62 =	vld.idx.msk [tilespmem:v26+s3+$0x0], $0xffff  }
0x1d5: {  	s2 =	sshll.u32 s29, $0x6;
	v7 =	vor.u32 v61, v60;
	v1 =	vld.idx.msk [tilespmem:v1+s3+$0x0], $0xffff;
	s6 =	rddreg [dreg:$0x5];
	[tilespmem:s4+$0x0] =	vst v2  }
0x1d6: {  	s15 =	sor.u32 $0x11B00, s12;
	s6 =	sor.u32 s6, s2;
	v2 =	vld.idx.msk [tilespmem:v3+s3+$0x0], $0xffff  }
0x1d7: {  	s16 =	sor.u32 s25, s15;
	p2 =	seq.s32 s6, $0x0  }
0x1d8: {  	s17 =	sor.u32 $0x11B80, s31;
	s5 =	sor.u32 s26, s15;
	[tilespmem:s16+$0x0] =	vst v59;
	p2 =	por !p0, !p2  }
0x1d9: {  	s19 =	sor.u32 s0, s17;
	s4 =	simm.s32 $0x1;
	v3 =	vld.idx.msk [tilespmem:v4+s3+$0x0], $0xffff;
	p2 =	por !p2, !p2;
	[tilespmem:s5+$0x0] =	vst v62  }
0x1da: {  	s20 =	sor.u32 s1, s17;
	[tilespmem:s19+$0x0] =	vst v1;
	s6 =	sshrl.u32 s6, $0x4;
	s4 =	simm.s32 @!p2 $0x0;
	v63 =	vld.idx.msk [tilespmem:v7+s3+$0x0], $0xffff  }
0x1db: {  	s21 =	sor.u32 $0x11B80, s12;
	p2 =	sne.s32 s29, $0x31;
	s4 =	ssub.s32 s6, s4;
	[tilespmem:s20+$0x0] =	vst v2  }
.Ltmp3:
0x1dc: {  	s4 =	sshll.u32 s4, $0x11;
	s23 =	rddreg [dreg:$0x8];
	(pc) =	sbr.rel @p2 .LBB2_10-.Ltmp3, $4  }
0x1dd: {  	s22 =	sor.u32 s25, s21;
	s4 =	sor.u32 s23, s4  }
0x1de: {  	s0 =	sor.u32 s26, s21;
	s25 =	rddreg [dreg:$0x2];
	[tilespmem:s22+$0x0] =	vst v3;
	s24 =	sshrl.u32 s4, $0x3  }
0x1df: {  	s31 =	simm.s32 $0x10000;
	s26 =	simm.s32 $0x800;
	[tilespmem:s0+$0x0] =	vst v63;
	s0 =	sadd.s32 s25, s24  }
0x1e0: {  	[hbm4b:s0+s26] =	stream.strided.scatter [tilespmem:s31], [sflag:$0x3], $0x2000, s18, s26, $0x38;
	[tilespmem:$0x14C00] =	vst v63  }
.Ltmp4:
0x1e1: {  	(pc) =	sbr.rel .LBB2_13-.Ltmp4, $4  }
0x1e2: {  	s0 =	simm.s32 $0x2  }
0x1e3: {  	_ =	swait.ge [sflag:s0], $0x8000  }
0x1e4: {  	[sflag:s0] =	ssyncset.done $0x0  }
0x1e5: {  	[sflag:s0] =	ssyncadd.s32 $0xFFFF8000  }
.LBB2_10:
0x1e6: {  	s0 =	sadd.s32 $0x40, s2;
	s22 =	rddreg [dreg:$0x4]  }
0x1e7: {  	s4 =	simm.s32 $0x0;
	s1 =	sshll.u32 s0, $0x5;
	s0 =	sor.u32 s22, s0  }
0x1e8: {  	s23 =	simm.s32 $0x14000;
	s1 =	sand.u32 $0x3F000, s1;
	s0 =	sshll.u32 s0, $0x3  }
0x1e9: {  	s24 =	sand.u32 $0x1000, s4;
	s1 =	sadd.s32 s1, s8;
	s0 =	sand.u32 $0x280, s0  }
0x1ea: {  	[tilespmem:s23], [sflag:$0x5] =	stream.linear.gather [hbm4b:s1+s4], $0x800, $0x38;
	[tilespmem:$0x14C00] =	vst v63  }
0x1eb: {  	s0 =	sor.u32 $0x14000, s0;
	s1 =	sshrl.u32 s24, $0x2;
	_ =	swait.ge [sflag:s14], $0x800  }
0x1ec: {  	s25 =	sand.u32 $0x60, s4;
	s1 =	sadd.s32 s1, s0;
	[sflag:s14] =	ssyncset.done $0x0  }
0x1ed: {  	s6 =	sor.u32 $0x10, s25;
	s2 =	sadd.s32 s25, s1;
	[sflag:s14] =	ssyncadd.s32 $0xFFFFF800  }
0x1ee: {  	s5 =	sadd.s32 s6, s1;
	v1 =	vld [tilespmem:s2+$0x0]  }
0x1ef: {  	s7 =	simm.s32 $0x20;
	v4 =	vld [tilespmem:s5+$0x0];
	s2 =	simm.s32 $0x400  }
0x1f0: {  	s31 =	sand.u32 $0x60, s7;
	s15 =	sand.u32 $0x80, s7;
	s10 =	sand.u32 $0x1000, s2  }
0x1f1: {  	s11 =	sor.u32 $0x10, s31;
	s4 =	sand.u32 $0x80, s4;
	s26 =	sshrl.u32 s10, $0x2  }
0x1f2: {  	s12 =	sor.u32 s4, s6;
	s1 =	simm.s32 $0x14800;
	s4 =	sadd.s32 s26, s0  }
0x1f3: {  	s5 =	simm.s32 $0x14A00;
	s10 =	simm.s32 $0x2;
	s6 =	sadd.s32 s31, s4;
	v2 =	vshra.s32 v1, $0x2;
	v3 =	vshll.u32 v1, $0x5  }
0x1f4: {  	s13 =	sadd.s32 s11, s4;
	s4 =	sor.u32 s15, s11;
	s11 =	simm.s32 $0x14A20;
	v1 =	vld [tilespmem:s6+$0x0];
	[tilespmem:s1+$0x0] =	vst v2;
	v3 =	vand.u32 $0x60, v3;
	v2 =	vshra.s32 v4, $0x2;
	v4 =	vshll.u32 v4, $0x5  }
.LBB2_11:
0x1f5: {  	s10 =	sadd.s32 $0x2, s10;
	s2 =	sadd.s32 $0x400, s2  }
0x1f6: {  	v5 =	vld [tilespmem:s13+$0x0];
	[tilespmem:s5+$0x0] =	vst v3;
	v3 =	vand.u32 $0x60, v4;
	s1 =	sadd.s32 $0x20, s1;
	s5 =	smov.u32 s11;
	p2 =	slt.u32 s10, $0xE  }
.Ltmp5:
0x1f7: {  	s7 =	sadd.s32 $0x20, s7;
	s6 =	sand.u32 $0x1000, s2;
	[tilespmem:s12+$0x14A00] =	vst v3;
	(pc) =	sbr.rel @p2 .LBB2_11-.Ltmp5, $4  }
0x1f8: {  	s13 =	sand.u32 $0x60, s7;
	s6 =	sshrl.u32 s6, $0x2;
	[tilespmem:s12+$0x14800] =	vst v2  }
0x1f9: {  	s15 =	sand.u32 $0x80, s7;
	s12 =	sor.u32 $0x10, s13;
	s6 =	sadd.s32 s6, s0  }
0x1fa: {  	s16 =	sadd.s32 s13, s6;
	s13 =	sadd.s32 s12, s6;
	s6 =	sor.u32 s15, s12;
	v2 =	vshra.s32 v1, $0x2;
	v3 =	vshll.u32 v1, $0x5  }
0x1fb: {  	s11 =	sadd.s32 $0x20, s11;
	s12 =	smov.u32 s4;
	v1 =	vld [tilespmem:s16+$0x0];
	[tilespmem:s1+$0x0] =	vst v2;
	v3 =	vand.u32 $0x60, v3;
	v2 =	vshra.s32 v5, $0x2;
	v4 =	vshll.u32 v5, $0x5;
	s4 =	smov.u32 s6  }
0x1fc: {  	v5 =	vld [tilespmem:s13+$0x0];
	_ =	sdelay $0x1  }
0x1fd: {  	[tilespmem:s5+$0x0] =	vst v3  }
0x1fe: {  	v3 =	vand.u32 $0x60, v4;
	[tilespmem:s12+$0x14800] =	vst v2  }
0x1ff: {  	s0 =	sadd.s32 $0x20, s1;
	[tilespmem:s12+$0x14A00] =	vst v3;
	v2 =	vshra.s32 v1, $0x2;
	v1 =	vshll.u32 v1, $0x5  }
0x200: {  	[tilespmem:s0+$0x0] =	vst v2;
	v1 =	vand.u32 $0x60, v1;
	v2 =	vshll.u32 v5, $0x5  }
0x201: {  	[tilespmem:s11+$0x0] =	vst v1;
	v1 =	vand.u32 $0x60, v2  }
0x202: {  	v2 =	vshra.s32 v5, $0x2;
	[tilespmem:s4+$0x14A00] =	vst v1  }
0x203: {  	s26 =	simm.s32 $0x100;
	s2 =	simm.s32 $0x14800;
	[tilespmem:s4+$0x14800] =	vst v2  }
.Ltmp6:
0x204: {  	s31 =	simm.s32 $0x2;
	s0 =	rddreg [dreg:$0x6];
	(pc) =	sbr.rel @p1 .LBB2_14-.Ltmp6, $4  }
0x205: {  	[tilespmem:s3], [sflag:$0x1] =	stream.indirect.gather [hbm4b:s0+s26], $0x80, s2, s26, $0xb8;
	[tilespmem:$0x14C00] =	vst v63  }
0x206: {  	_ =	swait.ge [sflag:s31], $0x8000  }
0x207: {  	[sflag:s31] =	ssyncset.done $0x0  }
0x208: {  	[sflag:s31] =	ssyncadd.s32 $0xFFFF8000  }
.LBB2_13:
0x209: {  	s0 =	simm.s32 $0x4  }
0x20a: {  	_ =	swait.ge [sflag:s0], $0x2000  }
0x20b: {  	[sflag:s0] =	ssyncset.done $0x0  }
0x20c: {  	[sflag:s0] =	ssyncadd.s32 $0xFFFFE000  }
.LBB2_14:
0x20d: {  	s0 =	simm.s32 $0x14B10  }
0x20e: {  	v1 =	vld [tilespmem:s0+$0x0];
	_ =	sdelay $0x1  }
0x20f: {  	s4 =	simm.s32 $0x10  }
0x210: {  	s2 =	simm.s32 $0x0;
	v3 =	vld [tilespmem:s0+$0xFFFFFFF0];
	v2 =	vmov s4  }
0x211: {  	v4 =	vmov s2;
	v2 =	vshll.u32 v2, $0x7  }
0x212: {  	v4 =	vshll.u32 v4, $0x7;
	v2 =	vor.u32 v0, v2;
	v5 =	vand.u32 $0xFFFFFF80, v1  }
0x213: {  	v7 =	vor.u32 v0, v4;
	v6 =	vand.u32 $0x7F, v1;
	v4 =	vadd.s32 v2, v5  }
0x214: {  	v4 =	vor.u32 v6, v4  }
0x215: {  	v8 =	vand.u32 $0xFFFFFF80, v3;
	v9 =	vadd.s32 $0x2, v3  }
0x216: {  	v5 =	vand.u32 $0x7F, v3;
	v8 =	vadd.s32 v7, v8;
	v12 =	vand.u32 $0xFFFFFF80, v9  }
0x217: {  	v5 =	vor.u32 v5, v8;
	v6 =	vadd.s32 $0x1, v1;
	v8 =	vadd.s32 $0x1, v3  }
0x218: {  	v9 =	vand.u32 $0x7F, v9;
	v10 =	vand.u32 $0xFFFFFF80, v6;
	v11 =	vand.u32 $0xFFFFFF80, v8  }
0x219: {  	v6 =	vand.u32 $0x7F, v6;
	v8 =	vand.u32 $0x7F, v8;
	v10 =	vadd.s32 v2, v10;
	v4 =	vld.idx.msk [tilespmem:v4+s18+$0x0], $0xffff  }
0x21a: {  	v11 =	vadd.s32 v7, v11;
	v6 =	vor.u32 v6, v10;
	v10 =	vadd.s32 v7, v12  }
0x21b: {  	s0 =	sand.u32 $0x400, s2;
	v11 =	vor.u32 v8, v11;
	v8 =	vadd.s32 $0x3, v3;
	v9 =	vor.u32 v9, v10  }
0x21c: {  	s31 =	sand.u32 $0x70, s4;
	s5 =	sor.u32 $0x12000, s0;
	v10 =	vadd.s32 $0x2, v1;
	v12 =	vand.u32 $0xFFFFFF80, v8;
	v8 =	vand.u32 $0x7F, v8  }
0x21d: {  	s7 =	sor.u32 s31, s5;
	v13 =	vand.u32 $0xFFFFFF80, v10;
	v12 =	vadd.s32 v7, v12;
	v10 =	vand.u32 $0x7F, v10  }
0x21e: {  	v13 =	vadd.s32 v2, v13;
	v12 =	vor.u32 v8, v12;
	v8 =	vadd.s32 $0x4, v3;
	[tilespmem:s7+$0x0] =	vst v4  }
0x21f: {  	v14 =	vadd.s32 $0x5, v3;
	v13 =	vor.u32 v10, v13;
	v10 =	vand.u32 $0xFFFFFF80, v8;
	v6 =	vld.idx.msk [tilespmem:v6+s18+$0x0], $0xffff  }
0x220: {  	v4 =	vand.u32 $0x7F, v8;
	v8 =	vadd.s32 v7, v10;
	v10 =	vand.u32 $0xFFFFFF80, v14  }
0x221: {  	v15 =	vadd.s32 $0x3, v1;
	v14 =	vand.u32 $0x7F, v14;
	v10 =	vadd.s32 v7, v10  }
0x222: {  	v5 =	vld.idx.msk [tilespmem:v5+s18+$0x0], $0xffff;
	v16 =	vor.u32 v4, v8;
	v4 =	vand.u32 $0xFFFFFF80, v15;
	v8 =	vand.u32 $0x7F, v15  }
0x223: {  	v14 =	vor.u32 v14, v10;
	v4 =	vadd.s32 v2, v4;
	v10 =	vadd.s32 $0x6, v3  }
0x224: {  	v15 =	vadd.s32 $0x7, v3;
	v17 =	vor.u32 v8, v4;
	v4 =	vand.u32 $0xFFFFFF80, v10;
	[tilespmem:s7+$0x80] =	vst v6  }
0x225: {  	s1 =	sand.u32 $0x60, s2;
	v18 =	vand.u32 $0xFFFFFF80, v15;
	v8 =	vand.u32 $0x7F, v10;
	v4 =	vadd.s32 v7, v4;
	v13 =	vld.idx.msk [tilespmem:v13+s18+$0x0], $0xffff  }
0x226: {  	s5 =	sor.u32 s1, s5;
	v10 =	vor.u32 v8, v4;
	v4 =	vadd.s32 v7, v18;
	v8 =	vand.u32 $0x7F, v15  }
0x227: {  	[tilespmem:s5+$0x0] =	vst v5;
	v15 =	vadd.s32 $0x8, v3;
	v6 =	vadd.s32 $0x4, v1;
	v8 =	vor.u32 v8, v4  }
0x228: {  	v11 =	vld.idx.msk [tilespmem:v11+s18+$0x0], $0xffff;
	v5 =	vand.u32 $0xFFFFFF80, v15;
	v15 =	vand.u32 $0x7F, v15;
	v18 =	vand.u32 $0xFFFFFF80, v6  }
0x229: {  	v4 =	vand.u32 $0x7F, v6;
	v6 =	vadd.s32 v2, v18;
	v18 =	vadd.s32 $0x9, v3  }
0x22a: {  	v19 =	vor.u32 v4, v6;
	v4 =	vadd.s32 v7, v5;
	v5 =	vand.u32 $0xFFFFFF80, v18;
	[tilespmem:s7+$0x100] =	vst v13  }
0x22b: {  	v6 =	vor.u32 v15, v4;
	v4 =	vadd.s32 v7, v5;
	v5 =	vand.u32 $0x7F, v18;
	v15 =	vld.idx.msk [tilespmem:v17+s18+$0x0], $0xffff  }
0x22c: {  	v4 =	vor.u32 v5, v4;
	v5 =	vadd.s32 $0xA, v3;
	v13 =	vadd.s32 $0x5, v1  }
0x22d: {  	v20 =	vadd.s32 $0xB, v3;
	[tilespmem:s5+$0x80] =	vst v11;
	v18 =	vand.u32 $0xFFFFFF80, v5;
	v17 =	vand.u32 $0xFFFFFF80, v13  }
0x22e: {  	v13 =	vand.u32 $0x7F, v13;
	v11 =	vadd.s32 v7, v18;
	v18 =	vld.idx.msk [tilespmem:v9+s18+$0x0], $0xffff;
	v17 =	vadd.s32 v2, v17  }
0x22f: {  	v5 =	vand.u32 $0x7F, v5;
	v13 =	vor.u32 v13, v17;
	v17 =	vand.u32 $0xFFFFFF80, v20  }
0x230: {  	v9 =	vand.u32 $0x7F, v20;
	v5 =	vor.u32 v5, v11;
	v11 =	vadd.s32 v7, v17;
	[tilespmem:s7+$0x180] =	vst v15  }
0x231: {  	v17 =	vadd.s32 $0xC, v3;
	v9 =	vor.u32 v9, v11;
	v11 =	vadd.s32 $0x6, v1;
	v19 =	vld.idx.msk [tilespmem:v19+s18+$0x0], $0xffff  }
0x232: {  	v21 =	vand.u32 $0xFFFFFF80, v17;
	v17 =	vand.u32 $0x7F, v17;
	v20 =	vand.u32 $0xFFFFFF80, v11  }
0x233: {  	v15 =	vadd.s32 $0xD, v3;
	v11 =	vand.u32 $0x7F, v11;
	[tilespmem:s5+$0x100] =	vst v18;
	v20 =	vadd.s32 v2, v20  }
0x234: {  	v21 =	vadd.s32 v7, v21;
	v12 =	vld.idx.msk [tilespmem:v12+s18+$0x0], $0xffff;
	v11 =	vor.u32 v11, v20;
	v20 =	vand.u32 $0xFFFFFF80, v15  }
0x235: {  	v23 =	vor.u32 v17, v21;
	v15 =	vand.u32 $0x7F, v15;
	v17 =	vadd.s32 v7, v20  }
0x236: {  	v22 =	vor.u32 v15, v17;
	v15 =	vadd.s32 $0xE, v3;
	v17 =	vadd.s32 $0x7, v1;
	[tilespmem:s7+$0x200] =	vst v19  }
0x237: {  	v18 =	vand.u32 $0xFFFFFF80, v15;
	v15 =	vand.u32 $0x7F, v15;
	v20 =	vand.u32 $0xFFFFFF80, v17;
	v13 =	vld.idx.msk [tilespmem:v13+s18+$0x0], $0xffff  }
0x238: {  	v17 =	vand.u32 $0x7F, v17;
	v18 =	vadd.s32 v7, v18;
	v19 =	vadd.s32 $0xF, v3  }
0x239: {  	v20 =	vadd.s32 v2, v20;
	[tilespmem:s5+$0x180] =	vst v12;
	v21 =	vor.u32 v15, v18;
	v15 =	vand.u32 $0xFFFFFF80, v19  }
0x23a: {  	v18 =	vand.u32 $0x7F, v19;
	v19 =	vadd.s32 $0x10, v3;
	v16 =	vld.idx.msk [tilespmem:v16+s18+$0x0], $0xffff;
	v15 =	vadd.s32 v7, v15  }
0x23b: {  	v12 =	vor.u32 v17, v20;
	v20 =	vor.u32 v18, v15;
	v15 =	vand.u32 $0xFFFFFF80, v19  }
0x23c: {  	v17 =	vadd.s32 $0x8, v1;
	v18 =	vand.u32 $0x7F, v19;
	v15 =	vadd.s32 v7, v15;
	[tilespmem:s7+$0x280] =	vst v13  }
0x23d: {  	s6 =	sand.u32 $0x7, s2;
	v24 =	vand.u32 $0xFFFFFF80, v17;
	v19 =	vor.u32 v18, v15;
	v15 =	vadd.s32 $0x11, v3;
	v11 =	vld.idx.msk [tilespmem:v11+s18+$0x0], $0xffff  }
0x23e: {  	s6 =	sshll.u32 s6, $0x4;
	v13 =	vand.u32 $0x7F, v17;
	v17 =	vadd.s32 v2, v24;
	v18 =	vand.u32 $0xFFFFFF80, v15  }
0x23f: {  	s6 =	sadd.s32 $0x0, s6;
	v24 =	vadd.s32 $0x12, v3;
	v15 =	vand.u32 $0x7F, v15;
	[tilespmem:s5+$0x200] =	vst v16;
	v16 =	vadd.s32 $0x9, v1  }
0x240: {  	s6 =	sadd.s32 $0x10, s6;
	v18 =	vadd.s32 v7, v18;
	v13 =	vor.u32 v13, v17;
	v17 =	vand.u32 $0xFFFFFF80, v24  }
0x241: {  	s6 =	sor.u32 $0x300, s6;
	v14 =	vld.idx.msk [tilespmem:v14+s18+$0x0], $0xffff;
	v18 =	vor.u32 v15, v18;
	v15 =	vadd.s32 v7, v17;
	v17 =	vand.u32 $0x7F, v24  }
0x242: {  	v25 =	vand.u32 $0xFFFFFF80, v16;
	v24 =	vadd.s32 $0x13, v3;
	v17 =	vor.u32 v17, v15;
	[tilespmem:s6+$0x12000] =	vst v11  }
0x243: {  	v15 =	vand.u32 $0x7F, v16;
	v16 =	vadd.s32 v2, v25;
	v25 =	vand.u32 $0xFFFFFF80, v24;
	v12 =	vld.idx.msk [tilespmem:v12+s18+$0x0], $0xffff  }
0x244: {  	v11 =	vand.u32 $0x7F, v24;
	v24 =	vadd.s32 v7, v25;
	v25 =	vadd.s32 $0x14, v3  }
0x245: {  	v26 =	vor.u32 v15, v16;
	v16 =	vor.u32 v11, v24;
	v11 =	vand.u32 $0xFFFFFF80, v25  }
0x246: {  	s4 =	sor.u32 s4, s2;
	v27 =	vadd.s32 $0x16, v3;
	[tilespmem:s5+$0x280] =	vst v14;
	v15 =	vand.u32 $0x7F, v25;
	v11 =	vadd.s32 v7, v11  }
0x247: {  	s4 =	sor.u32 $0x380, s4;
	v30 =	vadd.s32 $0x1A, v3;
	v10 =	vld.idx.msk [tilespmem:v10+s18+$0x0], $0xffff;
	v15 =	vor.u32 v15, v11;
	v11 =	vadd.s32 $0x15, v3  }
0x248: {  	v40 =	vadd.s32 $0x10, v1;
	v28 =	vand.u32 $0xFFFFFF80, v27;
	s6 =	sand.u32 $0x3, s2;
	v25 =	vand.u32 $0xFFFFFF80, v11;
	[tilespmem:s4+$0x12000] =	vst v12  }
0x249: {  	s5 =	sshll.u32 s6, $0x5;
	v12 =	vadd.s32 v7, v25;
	v25 =	vand.u32 $0x7F, v27;
	v27 =	vadd.s32 v7, v28;
	v28 =	vld.idx.msk [tilespmem:v13+s18+$0x0], $0xffff  }
0x24a: {  	v47 =	vadd.s32 $0x11, v1;
	v59 =	vadd.s32 $0x12, v1;
	v24 =	vadd.s32 $0xA, v1;
	s7 =	sadd.s32 $0x0, s5  }
0x24b: {  	v41 =	vand.u32 $0x7F, v40;
	v49 =	vand.u32 $0xFFFFFF80, v47;
	v14 =	vand.u32 $0xFFFFFF80, v24;
	s4 =	sor.u32 $0x300, s7  }
0x24c: {  	s10 =	sor.u32 $0x12800, s0;
	v50 =	vand.u32 $0x7F, v47;
	v24 =	vand.u32 $0x7F, v24;
	v14 =	vadd.s32 v2, v14;
	[tilespmem:s4+$0x12000] =	vst v10  }
0x24d: {  	s11 =	sor.u32 s31, s10;
	v51 =	vadd.s32 v2, v49;
	v11 =	vand.u32 $0x7F, v11;
	v24 =	vor.u32 v24, v14;
	v8 =	vld.idx.msk [tilespmem:v8+s18+$0x0], $0xffff  }
0x24e: {  	v14 =	vor.u32 v11, v12;
	v13 =	vor.u32 v25, v27;
	v11 =	vadd.s32 $0xB, v1;
	[tilespmem:s11+$0x0] =	vst v28  }
0x24f: {  	v12 =	vadd.s32 $0x17, v3;
	v25 =	vadd.s32 $0x18, v3;
	v10 =	vand.u32 $0xFFFFFF80, v11;
	v26 =	vld.idx.msk [tilespmem:v26+s18+$0x0], $0xffff  }
0x250: {  	s2 =	sor.u32 s2, s2;
	v27 =	vand.u32 $0xFFFFFF80, v12;
	v11 =	vand.u32 $0x7F, v11;
	v10 =	vadd.s32 v2, v10  }
0x251: {  	s2 =	sor.u32 $0x380, s2;
	v12 =	vand.u32 $0x7F, v12;
	v29 =	vor.u32 v11, v10;
	v10 =	vand.u32 $0xFFFFFF80, v25  }
0x252: {  	s12 =	sor.u32 $0x12880, s0;
	v27 =	vadd.s32 v7, v27;
	v11 =	vand.u32 $0x7F, v25;
	v10 =	vadd.s32 v7, v10;
	[tilespmem:s2+$0x12000] =	vst v8  }
0x253: {  	s13 =	sor.u32 s31, s12;
	v25 =	vadd.s32 $0x19, v3;
	v11 =	vor.u32 v11, v10;
	v10 =	vadd.s32 $0xC, v1;
	v6 =	vld.idx.msk [tilespmem:v6+s18+$0x0], $0xffff  }
0x254: {  	v12 =	vor.u32 v12, v27;
	v27 =	vand.u32 $0xFFFFFF80, v25;
	v28 =	vand.u32 $0xFFFFFF80, v10;
	[tilespmem:s13+$0x0] =	vst v26  }
0x255: {  	v25 =	vand.u32 $0x7F, v25;
	v8 =	vand.u32 $0x7F, v10;
	v28 =	vadd.s32 v2, v28;
	v24 =	vld.idx.msk [tilespmem:v24+s18+$0x0], $0xffff  }
0x256: {  	v27 =	vadd.s32 v7, v27;
	v28 =	vor.u32 v8, v28;
	v8 =	vand.u32 $0xFFFFFF80, v30  }
0x257: {  	s4 =	sor.u32 s1, s10;
	v10 =	vor.u32 v25, v27;
	v25 =	vand.u32 $0x7F, v30;
	v8 =	vadd.s32 v7, v8  }
0x258: {  	s15 =	sor.u32 $0x12900, s0;
	v27 =	vadd.s32 $0x1B, v3;
	v30 =	vadd.s32 $0xD, v1;
	v26 =	vor.u32 v25, v8;
	[tilespmem:s4+$0x0] =	vst v6  }
0x259: {  	s17 =	sor.u32 s31, s15;
	v8 =	vand.u32 $0xFFFFFF80, v27;
	v25 =	vand.u32 $0x7F, v27;
	v27 =	vand.u32 $0xFFFFFF80, v30;
	v4 =	vld.idx.msk [tilespmem:v4+s18+$0x0], $0xffff  }
0x25a: {  	v8 =	vadd.s32 v7, v8;
	v6 =	vadd.s32 v2, v27;
	v27 =	vadd.s32 $0x1D, v3;
	[tilespmem:s17+$0x0] =	vst v24  }
0x25b: {  	v25 =	vor.u32 v25, v8;
	v8 =	vand.u32 $0x7F, v30;
	v30 =	vadd.s32 $0x1C, v3;
	v29 =	vld.idx.msk [tilespmem:v29+s18+$0x0], $0xffff  }
0x25c: {  	v39 =	vor.u32 v50, v51;
	v32 =	vand.u32 $0xFFFFFF80, v27;
	v31 =	vand.u32 $0xFFFFFF80, v30  }
0x25d: {  	s2 =	sor.u32 s1, s12;
	v27 =	vand.u32 $0x7F, v27;
	v30 =	vand.u32 $0x7F, v30;
	v31 =	vadd.s32 v7, v31  }
0x25e: {  	s20 =	sor.u32 $0x12980, s0;
	v33 =	vor.u32 v8, v6;
	v6 =	vadd.s32 v7, v32;
	v8 =	vor.u32 v30, v31;
	[tilespmem:s2+$0x0] =	vst v4  }
0x25f: {  	s19 =	simm.s32 $0x14B30;
	s21 =	sor.u32 s31, s20;
	v30 =	vadd.s32 $0x1E, v3;
	v3 =	vadd.s32 $0x1F, v3;
	v24 =	vadd.s32 $0xE, v1;
	v34 =	vld.idx.msk [tilespmem:v5+s18+$0x0], $0xffff  }
0x260: {  	v6 =	vor.u32 v27, v6;
	v60 =	vand.u32 $0xFFFFFF80, v3;
	v31 =	vand.u32 $0xFFFFFF80, v24;
	v4 =	vld [tilespmem:s19+$0x0];
	[tilespmem:s21+$0x0] =	vst v29  }
0x261: {  	v3 =	vand.u32 $0x7F, v3;
	v27 =	vadd.s32 v2, v31;
	v31 =	vand.u32 $0xFFFFFF80, v30;
	v28 =	vld.idx.msk [tilespmem:v28+s18+$0x0], $0xffff  }
0x262: {  	v24 =	vand.u32 $0x7F, v24;
	v30 =	vand.u32 $0x7F, v30;
	v31 =	vadd.s32 v7, v31  }
0x263: {  	s16 =	simm.s32 $0x20;
	s4 =	sor.u32 s1, s15;
	v24 =	vor.u32 v24, v27;
	v7 =	vadd.s32 v7, v60;
	v5 =	vor.u32 v30, v31  }
0x264: {  	s22 =	sor.u32 $0x12A00, s0;
	s13 =	simm.s32 $0x30;
	v30 =	vadd.s32 $0xF, v1;
	v31 =	vmov s16;
	v3 =	vor.u32 v3, v7;
	[tilespmem:s4+$0x0] =	vst v34  }
0x265: {  	s23 =	sor.u32 s31, s22;
	v7 =	vand.u32 $0xFFFFFF80, v30;
	v30 =	vand.u32 $0x7F, v30;
	v29 =	vmov s13;
	v35 =	vld.idx.msk [tilespmem:v9+s18+$0x0], $0xffff  }
0x266: {  	v27 =	vld [tilespmem:s19+$0xFFFFFFF0];
	v61 =	vadd.s32 v2, v7;
	v62 =	vand.u32 $0x7F, v4;
	v42 =	vadd.s32 $0x1, v4;
	[tilespmem:s23+$0x0] =	vst v28  }
0x267: {  	v53 =	vadd.s32 $0x2, v4;
	v7 =	vshll.u32 v29, $0x7;
	v29 =	vshll.u32 v31, $0x7;
	v33 =	vld.idx.msk [tilespmem:v33+s18+$0x0], $0xffff  }
0x268: {  	v31 =	vand.u32 $0xFFFFFF80, v4;
	v30 =	vor.u32 v30, v61;
	v37 =	vand.u32 $0xFFFFFF80, v42  }
0x269: {  	s2 =	sor.u32 s1, s20;
	v34 =	vand.u32 $0x7F, v42;
	v56 =	vand.u32 $0xFFFFFF80, v53;
	v57 =	vand.u32 $0x7F, v53  }
0x26a: {  	s24 =	sor.u32 $0x12A80, s0;
	v42 =	vadd.s32 $0x13, v1;
	v53 =	vadd.s32 $0x4, v4;
	v7 =	vor.u32 v0, v7;
	[tilespmem:s2+$0x0] =	vst v35  }
0x26b: {  	s25 =	sor.u32 s31, s24;
	v63 =	vand.u32 $0xFFFFFF80, v27;
	v36 =	vand.u32 $0x7F, v27;
	v9 =	vor.u32 v0, v29;
	v23 =	vld.idx.msk [tilespmem:v23+s18+$0x0], $0xffff  }
0x26c: {  	v29 =	vand.u32 $0xFFFFFF80, v40;
	v43 =	vadd.s32 $0x1, v27;
	v44 =	vadd.s32 $0x2, v27;
	[tilespmem:s25+$0x0] =	vst v33  }
0x26d: {  	v52 =	vadd.s32 $0x3, v27;
	v60 =	vadd.s32 $0x5, v27;
	v40 =	vand.u32 $0xFFFFFF80, v59;
	v24 =	vld.idx.msk [tilespmem:v24+s18+$0x0], $0xffff  }
0x26e: {  	v49 =	vadd.s32 $0x7, v27;
	v31 =	vadd.s32 v7, v31;
	v29 =	vadd.s32 v2, v29  }
0x26f: {  	s4 =	sor.u32 s1, s22;
	v38 =	vand.u32 $0xFFFFFF80, v43;
	v37 =	vadd.s32 v7, v37;
	v32 =	vand.u32 $0x7F, v43  }
0x270: {  	s26 =	sor.u32 $0x12B00, s0;
	v46 =	vand.u32 $0xFFFFFF80, v44;
	v48 =	vand.u32 $0x7F, v44;
	v54 =	vand.u32 $0xFFFFFF80, v52;
	[tilespmem:s4+$0x0] =	vst v23  }
0x271: {  	s6 =	sor.u32 s31, s26;
	v55 =	vand.u32 $0x7F, v52;
	v61 =	vadd.s32 v2, v40;
	v51 =	vand.u32 $0xFFFFFF80, v49;
	v58 =	vld.idx.msk [tilespmem:v22+s18+$0x0], $0xffff  }
0x272: {  	v52 =	vand.u32 $0x7F, v42;
	v31 =	vor.u32 v62, v31;
	v29 =	vor.u32 v41, v29;
	[tilespmem:s6+$0x0] =	vst v24  }
0x273: {  	v45 =	vadd.s32 v9, v38;
	v37 =	vor.u32 v34, v37;
	v34 =	vadd.s32 v9, v46;
	v30 =	vld.idx.msk [tilespmem:v30+s18+$0x0], $0xffff  }
0x274: {  	v62 =	vand.u32 $0xFFFFFF80, v60;
	v41 =	vadd.s32 $0x3, v4;
	v28 =	vadd.s32 v9, v63  }
0x275: {  	v32 =	vor.u32 v32, v45;
	v38 =	vor.u32 v48, v34;
	v28 =	vor.u32 v36, v28;
	s2 =	sor.u32 s1, s24  }
0x276: {  	s7 =	sor.u32 $0x12B80, s0;
	v44 =	vadd.s32 v9, v62;
	v45 =	vand.u32 $0xFFFFFF80, v41;
	v48 =	vadd.s32 $0x6, v27;
	[tilespmem:s2+$0x0] =	vst v58  }
0x277: {  	s10 =	sor.u32 s31, s7;
	v47 =	vand.u32 $0x7F, v41;
	v63 =	vand.u32 $0x7F, v60;
	v50 =	vand.u32 $0xFFFFFF80, v48;
	v46 =	vld.idx.msk [tilespmem:v21+s18+$0x0], $0xffff  }
0x278: {  	v34 =	vand.u32 $0x7F, v48;
	v48 =	vadd.s32 $0x10, v27;
	v35 =	vadd.s32 v7, v56;
	v31 =	vld.idx.msk [tilespmem:v31+s18+$0x0], $0xffff;
	[tilespmem:s10+$0x0] =	vst v30  }
0x279: {  	v41 =	vadd.s32 v9, v50;
	v35 =	vor.u32 v57, v35;
	v57 =	vadd.s32 $0x9, v27;
	s2 =	simm.s32 $0x100;
	v29 =	vld.idx.msk [tilespmem:v29+s18+$0x0], $0xffff  }
0x27a: {  	v34 =	vor.u32 v34, v41;
	v36 =	vand.u32 $0x7F, v57;
	v28 =	vld.idx.msk [tilespmem:v28+s18+$0x0], $0xffff;
	v33 =	vadd.s32 v9, v51;
	s12 =	sand.u32 $0x400, s2  }
0x27b: {  	s25 =	sand.u32 $0x70, s13;
	v23 =	vadd.s32 v9, v54;
	s4 =	sor.u32 s1, s26;
	v54 =	vand.u32 $0xFFFFFF80, v53;
	v22 =	vadd.s32 $0x4, v27;
	s11 =	sor.u32 $0x12000, s12  }
0x27c: {  	s15 =	sor.u32 $0x13000, s0;
	v23 =	vor.u32 v55, v23;
	v24 =	vand.u32 $0xFFFFFF80, v22;
	v22 =	vand.u32 $0x7F, v22;
	[tilespmem:s4+$0x0] =	vst v46;
	s4 =	sor.u32 s25, s11  }
0x27d: {  	s26 =	sand.u32 $0x60, s16;
	v24 =	vadd.s32 v9, v24;
	v58 =	vadd.s32 $0x14, v1;
	v30 =	vadd.s32 v7, v45;
	s10 =	sor.u32 s31, s15;
	[tilespmem:s4+$0x0] =	vst v31;
	v20 =	vld.idx.msk [tilespmem:v20+s18+$0x0], $0xffff  }
0x27e: {  	v22 =	vor.u32 v22, v24;
	s5 =	sor.u32 s26, s11;
	v43 =	vor.u32 v47, v30;
	v30 =	vand.u32 $0xFFFFFF80, v42;
	v37 =	vld.idx.msk [tilespmem:v37+s18+$0x0], $0xffff;
	[tilespmem:s10+$0x0] =	vst v29  }
0x27f: {  	v24 =	vand.u32 $0x7F, v59;
	v21 =	vor.u32 v63, v44;
	[tilespmem:s5+$0x0] =	vst v28;
	v30 =	vadd.s32 v2, v30;
	v28 =	vld.idx.msk [tilespmem:v39+s18+$0x0], $0xffff  }
0x280: {  	v24 =	vor.u32 v24, v61;
	v41 =	vor.u32 v52, v30;
	v30 =	vand.u32 $0x7F, v49  }
0x281: {  	s6 =	sor.u32 s1, s7;
	v33 =	vor.u32 v30, v33;
	v30 =	vadd.s32 v7, v54;
	v29 =	vand.u32 $0x7F, v53  }
0x282: {  	s17 =	sor.u32 $0x13080, s0;
	v59 =	vadd.s32 $0x5, v4;
	v31 =	vadd.s32 $0x8, v27;
	v56 =	vor.u32 v29, v30;
	v29 =	vld.idx.msk [tilespmem:v32+s18+$0x0], $0xffff;
	[tilespmem:s6+$0x0] =	vst v20  }
0x283: {  	s19 =	sor.u32 s31, s17;
	v63 =	vadd.s32 $0xC, v27;
	v61 =	vadd.s32 $0x6, v4;
	v55 =	vand.u32 $0xFFFFFF80, v31;
	[tilespmem:s4+$0x80] =	vst v37;
	v19 =	vld.idx.msk [tilespmem:v19+s18+$0x0], $0xffff  }
0x284: {  	v45 =	vadd.s32 $0x7, v4;
	v31 =	vand.u32 $0x7F, v31;
	v30 =	vadd.s32 v9, v55;
	v35 =	vld.idx.msk [tilespmem:v35+s18+$0x0], $0xffff;
	[tilespmem:s19+$0x0] =	vst v28  }
0x285: {  	v32 =	vor.u32 v31, v30;
	v30 =	vand.u32 $0xFFFFFF80, v57;
	v31 =	vand.u32 $0xFFFFFF80, v58;
	v24 =	vld.idx.msk [tilespmem:v24+s18+$0x0], $0xffff  }
0x286: {  	v20 =	vadd.s32 v9, v30;
	v30 =	vand.u32 $0x7F, v58;
	v31 =	vadd.s32 v2, v31  }
0x287: {  	s7 =	sor.u32 s1, s15;
	v40 =	vor.u32 v30, v31;
	v31 =	vor.u32 v36, v20;
	v20 =	vadd.s32 $0xA, v27;
	[tilespmem:s5+$0x80] =	vst v29  }
0x288: {  	s20 =	sor.u32 $0x13100, s0;
	v30 =	vand.u32 $0x7F, v59;
	v28 =	vand.u32 $0xFFFFFF80, v59;
	v29 =	vand.u32 $0xFFFFFF80, v20;
	v60 =	vld.idx.msk [tilespmem:v38+s18+$0x0], $0xffff;
	[tilespmem:s7+$0x0] =	vst v19  }
0x289: {  	s21 =	sor.u32 s31, s20;
	v20 =	vand.u32 $0x7F, v20;
	v28 =	vadd.s32 v7, v28;
	v29 =	vadd.s32 v9, v29;
	[tilespmem:s4+$0x100] =	vst v35;
	v18 =	vld.idx.msk [tilespmem:v18+s18+$0x0], $0xffff  }
0x28a: {  	v37 =	vor.u32 v30, v28;
	v30 =	vor.u32 v20, v29;
	v20 =	vadd.s32 $0xB, v27;
	[tilespmem:s21+$0x0] =	vst v24;
	v24 =	vld.idx.msk [tilespmem:v43+s18+$0x0], $0xffff  }
0x28b: {  	v42 =	vadd.s32 $0x16, v1;
	v28 =	vadd.s32 $0x15, v1;
	v19 =	vand.u32 $0xFFFFFF80, v20  }
0x28c: {  	v20 =	vand.u32 $0x7F, v20;
	v29 =	vand.u32 $0xFFFFFF80, v28;
	v19 =	vadd.s32 v9, v19  }
0x28d: {  	v47 =	vadd.s32 $0x17, v1;
	s6 =	sor.u32 s1, s17;
	v62 =	vadd.s32 v2, v29;
	v29 =	vor.u32 v20, v19;
	[tilespmem:s5+$0x100] =	vst v60;
	v20 =	vld.idx.msk [tilespmem:v41+s18+$0x0], $0xffff  }
0x28e: {  	v46 =	vand.u32 $0xFFFFFF80, v45;
	v49 =	vand.u32 $0xFFFFFF80, v47;
	v52 =	vadd.s32 $0x8, v4;
	v23 =	vld.idx.msk [tilespmem:v23+s18+$0x0], $0xffff;
	[tilespmem:s6+$0x0] =	vst v18  }
0x28f: {  	v50 =	vadd.s32 v2, v49;
	v53 =	vand.u32 $0xFFFFFF80, v52;
	v55 =	vadd.s32 $0x11, v27;
	v17 =	vld.idx.msk [tilespmem:v17+s18+$0x0], $0xffff;
	[tilespmem:s4+$0x180] =	vst v24  }
0x290: {  	s22 =	sor.u32 $0x13180, s0;
	v54 =	vadd.s32 v7, v53;
	v57 =	vand.u32 $0x7F, v55;
	v41 =	vadd.s32 $0xD, v27;
	v39 =	vld.idx.msk [tilespmem:v56+s18+$0x0], $0xffff  }
0x291: {  	s23 =	sor.u32 s31, s22;
	v58 =	vadd.s32 $0x18, v1;
	v28 =	vand.u32 $0x7F, v28;
	v18 =	vand.u32 $0xFFFFFF80, v41  }
0x292: {  	v43 =	vand.u32 $0xFFFFFF80, v42;
	v18 =	vadd.s32 v9, v18;
	v24 =	vand.u32 $0x7F, v41;
	[tilespmem:s23+$0x0] =	vst v20  }
0x293: {  	s7 =	sor.u32 s1, s20;
	v24 =	vor.u32 v24, v18;
	v18 =	vand.u32 $0x7F, v42;
	v20 =	vadd.s32 v2, v43;
	[tilespmem:s5+$0x180] =	vst v23;
	v44 =	vld.idx.msk [tilespmem:v40+s18+$0x0], $0xffff  }
0x294: {  	v36 =	vand.u32 $0x7F, v63;
	v38 =	vor.u32 v28, v62;
	v18 =	vor.u32 v18, v20;
	v20 =	vld.idx.msk [tilespmem:v22+s18+$0x0], $0xffff;
	[tilespmem:s7+$0x0] =	vst v17  }
0x295: {  	v35 =	vand.u32 $0x7F, v61;
	v19 =	vand.u32 $0xFFFFFF80, v61;
	v28 =	vand.u32 $0xFFFFFF80, v63;
	v16 =	vld.idx.msk [tilespmem:v16+s18+$0x0], $0xffff;
	[tilespmem:s4+$0x200] =	vst v39  }
0x296: {  	s24 =	sor.u32 $0x13200, s0;
	v61 =	vand.u32 $0x7F, v58;
	v63 =	vadd.s32 $0x9, v4;
	v19 =	vadd.s32 v7, v19;
	v37 =	vld.idx.msk [tilespmem:v37+s18+$0x0], $0xffff  }
0x297: {  	s11 =	sor.u32 s31, s24;
	v28 =	vadd.s32 v9, v28;
	v60 =	vand.u32 $0xFFFFFF80, v58;
	v19 =	vor.u32 v35, v19  }
0x298: {  	v28 =	vor.u32 v36, v28;
	v36 =	vand.u32 $0x7F, v45;
	v35 =	vand.u32 $0x7F, v48;
	[tilespmem:s11+$0x0] =	vst v44  }
0x299: {  	s6 =	sor.u32 s1, s22;
	v62 =	vadd.s32 v2, v60;
	v45 =	vadd.s32 $0x19, v1;
	v60 =	vadd.s32 $0x1B, v1;
	[tilespmem:s5+$0x200] =	vst v20;
	v20 =	vld.idx.msk [tilespmem:v38+s18+$0x0], $0xffff  }
0x29a: {  	v41 =	vadd.s32 $0x1A, v27;
	v23 =	vadd.s32 $0xE, v27;
	v56 =	vadd.s32 $0x12, v27;
	v51 =	vld.idx.msk [tilespmem:v21+s18+$0x0], $0xffff;
	[tilespmem:s6+$0x0] =	vst v16  }
0x29b: {  	v42 =	vadd.s32 $0x13, v27;
	v22 =	vand.u32 $0xFFFFFF80, v23;
	v23 =	vand.u32 $0x7F, v23;
	v15 =	vld.idx.msk [tilespmem:v15+s18+$0x0], $0xffff;
	[tilespmem:s4+$0x280] =	vst v37;
	s4 =	simm.s32 $0x2  }
0x29c: {  	s15 =	sor.u32 $0x13280, s0;
	v40 =	vadd.s32 v7, v46;
	v17 =	vadd.s32 $0xF, v27;
	v22 =	vadd.s32 v9, v22;
	v19 =	vld.idx.msk [tilespmem:v19+s18+$0x0], $0xffff;
	s11 =	sand.u32 $0x7, s4  }
0x29d: {  	s17 =	sor.u32 s31, s15;
	v36 =	vor.u32 v36, v40;
	v23 =	vor.u32 v23, v22;
	v22 =	vand.u32 $0xFFFFFF80, v17;
	s19 =	sshll.u32 s11, $0x4  }
0x29e: {  	v43 =	vand.u32 $0xFFFFFF80, v63;
	v17 =	vand.u32 $0x7F, v17;
	v22 =	vadd.s32 v9, v22;
	[tilespmem:s17+$0x0] =	vst v20;
	s20 =	sadd.s32 $0x100, s19  }
0x29f: {  	s10 =	sor.u32 s1, s24;
	v59 =	vand.u32 $0xFFFFFF80, v56;
	v22 =	vor.u32 v17, v22;
	v17 =	vand.u32 $0x7F, v47;
	[tilespmem:s5+$0x280] =	vst v51;
	v18 =	vld.idx.msk [tilespmem:v18+s18+$0x0], $0xffff;
	s5 =	sadd.s32 $0x10, s20  }
0x2a0: {  	v46 =	vand.u32 $0xFFFFFF80, v45;
	v39 =	vadd.s32 v9, v59;
	v17 =	vor.u32 v17, v50;
	s17 =	simm.s32 $0x1;
	v34 =	vld.idx.msk [tilespmem:v34+s18+$0x0], $0xffff;
	[tilespmem:s10+$0x0] =	vst v15;
	s5 =	sor.u32 $0x300, s5  }
0x2a1: {  	v47 =	vadd.s32 $0xA, v4;
	v44 =	vadd.s32 $0x14, v27;
	v21 =	vand.u32 $0xFFFFFF80, v48;
	s21 =	sand.u32 $0x3, s17;
	v14 =	vld.idx.msk [tilespmem:v14+s18+$0x0], $0xffff;
	[tilespmem:s5+$0x12000] =	vst v19  }
0x2a2: {  	s22 =	sor.u32 $0x13300, s0;
	v16 =	vand.u32 $0x7F, v52;
	v38 =	vadd.s32 v7, v43;
	v48 =	vand.u32 $0xFFFFFF80, v47;
	s6 =	sshll.u32 s21, $0x5;
	v36 =	vld.idx.msk [tilespmem:v36+s18+$0x0], $0xffff  }
0x2a3: {  	s24 =	sor.u32 s31, s22;
	v43 =	vadd.s32 $0x1C, v1;
	v16 =	vor.u32 v16, v54;
	v15 =	vand.u32 $0x7F, v56;
	s23 =	sadd.s32 $0x100, s6  }
0x2a4: {  	v21 =	vadd.s32 v9, v21;
	v19 =	vor.u32 v15, v39;
	v15 =	vand.u32 $0x7F, v63;
	s5 =	sor.u32 $0x300, s23;
	[tilespmem:s24+$0x0] =	vst v18  }
0x2a5: {  	s7 =	sor.u32 s1, s15;
	v50 =	vadd.s32 v7, v48;
	v48 =	vadd.s32 $0xD, v4;
	s11 =	sor.u32 s13, s2;
	v38 =	vor.u32 v15, v38;
	[tilespmem:s5+$0x12000] =	vst v34;
	v15 =	vld.idx.msk [tilespmem:v17+s18+$0x0], $0xffff  }
0x2a6: {  	v21 =	vor.u32 v35, v21;
	v35 =	vor.u32 v61, v62;
	v20 =	vand.u32 $0xFFFFFF80, v55;
	s6 =	sor.u32 $0x380, s11;
	v33 =	vld.idx.msk [tilespmem:v33+s18+$0x0], $0xffff;
	[tilespmem:s7+$0x0] =	vst v14  }
0x2a7: {  	v61 =	vand.u32 $0xFFFFFF80, v60;
	v37 =	vand.u32 $0x7F, v42;
	v20 =	vadd.s32 v9, v20;
	v13 =	vld.idx.msk [tilespmem:v13+s18+$0x0], $0xffff;
	[tilespmem:s6+$0x12000] =	vst v36  }
0x2a8: {  	s13 =	sor.u32 $0x13380, s0;
	v56 =	vadd.s32 $0x18, v27;
	v20 =	vor.u32 v57, v20;
	v18 =	vand.u32 $0xFFFFFF80, v42;
	v49 =	vld.idx.msk [tilespmem:v16+s18+$0x0], $0xffff  }
0x2a9: {  	s15 =	sor.u32 s16, s2;
	s19 =	sor.u32 s31, s13;
	v39 =	vand.u32 $0x7F, v45;
	v45 =	vadd.s32 $0x1B, v27;
	v17 =	vadd.s32 v9, v18  }
0x2aa: {  	v42 =	vand.u32 $0xFFFFFF80, v41;
	s7 =	sor.u32 $0x380, s15;
	v18 =	vor.u32 v37, v17;
	v17 =	vand.u32 $0xFFFFFF80, v44;
	[tilespmem:s19+$0x0] =	vst v15  }
0x2ab: {  	s21 =	sor.u32 $0x12800, s12;
	s20 =	sor.u32 s1, s22;
	v14 =	vand.u32 $0x7F, v44;
	v37 =	vadd.s32 v2, v46;
	v17 =	vadd.s32 v9, v17;
	[tilespmem:s7+$0x12000] =	vst v33;
	v51 =	vld.idx.msk [tilespmem:v35+s18+$0x0], $0xffff  }
0x2ac: {  	s22 =	sor.u32 s25, s21;
	v37 =	vor.u32 v39, v37;
	v17 =	vor.u32 v14, v17;
	v14 =	vadd.s32 $0x15, v27;
	v32 =	vld.idx.msk [tilespmem:v32+s18+$0x0], $0xffff;
	[tilespmem:s20+$0x0] =	vst v13  }
0x2ad: {  	v39 =	vadd.s32 $0xC, v4;
	v15 =	vand.u32 $0xFFFFFF80, v14;
	v16 =	vand.u32 $0x7F, v47;
	v12 =	vld.idx.msk [tilespmem:v12+s18+$0x0], $0xffff;
	[tilespmem:s22+$0x0] =	vst v49  }
0x2ae: {  	s23 =	sor.u32 $0x13800, s0;
	v14 =	vand.u32 $0x7F, v14;
	v15 =	vadd.s32 v9, v15;
	v34 =	vor.u32 v16, v50;
	v55 =	vld.idx.msk [tilespmem:v38+s18+$0x0], $0xffff  }
0x2af: {  	s24 =	sor.u32 s31, s23;
	v16 =	vor.u32 v14, v15;
	v14 =	vadd.s32 $0x16, v27;
	v15 =	vadd.s32 $0x1A, v1  }
0x2b0: {  	s7 =	sor.u32 s26, s21;
	v52 =	vand.u32 $0xFFFFFF80, v14;
	v14 =	vand.u32 $0x7F, v14;
	v53 =	vand.u32 $0xFFFFFF80, v15;
	[tilespmem:s24+$0x0] =	vst v51  }
0x2b1: {  	s11 =	sor.u32 $0x12880, s12;
	s5 =	sor.u32 s1, s13;
	v54 =	vand.u32 $0x7F, v15;
	v13 =	vadd.s32 v9, v52;
	v36 =	vadd.s32 v2, v53;
	[tilespmem:s7+$0x0] =	vst v32;
	v58 =	vld.idx.msk [tilespmem:v37+s18+$0x0], $0xffff  }
0x2b2: {  	s13 =	sor.u32 s25, s11;
	v15 =	vor.u32 v14, v13;
	v13 =	vadd.s32 $0xB, v4;
	v35 =	vor.u32 v54, v36;
	v31 =	vld.idx.msk [tilespmem:v31+s18+$0x0], $0xffff;
	[tilespmem:s5+$0x0] =	vst v12  }
0x2b3: {  	v46 =	vand.u32 $0xFFFFFF80, v43;
	v40 =	vand.u32 $0xFFFFFF80, v39;
	v57 =	vand.u32 $0xFFFFFF80, v13;
	v62 =	vld.idx.msk [tilespmem:v11+s18+$0x0], $0xffff;
	[tilespmem:s13+$0x0] =	vst v55  }
0x2b4: {  	s15 =	sor.u32 $0x13880, s0;
	v47 =	vadd.s32 v2, v46;
	v13 =	vand.u32 $0x7F, v13;
	v38 =	vadd.s32 v7, v57;
	v63 =	vld.idx.msk [tilespmem:v34+s18+$0x0], $0xffff  }
0x2b5: {  	s19 =	sor.u32 s31, s15;
	v50 =	vand.u32 $0xFFFFFF80, v48;
	v38 =	vor.u32 v13, v38;
	v13 =	vand.u32 $0xFFFFFF80, v56  }
0x2b6: {  	s6 =	sor.u32 s26, s11;
	v52 =	vadd.s32 $0x1C, v27;
	v12 =	vand.u32 $0x7F, v56;
	v13 =	vadd.s32 v9, v13;
	[tilespmem:s19+$0x0] =	vst v58  }
0x2b7: {  	s21 =	sor.u32 $0x12900, s12;
	s20 =	sor.u32 s1, s23;
	v11 =	vand.u32 $0x7F, v60;
	v13 =	vor.u32 v12, v13;
	v12 =	vadd.s32 v2, v61;
	[tilespmem:s6+$0x0] =	vst v31;
	v31 =	vld.idx.msk [tilespmem:v35+s18+$0x0], $0xffff  }
0x2b8: {  	v53 =	vadd.s32 $0x1D, v27;
	v14 =	vadd.s32 $0x17, v27;
	s22 =	sor.u32 s25, s21;
	v12 =	vor.u32 v11, v12;
	v30 =	vld.idx.msk [tilespmem:v30+s18+$0x0], $0xffff;
	[tilespmem:s20+$0x0] =	vst v62  }
0x2b9: {  	v49 =	vand.u32 $0x7F, v45;
	v54 =	vand.u32 $0xFFFFFF80, v52;
	v33 =	vand.u32 $0x7F, v52;
	v44 =	vld.idx.msk [tilespmem:v10+s18+$0x0], $0xffff;
	[tilespmem:s22+$0x0] =	vst v63  }
0x2ba: {  	s23 =	sor.u32 $0x13900, s0;
	v59 =	vand.u32 $0xFFFFFF80, v14;
	v34 =	vand.u32 $0x7F, v39;
	v35 =	vadd.s32 v7, v40;
	v38 =	vld.idx.msk [tilespmem:v38+s18+$0x0], $0xffff  }
0x2bb: {  	v14 =	vand.u32 $0x7F, v14;
	s24 =	sor.u32 s31, s23;
	v37 =	vadd.s32 v9, v59;
	v34 =	vor.u32 v34, v35  }
0x2bc: {  	s7 =	sor.u32 s26, s21;
	v51 =	vand.u32 $0x7F, v48;
	v14 =	vor.u32 v14, v37;
	v37 =	vadd.s32 $0x19, v27;
	[tilespmem:s24+$0x0] =	vst v31  }
0x2bd: {  	s11 =	sor.u32 $0x12980, s12;
	s5 =	sor.u32 s1, s15;
	v56 =	vand.u32 $0xFFFFFF80, v53;
	v11 =	vand.u32 $0xFFFFFF80, v37;
	v31 =	vand.u32 $0x7F, v43;
	[tilespmem:s7+$0x0] =	vst v30;
	v30 =	vld.idx.msk [tilespmem:v12+s18+$0x0], $0xffff  }
0x2be: {  	v32 =	vand.u32 $0x7F, v37;
	s13 =	sor.u32 s25, s11;
	v11 =	vadd.s32 v9, v11;
	v31 =	vor.u32 v31, v47;
	v29 =	vld.idx.msk [tilespmem:v29+s18+$0x0], $0xffff;
	[tilespmem:s5+$0x0] =	vst v44  }
0x2bf: {  	v60 =	vadd.s32 $0xE, v4;
	v61 =	vadd.s32 $0x1E, v27;
	v11 =	vor.u32 v32, v11;
	v26 =	vld.idx.msk [tilespmem:v26+s18+$0x0], $0xffff;
	[tilespmem:s13+$0x0] =	vst v38  }
0x2c0: {  	s15 =	sor.u32 $0x13980, s0;
	v32 =	vand.u32 $0x7F, v41;
	v10 =	vadd.s32 v9, v42;
	v35 =	vadd.s32 v7, v50;
	v34 =	vld.idx.msk [tilespmem:v34+s18+$0x0], $0xffff  }
0x2c1: {  	v55 =	vadd.s32 $0x1D, v1;
	s19 =	sor.u32 s31, s15;
	v10 =	vor.u32 v32, v10;
	v32 =	vor.u32 v51, v35  }
0x2c2: {  	v27 =	vadd.s32 $0x1F, v27;
	v57 =	vand.u32 $0xFFFFFF80, v55;
	s7 =	sor.u32 s26, s11;
	[tilespmem:s19+$0x0] =	vst v30;
	v30 =	vadd.s32 v9, v54  }
0x2c3: {  	s6 =	sor.u32 s1, s23;
	s20 =	sor.u32 $0x12A00, s12;
	[tilespmem:s7+$0x0] =	vst v29;
	v58 =	vld.idx.msk [tilespmem:v31+s18+$0x0], $0xffff;
	v29 =	vor.u32 v33, v30;
	v30 =	vand.u32 $0x7F, v55;
	v31 =	vadd.s32 v2, v57  }
0x2c4: {  	s21 =	sor.u32 s25, s20;
	v59 =	vld.idx.msk [tilespmem:v28+s18+$0x0], $0xffff;
	v28 =	vadd.s32 v9, v56;
	[tilespmem:s6+$0x0] =	vst v26;
	v30 =	vor.u32 v30, v31;
	v31 =	vand.u32 $0x7F, v53  }
0x2c5: {  	v36 =	vand.u32 $0x7F, v61;
	v62 =	vand.u32 $0xFFFFFF80, v60;
	v28 =	vor.u32 v31, v28;
	v31 =	vld.idx.msk [tilespmem:v25+s18+$0x0], $0xffff;
	[tilespmem:s21+$0x0] =	vst v34  }
0x2c6: {  	v63 =	vadd.s32 v7, v62;
	s22 =	sor.u32 $0x13A00, s0;
	v12 =	vand.u32 $0xFFFFFF80, v45;
	v26 =	vand.u32 $0x7F, v60;
	v35 =	vld.idx.msk [tilespmem:v32+s18+$0x0], $0xffff  }
0x2c7: {  	s23 =	sor.u32 s31, s22;
	v12 =	vadd.s32 v9, v12;
	v25 =	vand.u32 $0xFFFFFF80, v61;
	v34 =	vor.u32 v26, v63  }
0x2c8: {  	s24 =	sor.u32 s26, s20;
	s5 =	sor.u32 $0x12A80, s12;
	v12 =	vor.u32 v49, v12;
	s13 =	sor.u32 s1, s15;
	v25 =	vadd.s32 v9, v25;
	[tilespmem:s23+$0x0] =	vst v58;
	v32 =	vadd.s32 $0x1E, v1  }
0x2c9: {  	s7 =	sor.u32 s1, s22;
	s21 =	simm.s32 $0x2;
	v26 =	vor.u32 v36, v25;
	v25 =	vand.u32 $0xFFFFFF80, v27;
	[tilespmem:s24+$0x0] =	vst v59;
	s24 =	simm.s32 $0x14B50;
	v30 =	vld.idx.msk [tilespmem:v30+s18+$0x0], $0xffff;
	v33 =	vand.u32 $0xFFFFFF80, v32  }
.LBB2_15:
0x2ca: {  	v36 =	vld [tilespmem:s24+$0x0];
	s21 =	sadd.s32 $0x2, s21;
	s10 =	sor.u32 s26, s5;
	v9 =	vadd.s32 v9, v25;
	s5 =	sor.u32 s25, s5;
	[tilespmem:s13+$0x0] =	vst v31;
	v31 =	vand.u32 $0x7F, v32;
	v32 =	vadd.s32 v2, v33  }
0x2cb: {  	v27 =	vand.u32 $0x7F, v27;
	v33 =	vadd.s32 $0xF, v4;
	s16 =	sadd.s32 $0x20, s16;
	v25 =	vld [tilespmem:s24+$0xFFFFFFF0];
	p1 =	slt.u32 s21, $0xE;
	[tilespmem:s5+$0x0] =	vst v35;
	v31 =	vor.u32 v31, v32  }
0x2cc: {  	v32 =	vmov s16;
	s11 =	sand.u32 $0x60, s16;
	s13 =	sadd.s32 $0x10, s16;
	v27 =	vor.u32 v27, v9;
	v9 =	vld.idx.msk [tilespmem:v34+s18+$0x0], $0xffff;
	v34 =	vand.u32 $0xFFFFFF80, v33  }
0x2cd: {  	s5 =	sor.u32 $0x13A80, s0;
	v35 =	vmov s13;
	v33 =	vand.u32 $0x7F, v33;
	v24 =	vld.idx.msk [tilespmem:v24+s18+$0x0], $0xffff;
	v34 =	vadd.s32 v7, v34  }
0x2ce: {  	v32 =	vshll.u32 v32, $0x7;
	s15 =	sor.u32 s1, s5;
	s5 =	sor.u32 s31, s5;
	v35 =	vshll.u32 v35, $0x7;
	v33 =	vor.u32 v33, v34;
	v34 =	vld.idx.msk [tilespmem:v8+s18+$0x0], $0xffff;
	v8 =	vmovc v29  }
0x2cf: {  	v35 =	vor.u32 v0, v35;
	v29 =	vand.u32 $0xFFFFFF80, v36;
	[tilespmem:s5+$0x0] =	vst v30;
	v30 =	vadd.s32 $0x1F, v1;
	v1 =	vmovc v4;
	v4 =	vmovc v36  }
0x2d0: {  	s6 =	sor.u32 $0x12B00, s12;
	v36 =	vand.u32 $0x7F, v4;
	v29 =	vadd.s32 v35, v29;
	v31 =	vld.idx.msk [tilespmem:v31+s18+$0x0], $0xffff;
	v37 =	vand.u32 $0xFFFFFF80, v30  }
0x2d1: {  	s5 =	sor.u32 s26, s6;
	s6 =	sor.u32 s25, s6;
	v30 =	vand.u32 $0x7F, v30;
	v29 =	vor.u32 v36, v29;
	v36 =	vadd.s32 v2, v37;
	v2 =	vmovc v7;
	v7 =	vmovc v35  }
0x2d2: {  	v35 =	vand.u32 $0xFFFFFF80, v25;
	v37 =	vadd.s32 $0x10, v1;
	[tilespmem:s6+$0x0] =	vst v9;
	v30 =	vor.u32 v30, v36  }
0x2d3: {  	v36 =	vand.u32 $0x7F, v25;
	v9 =	vor.u32 v0, v32;
	v32 =	vand.u32 $0xFFFFFF80, v37;
	[tilespmem:s10+$0x0] =	vst v24;
	v24 =	vld.idx.msk [tilespmem:v33+s18+$0x0], $0xffff  }
0x2d4: {  	s6 =	sor.u32 $0x13B00, s0;
	v33 =	vadd.s32 v9, v35;
	v35 =	vand.u32 $0x7F, v37;
	v32 =	vadd.s32 v2, v32;
	v23 =	vld.idx.msk [tilespmem:v23+s18+$0x0], $0xffff;
	[tilespmem:s7+$0x0] =	vst v34  }
0x2d5: {  	s17 =	sadd.s32 $0x1, s17;
	s20 =	sor.u32 s1, s6;
	s6 =	sor.u32 s31, s6;
	v33 =	vor.u32 v36, v33;
	v34 =	vadd.s32 $0x1, v4;
	v32 =	vor.u32 v35, v32;
	v35 =	vld.idx.msk [tilespmem:v6+s18+$0x0], $0xffff;
	v6 =	vmovc v28  }
0x2d6: {  	s7 =	sand.u32 $0x3, s17;
	v36 =	vadd.s32 $0x2, v25;
	v28 =	vadd.s32 $0x1, v25;
	v37 =	vand.u32 $0xFFFFFF80, v34;
	v29 =	vld.idx.msk [tilespmem:v29+s18+$0x0], $0xffff;
	[tilespmem:s6+$0x0] =	vst v31  }
0x2d7: {  	v34 =	vand.u32 $0x7F, v34;
	s6 =	sshll.u32 s7, $0x5;
	v31 =	vand.u32 $0xFFFFFF80, v28;
	v37 =	vadd.s32 v7, v37;
	s7 =	sor.u32 $0x12B80, s12;
	v30 =	vld.idx.msk [tilespmem:v30+s18+$0x0], $0xffff  }
0x2d8: {  	s2 =	sadd.s32 $0x100, s2;
	v28 =	vand.u32 $0x7F, v28;
	v31 =	vadd.s32 v9, v31;
	v34 =	vor.u32 v34, v37;
	s19 =	sor.u32 s26, s7;
	s7 =	sor.u32 s25, s7  }
0x2d9: {  	s22 =	sand.u32 $0x400, s2;
	s23 =	sor.u32 s16, s2;
	s6 =	sadd.s32 s6, s2;
	v28 =	vor.u32 v28, v31;
	v31 =	vand.u32 $0xFFFFFF80, v36;
	[tilespmem:s7+$0x0] =	vst v24;
	v24 =	vadd.s32 $0x11, v1  }
0x2da: {  	s10 =	sor.u32 $0x12000, s22;
	v36 =	vand.u32 $0x7F, v36;
	v31 =	vadd.s32 v9, v31;
	s7 =	sor.u32 $0x300, s6;
	s6 =	sand.u32 $0x70, s13;
	[tilespmem:s5+$0x0] =	vst v23;
	v23 =	vld.idx.msk [tilespmem:v32+s18+$0x0], $0xffff;
	v32 =	vand.u32 $0xFFFFFF80, v24  }
0x2db: {  	s0 =	sor.u32 $0x13B80, s0;
	s5 =	sor.u32 s11, s10;
	v31 =	vor.u32 v36, v31;
	s10 =	sor.u32 s6, s10;
	v24 =	vand.u32 $0x7F, v24;
	v33 =	vld.idx.msk [tilespmem:v33+s18+$0x0], $0xffff;
	v32 =	vadd.s32 v2, v32;
	[tilespmem:s15+$0x0] =	vst v35  }
0x2dc: {  	v35 =	vadd.s32 $0x3, v25;
	s15 =	sor.u32 $0x380, s23;
	s23 =	sor.u32 s1, s0;
	s0 =	sor.u32 s31, s0;
	[tilespmem:s10+$0x0] =	vst v29;
	v29 =	vadd.s32 $0x2, v4;
	v22 =	vld.idx.msk [tilespmem:v22+s18+$0x0], $0xffff;
	v24 =	vor.u32 v24, v32  }
0x2dd: {  	s1 =	smov.u32 s26;
	s26 =	smov.u32 s11;
	v32 =	vand.u32 $0xFFFFFF80, v35;
	v35 =	vand.u32 $0x7F, v35;
	v34 =	vld.idx.msk [tilespmem:v34+s18+$0x0], $0xffff;
	v36 =	vand.u32 $0xFFFFFF80, v29;
	[tilespmem:s0+$0x0] =	vst v30;
	s0 =	smov.u32 s12  }
0x2de: {  	s31 =	smov.u32 s25;
	v30 =	vadd.s32 v9, v32;
	v29 =	vand.u32 $0x7F, v29;
	s12 =	smov.u32 s22;
	v32 =	vadd.s32 v7, v36;
	s11 =	sor.u32 $0x13000, s0;
	v36 =	vld.idx.msk [tilespmem:v5+s18+$0x0], $0xffff;
	v5 =	vmovc v26  }
0x2df: {  	s25 =	smov.u32 s6;
	v26 =	vor.u32 v35, v30;
	v30 =	vadd.s32 $0x4, v25;
	v29 =	vor.u32 v29, v32;
	s22 =	sor.u32 s1, s11;
	s11 =	sor.u32 s31, s11  }
0x2e0: {  	v32 =	vand.u32 $0xFFFFFF80, v30;
	v30 =	vand.u32 $0x7F, v30;
	[tilespmem:s11+$0x0] =	vst v23;
	v23 =	vadd.s32 $0x12, v1  }
0x2e1: {  	v32 =	vadd.s32 v9, v32;
	[tilespmem:s5+$0x0] =	vst v33;
	v33 =	vadd.s32 $0x5, v25;
	v24 =	vld.idx.msk [tilespmem:v24+s18+$0x0], $0xffff;
	v35 =	vand.u32 $0xFFFFFF80, v23  }
0x2e2: {  	v32 =	vor.u32 v30, v32;
	v28 =	vld.idx.msk [tilespmem:v28+s18+$0x0], $0xffff;
	[tilespmem:s19+$0x0] =	vst v22;
	v22 =	vand.u32 $0x7F, v23;
	v23 =	vadd.s32 v2, v35  }
0x2e3: {  	v30 =	vand.u32 $0xFFFFFF80, v33;
	[tilespmem:s10+$0x80] =	vst v34;
	v34 =	vadd.s32 $0x3, v4;
	v35 =	vld.idx.msk [tilespmem:v21+s18+$0x0], $0xffff;
	v21 =	vor.u32 v22, v23  }
0x2e4: {  	v22 =	vand.u32 $0x7F, v33;
	v23 =	vadd.s32 v9, v30;
	v29 =	vld.idx.msk [tilespmem:v29+s18+$0x0], $0xffff;
	v30 =	vand.u32 $0xFFFFFF80, v34;
	[tilespmem:s20+$0x0] =	vst v36  }
0x2e5: {  	s6 =	sor.u32 $0x13080, s0;
	v22 =	vor.u32 v22, v23;
	v23 =	vand.u32 $0x7F, v34;
	v30 =	vadd.s32 v7, v30;
	v33 =	vld.idx.msk [tilespmem:v3+s18+$0x0], $0xffff;
	v3 =	vmovc v27  }
0x2e6: {  	s11 =	sor.u32 s1, s6;
	s6 =	sor.u32 s31, s6;
	v34 =	vadd.s32 $0x7, v25;
	v27 =	vadd.s32 $0x6, v25;
	v23 =	vor.u32 v23, v30  }
0x2e7: {  	v30 =	vand.u32 $0xFFFFFF80, v27;
	v27 =	vand.u32 $0x7F, v27;
	[tilespmem:s6+$0x0] =	vst v24;
	v24 =	vadd.s32 $0x13, v1  }
0x2e8: {  	[tilespmem:s5+$0x80] =	vst v28;
	v28 =	vadd.s32 v9, v30;
	v30 =	vand.u32 $0xFFFFFF80, v34;
	v36 =	vld.idx.msk [tilespmem:v21+s18+$0x0], $0xffff;
	v37 =	vand.u32 $0xFFFFFF80, v24  }
0x2e9: {  	v24 =	vand.u32 $0x7F, v24;
	v31 =	vld.idx.msk [tilespmem:v31+s18+$0x0], $0xffff;
	v21 =	vor.u32 v27, v28;
	[tilespmem:s22+$0x0] =	vst v35;
	v27 =	vadd.s32 v2, v37  }
0x2ea: {  	v28 =	vadd.s32 v9, v30;
	[tilespmem:s10+$0x100] =	vst v29;
	v29 =	vadd.s32 $0x4, v4;
	v35 =	vld.idx.msk [tilespmem:v20+s18+$0x0], $0xffff;
	v24 =	vor.u32 v24, v27  }
0x2eb: {  	v20 =	vand.u32 $0x7F, v34;
	v27 =	vadd.s32 $0x8, v25;
	v23 =	vld.idx.msk [tilespmem:v23+s18+$0x0], $0xffff;
	v30 =	vand.u32 $0xFFFFFF80, v29;
	[tilespmem:s23+$0x0] =	vst v33  }
0x2ec: {  	s6 =	sor.u32 $0x13100, s0;
	v20 =	vor.u32 v20, v28;
	v28 =	vand.u32 $0x7F, v29;
	v29 =	vadd.s32 v7, v30  }
0x2ed: {  	s19 =	sor.u32 s1, s6;
	s6 =	sor.u32 s31, s6;
	v30 =	vand.u32 $0xFFFFFF80, v27;
	v27 =	vand.u32 $0x7F, v27;
	v28 =	vor.u32 v28, v29  }
0x2ee: {  	v34 =	vadd.s32 $0x14, v1;
	v33 =	vadd.s32 $0x9, v25;
	v29 =	vadd.s32 v9, v30;
	[tilespmem:s6+$0x0] =	vst v36  }
0x2ef: {  	v30 =	vor.u32 v27, v29;
	v27 =	vand.u32 $0xFFFFFF80, v33;
	v29 =	vand.u32 $0xFFFFFF80, v34;
	[tilespmem:s5+$0x100] =	vst v31;
	v24 =	vld.idx.msk [tilespmem:v24+s18+$0x0], $0xffff  }
0x2f0: {  	v27 =	vadd.s32 v9, v27;
	v31 =	vand.u32 $0x7F, v34;
	v29 =	vadd.s32 v2, v29;
	v26 =	vld.idx.msk [tilespmem:v26+s18+$0x0], $0xffff;
	[tilespmem:s11+$0x0] =	vst v35  }
0x2f1: {  	v33 =	vand.u32 $0x7F, v33;
	v31 =	vor.u32 v31, v29;
	[tilespmem:s10+$0x180] =	vst v23;
	v23 =	vadd.s32 $0x5, v4;
	v19 =	vld.idx.msk [tilespmem:v19+s18+$0x0], $0xffff  }
0x2f2: {  	v29 =	vor.u32 v33, v27;
	v27 =	vadd.s32 $0xA, v25;
	v33 =	vld.idx.msk [tilespmem:v28+s18+$0x0], $0xffff;
	v28 =	vand.u32 $0xFFFFFF80, v23  }
0x2f3: {  	s6 =	sor.u32 $0x13180, s0;
	v34 =	vand.u32 $0xFFFFFF80, v27;
	v23 =	vand.u32 $0x7F, v23;
	v28 =	vadd.s32 v7, v28  }
0x2f4: {  	s11 =	sor.u32 s1, s6;
	s6 =	sor.u32 s31, s6;
	v27 =	vand.u32 $0x7F, v27;
	v34 =	vadd.s32 v9, v34;
	v23 =	vor.u32 v23, v28  }
0x2f5: {  	v28 =	vor.u32 v27, v34;
	v27 =	vadd.s32 $0xB, v25;
	[tilespmem:s6+$0x0] =	vst v24;
	v24 =	vadd.s32 $0x15, v1  }
0x2f6: {  	[tilespmem:s5+$0x180] =	vst v26;
	v26 =	vand.u32 $0xFFFFFF80, v27;
	v27 =	vand.u32 $0x7F, v27;
	v31 =	vld.idx.msk [tilespmem:v31+s18+$0x0], $0xffff;
	v34 =	vand.u32 $0xFFFFFF80, v24  }
0x2f7: {  	v32 =	vld.idx.msk [tilespmem:v32+s18+$0x0], $0xffff;
	v26 =	vadd.s32 v9, v26;
	[tilespmem:s19+$0x0] =	vst v19;
	v19 =	vand.u32 $0x7F, v24;
	v24 =	vadd.s32 v2, v34  }
0x2f8: {  	v27 =	vor.u32 v27, v26;
	[tilespmem:s10+$0x200] =	vst v33;
	v26 =	vadd.s32 $0x6, v4;
	v18 =	vld.idx.msk [tilespmem:v18+s18+$0x0], $0xffff;
	v19 =	vor.u32 v19, v24  }
0x2f9: {  	v24 =	vadd.s32 $0xC, v25;
	v33 =	vadd.s32 $0xD, v25;
	v23 =	vld.idx.msk [tilespmem:v23+s18+$0x0], $0xffff;
	v34 =	vand.u32 $0xFFFFFF80, v26  }
0x2fa: {  	s6 =	sor.u32 $0x13200, s0;
	v35 =	vand.u32 $0xFFFFFF80, v24;
	v26 =	vand.u32 $0x7F, v26;
	v34 =	vadd.s32 v7, v34  }
0x2fb: {  	s19 =	sor.u32 s1, s6;
	s6 =	sor.u32 s31, s6;
	v24 =	vand.u32 $0x7F, v24;
	v35 =	vadd.s32 v9, v35;
	v34 =	vor.u32 v26, v34  }
0x2fc: {  	v26 =	vor.u32 v24, v35;
	v24 =	vand.u32 $0xFFFFFF80, v33;
	[tilespmem:s6+$0x0] =	vst v31;
	v31 =	vadd.s32 $0x16, v1  }
0x2fd: {  	v24 =	vadd.s32 v9, v24;
	[tilespmem:s5+$0x200] =	vst v32;
	v32 =	vand.u32 $0x7F, v33;
	v19 =	vld.idx.msk [tilespmem:v19+s18+$0x0], $0xffff;
	v33 =	vand.u32 $0xFFFFFF80, v31  }
0x2fe: {  	v22 =	vld.idx.msk [tilespmem:v22+s18+$0x0], $0xffff;
	v24 =	vor.u32 v32, v24;
	[tilespmem:s11+$0x0] =	vst v18;
	v18 =	vand.u32 $0x7F, v31;
	v31 =	vadd.s32 v2, v33  }
0x2ff: {  	v32 =	vadd.s32 $0xE, v25;
	[tilespmem:s10+$0x280] =	vst v23;
	v23 =	vadd.s32 $0x7, v4;
	v17 =	vld.idx.msk [tilespmem:v17+s18+$0x0], $0xffff;
	v18 =	vor.u32 v18, v31  }
0x300: {  	s4 =	sadd.s32 $0x2, s4;
	v31 =	vand.u32 $0xFFFFFF80, v32;
	v32 =	vand.u32 $0x7F, v32;
	v33 =	vld.idx.msk [tilespmem:v34+s18+$0x0], $0xffff;
	v34 =	vand.u32 $0xFFFFFF80, v23  }
0x301: {  	s6 =	sand.u32 $0x7, s4;
	s10 =	sor.u32 $0x13280, s0;
	v31 =	vadd.s32 v9, v31;
	v35 =	vand.u32 $0x7F, v23;
	v34 =	vadd.s32 v7, v34  }
0x302: {  	s6 =	sshll.u32 s6, $0x4;
	s11 =	sor.u32 s1, s10;
	s10 =	sor.u32 s31, s10;
	v23 =	vor.u32 v32, v31;
	v31 =	vadd.s32 $0xF, v25;
	v32 =	vor.u32 v35, v34  }
0x303: {  	s6 =	sadd.s32 s2, s6;
	v34 =	vand.u32 $0xFFFFFF80, v31;
	v31 =	vand.u32 $0x7F, v31;
	[tilespmem:s10+$0x0] =	vst v19;
	v19 =	vadd.s32 $0x17, v1  }
0x304: {  	[tilespmem:s5+$0x280] =	vst v22;
	v22 =	vadd.s32 v9, v34;
	v34 =	vadd.s32 $0x10, v25;
	s5 =	sadd.s32 $0x10, s6;
	v18 =	vld.idx.msk [tilespmem:v18+s18+$0x0], $0xffff;
	v35 =	vand.u32 $0xFFFFFF80, v19  }
0x305: {  	v36 =	vld.idx.msk [tilespmem:v21+s18+$0x0], $0xffff;
	v22 =	vor.u32 v31, v22;
	s5 =	sor.u32 $0x300, s5;
	[tilespmem:s19+$0x0] =	vst v17;
	v17 =	vand.u32 $0x7F, v19;
	v19 =	vadd.s32 v2, v35  }
0x306: {  	v21 =	vand.u32 $0xFFFFFF80, v34;
	v31 =	vadd.s32 $0x8, v4;
	[tilespmem:s5+$0x12000] =	vst v33;
	v16 =	vld.idx.msk [tilespmem:v16+s18+$0x0], $0xffff;
	v17 =	vor.u32 v17, v19  }
0x307: {  	v19 =	vand.u32 $0x7F, v34;
	v21 =	vadd.s32 v9, v21;
	v33 =	vand.u32 $0xFFFFFF80, v31;
	v32 =	vld.idx.msk [tilespmem:v32+s18+$0x0], $0xffff  }
0x308: {  	s5 =	sor.u32 $0x13300, s0;
	v21 =	vor.u32 v19, v21;
	v19 =	vand.u32 $0x7F, v31;
	v31 =	vadd.s32 v7, v33  }
0x309: {  	v34 =	vadd.s32 $0x12, v25;
	v33 =	vadd.s32 $0x11, v25;
	s6 =	sor.u32 s1, s5;
	s5 =	sor.u32 s31, s5;
	v19 =	vor.u32 v19, v31  }
0x30a: {  	v31 =	vand.u32 $0xFFFFFF80, v33;
	v33 =	vand.u32 $0x7F, v33;
	[tilespmem:s5+$0x0] =	vst v18;
	v18 =	vadd.s32 $0x18, v1  }
0x30b: {  	v35 =	vand.u32 $0xFFFFFF80, v34;
	v31 =	vadd.s32 v9, v31;
	s5 =	sor.u32 s13, s2;
	[tilespmem:s7+$0x12000] =	vst v36;
	v17 =	vld.idx.msk [tilespmem:v17+s18+$0x0], $0xffff;
	v36 =	vand.u32 $0xFFFFFF80, v18  }
0x30c: {  	s5 =	sor.u32 $0x380, s5;
	v37 =	vld.idx.msk [tilespmem:v20+s18+$0x0], $0xffff;
	v20 =	vor.u32 v33, v31;
	[tilespmem:s11+$0x0] =	vst v16;
	v16 =	vand.u32 $0x7F, v18;
	v18 =	vadd.s32 v2, v36  }
0x30d: {  	v31 =	vadd.s32 v9, v35;
	[tilespmem:s5+$0x12000] =	vst v32;
	v32 =	vadd.s32 $0x9, v4;
	v15 =	vld.idx.msk [tilespmem:v15+s18+$0x0], $0xffff;
	v16 =	vor.u32 v16, v18  }
0x30e: {  	v33 =	vadd.s32 $0x13, v25;
	v18 =	vand.u32 $0x7F, v34;
	v34 =	vld.idx.msk [tilespmem:v19+s18+$0x0], $0xffff;
	v35 =	vand.u32 $0xFFFFFF80, v32  }
0x30f: {  	s5 =	sor.u32 $0x13380, s0;
	v19 =	vor.u32 v18, v31;
	v18 =	vand.u32 $0x7F, v32;
	v31 =	vadd.s32 v7, v35  }
0x310: {  	v32 =	vand.u32 $0xFFFFFF80, v33;
	v33 =	vand.u32 $0x7F, v33;
	s7 =	sor.u32 s1, s5;
	s5 =	sor.u32 s31, s5;
	v31 =	vor.u32 v18, v31  }
0x311: {  	v18 =	vadd.s32 v9, v32;
	v32 =	vadd.s32 $0x14, v25;
	[tilespmem:s5+$0x0] =	vst v17;
	v17 =	vadd.s32 $0x19, v1  }
0x312: {  	s5 =	sor.u32 $0x12800, s12;
	v18 =	vor.u32 v33, v18;
	v33 =	vand.u32 $0xFFFFFF80, v32;
	[tilespmem:s15+$0x12000] =	vst v37;
	v35 =	vld.idx.msk [tilespmem:v16+s18+$0x0], $0xffff;
	v16 =	vand.u32 $0xFFFFFF80, v17  }
0x313: {  	s10 =	sor.u32 s26, s5;
	v33 =	vadd.s32 v9, v33;
	s5 =	sor.u32 s25, s5;
	v30 =	vld.idx.msk [tilespmem:v30+s18+$0x0], $0xffff;
	[tilespmem:s6+$0x0] =	vst v15;
	v15 =	vand.u32 $0x7F, v17;
	v16 =	vadd.s32 v2, v16  }
0x314: {  	v17 =	vand.u32 $0x7F, v32;
	v32 =	vadd.s32 $0xA, v4;
	[tilespmem:s5+$0x0] =	vst v34;
	v14 =	vld.idx.msk [tilespmem:v14+s18+$0x0], $0xffff;
	v15 =	vor.u32 v15, v16  }
0x315: {  	v17 =	vor.u32 v17, v33;
	v16 =	vadd.s32 $0x15, v25;
	v33 =	vand.u32 $0xFFFFFF80, v32;
	v31 =	vld.idx.msk [tilespmem:v31+s18+$0x0], $0xffff  }
0x316: {  	v32 =	vand.u32 $0x7F, v32;
	s5 =	sor.u32 $0x13800, s0;
	v34 =	vand.u32 $0xFFFFFF80, v16;
	v33 =	vadd.s32 v7, v33  }
0x317: {  	v16 =	vand.u32 $0x7F, v16;
	s6 =	sor.u32 s1, s5;
	s5 =	sor.u32 s31, s5;
	v34 =	vadd.s32 v9, v34;
	v32 =	vor.u32 v32, v33  }
0x318: {  	v33 =	vadd.s32 $0x16, v25;
	v16 =	vor.u32 v16, v34;
	v34 =	vadd.s32 $0x1A, v1;
	[tilespmem:s5+$0x0] =	vst v35  }
0x319: {  	s5 =	sor.u32 $0x12880, s12;
	[tilespmem:s10+$0x0] =	vst v30;
	v30 =	vand.u32 $0xFFFFFF80, v33;
	v33 =	vand.u32 $0x7F, v33;
	v35 =	vld.idx.msk [tilespmem:v15+s18+$0x0], $0xffff;
	v15 =	vand.u32 $0xFFFFFF80, v34  }
0x31a: {  	s10 =	sor.u32 s26, s5;
	s5 =	sor.u32 s25, s5;
	v29 =	vld.idx.msk [tilespmem:v29+s18+$0x0], $0xffff;
	v30 =	vadd.s32 v9, v30;
	[tilespmem:s7+$0x0] =	vst v14;
	v14 =	vand.u32 $0x7F, v34;
	v34 =	vadd.s32 v2, v15  }
0x31b: {  	v15 =	vor.u32 v33, v30;
	[tilespmem:s5+$0x0] =	vst v31;
	v30 =	vadd.s32 $0xB, v4;
	v31 =	vld.idx.msk [tilespmem:v13+s18+$0x0], $0xffff;
	v13 =	vor.u32 v14, v34  }
0x31c: {  	v14 =	vadd.s32 $0x17, v25;
	v33 =	vadd.s32 $0x18, v25;
	v32 =	vld.idx.msk [tilespmem:v32+s18+$0x0], $0xffff;
	v34 =	vand.u32 $0xFFFFFF80, v30  }
0x31d: {  	s5 =	sor.u32 $0x13880, s0;
	v36 =	vand.u32 $0xFFFFFF80, v14;
	v30 =	vand.u32 $0x7F, v30;
	v34 =	vadd.s32 v7, v34  }
0x31e: {  	v14 =	vand.u32 $0x7F, v14;
	s7 =	sor.u32 s1, s5;
	s5 =	sor.u32 s31, s5;
	v36 =	vadd.s32 v9, v36;
	v30 =	vor.u32 v30, v34  }
0x31f: {  	v14 =	vor.u32 v14, v36;
	v34 =	vand.u32 $0xFFFFFF80, v33;
	[tilespmem:s5+$0x0] =	vst v35;
	v35 =	vadd.s32 $0x1B, v1  }
0x320: {  	s5 =	sor.u32 $0x12900, s12;
	[tilespmem:s10+$0x0] =	vst v29;
	v29 =	vand.u32 $0x7F, v33;
	v33 =	vadd.s32 v9, v34;
	v34 =	vld.idx.msk [tilespmem:v13+s18+$0x0], $0xffff;
	v36 =	vand.u32 $0xFFFFFF80, v35  }
0x321: {  	s10 =	sor.u32 s26, s5;
	s5 =	sor.u32 s25, s5;
	v28 =	vld.idx.msk [tilespmem:v28+s18+$0x0], $0xffff;
	v13 =	vor.u32 v29, v33;
	[tilespmem:s6+$0x0] =	vst v31;
	v29 =	vand.u32 $0x7F, v35;
	v31 =	vadd.s32 v2, v36  }
0x322: {  	v33 =	vadd.s32 $0x19, v25;
	[tilespmem:s5+$0x0] =	vst v32;
	v32 =	vadd.s32 $0xC, v4;
	v35 =	vld.idx.msk [tilespmem:v11+s18+$0x0], $0xffff;
	v29 =	vor.u32 v29, v31  }
0x323: {  	v11 =	vand.u32 $0xFFFFFF80, v33;
	v31 =	vand.u32 $0x7F, v33;
	v30 =	vld.idx.msk [tilespmem:v30+s18+$0x0], $0xffff;
	v33 =	vand.u32 $0xFFFFFF80, v32  }
0x324: {  	s5 =	sor.u32 $0x13900, s0;
	v11 =	vadd.s32 v9, v11;
	v32 =	vand.u32 $0x7F, v32;
	v33 =	vadd.s32 v7, v33  }
0x325: {  	s6 =	sor.u32 s1, s5;
	s5 =	sor.u32 s31, s5;
	v11 =	vor.u32 v31, v11;
	v31 =	vadd.s32 $0x1A, v25;
	v32 =	vor.u32 v32, v33  }
0x326: {  	v33 =	vand.u32 $0xFFFFFF80, v31;
	v31 =	vand.u32 $0x7F, v31;
	[tilespmem:s5+$0x0] =	vst v34;
	v34 =	vadd.s32 $0x1C, v1  }
0x327: {  	s5 =	sor.u32 $0x12980, s12;
	[tilespmem:s10+$0x0] =	vst v28;
	v28 =	vadd.s32 v9, v33;
	v33 =	vadd.s32 $0x1B, v25;
	v29 =	vld.idx.msk [tilespmem:v29+s18+$0x0], $0xffff;
	v36 =	vand.u32 $0xFFFFFF80, v34  }
0x328: {  	s10 =	sor.u32 s26, s5;
	s5 =	sor.u32 s25, s5;
	v27 =	vld.idx.msk [tilespmem:v27+s18+$0x0], $0xffff;
	v28 =	vor.u32 v31, v28;
	[tilespmem:s7+$0x0] =	vst v35;
	v31 =	vand.u32 $0x7F, v34;
	v34 =	vadd.s32 v2, v36  }
0x329: {  	v35 =	vand.u32 $0xFFFFFF80, v33;
	[tilespmem:s5+$0x0] =	vst v30;
	v30 =	vadd.s32 $0xD, v4;
	v36 =	vld.idx.msk [tilespmem:v10+s18+$0x0], $0xffff;
	v31 =	vor.u32 v31, v34;
	v10 =	vmovc v28  }
0x32a: {  	v28 =	vand.u32 $0x7F, v33;
	v33 =	vadd.s32 v9, v35;
	v32 =	vld.idx.msk [tilespmem:v32+s18+$0x0], $0xffff;
	v34 =	vand.u32 $0xFFFFFF80, v30  }
0x32b: {  	s5 =	sor.u32 $0x13980, s0;
	v28 =	vor.u32 v28, v33;
	v30 =	vand.u32 $0x7F, v30;
	v33 =	vadd.s32 v7, v34  }
0x32c: {  	v35 =	vadd.s32 $0x1D, v25;
	s13 =	sor.u32 s1, s5;
	s5 =	sor.u32 s31, s5;
	v34 =	vadd.s32 $0x1C, v25;
	v30 =	vor.u32 v30, v33  }
0x32d: {  	v37 =	vadd.s32 $0x1D, v1;
	v33 =	vand.u32 $0xFFFFFF80, v34;
	v34 =	vand.u32 $0x7F, v34;
	[tilespmem:s5+$0x0] =	vst v29  }
0x32e: {  	s5 =	sor.u32 $0x12A00, s12;
	[tilespmem:s10+$0x0] =	vst v27;
	v27 =	vadd.s32 v9, v33;
	v33 =	vand.u32 $0xFFFFFF80, v35;
	v38 =	vld.idx.msk [tilespmem:v31+s18+$0x0], $0xffff;
	v31 =	vand.u32 $0xFFFFFF80, v37  }
0x32f: {  	s10 =	sor.u32 s26, s5;
	s5 =	sor.u32 s25, s5;
	v26 =	vld.idx.msk [tilespmem:v26+s18+$0x0], $0xffff;
	v29 =	vor.u32 v34, v27;
	[tilespmem:s6+$0x0] =	vst v36;
	v27 =	vand.u32 $0x7F, v37;
	v34 =	vadd.s32 v2, v31  }
0x330: {  	v33 =	vadd.s32 v9, v33;
	[tilespmem:s5+$0x0] =	vst v32;
	v32 =	vadd.s32 $0xE, v4;
	v31 =	vld.idx.msk [tilespmem:v12+s18+$0x0], $0xffff;
	v36 =	vor.u32 v27, v34  }
.Ltmp7:
0x331: {  	v27 =	vand.u32 $0x7F, v35;
	v34 =	vadd.s32 $0x1E, v25;
	v12 =	vmovc v28;
	v35 =	vld.idx.msk [tilespmem:v30+s18+$0x0], $0xffff;
	v30 =	vand.u32 $0xFFFFFF80, v32;
	(pc) =	sbr.rel @p1 .LBB2_15-.Ltmp7, $4  }
0x332: {  	s5 =	sor.u32 $0x13A00, s0;
	v28 =	vor.u32 v27, v33;
	v27 =	vand.u32 $0x7F, v32;
	v30 =	vadd.s32 v7, v30  }
0x333: {  	v32 =	vand.u32 $0xFFFFFF80, v34;
	v33 =	vand.u32 $0x7F, v34;
	s7 =	sor.u32 s1, s5;
	s5 =	sor.u32 s31, s5;
	v34 =	vor.u32 v27, v30  }
0x334: {  	v30 =	vadd.s32 v9, v32;
	v27 =	vadd.s32 $0x1F, v25;
	v32 =	vadd.s32 $0x1E, v1;
	[tilespmem:s5+$0x0] =	vst v38  }
0x335: {  	s24 =	sadd.s32 $0x20, s24;
	s5 =	sor.u32 $0x12A80, s12;
	v25 =	vand.u32 $0xFFFFFF80, v27;
	[tilespmem:s10+$0x0] =	vst v26;
	v26 =	vor.u32 v33, v30;
	v30 =	vld.idx.msk [tilespmem:v36+s18+$0x0], $0xffff;
	v33 =	vand.u32 $0xFFFFFF80, v32  }
0x336: {  	_ =	sdelay $0x3  }
0x337: {  	v24 =	vld.idx.msk [tilespmem:v24+s18+$0x0], $0xffff;
	_ =	sdelay $0x2  }
0x338: {  	s2 =	sor.u32 s25, s5;
	v36 =	vadd.s32 $0xF, v4  }
0x339: {  	s4 =	sor.u32 s26, s5;
	[tilespmem:s2+$0x0] =	vst v35;
	v41 =	vand.u32 $0xFFFFFF80, v36  }
0x33a: {  	v43 =	vand.u32 $0x7F, v36;
	v42 =	vld.idx.msk [tilespmem:v34+s18+$0x0], $0xffff;
	v35 =	vadd.s32 v7, v41;
	[tilespmem:s4+$0x0] =	vst v24  }
0x33b: {  	v34 =	vor.u32 v43, v35;
	v23 =	vld.idx.msk [tilespmem:v23+s18+$0x0], $0xffff;
	_ =	sdelay $0x1  }
0x33c: {  	s6 =	sor.u32 $0x12B00, s12  }
0x33d: {  	v44 =	vadd.s32 $0x10, v4;
	s10 =	sor.u32 s25, s6  }
0x33e: {  	s2 =	sor.u32 s26, s6;
	v45 =	vand.u32 $0xFFFFFF80, v44;
	[tilespmem:s10+$0x0] =	vst v42  }
0x33f: {  	v35 =	vand.u32 $0x7F, v44;
	v24 =	vadd.s32 v7, v45;
	v34 =	vld.idx.msk [tilespmem:v34+s18+$0x0], $0xffff;
	[tilespmem:s2+$0x0] =	vst v23  }
0x340: {  	v46 =	vor.u32 v35, v24;
	v22 =	vld.idx.msk [tilespmem:v22+s18+$0x0], $0xffff;
	_ =	sdelay $0x1  }
0x341: {  	s11 =	sor.u32 $0x12B80, s12  }
0x342: {  	v47 =	vadd.s32 $0x11, v4;
	s15 =	sor.u32 s25, s11  }
0x343: {  	v48 =	vand.u32 $0xFFFFFF80, v47;
	s2 =	sor.u32 s26, s11;
	[tilespmem:s15+$0x0] =	vst v34  }
0x344: {  	v24 =	vand.u32 $0x7F, v47;
	v34 =	vadd.s32 v7, v48;
	v23 =	vld.idx.msk [tilespmem:v46+s18+$0x0], $0xffff;
	[tilespmem:s2+$0x0] =	vst v22  }
0x345: {  	v49 =	vor.u32 v24, v34;
	v21 =	vld.idx.msk [tilespmem:v21+s18+$0x0], $0xffff;
	_ =	sdelay $0x1  }
0x346: {  	s16 =	sor.u32 $0x13000, s12  }
0x347: {  	v50 =	vadd.s32 $0x12, v4;
	s17 =	sor.u32 s25, s16  }
0x348: {  	v51 =	vand.u32 $0xFFFFFF80, v50;
	s2 =	sor.u32 s26, s16;
	[tilespmem:s17+$0x0] =	vst v23  }
0x349: {  	v24 =	vand.u32 $0x7F, v50;
	v23 =	vadd.s32 v7, v51;
	v22 =	vld.idx.msk [tilespmem:v49+s18+$0x0], $0xffff;
	[tilespmem:s2+$0x0] =	vst v21  }
0x34a: {  	v52 =	vor.u32 v24, v23;
	v20 =	vld.idx.msk [tilespmem:v20+s18+$0x0], $0xffff;
	_ =	sdelay $0x1  }
0x34b: {  	s19 =	sor.u32 $0x13080, s12  }
0x34c: {  	v53 =	vadd.s32 $0x13, v4;
	s20 =	sor.u32 s25, s19  }
0x34d: {  	v54 =	vand.u32 $0xFFFFFF80, v53;
	s2 =	sor.u32 s26, s19;
	[tilespmem:s20+$0x0] =	vst v22  }
0x34e: {  	v23 =	vand.u32 $0x7F, v53;
	v22 =	vadd.s32 v7, v54;
	v21 =	vld.idx.msk [tilespmem:v52+s18+$0x0], $0xffff;
	[tilespmem:s2+$0x0] =	vst v20  }
0x34f: {  	v55 =	vor.u32 v23, v22;
	v19 =	vld.idx.msk [tilespmem:v19+s18+$0x0], $0xffff;
	_ =	sdelay $0x1  }
0x350: {  	s21 =	sor.u32 $0x13100, s12  }
0x351: {  	v56 =	vadd.s32 $0x14, v4;
	s22 =	sor.u32 s25, s21  }
0x352: {  	v57 =	vand.u32 $0xFFFFFF80, v56;
	s2 =	sor.u32 s26, s21;
	[tilespmem:s22+$0x0] =	vst v21  }
0x353: {  	v22 =	vand.u32 $0x7F, v56;
	v21 =	vadd.s32 v7, v57;
	v20 =	vld.idx.msk [tilespmem:v55+s18+$0x0], $0xffff;
	[tilespmem:s2+$0x0] =	vst v19  }
0x354: {  	v58 =	vor.u32 v22, v21;
	v18 =	vld.idx.msk [tilespmem:v18+s18+$0x0], $0xffff;
	_ =	sdelay $0x1  }
0x355: {  	s23 =	sor.u32 $0x13180, s12  }
0x356: {  	v59 =	vadd.s32 $0x15, v4;
	s24 =	sor.u32 s25, s23  }
0x357: {  	v60 =	vand.u32 $0xFFFFFF80, v59;
	s2 =	sor.u32 s26, s23;
	[tilespmem:s24+$0x0] =	vst v20  }
0x358: {  	v21 =	vand.u32 $0x7F, v59;
	v20 =	vadd.s32 v7, v60;
	v19 =	vld.idx.msk [tilespmem:v58+s18+$0x0], $0xffff;
	[tilespmem:s2+$0x0] =	vst v18  }
0x359: {  	v61 =	vor.u32 v21, v20;
	v17 =	vld.idx.msk [tilespmem:v17+s18+$0x0], $0xffff;
	_ =	sdelay $0x1  }
0x35a: {  	s4 =	sor.u32 $0x13200, s12  }
0x35b: {  	v62 =	vadd.s32 $0x16, v4;
	s5 =	sor.u32 s25, s4  }
0x35c: {  	v63 =	vand.u32 $0xFFFFFF80, v62;
	s2 =	sor.u32 s26, s4;
	[tilespmem:s5+$0x0] =	vst v19  }
0x35d: {  	v20 =	vand.u32 $0x7F, v62;
	v19 =	vadd.s32 v7, v63;
	v18 =	vld.idx.msk [tilespmem:v61+s18+$0x0], $0xffff;
	[tilespmem:s2+$0x0] =	vst v17  }
0x35e: {  	v21 =	vor.u32 v20, v19;
	v16 =	vld.idx.msk [tilespmem:v16+s18+$0x0], $0xffff;
	_ =	sdelay $0x1  }
0x35f: {  	s6 =	sor.u32 $0x13280, s12  }
0x360: {  	s10 =	sor.u32 s25, s6;
	v22 =	vadd.s32 $0x17, v4  }
0x361: {  	v23 =	vand.u32 $0xFFFFFF80, v22;
	s2 =	sor.u32 s26, s6;
	[tilespmem:s10+$0x0] =	vst v18  }
0x362: {  	v19 =	vand.u32 $0x7F, v22;
	v18 =	vadd.s32 v7, v23;
	v17 =	vld.idx.msk [tilespmem:v21+s18+$0x0], $0xffff;
	[tilespmem:s2+$0x0] =	vst v16  }
0x363: {  	v24 =	vor.u32 v19, v18;
	v15 =	vld.idx.msk [tilespmem:v15+s18+$0x0], $0xffff;
	_ =	sdelay $0x1  }
0x364: {  	s11 =	sor.u32 $0x13300, s12  }
0x365: {  	s15 =	sor.u32 s25, s11;
	v34 =	vadd.s32 $0x18, v4  }
0x366: {  	v35 =	vand.u32 $0xFFFFFF80, v34;
	s2 =	sor.u32 s26, s11;
	[tilespmem:s15+$0x0] =	vst v17  }
0x367: {  	v18 =	vand.u32 $0x7F, v34;
	v17 =	vadd.s32 v7, v35;
	v16 =	vld.idx.msk [tilespmem:v24+s18+$0x0], $0xffff;
	[tilespmem:s2+$0x0] =	vst v15  }
0x368: {  	v36 =	vor.u32 v18, v17;
	v14 =	vld.idx.msk [tilespmem:v14+s18+$0x0], $0xffff;
	_ =	sdelay $0x1  }
0x369: {  	s16 =	sor.u32 $0x13380, s12  }
0x36a: {  	v37 =	vadd.s32 $0x19, v4;
	s17 =	sor.u32 s25, s16  }
0x36b: {  	v38 =	vand.u32 $0xFFFFFF80, v37;
	s2 =	sor.u32 s26, s16;
	[tilespmem:s17+$0x0] =	vst v16  }
0x36c: {  	v17 =	vand.u32 $0x7F, v37;
	v16 =	vadd.s32 v7, v38;
	v15 =	vld.idx.msk [tilespmem:v36+s18+$0x0], $0xffff;
	[tilespmem:s2+$0x0] =	vst v14  }
0x36d: {  	v39 =	vor.u32 v17, v16;
	v13 =	vld.idx.msk [tilespmem:v13+s18+$0x0], $0xffff;
	_ =	sdelay $0x1  }
0x36e: {  	s19 =	sor.u32 $0x13800, s12  }
0x36f: {  	v40 =	vadd.s32 $0x1A, v4;
	s20 =	sor.u32 s25, s19  }
0x370: {  	v41 =	vand.u32 $0xFFFFFF80, v40;
	s2 =	sor.u32 s26, s19;
	[tilespmem:s20+$0x0] =	vst v15  }
0x371: {  	v16 =	vand.u32 $0x7F, v40;
	v15 =	vadd.s32 v7, v41;
	v14 =	vld.idx.msk [tilespmem:v39+s18+$0x0], $0xffff;
	[tilespmem:s2+$0x0] =	vst v13  }
0x372: {  	v42 =	vor.u32 v16, v15;
	v11 =	vld.idx.msk [tilespmem:v11+s18+$0x0], $0xffff;
	_ =	sdelay $0x1  }
0x373: {  	s21 =	sor.u32 $0x13880, s12  }
0x374: {  	v43 =	vadd.s32 $0x1B, v4;
	s22 =	sor.u32 s25, s21  }
0x375: {  	v44 =	vand.u32 $0xFFFFFF80, v43;
	s2 =	sor.u32 s26, s21;
	[tilespmem:s22+$0x0] =	vst v14  }
0x376: {  	v15 =	vand.u32 $0x7F, v43;
	v14 =	vadd.s32 v7, v44;
	v13 =	vld.idx.msk [tilespmem:v42+s18+$0x0], $0xffff;
	[tilespmem:s2+$0x0] =	vst v11  }
0x377: {  	v45 =	vor.u32 v15, v14;
	v10 =	vld.idx.msk [tilespmem:v10+s18+$0x0], $0xffff;
	_ =	sdelay $0x1  }
0x378: {  	s23 =	sor.u32 $0x13900, s12  }
0x379: {  	v46 =	vadd.s32 $0x1C, v4;
	s24 =	sor.u32 s25, s23  }
0x37a: {  	v47 =	vand.u32 $0xFFFFFF80, v46;
	s2 =	sor.u32 s26, s23;
	[tilespmem:s24+$0x0] =	vst v13  }
0x37b: {  	v14 =	vand.u32 $0x7F, v46;
	v13 =	vadd.s32 v7, v47;
	v11 =	vld.idx.msk [tilespmem:v45+s18+$0x0], $0xffff;
	[tilespmem:s2+$0x0] =	vst v10  }
0x37c: {  	v48 =	vor.u32 v14, v13;
	v12 =	vld.idx.msk [tilespmem:v12+s18+$0x0], $0xffff;
	_ =	sdelay $0x1  }
0x37d: {  	s4 =	sor.u32 $0x13980, s12  }
0x37e: {  	[tilespmem:s13+$0x0] =	vst v31;
	v49 =	vadd.s32 $0x1D, v4;
	s5 =	sor.u32 s25, s4  }
0x37f: {  	v8 =	vld.idx.msk [tilespmem:v8+s18+$0x0], $0xffff;
	v50 =	vand.u32 $0xFFFFFF80, v49;
	s2 =	sor.u32 s26, s4;
	[tilespmem:s5+$0x0] =	vst v11  }
0x380: {  	v13 =	vand.u32 $0x7F, v49;
	v11 =	vadd.s32 v7, v50;
	v10 =	vld.idx.msk [tilespmem:v48+s18+$0x0], $0xffff;
	[tilespmem:s2+$0x0] =	vst v12  }
0x381: {  	v11 =	vor.u32 v13, v11;
	v12 =	vld.idx.msk [tilespmem:v29+s18+$0x0], $0xffff;
	_ =	sdelay $0x1  }
0x382: {  	s6 =	sor.u32 $0x13A00, s12  }
0x383: {  	[tilespmem:s7+$0x0] =	vst v8;
	v51 =	vand.u32 $0x7F, v32;
	v53 =	vadd.s32 $0x1E, v4;
	v52 =	vadd.s32 v2, v33;
	s10 =	sor.u32 s25, s6  }
0x384: {  	v6 =	vld.idx.msk [tilespmem:v6+s18+$0x0], $0xffff;
	v54 =	vand.u32 $0xFFFFFF80, v53;
	v13 =	vor.u32 v51, v52;
	s2 =	sor.u32 s26, s6;
	[tilespmem:s10+$0x0] =	vst v10  }
0x385: {  	v8 =	vand.u32 $0x7F, v53;
	v10 =	vadd.s32 v7, v54;
	v11 =	vld.idx.msk [tilespmem:v11+s18+$0x0], $0xffff;
	[tilespmem:s2+$0x0] =	vst v12  }
0x386: {  	s11 =	sor.u32 $0x13A80, s0;
	v8 =	vor.u32 v8, v10;
	v55 =	vld.idx.msk [tilespmem:v28+s18+$0x0], $0xffff  }
0x387: {  	v1 =	vadd.s32 $0x1F, v1;
	s13 =	sor.u32 s31, s11  }
0x388: {  	v56 =	vand.u32 $0xFFFFFF80, v1;
	[tilespmem:s13+$0x0] =	vst v30;
	s15 =	sor.u32 $0x13A80, s12;
	s2 =	sor.u32 s1, s11  }
0x389: {  	v1 =	vand.u32 $0x7F, v1;
	v2 =	vadd.s32 v2, v56;
	v57 =	vadd.s32 $0x1F, v4;
	s16 =	sor.u32 s25, s15;
	v13 =	vld.idx.msk [tilespmem:v13+s18+$0x0], $0xffff;
	[tilespmem:s2+$0x0] =	vst v6  }
0x38a: {  	v1 =	vor.u32 v1, v2;
	v58 =	vand.u32 $0xFFFFFF80, v57;
	s4 =	sor.u32 s26, s15;
	v2 =	vld.idx.msk [tilespmem:v5+s18+$0x0], $0xffff;
	[tilespmem:s16+$0x0] =	vst v11  }
0x38b: {  	v4 =	vand.u32 $0x7F, v57;
	v5 =	vadd.s32 v7, v58;
	v59 =	vld.idx.msk [tilespmem:v8+s18+$0x0], $0xffff;
	[tilespmem:s4+$0x0] =	vst v55  }
0x38c: {  	v60 =	vadd.s32 v9, v25;
	v61 =	vand.u32 $0x7F, v27;
	s17 =	sor.u32 $0x13B00, s0;
	v4 =	vor.u32 v4, v5;
	v62 =	vld.idx.msk [tilespmem:v26+s18+$0x0], $0xffff  }
0x38d: {  	s19 =	sor.u32 s31, s17;
	v7 =	vor.u32 v61, v60  }
0x38e: {  	s20 =	sor.u32 $0x13B00, s12;
	s2 =	sor.u32 s1, s17;
	[tilespmem:s19+$0x0] =	vst v13  }
0x38f: {  	s21 =	sor.u32 s25, s20;
	v1 =	vld.idx.msk [tilespmem:v1+s18+$0x0], $0xffff;
	[tilespmem:s2+$0x0] =	vst v2  }
0x390: {  	s4 =	sor.u32 s26, s20;
	v2 =	vld.idx.msk [tilespmem:v3+s18+$0x0], $0xffff;
	[tilespmem:s21+$0x0] =	vst v59  }
0x391: {  	v3 =	vld.idx.msk [tilespmem:v4+s18+$0x0], $0xffff;
	[tilespmem:s4+$0x0] =	vst v62  }
0x392: {  	s22 =	sor.u32 $0x13B80, s0;
	v63 =	vld.idx.msk [tilespmem:v7+s18+$0x0], $0xffff  }
0x393: {  	s23 =	sor.u32 s31, s22  }
0x394: {  	s29 =	sadd.s32 $0x1, s29;
	s0 =	sor.u32 s1, s22;
	s24 =	sor.u32 $0x13B80, s12;
	[tilespmem:s23+$0x0] =	vst v1  }
0x395: {  	p1 =	sne.s32 s29, $0x32;
	s25 =	sor.u32 s25, s24;
	[tilespmem:s0+$0x0] =	vst v2  }
.Ltmp8:
0x396: {  	s1 =	sor.u32 s26, s24;
	[tilespmem:s25+$0x0] =	vst v3;
	(pc) =	sbr.rel @p1 .LBB2_4-.Ltmp8, $4  }
0x397: {  	[tilespmem:s1+$0x0] =	vst v63  }
0x398: {  	s26 =	sshll.u32 s30, $0xF;
	s1 =	rddreg [dreg:$0x9]  }
0x399: {  	s31 =	simm.s32 $0x12000;
	s30 =	simm.s32 $0x800;
	s0 =	sadd.s32 s26, s1  }
0x39a: {  	[hbm4b:s0+s30] =	stream.strided.scatter [tilespmem:s31], [sflag:$0x4], $0x2000, s18, s30, $0x38;
	[tilespmem:$0x14C00] =	vst v63  }
0x39b: {  	s0 =	simm.s32 $0x3  }
0x39c: {  	_ =	swait.ge [sflag:s0], $0x2000  }
0x39d: {  	[sflag:s0] =	ssyncset.done $0x0  }
0x39e: {  	s1 =	simm.s32 $0x4;
	[sflag:s0] =	ssyncadd.s32 $0xFFFFE000  }
0x39f: {  	_ =	swait.ge [sflag:s1], $0x2000  }
0x3a0: {  	s2 =	rddreg [dreg:$0xb]  }
0x3a1: {  	s31 =	rddreg [dreg:$0xa];
	s2 =	sadd.s32 $0x1, s2  }
0x3a2: {  	p1 =	sne.s32 s2, s31  }
.Ltmp9:
0x3a3: {  	_ = 	snop;
	(pc) =	sbr.rel @p1 .LBB2_1-.Ltmp9, $3  }
0x3a4: {  	_ =	sdelay $0x1  }
0x3a5: {  	[sflag:s1] =	ssyncset.done $0x0  }
0x3a6: {  	[sflag:s1] =	ssyncadd.s32 $0xFFFFE000  }
0x3a7: {  	_ =	sfence.sel $0x180000  }
0x3a8: {  	[bflag:$0x0] =	sbarrier.arrive $0xFFFF  }
0x3a9: {  	_ =	strace $0x9000004A  }
0x3aa: {  	s0 =	stileid.u32;
	[bflag:$0x2] =	sbarrier.arrive $0xFFFF  }
0x3ab: {  	p0 =	sne.s32 s0, $0x0;
	s0 =	rddreg [dreg:$0x3]  }
0x3ac: {  	s0 =	sadd.s32 @!p0 $0x100000, s0  }
0x3ad: {  	[sflag:s0] =	ssyncadd.tile.s32 @!p0 $0x1;
	_ =	shalt  }
.Lfunc_end2:
_tile_overlayer_lowered:
.L_overlay_start_2:
0x3ae: {  	(tag) =	ssettag $0x2  }
0x3af: {  	s0 =	rddreg [dreg:$0x0];
	s2 =	stileid.u32  }
0x3b0: {  	s1 =	rddreg [dreg:$0x1];
	p0 =	sne.s32 s2, $0x0  }
0x3b1: {  	s3 =	rddreg [dreg:$0x2];
	[bflag:$0x3] =	sbarrier.arrive $0xFFFF;
	s2 =	simm.s32 @!p0 $0x1C05  }
0x3b2: {  	[timem:s3], [sflag:s2] =	dma.local @!p0 [hbm:s0], s1  }
0x3b3: {  	s0 =	simm.s32 @!p0 $0x5  }
0x3b4: {  	_ =	swait.ge @!p0 [sflag:s0], s1  }
0x3b5: {  	s1 =	ssub.s32 @!p0 $0x0, s1;
	[sflag:s0] =	ssyncset.done @!p0 $0x0  }
0x3b6: {  	[sflag:s0] =	ssyncadd.s32 @!p0 s1  }
0x3b7: {  	[bflag:$0x3] =	sbarrier.arrive $0xFFFF  }
0x3b8: {  	_ =	shalt  }

</sc_bundles>
